<compile_context>
chip_gen: v7x
topology: tpu7x:2x2x1
jax: 0.10.2.dev20260603
libtpu: 0.0.44.dev20260713+nightly
codegen_flags: <defaults>
</compile_context>

<pallas_src>
import functools

import jax
import jax.numpy as jnp
from jax import lax
from jax.experimental import pallas as pl
from jax.experimental.pallas import tpu as pltpu
from jax.experimental.pallas import tpu_sc as plsc

_N = 1_000_000
_ON = 8192
_OFF = 8192
_NW = 32
_ROWS = 8192
_SROWS = _ROWS // _NW
_SPAN = _SROWS * 128
_NB1 = 32768
_T = 36_000_000
_NB2 = ((_T - 1) >> 11) + 1
_NB2P = 17584
_SCAP = 512
_SHIFT = 16
_TCAP = 9248
_MCAP = 64
_MIN32I = -2147483648

_mesh = plsc.VectorSubcoreMesh(core_axis_name="c", subcore_axis_name="s")


def _wid():
    return lax.axis_index("s") * 2 + lax.axis_index("c")


_R_A = (13, 15, 26, 6)
_R_B = (17, 29, 16, 24)


def _threefry(k0, k1, x0, x1):
    ks2 = k0 ^ k1 ^ jnp.int32(0x1BD11BDA)
    ks = (k0, k1, ks2)
    x0 = x0 + k0
    x1 = x1 + k1
    for g in range(5):
        rots = _R_A if g % 2 == 0 else _R_B
        for r in rots:
            x0 = x0 + x1
            x1 = (x1 << r) | lax.shift_right_logical(x1, 32 - r)
            x1 = x1 ^ x0
        x0 = x0 + ks[(g + 1) % 3]
        x1 = x1 + ks[(g + 2) % 3] + jnp.int32(g + 1)
    return x0, x1


def _bits(k0, k1, pos):
    o0, o1 = _threefry(k0, k1, jnp.zeros_like(pos), pos)
    return o0 ^ o1




def _tc_rng_body(kw_ref, r1_ref, r2_ref, off_ref):
    i = pl.program_id(0)
    row = lax.broadcasted_iota(jnp.int32, (1024, 128), 0)
    col = lax.broadcasted_iota(jnp.int32, (1024, 128), 1)
    p = (i * 1024 + row) * 128 + col
    r1_ref[...] = _bits(kw_ref[0], kw_ref[1], p)
    r2_ref[...] = _bits(kw_ref[2], kw_ref[3], p)

    @pl.when(i == 0)
    def _():
        rowo = lax.broadcasted_iota(jnp.int32, (192, 128), 0)
        colo = lax.broadcasted_iota(jnp.int32, (192, 128), 1)
        t = rowo * 128 + colo
        b = _bits(kw_ref[4], kw_ref[5], t)
        f = lax.bitcast_convert_type(
            lax.shift_right_logical(b, 9) | jnp.int32(0x3F800000), jnp.float32)
        f = f - jnp.float32(1.0)
        off_ref[...] = jnp.maximum(jnp.float32(-1.0),
                                   f * jnp.float32(2.0) + jnp.float32(-1.0))


_tc_rng = pl.pallas_call(
    _tc_rng_body,
    grid=(8,),
    in_specs=[pl.BlockSpec(memory_space=pltpu.SMEM)],
    out_specs=[
        pl.BlockSpec((1024, 128), lambda i: (i, 0)),
        pl.BlockSpec((1024, 128), lambda i: (i, 0)),
        pl.BlockSpec((192, 128), lambda i: (0, 0)),
    ],
    out_shape=[
        jax.ShapeDtypeStruct((_ROWS, 128), jnp.int32),
        jax.ShapeDtypeStruct((_ROWS, 128), jnp.int32),
        jax.ShapeDtypeStruct((192, 128), jnp.float32),
    ],
)




@functools.partial(
    pl.kernel,
    mesh=_mesh,
    out_type=[
        jax.ShapeDtypeStruct((_NW, _NB1), jnp.int32),
        jax.ShapeDtypeStruct((_NW, _NB2P), jnp.int32),
        jax.ShapeDtypeStruct((_NW, _SCAP), jnp.int32),
        jax.ShapeDtypeStruct((_NW, _SCAP), jnp.int32),
    ],
    scratch_types=[
        pltpu.VMEM((_SROWS, 128), jnp.int32),
        pltpu.VMEM((_NB1,), jnp.int32),
        pltpu.VMEM((_NB2P,), jnp.int32),
        pltpu.VMEM((_SCAP + 16,), jnp.int32),
        pltpu.VMEM((_SCAP + 16,), jnp.int32),
        pltpu.SMEM((1,), jnp.int32),
        pltpu.SemaphoreType.DMA,
    ],
    compiler_params=pltpu.CompilerParams(needs_layout_passes=False),
)
def _sc1(r1_hbm, r2_hbm, h1_hbm, h2_hbm, svr_hbm, svp_hbm,
         buf, hist1, hist2, svr, svp, cur, sem):
    w = _wid()
    base = w * _SPAN
    iota = lax.iota(jnp.int32, 16)
    zero16 = jnp.zeros((16,), jnp.int32)

    pltpu.async_copy(r1_hbm.at[pl.ds(w * _SROWS, _SROWS)], buf, sem).wait()

    def _zero(ref, n):
        def zb(k, _):
            ref[pl.ds(k * 16, 16)] = zero16
            return 0
        lax.fori_loop(0, n // 16, zb, 0)

    _zero(hist1, _NB1)

    def h1_body(v, _):
        i = v // 8
        c = (v % 8) * 16
        val = buf[i, pl.ds(c, 16)]
        pv = base + i * 128 + c + iota
        valid = pv < _N
        b = lax.shift_right_logical(val, 17)
        dup, last = plsc.scan_count(b, mask=valid)
        ml = valid & last
        curv = plsc.load_gather(hist1, [b], mask=ml)
        plsc.store_scatter(hist1, [b], curv + dup, mask=ml)
        return 0

    lax.fori_loop(0, _SROWS * 8, h1_body, 0)
    pltpu.async_copy(hist1, h1_hbm.at[w], sem).wait()

    pltpu.async_copy(r2_hbm.at[pl.ds(w * _SROWS, _SROWS)], buf, sem).wait()
    _zero(hist2, _NB2P)
    _zero(svp, _SCAP + 16)

    def sent(k, _):
        svr[pl.ds(k * 16, 16)] = jnp.full((16,), -1, jnp.int32)
        return 0
    lax.fori_loop(0, (_SCAP + 16) // 16, sent, 0)
    cur[0] = 0
    mn = jnp.int32(_MIN32I)
    tx = jnp.int32(_T) ^ mn

    def h2_body(v, _):
        i = v // 8
        c = (v % 8) * 16
        val = buf[i, pl.ds(c, 16)]
        pv = base + i * 128 + c + iota
        m = (pv < _N) & ((val ^ mn) < tx)
        b = jnp.where(m, lax.shift_right_logical(val, 11), 0)
        dup, last = plsc.scan_count(b, mask=m)
        ml = m & last
        curv = plsc.load_gather(hist2, [b], mask=ml)
        plsc.store_scatter(hist2, [b], curv + dup, mask=ml)
        cnt = plsc.all_reduce_population_count(m)
        c0 = cur[0]
        pos = c0 + plsc.cumsum(jnp.where(m, 1, 0)) - 1
        pos = jnp.where(m, pos, _SCAP)
        plsc.store_scatter(svr, [pos], val, mask=m)
        plsc.store_scatter(svp, [pos], pv, mask=m)
        cur[0] = c0 + cnt[0]
        return 0

    lax.fori_loop(0, _SROWS * 8, h2_body, 0)
    pltpu.async_copy(hist2, h2_hbm.at[w], sem).wait()
    pltpu.async_copy(svr.at[pl.ds(0, _SCAP)], svr_hbm.at[w], sem).wait()
    pltpu.async_copy(svp.at[pl.ds(0, _SCAP)], svp_hbm.at[w], sem).wait()




@functools.partial(
    pl.kernel,
    mesh=_mesh,
    out_type=[
        jax.ShapeDtypeStruct((_ROWS * 128,), jnp.int32),
        jax.ShapeDtypeStruct((_ROWS * 128,), jnp.int32),
    ],
    scratch_types=[
        pltpu.VMEM((_SROWS // 2, 128), jnp.int32),
        pltpu.VMEM((_NB1,), jnp.int32),
        pltpu.VMEM((_SPAN // 2,), jnp.int32),
        pltpu.VMEM((_SPAN // 2,), jnp.int32),
        pltpu.VMEM((_SPAN // 2,), jnp.int32),
        pltpu.SemaphoreType.DMA,
        pltpu.SemaphoreType.DMA,
    ],
    compiler_params=pltpu.CompilerParams(needs_layout_passes=False),
)
def _sc2a(r1_hbm, offs_hbm, cr_hbm, cp_hbm,
          buf, offs, dst, vv, pv, sem, sem2):
    w = _wid()
    iota = lax.iota(jnp.int32, 16)
    pltpu.async_copy(offs_hbm.at[w], offs, sem).wait()
    for half in range(2):
        rbase = w * _SROWS + half * (_SROWS // 2)
        base = rbase * 128
        pltpu.async_copy(r1_hbm.at[pl.ds(rbase, _SROWS // 2)], buf, sem).wait()

        def body(v, _):
            i = v // 8
            c = (v % 8) * 16
            val = buf[i, pl.ds(c, 16)]
            t = i * 128 + c
            pvec = base + t + iota
            valid = pvec < _N
            b = lax.shift_right_logical(val, 17)
            dup, last = plsc.scan_count(b, mask=valid)
            curv = plsc.load_gather(offs, [b], mask=valid)
            d = curv + dup - 1
            plsc.store_scatter(offs, [b], curv + dup, mask=valid & last)
            dst[pl.ds(t, 16)] = jnp.where(valid, d, _N + 1024 + w * 16)
            vv[pl.ds(t, 16)] = val
            pv[pl.ds(t, 16)] = pvec
            return 0

        lax.fori_loop(0, _SROWS * 4, body, 0)
        c1 = pltpu.async_copy(vv, cr_hbm.at[dst], sem)
        c2 = pltpu.async_copy(pv, cp_hbm.at[dst], sem2)
        c1.wait()
        c2.wait()




@functools.partial(
    pl.kernel,
    mesh=_mesh,
    out_type=[
        jax.ShapeDtypeStruct((_TCAP,), jnp.int32),
        jax.ShapeDtypeStruct((_TCAP,), jnp.int32),
    ],
    scratch_types=[
        pltpu.VMEM((_NB2P,), jnp.int32),
        pltpu.VMEM((_SCAP,), jnp.int32),
        pltpu.VMEM((_SCAP,), jnp.int32),
        pltpu.VMEM((_SCAP,), jnp.int32),
        pltpu.SemaphoreType.DMA,
        pltpu.SemaphoreType.DMA,
    ],
    compiler_params=pltpu.CompilerParams(needs_layout_passes=False),
)
def _sc2b(svr_hbm, svp_hbm, offs3_hbm, tok_hbm, sr_hbm, sp_hbm,
          offs, vr, vp, dst, sem, sem2):
    del tok_hbm
    w = _wid()
    pltpu.async_copy(offs3_hbm.at[w], offs, sem).wait()
    pltpu.async_copy(svr_hbm.at[w], vr, sem).wait()
    pltpu.async_copy(svp_hbm.at[w], vp, sem).wait()

    def body(v, _):
        t = v * 16
        val = vr[pl.ds(t, 16)]
        m = val != -1
        b = jnp.where(m, lax.shift_right_logical(val, 11), 0)
        dup, last = plsc.scan_count(b, mask=m)
        curv = plsc.load_gather(offs, [b], mask=m)
        d = curv + dup - 1
        plsc.store_scatter(offs, [b], curv + dup, mask=m & last)
        dst[pl.ds(t, 16)] = jnp.where(m, d, _TCAP - 16)
        return 0

    lax.fori_loop(0, _SCAP // 16, body, 0)
    c1 = pltpu.async_copy(vr, sr_hbm.at[dst], sem)
    c2 = pltpu.async_copy(vp, sp_hbm.at[dst], sem2)
    c1.wait()
    c2.wait()




def _merge16(ak, ap, bk, bp):
    rbk = lax.rev(bk, (0,))
    rbp = lax.rev(bp, (0,))
    m = ak < rbk
    lk = jnp.where(m, ak, rbk)
    lp = jnp.where(m, ap, rbp)
    hk = jnp.where(m, rbk, ak)
    hp = jnp.where(m, rbp, ap)
    lk, lp = plsc.sort_key_val(lk, lp)
    hk, hp = plsc.sort_key_val(hk, hp)
    return lk, lp, hk, hp


def _bitonic32(x0k, x0p, x1k, x1p):
    m = x0k < x1k
    lk = jnp.where(m, x0k, x1k)
    lp = jnp.where(m, x0p, x1p)
    hk = jnp.where(m, x1k, x0k)
    hp = jnp.where(m, x1p, x0p)
    lk, lp = plsc.sort_key_val(lk, lp)
    hk, hp = plsc.sort_key_val(hk, hp)
    return lk, lp, hk, hp


@functools.partial(
    pl.kernel,
    mesh=_mesh,
    out_type=[jax.ShapeDtypeStruct((_ON * 3,), jnp.int32)],
    scratch_types=[
        pltpu.VMEM((304,), jnp.int32),
        pltpu.VMEM((304,), jnp.int32),
        pltpu.VMEM((32776,), jnp.int32),
        pltpu.VMEM((17592,), jnp.int32),
        pltpu.VMEM((16,), jnp.int32),
        pltpu.VMEM((272,), jnp.int32),
        pltpu.VMEM((272,), jnp.int32),
        pltpu.VMEM((272,), jnp.int32),
        pltpu.VMEM((16384,), jnp.int32),
        pltpu.VMEM((16384,), jnp.int32),
        pltpu.VMEM((16384,), jnp.int32),
        pltpu.VMEM((80,), jnp.int32),
        pltpu.VMEM((256,), jnp.int32),
        pltpu.SemaphoreType.DMA,
        pltpu.SemaphoreType.DMA,
    ],
    compiler_params=pltpu.CompilerParams(needs_layout_passes=False),
)
def _sc4(sr_hbm, sp_hbm, cb_hbm, cb2_hbm, cr_hbm, cp_hbm, prm_hbm,
         idx3_hbm, wr, wp, cb, cb2, prm, qs, qq, qc, mi, mr, mp, spill, ib,
         sem, sem2):
    w = _wid()
    w0 = w * 256
    iota = lax.iota(jnp.int32, 16)
    pltpu.async_copy(prm_hbm, prm, sem).wait()
    total = prm[pl.ds(0, 16)][0]
    pltpu.async_copy(sr_hbm.at[pl.ds(w0, 288)], wr.at[pl.ds(0, 288)],
                     sem).wait()
    pltpu.async_copy(sp_hbm.at[pl.ds(w0, 288)], wp.at[pl.ds(0, 288)],
                     sem).wait()
    wr[pl.ds(288, 16)] = jnp.full((16,), 0x7FFFFFFF, jnp.int32)
    wp[pl.ds(288, 16)] = jnp.zeros((16,), jnp.int32)
    cpy = pltpu.async_copy(cb_hbm, cb, sem2)
    pltpu.async_copy(cb2_hbm, cb2, sem).wait()
    cpy.wait()

    def bs_body(k, _):
        jv = w0 + k * 16 + iota
        lo2 = jnp.zeros((16,), jnp.int32)
        hi2 = jnp.full((16,), 17584, jnp.int32)

        def step2(_, lh):
            lo2, hi2 = lh
            mid = (lo2 + hi2) >> 1
            cv = plsc.load_gather(cb2, [mid])
            le = cv <= jv
            return jnp.where(le, mid, lo2), jnp.where(le, hi2, mid)

        lo2, hi2 = lax.fori_loop(0, 15, step2, (lo2, hi2))
        s2 = plsc.load_gather(cb2, [lo2])
        e2 = plsc.load_gather(cb2, [lo2 + 1])
        cnt2 = jnp.clip(e2 - s2, 1, 8)
        q2 = jnp.clip(jv - s2, 0, 7)
        skeys = []
        mps = []
        for m_ in range(8):
            wi = jnp.clip(s2 + _SHIFT - w0 + m_, 0, 303)
            mr2 = plsc.load_gather(wr, [wi])
            mp2 = plsc.load_gather(wp, [wi])
            sk = ((mr2 & jnp.int32(0x7FF)) << 20) | mp2
            sk = jnp.where(m_ < cnt2, sk, jnp.int32(0x7FFFFFFF))
            skeys.append(sk)
            mps.append(mp2)
        p = jnp.zeros((16,), jnp.int32)
        for m_ in range(8):
            rank = jnp.zeros((16,), jnp.int32)
            for m2 in range(8):
                rank = rank + jnp.where(skeys[m2] < skeys[m_], 1, 0)
            p = jnp.where((rank == q2) & (m_ < cnt2), mps[m_], p)
        p = jnp.clip(p, 0, _N - 1)
        lo = jnp.zeros((16,), jnp.int32)
        hi = jnp.full((16,), _NB1, jnp.int32)

        def step(_, lh):
            lo, hi = lh
            mid = (lo + hi) >> 1
            cv = plsc.load_gather(cb, [mid])
            le = cv <= p
            return jnp.where(le, mid, lo), jnp.where(le, hi, mid)

        lo, hi = lax.fori_loop(0, 15, step, (lo, hi))
        s = plsc.load_gather(cb, [lo])
        e = plsc.load_gather(cb, [lo + 1])
        qs[pl.ds(k * 16, 16)] = s
        qq[pl.ds(k * 16, 16)] = jnp.clip(p - s, 0, _MCAP - 1)
        qc[pl.ds(k * 16, 16)] = jnp.clip(e - s, 0, _MCAP)
        return 0

    lax.fori_loop(0, 16, bs_body, 0)

    def mi_body(t, _):
        s = qs[pl.ds(t, 16)][0]
        for g in range(4):
            mi[pl.ds(t * 64 + g * 16, 16)] = s + g * 16 + iota
        return 0

    lax.fori_loop(0, 256, mi_body, 0)
    c1 = pltpu.async_copy(cr_hbm.at[mi], mr, sem)
    c2 = pltpu.async_copy(cp_hbm.at[mi], mp, sem2)
    c1.wait()
    c2.wait()

    def sel_body(t, _):
        cnt = qc[pl.ds(t, 16)][0]
        ks = []
        ps = []
        for g in range(4):
            lane = g * 16 + iota
            r = mr[pl.ds(t * 64 + g * 16, 16)]
            pvv = mp[pl.ds(t * 64 + g * 16, 16)]
            key = ((r & jnp.int32(0x1FFFF)) << 6) | lane
            key = jnp.where(lane < cnt, key, jnp.int32(0x7FFFFFFF))
            k_, p_ = plsc.sort_key_val(key, pvv)
            ks.append(k_)
            ps.append(p_)
        l0k, l0p, h0k, h0p = _merge16(ks[0], ps[0], ks[1], ps[1])
        l1k, l1p, h1k, h1p = _merge16(ks[2], ps[2], ks[3], ps[3])
        rb0k, rb0p = lax.rev(h1k, (0,)), lax.rev(h1p, (0,))
        rb1k, rb1p = lax.rev(l1k, (0,)), lax.rev(l1p, (0,))
        m0 = l0k < rb0k
        a0k = jnp.where(m0, l0k, rb0k)
        a0p = jnp.where(m0, l0p, rb0p)
        c0k = jnp.where(m0, rb0k, l0k)
        c0p = jnp.where(m0, rb0p, l0p)
        m1 = h0k < rb1k
        a1k = jnp.where(m1, h0k, rb1k)
        a1p = jnp.where(m1, h0p, rb1p)
        c1k = jnp.where(m1, rb1k, h0k)
        c1p = jnp.where(m1, rb1p, h0p)
        v0k, v0p, v1k, v1p = _bitonic32(a0k, a0p, a1k, a1p)
        v2k, v2p, v3k, v3p = _bitonic32(c0k, c0p, c1k, c1p)
        spill[pl.ds(0, 16)] = v0p
        spill[pl.ds(16, 16)] = v1p
        spill[pl.ds(32, 16)] = v2p
        spill[pl.ds(48, 16)] = v3p
        q = qq[pl.ds(t, 16)][0]
        val = spill[pl.ds(q, 16)][0]
        plsc.store_scatter(ib, [jnp.full((16,), t, jnp.int32)],
                           jnp.full((16,), val, jnp.int32), mask=iota == 0)
        return 0

    lax.fori_loop(0, 256, sel_body, 0)

    for d in range(3):
        def shift_body(k, _):
            ib[pl.ds(k * 16, 16)] = ib[pl.ds(k * 16, 16)] + (_N if d > 0 else 0)
            return 0
        if d > 0:
            lax.fori_loop(0, 16, shift_body, 0)
        pltpu.async_copy(ib, idx3_hbm.at[pl.ds(d * _ON + w0, 256)], sem).wait()



_EPW = (_ON // _NW) * 3


@functools.partial(
    pl.kernel,
    mesh=_mesh,
    out_type=[
        jax.ShapeDtypeStruct((_ON * 3,), jnp.float32),
        jax.ShapeDtypeStruct((_ON * 3,), jnp.float32),
    ],
    scratch_types=[
        pltpu.VMEM((_EPW,), jnp.int32),
        pltpu.VMEM((_EPW,), jnp.float32),
        pltpu.VMEM((_EPW,), jnp.float32),
        pltpu.SemaphoreType.DMA,
        pltpu.SemaphoreType.DMA,
    ],
)
def _sc_gather(coords_hbm, normals_hbm, idx3_hbm, outc_hbm, outn_hbm,
               idx_v, rc_v, rn_v, sem_c, sem_n):
    w = _wid()
    base = w * _EPW
    pltpu.sync_copy(idx3_hbm.at[pl.ds(base, _EPW)], idx_v)
    cpy_c = pltpu.async_copy(coords_hbm.at[idx_v], rc_v, sem_c)
    cpy_n = pltpu.async_copy(normals_hbm.at[idx_v], rn_v, sem_n)
    cpy_c.wait()
    cpy_n.wait()
    pltpu.sync_copy(rc_v, outc_hbm.at[pl.ds(base, _EPW)])
    pltpu.sync_copy(rn_v, outn_hbm.at[pl.ds(base, _EPW)])




def kernel(coords, normals, key):
    k0 = jax.random.key(key)
    kc, s1 = jax.random.split(k0)
    _unused, s2 = jax.random.split(kc)
    d0 = jax.random.key_data(k0).astype(jnp.int32)
    d1 = jax.random.key_data(s1).astype(jnp.int32)
    d2 = jax.random.key_data(s2).astype(jnp.int32)
    kw = jnp.concatenate([d1, d2, d0, jnp.zeros((2,), jnp.int32)])

    r1b, r2b, offb = _tc_rng(kw)

    h1, h2, svr, svp = _sc1(r1b, r2b)

    tot1 = h1.sum(0, dtype=jnp.int32)
    cb1 = jnp.concatenate([jnp.zeros((1,), jnp.int32),
                           jnp.cumsum(tot1, dtype=jnp.int32)])
    offs1 = cb1[:-1][None, :] + (jnp.cumsum(h1, 0, dtype=jnp.int32) - h1)
    cumbase = jnp.concatenate(
        [cb1, jnp.full((32776 - 32769,), _N, jnp.int32)])
    tot2 = h2.sum(0, dtype=jnp.int32)
    cb2 = jnp.concatenate([jnp.zeros((1,), jnp.int32),
                           jnp.cumsum(tot2, dtype=jnp.int32)[:-1]])
    offs3 = _SHIFT + cb2[None, :] + (jnp.cumsum(h2, 0, dtype=jnp.int32) - h2)
    prm = jnp.broadcast_to(tot2.sum(dtype=jnp.int32)[None], (16,)).astype(jnp.int32)

    cb2full = jnp.concatenate(
        [jnp.zeros((1,), jnp.int32), jnp.cumsum(tot2, dtype=jnp.int32),
         jnp.full((17592 - _NB2P - 1,), _ON * 4, jnp.int32)])
    c_r1, c_p = _sc2a(r1b, offs1)
    s_r2, s_p = _sc2b(svr, svp, offs3, c_r1[:8])
    (idx3,) = _sc4(s_r2, s_p, cumbase, cb2full, c_r1, c_p, prm)

    gcf, gnf = _sc_gather(coords.T.reshape(-1), normals.T.reshape(-1), idx3)
    gc = gcf.reshape(3, _ON).T
    gn = gnf.reshape(3, _ON).T

    off_coords = offb.reshape(-1)[: _OFF * 3].reshape(_OFF, 3)
    out_coords = jnp.concatenate([gc, off_coords], axis=0)
    out_normals = jnp.concatenate([gn, jnp.full((_OFF, 3), -1.0, jnp.float32)],
                                  axis=0)
    sdf = jnp.concatenate([jnp.zeros((_ON, 1), jnp.float32),
                           jnp.full((_OFF, 1), -1.0, jnp.float32)], axis=0)
    return out_coords, out_normals, sdf

# --- scband reference (transcript-rebuilt; emitter-appended) ---
"""Pipeline reference for scband-sdfsampler-61486751810128 (READ-ONLY COPY).

The authoritative reference and input builder live on the scoring server;
editing this copy changes nothing except your own understanding.
"""

import jax, jax.numpy as jnp
import numpy as np

N_POINTS = 1000000
BATCH_SIZE = 16384
ON_SURFACE = BATCH_SIZE // 2
OFF_SURFACE = BATCH_SIZE - ON_SURFACE


def setup_inputs(seed: int = 0) -> dict:
    key = jax.random.key(seed)
    k1, k2 = jax.random.split(key)
    # Normalized point cloud in [-1, 1]^3 (mimics load_shape() rescaling)
    coords = jax.random.uniform(k1, (N_POINTS, 3), minval=-1.0, maxval=1.0, dtype=jnp.float32)
    normals = jax.random.normal(k2, (N_POINTS, 3), dtype=jnp.float32)
    normals = normals / (jnp.linalg.norm(normals, axis=-1, keepdims=True) + 1e-12)
    return {"coords": coords, "normals": normals, "key": 0}


def reference(coords, normals, key):
    k = jax.random.key(key)
    # Sample a random subset of on-surface points without replacement
    idx = jax.random.choice(k, coords.shape[0], shape=(ON_SURFACE,), replace=False)
    # Uniform off-surface points in [-1, 1]^3 (same key reuse as original module)
    off_surface_coords = jax.random.uniform(k, shape=(OFF_SURFACE, 3), minval=-1.0, maxval=1.0)
    off_surface_normals = jnp.ones((OFF_SURFACE, 3)) * -1.0
    sp_sdf = jnp.zeros((ON_SURFACE, 1))
    nsp_sdf = jnp.ones((OFF_SURFACE, 1)) * -1
    out_coords = jnp.concatenate([jnp.take(coords, idx, axis=0), off_surface_coords], axis=0)
    out_normals = jnp.concatenate([jnp.take(normals, idx, axis=0), off_surface_normals], axis=0)
    sdf = jnp.concatenate([sp_sdf, nsp_sdf], axis=0)
    return (out_coords, out_normals, sdf)

if __name__ == "__main__":
    import jax
    _d = setup_inputs()
    print(jax.jit(kernel)(*tuple(_d.values())))

</pallas_src>

<mosaic_0001>
#map = affine_map<(d0, d1) -> (0, 0)>
module attributes {stable_mosaic.version = 14 : i64} {
  func.func @_sc1(%arg0: i32, %arg1: i32, %arg2: memref<8192x128xi32, #tpu.memory_space<hbm>>, %arg3: memref<8192x128xi32, #tpu.memory_space<hbm>>, %arg4: memref<32x32768xi32, #tpu.memory_space<hbm>>, %arg5: memref<32x17584xi32, #tpu.memory_space<hbm>>, %arg6: memref<32x512xi32, #tpu.memory_space<hbm>>, %arg7: memref<32x512xi32, #tpu.memory_space<hbm>>, %arg8: memref<256x128xi32, #tpu.memory_space<vmem>>, %arg9: memref<32768xi32, #tpu.memory_space<vmem>>, %arg10: memref<17584xi32, #tpu.memory_space<vmem>>, %arg11: memref<528xi32, #tpu.memory_space<vmem>>, %arg12: memref<528xi32, #tpu.memory_space<vmem>>, %arg13: memref<1xi32, #tpu.memory_space<smem>>, %arg14: memref<!tpu.dma_semaphore, #tpu.memory_space<semaphore_mem>>) attributes {dimension_semantics = [#tpu.dimension_semantics<core_parallel>, #tpu.dimension_semantics<subcore_parallel>], iteration_bounds = array<i64: 2, 16>, scalar_prefetch = 0 : i64, scratch_operands = 7 : i64, tpu.core_type = #tpu.core_type<sc_vector_subcore>, window_params = [{transform_indices = #map}, {transform_indices = #map}, {transform_indices = #map}, {transform_indices = #map}, {transform_indices = #map}, {transform_indices = #map}]} {
    %mul3A = arith.constant 2 : i32
    %mul3A_0 = arith.muli %arg1, %mul3A : i32
    %add3A = arith.addi %mul3A_0, %arg0 : i32
    %mul3A_1 = arith.constant 32768 : i32
    %mul3A_2 = arith.muli %add3A, %mul3A_1 : i32
    %iota3A = tpu.iota {dimensions = array<i32: 0>} : vector<16xi32>
    %broadcast_in_dim3A = arith.constant 0 : i32
    %broadcast_in_dim3A_3 = vector.broadcast %broadcast_in_dim3A : i32 to vector<16xi32>
    %mul3A_4 = arith.constant 256 : i32
    %mul3A_5 = arith.muli %add3A, %mul3A_4 : i32
    %dma_start3A = arith.constant 0 : i32
    %dma_start3A_6 = tpu.memref_slice %arg2[%mul3A_5, %dma_start3A] : memref<8192x128xi32, #tpu.memory_space<hbm>> -> memref<256x128xi32, #tpu.memory_space<hbm>>
    %dma_start3A_7 = arith.constant 0 : i32
    %dma_start3A_8 = tpu.memref_slice %arg2[%mul3A_5, %dma_start3A_7] : memref<8192x128xi32, #tpu.memory_space<hbm>> -> memref<256x128xi32, #tpu.memory_space<hbm>>
    tpu.enqueue_dma source(%dma_start3A_8 : memref<256x128xi32, #tpu.memory_space<hbm>>) target(%arg8 : memref<256x128xi32, #tpu.memory_space<vmem>>) target_semaphore(%arg14 : memref<!tpu.dma_semaphore, #tpu.memory_space<semaphore_mem>>)
    %dma_wait3A = arith.constant 0 : i32
    %dma_wait3A_9 = tpu.memref_slice %arg2[%mul3A_5, %dma_wait3A] : memref<8192x128xi32, #tpu.memory_space<hbm>> -> memref<256x128xi32, #tpu.memory_space<hbm>>
    %dma_wait3A_10 = arith.constant 0 : i32
    %dma_wait3A_11 = tpu.memref_slice %arg2[%mul3A_5, %dma_wait3A_10] : memref<8192x128xi32, #tpu.memory_space<hbm>> -> memref<256x128xi32, #tpu.memory_space<hbm>>
    tpu.wait_dma2 semaphore(%arg14 : memref<!tpu.dma_semaphore, #tpu.memory_space<semaphore_mem>>) src(%dma_wait3A_11 : memref<256x128xi32, #tpu.memory_space<hbm>>) dst(%arg8 : memref<256x128xi32, #tpu.memory_space<vmem>>)
    %scan3A = arith.constant 0 : i32
    %scan3A_12 = arith.constant 0 : i32
    %scan3A_13 = arith.constant 2048 : i32
    %scan3A_14 = arith.addi %scan3A_12, %scan3A_13 : i32
    %scan3A_15 = arith.constant 1 : i32
    %scan3A_16 = scf.for %scan3A_133 = %scan3A_12 to %scan3A_14 step %scan3A_15 iter_args(%scan3A_134 = %scan3A) -> (i32)  : i32 {
      %mul3A_135 = arith.constant 16 : i32
      %mul3A_136 = arith.muli %scan3A_133, %mul3A_135 : i32
      %swap3A_137 = arith.index_cast %mul3A_136 : i32 to index
      %swap3A_138 = tpu.vector_load %arg9[%swap3A_137] {strides = array<i32>} : memref<32768xi32, #tpu.memory_space<vmem>>, vector<16xi32>,
      tpu.vector_store %arg9[%swap3A_137], %broadcast_in_dim3A_3 {strides = array<i32>} : memref<32768xi32, #tpu.memory_space<vmem>>, vector<16xi32>,
      %scan3A_139 = arith.constant 0 : i32
      scf.yield %scan3A_139 : i32
    }
    %scan3A_17 = arith.constant 2048 : i32
    %scan3A_18 = arith.constant 0 : i32
    %scan3A_19 = arith.constant 0 : i32
    %scan3A_20 = arith.constant 2048 : i32
    %scan3A_21 = arith.addi %scan3A_19, %scan3A_20 : i32
    %scan3A_22 = arith.constant 1 : i32
    %scan3A_23 = scf.for %scan3A_133 = %scan3A_19 to %scan3A_21 step %scan3A_22 iter_args(%scan3A_134 = %scan3A_18) -> (i32)  : i32 {
      %jit3A = arith.constant 8 : i32
      %div3A = arith.divsi %scan3A_133, %jit3A : i32
      %sign3A = arith.constant 0 : i32
      %sign3A_135 = arith.cmpi sgt, %scan3A_133, %sign3A : i32
      %sign3A_136 = arith.extui %sign3A_135 : i1 to i32
      %sign3A_137 = arith.constant 0 : i32
      %sign3A_138 = arith.cmpi slt, %scan3A_133, %sign3A_137 : i32
      %sign3A_139 = arith.extui %sign3A_138 : i1 to i32
      %sign3A_140 = arith.subi %sign3A_136, %sign3A_139 : i32
      %sign3A_141 = arith.constant 0 : i32
      %sign3A_142 = arith.cmpi sgt, %jit3A, %sign3A_141 : i32
      %sign3A_143 = arith.extui %sign3A_142 : i1 to i32
      %sign3A_144 = arith.constant 0 : i32
      %sign3A_145 = arith.cmpi slt, %jit3A, %sign3A_144 : i32
      %sign3A_146 = arith.extui %sign3A_145 : i1 to i32
      %sign3A_147 = arith.subi %sign3A_143, %sign3A_146 : i32
      %ne3A = arith.cmpi ne, %sign3A_140, %sign3A_147 : i32
      %rem3A = arith.remsi %scan3A_133, %jit3A : i32
      %ne3A_148 = arith.constant 0 : i32
      %ne3A_149 = arith.cmpi ne, %rem3A, %ne3A_148 : i32
      %and3A = arith.andi %ne3A, %ne3A_149 : i1
      %sub3A = arith.constant 1 : i32
      %sub3A_150 = arith.subi %div3A, %sub3A : i32
      %select_n3A = arith.select %and3A, %sub3A_150, %div3A : i32
      %jit3A_151 = arith.constant 8 : i32
      %eq3A = arith.constant 0 : i32
      %eq3A_152 = arith.cmpi eq, %jit3A_151, %eq3A : i32
      %jit3A_153 = arith.constant 1 : i32
      %select_n3A_154 = arith.select %eq3A_152, %jit3A_153, %jit3A_151 : i32
      %rem3A_155 = arith.remsi %scan3A_133, %select_n3A_154 : i32
      %ne3A_156 = arith.constant 0 : i32
      %ne3A_157 = arith.cmpi ne, %rem3A_155, %ne3A_156 : i32
      %lt3A = arith.constant 0 : i32
      %lt3A_158 = arith.cmpi slt, %rem3A_155, %lt3A : i32
      %lt3A_159 = arith.constant 0 : i32
      %lt3A_160 = arith.cmpi slt, %select_n3A_154, %lt3A_159 : i32
      %ne3A_161 = arith.xori %lt3A_158, %lt3A_160 : i1
      %and3A_162 = arith.andi %ne3A_161, %ne3A_157 : i1
      %add3A_163 = arith.addi %rem3A_155, %select_n3A_154 : i32
      %select_n3A_164 = arith.select %and3A_162, %add3A_163, %rem3A_155 : i32
      %mul3A_165 = arith.constant 16 : i32
      %mul3A_166 = arith.muli %select_n3A_164, %mul3A_165 : i32
      %get3A = arith.index_cast %select_n3A : i32 to index
      %get3A_167 = arith.index_cast %mul3A_166 : i32 to index
      %get3A_168 = tpu.vector_load %arg8[%get3A, %get3A_167] {strides = array<i32>} : memref<256x128xi32, #tpu.memory_space<vmem>>, vector<16xi32>,
      %mul3A_169 = arith.constant 128 : i32
      %mul3A_170 = arith.muli %select_n3A, %mul3A_169 : i32
      %add3A_171 = arith.addi %mul3A_2, %mul3A_170 : i32
      %add3A_172 = arith.addi %add3A_171, %mul3A_166 : i32
      %add3A_173 = vector.broadcast %add3A_172 : i32 to vector<16xi32>
      %add3A_174 = arith.addi %add3A_173, %iota3A : vector<16xi32>
      %lt3A_175 = arith.constant 1000000 : i32
      %lt3A_176 = vector.broadcast %lt3A_175 : i32 to vector<16xi32>
      %lt3A_177 = arith.cmpi slt, %add3A_174, %lt3A_176 : vector<16xi32>
      %shift_right_logical3A = arith.constant 17 : i32
      %shift_right_logical3A_178 = vector.broadcast %shift_right_logical3A : i32 to vector<16xi32>
      %shift_right_logical3A_179 = arith.shrui %get3A_168, %shift_right_logical3A_178 : vector<16xi32>
      %unique3A, %unique3A_180 = tpu.scan_count mask(%lt3A_177 : vector<16xi1>) value(%shift_right_logical3A_179 : vector<16xi32>) : vector<16xi1>, vector<16xi32>
      %and3A_181 = arith.andi %lt3A_177, %unique3A : vector<16xi1>
      %gather3A = tpu.vector_load_idx %arg9[%shift_right_logical3A_179] masked %and3A_181 : memref<32768xi32, #tpu.memory_space<vmem>>[vector<16xi32>], vector<16xi32>, vector<16xi1>
      %add3A_182 = arith.addi %gather3A, %unique3A_180 : vector<16xi32>
      tpu.vector_store_idx %arg9[%shift_right_logical3A_179], %add3A_182 masked %and3A_181 : memref<32768xi32, #tpu.memory_space<vmem>>[vector<16xi32>], vector<16xi32>, vector<16xi1>
      %scan3A_183 = arith.constant 0 : i32
      scf.yield %scan3A_183 : i32
    }
    %scan3A_24 = arith.constant 2048 : i32
    %dma_start3A_25 = arith.constant 0 : i32
    %dma_start3A_26 = tpu.memref_slice %arg4[%add3A, %dma_start3A_25] : memref<32x32768xi32, #tpu.memory_space<hbm>> -> memref<1x32768xi32, #tpu.memory_space<hbm>>
    %dma_start3A_27 = tpu.memref_squeeze %dma_start3A_26 : memref<1x32768xi32, #tpu.memory_space<hbm>> -> memref<32768xi32, #tpu.memory_space<hbm>>
    %dma_start3A_28 = arith.constant 0 : i32
    %dma_start3A_29 = tpu.memref_slice %arg4[%add3A, %dma_start3A_28] : memref<32x32768xi32, #tpu.memory_space<hbm>> -> memref<1x32768xi32, #tpu.memory_space<hbm>>
    %dma_start3A_30 = tpu.memref_squeeze %dma_start3A_29 : memref<1x32768xi32, #tpu.memory_space<hbm>> -> memref<32768xi32, #tpu.memory_space<hbm>>
    tpu.enqueue_dma source(%arg9 : memref<32768xi32, #tpu.memory_space<vmem>>) target(%dma_start3A_30 : memref<32768xi32, #tpu.memory_space<hbm>>) target_semaphore(%arg14 : memref<!tpu.dma_semaphore, #tpu.memory_space<semaphore_mem>>)
    %dma_wait3A_31 = arith.constant 0 : i32
    %dma_wait3A_32 = tpu.memref_slice %arg4[%add3A, %dma_wait3A_31] : memref<32x32768xi32, #tpu.memory_space<hbm>> -> memref<1x32768xi32, #tpu.memory_space<hbm>>
    %dma_wait3A_33 = tpu.memref_squeeze %dma_wait3A_32 : memref<1x32768xi32, #tpu.memory_space<hbm>> -> memref<32768xi32, #tpu.memory_space<hbm>>
    %dma_wait3A_34 = arith.constant 0 : i32
    %dma_wait3A_35 = tpu.memref_slice %arg4[%add3A, %dma_wait3A_34] : memref<32x32768xi32, #tpu.memory_space<hbm>> -> memref<1x32768xi32, #tpu.memory_space<hbm>>
    %dma_wait3A_36 = tpu.memref_squeeze %dma_wait3A_35 : memref<1x32768xi32, #tpu.memory_space<hbm>> -> memref<32768xi32, #tpu.memory_space<hbm>>
    tpu.wait_dma2 semaphore(%arg14 : memref<!tpu.dma_semaphore, #tpu.memory_space<semaphore_mem>>) src(%arg9 : memref<32768xi32, #tpu.memory_space<vmem>>) dst(%dma_wait3A_36 : memref<32768xi32, #tpu.memory_space<hbm>>)
    %mul3A_37 = arith.constant 256 : i32
    %mul3A_38 = arith.muli %add3A, %mul3A_37 : i32
    %dma_start3A_39 = arith.constant 0 : i32
    %dma_start3A_40 = tpu.memref_slice %arg3[%mul3A_38, %dma_start3A_39] : memref<8192x128xi32, #tpu.memory_space<hbm>> -> memref<256x128xi32, #tpu.memory_space<hbm>>
    %dma_start3A_41 = arith.constant 0 : i32
    %dma_start3A_42 = tpu.memref_slice %arg3[%mul3A_38, %dma_start3A_41] : memref<8192x128xi32, #tpu.memory_space<hbm>> -> memref<256x128xi32, #tpu.memory_space<hbm>>
    tpu.enqueue_dma source(%dma_start3A_42 : memref<256x128xi32, #tpu.memory_space<hbm>>) target(%arg8 : memref<256x128xi32, #tpu.memory_space<vmem>>) target_semaphore(%arg14 : memref<!tpu.dma_semaphore, #tpu.memory_space<semaphore_mem>>)
    %dma_wait3A_43 = arith.constant 0 : i32
    %dma_wait3A_44 = tpu.memref_slice %arg3[%mul3A_38, %dma_wait3A_43] : memref<8192x128xi32, #tpu.memory_space<hbm>> -> memref<256x128xi32, #tpu.memory_space<hbm>>
    %dma_wait3A_45 = arith.constant 0 : i32
    %dma_wait3A_46 = tpu.memref_slice %arg3[%mul3A_38, %dma_wait3A_45] : memref<8192x128xi32, #tpu.memory_space<hbm>> -> memref<256x128xi32, #tpu.memory_space<hbm>>
    tpu.wait_dma2 semaphore(%arg14 : memref<!tpu.dma_semaphore, #tpu.memory_space<semaphore_mem>>) src(%dma_wait3A_46 : memref<256x128xi32, #tpu.memory_space<hbm>>) dst(%arg8 : memref<256x128xi32, #tpu.memory_space<vmem>>)
    %scan3A_47 = arith.constant 0 : i32
    %scan3A_48 = arith.constant 0 : i32
    %scan3A_49 = arith.constant 1099 : i32
    %scan3A_50 = arith.addi %scan3A_48, %scan3A_49 : i32
    %scan3A_51 = arith.constant 1 : i32
    %scan3A_52 = scf.for %scan3A_133 = %scan3A_48 to %scan3A_50 step %scan3A_51 iter_args(%scan3A_134 = %scan3A_47) -> (i32)  : i32 {
      %mul3A_135 = arith.constant 16 : i32
      %mul3A_136 = arith.muli %scan3A_133, %mul3A_135 : i32
      %swap3A_137 = arith.index_cast %mul3A_136 : i32 to index
      %swap3A_138 = tpu.vector_load %arg10[%swap3A_137] {strides = array<i32>} : memref<17584xi32, #tpu.memory_space<vmem>>, vector<16xi32>,
      tpu.vector_store %arg10[%swap3A_137], %broadcast_in_dim3A_3 {strides = array<i32>} : memref<17584xi32, #tpu.memory_space<vmem>>, vector<16xi32>,
      %scan3A_139 = arith.constant 0 : i32
      scf.yield %scan3A_139 : i32
    }
    %scan3A_53 = arith.constant 1099 : i32
    %scan3A_54 = arith.constant 0 : i32
    %scan3A_55 = arith.constant 0 : i32
    %scan3A_56 = arith.constant 33 : i32
    %scan3A_57 = arith.addi %scan3A_55, %scan3A_56 : i32
    %scan3A_58 = arith.constant 1 : i32
    %scan3A_59 = scf.for %scan3A_133 = %scan3A_55 to %scan3A_57 step %scan3A_58 iter_args(%scan3A_134 = %scan3A_54) -> (i32)  : i32 {
      %mul3A_135 = arith.constant 16 : i32
      %mul3A_136 = arith.muli %scan3A_133, %mul3A_135 : i32
      %swap3A_137 = arith.index_cast %mul3A_136 : i32 to index
      %swap3A_138 = tpu.vector_load %arg12[%swap3A_137] {strides = array<i32>} : memref<528xi32, #tpu.memory_space<vmem>>, vector<16xi32>,
      tpu.vector_store %arg12[%swap3A_137], %broadcast_in_dim3A_3 {strides = array<i32>} : memref<528xi32, #tpu.memory_space<vmem>>, vector<16xi32>,
      %scan3A_139 = arith.constant 0 : i32
      scf.yield %scan3A_139 : i32
    }
    %scan3A_60 = arith.constant 33 : i32
    %scan3A_61 = arith.constant 0 : i32
    %scan3A_62 = arith.constant 0 : i32
    %scan3A_63 = arith.constant 33 : i32
    %scan3A_64 = arith.addi %scan3A_62, %scan3A_63 : i32
    %scan3A_65 = arith.constant 1 : i32
    %scan3A_66 = scf.for %scan3A_133 = %scan3A_62 to %scan3A_64 step %scan3A_65 iter_args(%scan3A_134 = %scan3A_61) -> (i32)  : i32 {
      %broadcast_in_dim3A_135 = arith.constant -1 : i32
      %broadcast_in_dim3A_136 = vector.broadcast %broadcast_in_dim3A_135 : i32 to vector<16xi32>
      %mul3A_137 = arith.constant 16 : i32
      %mul3A_138 = arith.muli %scan3A_133, %mul3A_137 : i32
      %swap3A_139 = arith.index_cast %mul3A_138 : i32 to index
      %swap3A_140 = tpu.vector_load %arg11[%swap3A_139] {strides = array<i32>} : memref<528xi32, #tpu.memory_space<vmem>>, vector<16xi32>,
      tpu.vector_store %arg11[%swap3A_139], %broadcast_in_dim3A_136 {strides = array<i32>} : memref<528xi32, #tpu.memory_space<vmem>>, vector<16xi32>,
      %scan3A_141 = arith.constant 0 : i32
      scf.yield %scan3A_141 : i32
    }
    %scan3A_67 = arith.constant 33 : i32
    %swap3A = arith.constant 0 : i32
    %swap3A_68 = arith.constant 0 : i32
    %swap3A_69 = arith.index_cast %swap3A_68 : i32 to index
    %swap3A_70 = memref.load %arg13[%swap3A_69] : memref<1xi32, #tpu.memory_space<smem>>
    memref.store %swap3A, %arg13[%swap3A_69] : memref<1xi32, #tpu.memory_space<smem>>
    %xor3A = arith.constant 36000000 : i32
    %xor3A_71 = arith.constant -2147483648 : i32
    %xor3A_72 = arith.xori %xor3A, %xor3A_71 : i32
    %scan3A_73 = arith.constant -2147483648 : i32
    %scan3A_74 = arith.constant 0 : i32
    %scan3A_75 = arith.constant 0 : i32
    %scan3A_76 = arith.constant 2048 : i32
    %scan3A_77 = arith.addi %scan3A_75, %scan3A_76 : i32
    %scan3A_78 = arith.constant 1 : i32
    %scan3A_79 = scf.for %scan3A_133 = %scan3A_75 to %scan3A_77 step %scan3A_78 iter_args(%scan3A_134 = %scan3A_74) -> (i32)  : i32 {
      %jit3A = arith.constant 8 : i32
      %div3A = arith.divsi %scan3A_133, %jit3A : i32
      %sign3A = arith.constant 0 : i32
      %sign3A_135 = arith.cmpi sgt, %scan3A_133, %sign3A : i32
      %sign3A_136 = arith.extui %sign3A_135 : i1 to i32
      %sign3A_137 = arith.constant 0 : i32
      %sign3A_138 = arith.cmpi slt, %scan3A_133, %sign3A_137 : i32
      %sign3A_139 = arith.extui %sign3A_138 : i1 to i32
      %sign3A_140 = arith.subi %sign3A_136, %sign3A_139 : i32
      %sign3A_141 = arith.constant 0 : i32
      %sign3A_142 = arith.cmpi sgt, %jit3A, %sign3A_141 : i32
      %sign3A_143 = arith.extui %sign3A_142 : i1 to i32
      %sign3A_144 = arith.constant 0 : i32
      %sign3A_145 = arith.cmpi slt, %jit3A, %sign3A_144 : i32
      %sign3A_146 = arith.extui %sign3A_145 : i1 to i32
      %sign3A_147 = arith.subi %sign3A_143, %sign3A_146 : i32
      %ne3A = arith.cmpi ne, %sign3A_140, %sign3A_147 : i32
      %rem3A = arith.remsi %scan3A_133, %jit3A : i32
      %ne3A_148 = arith.constant 0 : i32
      %ne3A_149 = arith.cmpi ne, %rem3A, %ne3A_148 : i32
      %and3A = arith.andi %ne3A, %ne3A_149 : i1
      %sub3A = arith.constant 1 : i32
      %sub3A_150 = arith.subi %div3A, %sub3A : i32
      %select_n3A = arith.select %and3A, %sub3A_150, %div3A : i32
      %jit3A_151 = arith.constant 8 : i32
      %eq3A = arith.constant 0 : i32
      %eq3A_152 = arith.cmpi eq, %jit3A_151, %eq3A : i32
      %jit3A_153 = arith.constant 1 : i32
      %select_n3A_154 = arith.select %eq3A_152, %jit3A_153, %jit3A_151 : i32
      %rem3A_155 = arith.remsi %scan3A_133, %select_n3A_154 : i32
      %ne3A_156 = arith.constant 0 : i32
      %ne3A_157 = arith.cmpi ne, %rem3A_155, %ne3A_156 : i32
      %lt3A = arith.constant 0 : i32
      %lt3A_158 = arith.cmpi slt, %rem3A_155, %lt3A : i32
      %lt3A_159 = arith.constant 0 : i32
      %lt3A_160 = arith.cmpi slt, %select_n3A_154, %lt3A_159 : i32
      %ne3A_161 = arith.xori %lt3A_158, %lt3A_160 : i1
      %and3A_162 = arith.andi %ne3A_161, %ne3A_157 : i1
      %add3A_163 = arith.addi %rem3A_155, %select_n3A_154 : i32
      %select_n3A_164 = arith.select %and3A_162, %add3A_163, %rem3A_155 : i32
      %mul3A_165 = arith.constant 16 : i32
      %mul3A_166 = arith.muli %select_n3A_164, %mul3A_165 : i32
      %get3A = arith.index_cast %select_n3A : i32 to index
      %get3A_167 = arith.index_cast %mul3A_166 : i32 to index
      %get3A_168 = tpu.vector_load %arg8[%get3A, %get3A_167] {strides = array<i32>} : memref<256x128xi32, #tpu.memory_space<vmem>>, vector<16xi32>,
      %mul3A_169 = arith.constant 128 : i32
      %mul3A_170 = arith.muli %select_n3A, %mul3A_169 : i32
      %add3A_171 = arith.addi %mul3A_2, %mul3A_170 : i32
      %add3A_172 = arith.addi %add3A_171, %mul3A_166 : i32
      %add3A_173 = vector.broadcast %add3A_172 : i32 to vector<16xi32>
      %add3A_174 = arith.addi %add3A_173, %iota3A : vector<16xi32>
      %lt3A_175 = arith.constant 1000000 : i32
      %lt3A_176 = vector.broadcast %lt3A_175 : i32 to vector<16xi32>
      %lt3A_177 = arith.cmpi slt, %add3A_174, %lt3A_176 : vector<16xi32>
      %xor3A_178 = vector.broadcast %scan3A_73 : i32 to vector<16xi32>
      %xor3A_179 = arith.xori %get3A_168, %xor3A_178 : vector<16xi32>
      %lt3A_180 = vector.broadcast %xor3A_72 : i32 to vector<16xi32>
      %lt3A_181 = arith.cmpi slt, %xor3A_179, %lt3A_180 : vector<16xi32>
      %and3A_182 = arith.andi %lt3A_177, %lt3A_181 : vector<16xi1>
      %shift_right_logical3A = arith.constant 11 : i32
      %shift_right_logical3A_183 = vector.broadcast %shift_right_logical3A : i32 to vector<16xi32>
      %shift_right_logical3A_184 = arith.shrui %get3A_168, %shift_right_logical3A_183 : vector<16xi32>
      %jit3A_185 = arith.constant 0 : i32
      %broadcast_in_dim3A_186 = vector.broadcast %jit3A_185 : i32 to vector<16xi32>
      %select_n3A_187 = arith.select %and3A_182, %shift_right_logical3A_184, %broadcast_in_dim3A_186 : vector<16xi1>, vector<16xi32>
      %unique3A, %unique3A_188 = tpu.scan_count mask(%and3A_182 : vector<16xi1>) value(%select_n3A_187 : vector<16xi32>) : vector<16xi1>, vector<16xi32>
      %and3A_189 = arith.andi %and3A_182, %unique3A : vector<16xi1>
      %gather3A = tpu.vector_load_idx %arg10[%select_n3A_187] masked %and3A_189 : memref<17584xi32, #tpu.memory_space<vmem>>[vector<16xi32>], vector<16xi32>, vector<16xi1>
      %add3A_190 = arith.addi %gather3A, %unique3A_188 : vector<16xi32>
      tpu.vector_store_idx %arg10[%select_n3A_187], %add3A_190 masked %and3A_189 : memref<17584xi32, #tpu.memory_space<vmem>>[vector<16xi32>], vector<16xi32>, vector<16xi1>
      %all_reduce_population_count3A = tpu.all_reduce %and3A_182 {dim = 0 : i64, kind = #tpu.reduction_kind<sum>} : vector<16xi1> -> vector<16xi32>
      %get3A_191 = arith.constant 0 : i32
      %get3A_192 = arith.index_cast %get3A_191 : i32 to index
      %get3A_193 = memref.load %arg13[%get3A_192] : memref<1xi32, #tpu.memory_space<smem>>
      %jit3A_194 = arith.constant 1 : i32
      %jit3A_195 = arith.constant 0 : i32
      %broadcast_in_dim3A_196 = vector.broadcast %jit3A_194 : i32 to vector<16xi32>
      %broadcast_in_dim3A_197 = vector.broadcast %jit3A_195 : i32 to vector<16xi32>
      %select_n3A_198 = arith.select %and3A_182, %broadcast_in_dim3A_196, %broadcast_in_dim3A_197 : vector<16xi1>, vector<16xi32>
      %broadcast_in_dim3A_199 = arith.constant true
      %broadcast_in_dim3A_200 = vector.broadcast %broadcast_in_dim3A_199 : i1 to vector<16xi1>
      %masked_cumsum3A = tpu.scan <sum>, %select_n3A_198 masked %broadcast_in_dim3A_200 : vector<16xi32>, vector<16xi1> -> vector<16xi32>
      %add3A_201 = vector.broadcast %get3A_193 : i32 to vector<16xi32>
      %add3A_202 = arith.addi %add3A_201, %masked_cumsum3A : vector<16xi32>
      %sub3A_203 = arith.constant 1 : i32
      %sub3A_204 = vector.broadcast %sub3A_203 : i32 to vector<16xi32>
      %sub3A_205 = arith.subi %add3A_202, %sub3A_204 : vector<16xi32>
      %jit3A_206 = arith.constant 512 : i32
      %broadcast_in_dim3A_207 = vector.broadcast %jit3A_206 : i32 to vector<16xi32>
      %select_n3A_208 = arith.select %and3A_182, %sub3A_205, %broadcast_in_dim3A_207 : vector<16xi1>, vector<16xi32>
      tpu.vector_store_idx %arg11[%select_n3A_208], %get3A_168 masked %and3A_182 : memref<528xi32, #tpu.memory_space<vmem>>[vector<16xi32>], vector<16xi32>, vector<16xi1>
      tpu.vector_store_idx %arg12[%select_n3A_208], %add3A_174 masked %and3A_182 : memref<528xi32, #tpu.memory_space<vmem>>[vector<16xi32>], vector<16xi32>, vector<16xi1>
      %slice3A = vector.extract_strided_slice %all_reduce_population_count3A {offsets = [0], sizes = [1], strides = [1]} : vector<16xi32> to vector<1xi32>
      %squeeze3A = vector.extract %slice3A[0] : i32 from vector<1xi32>
      %add3A_209 = arith.addi %get3A_193, %squeeze3A : i32
      %swap3A_210 = arith.constant 0 : i32
      %swap3A_211 = arith.index_cast %swap3A_210 : i32 to index
      %swap3A_212 = memref.load %arg13[%swap3A_211] : memref<1xi32, #tpu.memory_space<smem>>
      memref.store %add3A_209, %arg13[%swap3A_211] : memref<1xi32, #tpu.memory_space<smem>>
      %scan3A_213 = arith.constant 0 : i32
      scf.yield %scan3A_213 : i32
    }
    %scan3A_80 = arith.constant 2048 : i32
    %dma_start3A_81 = arith.constant 0 : i32
    %dma_start3A_82 = tpu.memref_slice %arg5[%add3A, %dma_start3A_81] : memref<32x17584xi32, #tpu.memory_space<hbm>> -> memref<1x17584xi32, #tpu.memory_space<hbm>>
    %dma_start3A_83 = tpu.memref_squeeze %dma_start3A_82 : memref<1x17584xi32, #tpu.memory_space<hbm>> -> memref<17584xi32, #tpu.memory_space<hbm>>
    %dma_start3A_84 = arith.constant 0 : i32
    %dma_start3A_85 = tpu.memref_slice %arg5[%add3A, %dma_start3A_84] : memref<32x17584xi32, #tpu.memory_space<hbm>> -> memref<1x17584xi32, #tpu.memory_space<hbm>>
    %dma_start3A_86 = tpu.memref_squeeze %dma_start3A_85 : memref<1x17584xi32, #tpu.memory_space<hbm>> -> memref<17584xi32, #tpu.memory_space<hbm>>
    tpu.enqueue_dma source(%arg10 : memref<17584xi32, #tpu.memory_space<vmem>>) target(%dma_start3A_86 : memref<17584xi32, #tpu.memory_space<hbm>>) target_semaphore(%arg14 : memref<!tpu.dma_semaphore, #tpu.memory_space<semaphore_mem>>)
    %dma_wait3A_87 = arith.constant 0 : i32
    %dma_wait3A_88 = tpu.memref_slice %arg5[%add3A, %dma_wait3A_87] : memref<32x17584xi32, #tpu.memory_space<hbm>> -> memref<1x17584xi32, #tpu.memory_space<hbm>>
    %dma_wait3A_89 = tpu.memref_squeeze %dma_wait3A_88 : memref<1x17584xi32, #tpu.memory_space<hbm>> -> memref<17584xi32, #tpu.memory_space<hbm>>
    %dma_wait3A_90 = arith.constant 0 : i32
    %dma_wait3A_91 = tpu.memref_slice %arg5[%add3A, %dma_wait3A_90] : memref<32x17584xi32, #tpu.memory_space<hbm>> -> memref<1x17584xi32, #tpu.memory_space<hbm>>
    %dma_wait3A_92 = tpu.memref_squeeze %dma_wait3A_91 : memref<1x17584xi32, #tpu.memory_space<hbm>> -> memref<17584xi32, #tpu.memory_space<hbm>>
    tpu.wait_dma2 semaphore(%arg14 : memref<!tpu.dma_semaphore, #tpu.memory_space<semaphore_mem>>) src(%arg10 : memref<17584xi32, #tpu.memory_space<vmem>>) dst(%dma_wait3A_92 : memref<17584xi32, #tpu.memory_space<hbm>>)
    %dma_start3A_93 = arith.constant 0 : i32
    %dma_start3A_94 = tpu.memref_slice %arg11[%dma_start3A_93] : memref<528xi32, #tpu.memory_space<vmem>> -> memref<512xi32, #tpu.memory_space<vmem>>
    %dma_start3A_95 = arith.constant 0 : i32
    %dma_start3A_96 = tpu.memref_slice %arg6[%add3A, %dma_start3A_95] : memref<32x512xi32, #tpu.memory_space<hbm>> -> memref<1x512xi32, #tpu.memory_space<hbm>>
    %dma_start3A_97 = tpu.memref_squeeze %dma_start3A_96 : memref<1x512xi32, #tpu.memory_space<hbm>> -> memref<512xi32, #tpu.memory_space<hbm>>
    %dma_start3A_98 = arith.constant 0 : i32
    %dma_start3A_99 = tpu.memref_slice %arg6[%add3A, %dma_start3A_98] : memref<32x512xi32, #tpu.memory_space<hbm>> -> memref<1x512xi32, #tpu.memory_space<hbm>>
    %dma_start3A_100 = tpu.memref_squeeze %dma_start3A_99 : memref<1x512xi32, #tpu.memory_space<hbm>> -> memref<512xi32, #tpu.memory_space<hbm>>
    %dma_start3A_101 = arith.constant 0 : i32
    %dma_start3A_102 = tpu.memref_slice %arg11[%dma_start3A_101] : memref<528xi32, #tpu.memory_space<vmem>> -> memref<512xi32, #tpu.memory_space<vmem>>
    tpu.enqueue_dma source(%dma_start3A_102 : memref<512xi32, #tpu.memory_space<vmem>>) target(%dma_start3A_100 : memref<512xi32, #tpu.memory_space<hbm>>) target_semaphore(%arg14 : memref<!tpu.dma_semaphore, #tpu.memory_space<semaphore_mem>>)
    %dma_wait3A_103 = arith.constant 0 : i32
    %dma_wait3A_104 = tpu.memref_slice %arg11[%dma_wait3A_103] : memref<528xi32, #tpu.memory_space<vmem>> -> memref<512xi32, #tpu.memory_space<vmem>>
    %dma_wait3A_105 = arith.constant 0 : i32
    %dma_wait3A_106 = tpu.memref_slice %arg6[%add3A, %dma_wait3A_105] : memref<32x512xi32, #tpu.memory_space<hbm>> -> memref<1x512xi32, #tpu.memory_space<hbm>>
    %dma_wait3A_107 = tpu.memref_squeeze %dma_wait3A_106 : memref<1x512xi32, #tpu.memory_space<hbm>> -> memref<512xi32, #tpu.memory_space<hbm>>
    %dma_wait3A_108 = arith.constant 0 : i32
    %dma_wait3A_109 = tpu.memref_slice %arg6[%add3A, %dma_wait3A_108] : memref<32x512xi32, #tpu.memory_space<hbm>> -> memref<1x512xi32, #tpu.memory_space<hbm>>
    %dma_wait3A_110 = tpu.memref_squeeze %dma_wait3A_109 : memref<1x512xi32, #tpu.memory_space<hbm>> -> memref<512xi32, #tpu.memory_space<hbm>>
    %dma_wait3A_111 = arith.constant 0 : i32
    %dma_wait3A_112 = tpu.memref_slice %arg11[%dma_wait3A_111] : memref<528xi32, #tpu.memory_space<vmem>> -> memref<512xi32, #tpu.memory_space<vmem>>
    tpu.wait_dma2 semaphore(%arg14 : memref<!tpu.dma_semaphore, #tpu.memory_space<semaphore_mem>>) src(%dma_wait3A_112 : memref<512xi32, #tpu.memory_space<vmem>>) dst(%dma_wait3A_110 : memref<512xi32, #tpu.memory_space<hbm>>)
    %dma_start3A_113 = arith.constant 0 : i32
    %dma_start3A_114 = tpu.memref_slice %arg12[%dma_start3A_113] : memref<528xi32, #tpu.memory_space<vmem>> -> memref<512xi32, #tpu.memory_space<vmem>>
    %dma_start3A_115 = arith.constant 0 : i32
    %dma_start3A_116 = tpu.memref_slice %arg7[%add3A, %dma_start3A_115] : memref<32x512xi32, #tpu.memory_space<hbm>> -> memref<1x512xi32, #tpu.memory_space<hbm>>
    %dma_start3A_117 = tpu.memref_squeeze %dma_start3A_116 : memref<1x512xi32, #tpu.memory_space<hbm>> -> memref<512xi32, #tpu.memory_space<hbm>>
    %dma_start3A_118 = arith.constant 0 : i32
    %dma_start3A_119 = tpu.memref_slice %arg7[%add3A, %dma_start3A_118] : memref<32x512xi32, #tpu.memory_space<hbm>> -> memref<1x512xi32, #tpu.memory_space<hbm>>
    %dma_start3A_120 = tpu.memref_squeeze %dma_start3A_119 : memref<1x512xi32, #tpu.memory_space<hbm>> -> memref<512xi32, #tpu.memory_space<hbm>>
    %dma_start3A_121 = arith.constant 0 : i32
    %dma_start3A_122 = tpu.memref_slice %arg12[%dma_start3A_121] : memref<528xi32, #tpu.memory_space<vmem>> -> memref<512xi32, #tpu.memory_space<vmem>>
    tpu.enqueue_dma source(%dma_start3A_122 : memref<512xi32, #tpu.memory_space<vmem>>) target(%dma_start3A_120 : memref<512xi32, #tpu.memory_space<hbm>>) target_semaphore(%arg14 : memref<!tpu.dma_semaphore, #tpu.memory_space<semaphore_mem>>)
    %dma_wait3A_123 = arith.constant 0 : i32
    %dma_wait3A_124 = tpu.memref_slice %arg12[%dma_wait3A_123] : memref<528xi32, #tpu.memory_space<vmem>> -> memref<512xi32, #tpu.memory_space<vmem>>
    %dma_wait3A_125 = arith.constant 0 : i32
    %dma_wait3A_126 = tpu.memref_slice %arg7[%add3A, %dma_wait3A_125] : memref<32x512xi32, #tpu.memory_space<hbm>> -> memref<1x512xi32, #tpu.memory_space<hbm>>
    %dma_wait3A_127 = tpu.memref_squeeze %dma_wait3A_126 : memref<1x512xi32, #tpu.memory_space<hbm>> -> memref<512xi32, #tpu.memory_space<hbm>>
    %dma_wait3A_128 = arith.constant 0 : i32
    %dma_wait3A_129 = tpu.memref_slice %arg7[%add3A, %dma_wait3A_128] : memref<32x512xi32, #tpu.memory_space<hbm>> -> memref<1x512xi32, #tpu.memory_space<hbm>>
    %dma_wait3A_130 = tpu.memref_squeeze %dma_wait3A_129 : memref<1x512xi32, #tpu.memory_space<hbm>> -> memref<512xi32, #tpu.memory_space<hbm>>
    %dma_wait3A_131 = arith.constant 0 : i32
    %dma_wait3A_132 = tpu.memref_slice %arg12[%dma_wait3A_131] : memref<528xi32, #tpu.memory_space<vmem>> -> memref<512xi32, #tpu.memory_space<vmem>>
    tpu.wait_dma2 semaphore(%arg14 : memref<!tpu.dma_semaphore, #tpu.memory_space<semaphore_mem>>) src(%dma_wait3A_132 : memref<512xi32, #tpu.memory_space<vmem>>) dst(%dma_wait3A_130 : memref<512xi32, #tpu.memory_space<hbm>>)
    return
  }
}

#map = affine_map<(d0, d1) -> (0, 0)>
#map1 = affine_map<(d0, d1) -> (0)>
module attributes {stable_mosaic.version = 14 : i64} {
  func.func @_sc2b(%arg0: i32, %arg1: i32, %arg2: memref<32x512xi32, #tpu.memory_space<hbm>>, %arg3: memref<32x512xi32, #tpu.memory_space<hbm>>, %arg4: memref<32x17584xi32, #tpu.memory_space<hbm>>, %arg5: memref<8xi32, #tpu.memory_space<hbm>>, %arg6: memref<9248xi32, #tpu.memory_space<hbm>>, %arg7: memref<9248xi32, #tpu.memory_space<hbm>>, %arg8: memref<17584xi32, #tpu.memory_space<vmem>>, %arg9: memref<512xi32, #tpu.memory_space<vmem>>, %arg10: memref<512xi32, #tpu.memory_space<vmem>>, %arg11: memref<512xi32, #tpu.memory_space<vmem>>, %arg12: memref<!tpu.dma_semaphore, #tpu.memory_space<semaphore_mem>>, %arg13: memref<!tpu.dma_semaphore, #tpu.memory_space<semaphore_mem>>) attributes {dimension_semantics = [#tpu.dimension_semantics<core_parallel>, #tpu.dimension_semantics<subcore_parallel>], iteration_bounds = array<i64: 2, 16>, scalar_prefetch = 0 : i64, scratch_operands = 6 : i64, tpu.core_type = #tpu.core_type<sc_vector_subcore>, window_params = [{transform_indices = #map}, {transform_indices = #map}, {transform_indices = #map}, {transform_indices = #map1}, {transform_indices = #map1}, {transform_indices = #map1}]} {
    %mul3A = arith.constant 2 : i32
    %mul3A_0 = arith.muli %arg1, %mul3A : i32
    %add3A = arith.addi %mul3A_0, %arg0 : i32
    %dma_start3A = arith.constant 0 : i32
    %dma_start3A_1 = tpu.memref_slice %arg4[%add3A, %dma_start3A] : memref<32x17584xi32, #tpu.memory_space<hbm>> -> memref<1x17584xi32, #tpu.memory_space<hbm>>
    %dma_start3A_2 = tpu.memref_squeeze %dma_start3A_1 : memref<1x17584xi32, #tpu.memory_space<hbm>> -> memref<17584xi32, #tpu.memory_space<hbm>>
    %dma_start3A_3 = arith.constant 0 : i32
    %dma_start3A_4 = tpu.memref_slice %arg4[%add3A, %dma_start3A_3] : memref<32x17584xi32, #tpu.memory_space<hbm>> -> memref<1x17584xi32, #tpu.memory_space<hbm>>
    %dma_start3A_5 = tpu.memref_squeeze %dma_start3A_4 : memref<1x17584xi32, #tpu.memory_space<hbm>> -> memref<17584xi32, #tpu.memory_space<hbm>>
    tpu.enqueue_dma source(%dma_start3A_5 : memref<17584xi32, #tpu.memory_space<hbm>>) target(%arg8 : memref<17584xi32, #tpu.memory_space<vmem>>) target_semaphore(%arg12 : memref<!tpu.dma_semaphore, #tpu.memory_space<semaphore_mem>>)
    %dma_wait3A = arith.constant 0 : i32
    %dma_wait3A_6 = tpu.memref_slice %arg4[%add3A, %dma_wait3A] : memref<32x17584xi32, #tpu.memory_space<hbm>> -> memref<1x17584xi32, #tpu.memory_space<hbm>>
    %dma_wait3A_7 = tpu.memref_squeeze %dma_wait3A_6 : memref<1x17584xi32, #tpu.memory_space<hbm>> -> memref<17584xi32, #tpu.memory_space<hbm>>
    %dma_wait3A_8 = arith.constant 0 : i32
    %dma_wait3A_9 = tpu.memref_slice %arg4[%add3A, %dma_wait3A_8] : memref<32x17584xi32, #tpu.memory_space<hbm>> -> memref<1x17584xi32, #tpu.memory_space<hbm>>
    %dma_wait3A_10 = tpu.memref_squeeze %dma_wait3A_9 : memref<1x17584xi32, #tpu.memory_space<hbm>> -> memref<17584xi32, #tpu.memory_space<hbm>>
    tpu.wait_dma2 semaphore(%arg12 : memref<!tpu.dma_semaphore, #tpu.memory_space<semaphore_mem>>) src(%dma_wait3A_10 : memref<17584xi32, #tpu.memory_space<hbm>>) dst(%arg8 : memref<17584xi32, #tpu.memory_space<vmem>>)
    %dma_start3A_11 = arith.constant 0 : i32
    %dma_start3A_12 = tpu.memref_slice %arg2[%add3A, %dma_start3A_11] : memref<32x512xi32, #tpu.memory_space<hbm>> -> memref<1x512xi32, #tpu.memory_space<hbm>>
    %dma_start3A_13 = tpu.memref_squeeze %dma_start3A_12 : memref<1x512xi32, #tpu.memory_space<hbm>> -> memref<512xi32, #tpu.memory_space<hbm>>
    %dma_start3A_14 = arith.constant 0 : i32
    %dma_start3A_15 = tpu.memref_slice %arg2[%add3A, %dma_start3A_14] : memref<32x512xi32, #tpu.memory_space<hbm>> -> memref<1x512xi32, #tpu.memory_space<hbm>>
    %dma_start3A_16 = tpu.memref_squeeze %dma_start3A_15 : memref<1x512xi32, #tpu.memory_space<hbm>> -> memref<512xi32, #tpu.memory_space<hbm>>
    tpu.enqueue_dma source(%dma_start3A_16 : memref<512xi32, #tpu.memory_space<hbm>>) target(%arg9 : memref<512xi32, #tpu.memory_space<vmem>>) target_semaphore(%arg12 : memref<!tpu.dma_semaphore, #tpu.memory_space<semaphore_mem>>)
    %dma_wait3A_17 = arith.constant 0 : i32
    %dma_wait3A_18 = tpu.memref_slice %arg2[%add3A, %dma_wait3A_17] : memref<32x512xi32, #tpu.memory_space<hbm>> -> memref<1x512xi32, #tpu.memory_space<hbm>>
    %dma_wait3A_19 = tpu.memref_squeeze %dma_wait3A_18 : memref<1x512xi32, #tpu.memory_space<hbm>> -> memref<512xi32, #tpu.memory_space<hbm>>
    %dma_wait3A_20 = arith.constant 0 : i32
    %dma_wait3A_21 = tpu.memref_slice %arg2[%add3A, %dma_wait3A_20] : memref<32x512xi32, #tpu.memory_space<hbm>> -> memref<1x512xi32, #tpu.memory_space<hbm>>
    %dma_wait3A_22 = tpu.memref_squeeze %dma_wait3A_21 : memref<1x512xi32, #tpu.memory_space<hbm>> -> memref<512xi32, #tpu.memory_space<hbm>>
    tpu.wait_dma2 semaphore(%arg12 : memref<!tpu.dma_semaphore, #tpu.memory_space<semaphore_mem>>) src(%dma_wait3A_22 : memref<512xi32, #tpu.memory_space<hbm>>) dst(%arg9 : memref<512xi32, #tpu.memory_space<vmem>>)
    %dma_start3A_23 = arith.constant 0 : i32
    %dma_start3A_24 = tpu.memref_slice %arg3[%add3A, %dma_start3A_23] : memref<32x512xi32, #tpu.memory_space<hbm>> -> memref<1x512xi32, #tpu.memory_space<hbm>>
    %dma_start3A_25 = tpu.memref_squeeze %dma_start3A_24 : memref<1x512xi32, #tpu.memory_space<hbm>> -> memref<512xi32, #tpu.memory_space<hbm>>
    %dma_start3A_26 = arith.constant 0 : i32
    %dma_start3A_27 = tpu.memref_slice %arg3[%add3A, %dma_start3A_26] : memref<32x512xi32, #tpu.memory_space<hbm>> -> memref<1x512xi32, #tpu.memory_space<hbm>>
    %dma_start3A_28 = tpu.memref_squeeze %dma_start3A_27 : memref<1x512xi32, #tpu.memory_space<hbm>> -> memref<512xi32, #tpu.memory_space<hbm>>
    tpu.enqueue_dma source(%dma_start3A_28 : memref<512xi32, #tpu.memory_space<hbm>>) target(%arg10 : memref<512xi32, #tpu.memory_space<vmem>>) target_semaphore(%arg12 : memref<!tpu.dma_semaphore, #tpu.memory_space<semaphore_mem>>)
    %dma_wait3A_29 = arith.constant 0 : i32
    %dma_wait3A_30 = tpu.memref_slice %arg3[%add3A, %dma_wait3A_29] : memref<32x512xi32, #tpu.memory_space<hbm>> -> memref<1x512xi32, #tpu.memory_space<hbm>>
    %dma_wait3A_31 = tpu.memref_squeeze %dma_wait3A_30 : memref<1x512xi32, #tpu.memory_space<hbm>> -> memref<512xi32, #tpu.memory_space<hbm>>
    %dma_wait3A_32 = arith.constant 0 : i32
    %dma_wait3A_33 = tpu.memref_slice %arg3[%add3A, %dma_wait3A_32] : memref<32x512xi32, #tpu.memory_space<hbm>> -> memref<1x512xi32, #tpu.memory_space<hbm>>
    %dma_wait3A_34 = tpu.memref_squeeze %dma_wait3A_33 : memref<1x512xi32, #tpu.memory_space<hbm>> -> memref<512xi32, #tpu.memory_space<hbm>>
    tpu.wait_dma2 semaphore(%arg12 : memref<!tpu.dma_semaphore, #tpu.memory_space<semaphore_mem>>) src(%dma_wait3A_34 : memref<512xi32, #tpu.memory_space<hbm>>) dst(%arg10 : memref<512xi32, #tpu.memory_space<vmem>>)
    %scan3A = arith.constant 0 : i32
    %scan3A_35 = arith.constant 0 : i32
    %scan3A_36 = arith.constant 32 : i32
    %scan3A_37 = arith.addi %scan3A_35, %scan3A_36 : i32
    %scan3A_38 = arith.constant 1 : i32
    %scan3A_39 = scf.for %scan3A_49 = %scan3A_35 to %scan3A_37 step %scan3A_38 iter_args(%scan3A_50 = %scan3A) -> (i32)  : i32 {
      %mul3A_51 = arith.constant 16 : i32
      %mul3A_52 = arith.muli %scan3A_49, %mul3A_51 : i32
      %get3A = arith.index_cast %mul3A_52 : i32 to index
      %get3A_53 = tpu.vector_load %arg9[%get3A] {strides = array<i32>} : memref<512xi32, #tpu.memory_space<vmem>>, vector<16xi32>,
      %ne3A = arith.constant -1 : i32
      %ne3A_54 = vector.broadcast %ne3A : i32 to vector<16xi32>
      %ne3A_55 = arith.cmpi ne, %get3A_53, %ne3A_54 : vector<16xi32>
      %shift_right_logical3A = arith.constant 11 : i32
      %shift_right_logical3A_56 = vector.broadcast %shift_right_logical3A : i32 to vector<16xi32>
      %shift_right_logical3A_57 = arith.shrui %get3A_53, %shift_right_logical3A_56 : vector<16xi32>
      %jit3A = arith.constant 0 : i32
      %broadcast_in_dim3A = vector.broadcast %jit3A : i32 to vector<16xi32>
      %select_n3A = arith.select %ne3A_55, %shift_right_logical3A_57, %broadcast_in_dim3A : vector<16xi1>, vector<16xi32>
      %unique3A, %unique3A_58 = tpu.scan_count mask(%ne3A_55 : vector<16xi1>) value(%select_n3A : vector<16xi32>) : vector<16xi1>, vector<16xi32>
      %gather3A = tpu.vector_load_idx %arg8[%select_n3A] masked %ne3A_55 : memref<17584xi32, #tpu.memory_space<vmem>>[vector<16xi32>], vector<16xi32>, vector<16xi1>
      %add3A_59 = arith.addi %gather3A, %unique3A_58 : vector<16xi32>
      %sub3A = arith.constant 1 : i32
      %sub3A_60 = vector.broadcast %sub3A : i32 to vector<16xi32>
      %sub3A_61 = arith.subi %add3A_59, %sub3A_60 : vector<16xi32>
      %add3A_62 = arith.addi %gather3A, %unique3A_58 : vector<16xi32>
      %and3A = arith.andi %ne3A_55, %unique3A : vector<16xi1>
      tpu.vector_store_idx %arg8[%select_n3A], %add3A_62 masked %and3A : memref<17584xi32, #tpu.memory_space<vmem>>[vector<16xi32>], vector<16xi32>, vector<16xi1>
      %jit3A_63 = arith.constant 9232 : i32
      %broadcast_in_dim3A_64 = vector.broadcast %jit3A_63 : i32 to vector<16xi32>
      %select_n3A_65 = arith.select %ne3A_55, %sub3A_61, %broadcast_in_dim3A_64 : vector<16xi1>, vector<16xi32>
      %swap3A = arith.index_cast %mul3A_52 : i32 to index
      %swap3A_66 = tpu.vector_load %arg11[%swap3A] {strides = array<i32>} : memref<512xi32, #tpu.memory_space<vmem>>, vector<16xi32>,
      tpu.vector_store %arg11[%swap3A], %select_n3A_65 {strides = array<i32>} : memref<512xi32, #tpu.memory_space<vmem>>, vector<16xi32>,
      %scan3A_67 = arith.constant 0 : i32
      scf.yield %scan3A_67 : i32
    }
    %scan3A_40 = arith.constant 32 : i32
    %dma_start3A_41 = arith.constant 0 : i32
    %dma_start3A_42 = tpu.memref_slice %arg6[%dma_start3A_41] : memref<9248xi32, #tpu.memory_space<hbm>> -> memref<9248xi32, #tpu.memory_space<hbm>>
    tpu.enqueue_indirect_dma source(%arg9 : memref<512xi32, #tpu.memory_space<vmem>>) target(%dma_start3A_42 : memref<9248xi32, #tpu.memory_space<hbm>>) offsets(%arg11 : memref<512xi32, #tpu.memory_space<vmem>>) semaphore(%arg12 : memref<!tpu.dma_semaphore, #tpu.memory_space<semaphore_mem>>)
    %dma_start3A_43 = arith.constant 0 : i32
    %dma_start3A_44 = tpu.memref_slice %arg7[%dma_start3A_43] : memref<9248xi32, #tpu.memory_space<hbm>> -> memref<9248xi32, #tpu.memory_space<hbm>>
    tpu.enqueue_indirect_dma source(%arg10 : memref<512xi32, #tpu.memory_space<vmem>>) target(%dma_start3A_44 : memref<9248xi32, #tpu.memory_space<hbm>>) offsets(%arg11 : memref<512xi32, #tpu.memory_space<vmem>>) semaphore(%arg13 : memref<!tpu.dma_semaphore, #tpu.memory_space<semaphore_mem>>)
    %dma_wait3A_45 = arith.constant 0 : i32
    %dma_wait3A_46 = tpu.memref_slice %arg6[%dma_wait3A_45] : memref<9248xi32, #tpu.memory_space<hbm>> -> memref<9248xi32, #tpu.memory_space<hbm>>
    tpu.wait_indirect_dma semaphore(%arg12 : memref<!tpu.dma_semaphore, #tpu.memory_space<semaphore_mem>>) src(%arg9 : memref<512xi32, #tpu.memory_space<vmem>>) dst(%dma_wait3A_46 : memref<9248xi32, #tpu.memory_space<hbm>>)
    %dma_wait3A_47 = arith.constant 0 : i32
    %dma_wait3A_48 = tpu.memref_slice %arg7[%dma_wait3A_47] : memref<9248xi32, #tpu.memory_space<hbm>> -> memref<9248xi32, #tpu.memory_space<hbm>>
    tpu.wait_indirect_dma semaphore(%arg13 : memref<!tpu.dma_semaphore, #tpu.memory_space<semaphore_mem>>) src(%arg10 : memref<512xi32, #tpu.memory_space<vmem>>) dst(%dma_wait3A_48 : memref<9248xi32, #tpu.memory_space<hbm>>)
    return
  }
}

#map = affine_map<(d0, d1) -> (0)>
module attributes {stable_mosaic.version = 14 : i64} {
  func.func @_sc4(%arg0: i32, %arg1: i32, %arg2: memref<9248xi32, #tpu.memory_space<hbm>>, %arg3: memref<9248xi32, #tpu.memory_space<hbm>>, %arg4: memref<32776xi32, #tpu.memory_space<hbm>>, %arg5: memref<17592xi32, #tpu.memory_space<hbm>>, %arg6: memref<1048576xi32, #tpu.memory_space<hbm>>, %arg7: memref<1048576xi32, #tpu.memory_space<hbm>>, %arg8: memref<16xi32, #tpu.memory_space<hbm>>, %arg9: memref<24576xi32, #tpu.memory_space<hbm>>, %arg10: memref<304xi32, #tpu.memory_space<vmem>>, %arg11: memref<304xi32, #tpu.memory_space<vmem>>, %arg12: memref<32776xi32, #tpu.memory_space<vmem>>, %arg13: memref<17592xi32, #tpu.memory_space<vmem>>, %arg14: memref<16xi32, #tpu.memory_space<vmem>>, %arg15: memref<272xi32, #tpu.memory_space<vmem>>, %arg16: memref<272xi32, #tpu.memory_space<vmem>>, %arg17: memref<272xi32, #tpu.memory_space<vmem>>, %arg18: memref<16384xi32, #tpu.memory_space<vmem>>, %arg19: memref<16384xi32, #tpu.memory_space<vmem>>, %arg20: memref<16384xi32, #tpu.memory_space<vmem>>, %arg21: memref<80xi32, #tpu.memory_space<vmem>>, %arg22: memref<256xi32, #tpu.memory_space<vmem>>, %arg23: memref<!tpu.dma_semaphore, #tpu.memory_space<semaphore_mem>>, %arg24: memref<!tpu.dma_semaphore, #tpu.memory_space<semaphore_mem>>) attributes {dimension_semantics = [#tpu.dimension_semantics<core_parallel>, #tpu.dimension_semantics<subcore_parallel>], iteration_bounds = array<i64: 2, 16>, scalar_prefetch = 0 : i64, scratch_operands = 15 : i64, tpu.core_type = #tpu.core_type<sc_vector_subcore>, window_params = [{transform_indices = #map}, {transform_indices = #map}, {transform_indices = #map}, {transform_indices = #map}, {transform_indices = #map}, {transform_indices = #map}, {transform_indices = #map}, {transform_indices = #map}]} {
    %mul3A = arith.constant 2 : i32
    %mul3A_0 = arith.muli %arg1, %mul3A : i32
    %add3A = arith.addi %mul3A_0, %arg0 : i32
    %mul3A_1 = arith.constant 256 : i32
    %mul3A_2 = arith.muli %add3A, %mul3A_1 : i32
    %iota3A = tpu.iota {dimensions = array<i32: 0>} : vector<16xi32>
    tpu.enqueue_dma source(%arg8 : memref<16xi32, #tpu.memory_space<hbm>>) target(%arg14 : memref<16xi32, #tpu.memory_space<vmem>>) target_semaphore(%arg23 : memref<!tpu.dma_semaphore, #tpu.memory_space<semaphore_mem>>)
    tpu.wait_dma2 semaphore(%arg23 : memref<!tpu.dma_semaphore, #tpu.memory_space<semaphore_mem>>) src(%arg8 : memref<16xi32, #tpu.memory_space<hbm>>) dst(%arg14 : memref<16xi32, #tpu.memory_space<vmem>>)
    %get3A = arith.constant 0 : index
    %get3A_3 = tpu.vector_load %arg14[%get3A] {strides = array<i32>} : memref<16xi32, #tpu.memory_space<vmem>>, vector<16xi32>,
    %slice3A = vector.extract_strided_slice %get3A_3 {offsets = [0], sizes = [1], strides = [1]} : vector<16xi32> to vector<1xi32>
    %squeeze3A = vector.extract %slice3A[0] : i32 from vector<1xi32>
    %dma_start3A = arith.constant 0 : i32
    %dma_start3A_4 = tpu.memref_slice %arg10[%dma_start3A] : memref<304xi32, #tpu.memory_space<vmem>> -> memref<288xi32, #tpu.memory_space<vmem>>
    %dma_start3A_5 = tpu.memref_slice %arg2[%mul3A_2] : memref<9248xi32, #tpu.memory_space<hbm>> -> memref<288xi32, #tpu.memory_space<hbm>>
    %dma_start3A_6 = arith.constant 0 : i32
    %dma_start3A_7 = tpu.memref_slice %arg10[%dma_start3A_6] : memref<304xi32, #tpu.memory_space<vmem>> -> memref<288xi32, #tpu.memory_space<vmem>>
    %dma_start3A_8 = tpu.memref_slice %arg2[%mul3A_2] : memref<9248xi32, #tpu.memory_space<hbm>> -> memref<288xi32, #tpu.memory_space<hbm>>
    tpu.enqueue_dma source(%dma_start3A_8 : memref<288xi32, #tpu.memory_space<hbm>>) target(%dma_start3A_7 : memref<288xi32, #tpu.memory_space<vmem>>) target_semaphore(%arg23 : memref<!tpu.dma_semaphore, #tpu.memory_space<semaphore_mem>>)
    %dma_wait3A = arith.constant 0 : i32
    %dma_wait3A_9 = tpu.memref_slice %arg10[%dma_wait3A] : memref<304xi32, #tpu.memory_space<vmem>> -> memref<288xi32, #tpu.memory_space<vmem>>
    %dma_wait3A_10 = tpu.memref_slice %arg2[%mul3A_2] : memref<9248xi32, #tpu.memory_space<hbm>> -> memref<288xi32, #tpu.memory_space<hbm>>
    %dma_wait3A_11 = arith.constant 0 : i32
    %dma_wait3A_12 = tpu.memref_slice %arg10[%dma_wait3A_11] : memref<304xi32, #tpu.memory_space<vmem>> -> memref<288xi32, #tpu.memory_space<vmem>>
    %dma_wait3A_13 = tpu.memref_slice %arg2[%mul3A_2] : memref<9248xi32, #tpu.memory_space<hbm>> -> memref<288xi32, #tpu.memory_space<hbm>>
    tpu.wait_dma2 semaphore(%arg23 : memref<!tpu.dma_semaphore, #tpu.memory_space<semaphore_mem>>) src(%dma_wait3A_13 : memref<288xi32, #tpu.memory_space<hbm>>) dst(%dma_wait3A_12 : memref<288xi32, #tpu.memory_space<vmem>>)
    %dma_start3A_14 = arith.constant 0 : i32
    %dma_start3A_15 = tpu.memref_slice %arg11[%dma_start3A_14] : memref<304xi32, #tpu.memory_space<vmem>> -> memref<288xi32, #tpu.memory_space<vmem>>
    %dma_start3A_16 = tpu.memref_slice %arg3[%mul3A_2] : memref<9248xi32, #tpu.memory_space<hbm>> -> memref<288xi32, #tpu.memory_space<hbm>>
    %dma_start3A_17 = arith.constant 0 : i32
    %dma_start3A_18 = tpu.memref_slice %arg11[%dma_start3A_17] : memref<304xi32, #tpu.memory_space<vmem>> -> memref<288xi32, #tpu.memory_space<vmem>>
    %dma_start3A_19 = tpu.memref_slice %arg3[%mul3A_2] : memref<9248xi32, #tpu.memory_space<hbm>> -> memref<288xi32, #tpu.memory_space<hbm>>
    tpu.enqueue_dma source(%dma_start3A_19 : memref<288xi32, #tpu.memory_space<hbm>>) target(%dma_start3A_18 : memref<288xi32, #tpu.memory_space<vmem>>) target_semaphore(%arg23 : memref<!tpu.dma_semaphore, #tpu.memory_space<semaphore_mem>>)
    %dma_wait3A_20 = arith.constant 0 : i32
    %dma_wait3A_21 = tpu.memref_slice %arg11[%dma_wait3A_20] : memref<304xi32, #tpu.memory_space<vmem>> -> memref<288xi32, #tpu.memory_space<vmem>>
    %dma_wait3A_22 = tpu.memref_slice %arg3[%mul3A_2] : memref<9248xi32, #tpu.memory_space<hbm>> -> memref<288xi32, #tpu.memory_space<hbm>>
    %dma_wait3A_23 = arith.constant 0 : i32
    %dma_wait3A_24 = tpu.memref_slice %arg11[%dma_wait3A_23] : memref<304xi32, #tpu.memory_space<vmem>> -> memref<288xi32, #tpu.memory_space<vmem>>
    %dma_wait3A_25 = tpu.memref_slice %arg3[%mul3A_2] : memref<9248xi32, #tpu.memory_space<hbm>> -> memref<288xi32, #tpu.memory_space<hbm>>
    tpu.wait_dma2 semaphore(%arg23 : memref<!tpu.dma_semaphore, #tpu.memory_space<semaphore_mem>>) src(%dma_wait3A_25 : memref<288xi32, #tpu.memory_space<hbm>>) dst(%dma_wait3A_24 : memref<288xi32, #tpu.memory_space<vmem>>)
    %broadcast_in_dim3A = arith.constant 2147483647 : i32
    %broadcast_in_dim3A_26 = vector.broadcast %broadcast_in_dim3A : i32 to vector<16xi32>
    %swap3A = arith.constant 288 : index
    %swap3A_27 = tpu.vector_load %arg10[%swap3A] {strides = array<i32>} : memref<304xi32, #tpu.memory_space<vmem>>, vector<16xi32>,
    tpu.vector_store %arg10[%swap3A], %broadcast_in_dim3A_26 {strides = array<i32>} : memref<304xi32, #tpu.memory_space<vmem>>, vector<16xi32>,
    %broadcast_in_dim3A_28 = arith.constant 0 : i32
    %broadcast_in_dim3A_29 = vector.broadcast %broadcast_in_dim3A_28 : i32 to vector<16xi32>
    %swap3A_30 = arith.constant 288 : index
    %swap3A_31 = tpu.vector_load %arg11[%swap3A_30] {strides = array<i32>} : memref<304xi32, #tpu.memory_space<vmem>>, vector<16xi32>,
    tpu.vector_store %arg11[%swap3A_30], %broadcast_in_dim3A_29 {strides = array<i32>} : memref<304xi32, #tpu.memory_space<vmem>>, vector<16xi32>,
    tpu.enqueue_dma source(%arg4 : memref<32776xi32, #tpu.memory_space<hbm>>) target(%arg12 : memref<32776xi32, #tpu.memory_space<vmem>>) target_semaphore(%arg24 : memref<!tpu.dma_semaphore, #tpu.memory_space<semaphore_mem>>)
    tpu.enqueue_dma source(%arg5 : memref<17592xi32, #tpu.memory_space<hbm>>) target(%arg13 : memref<17592xi32, #tpu.memory_space<vmem>>) target_semaphore(%arg23 : memref<!tpu.dma_semaphore, #tpu.memory_space<semaphore_mem>>)
    tpu.wait_dma2 semaphore(%arg23 : memref<!tpu.dma_semaphore, #tpu.memory_space<semaphore_mem>>) src(%arg5 : memref<17592xi32, #tpu.memory_space<hbm>>) dst(%arg13 : memref<17592xi32, #tpu.memory_space<vmem>>)
    tpu.wait_dma2 semaphore(%arg24 : memref<!tpu.dma_semaphore, #tpu.memory_space<semaphore_mem>>) src(%arg4 : memref<32776xi32, #tpu.memory_space<hbm>>) dst(%arg12 : memref<32776xi32, #tpu.memory_space<vmem>>)
    %scan3A = arith.constant 0 : i32
    %scan3A_32 = arith.constant 0 : i32
    %scan3A_33 = arith.constant 16 : i32
    %scan3A_34 = arith.addi %scan3A_32, %scan3A_33 : i32
    %scan3A_35 = arith.constant 1 : i32
    %scan3A_36 = scf.for %scan3A_92 = %scan3A_32 to %scan3A_34 step %scan3A_35 iter_args(%scan3A_93 = %scan3A) -> (i32)  : i32 {
      %mul3A_94 = arith.constant 16 : i32
      %mul3A_95 = arith.muli %scan3A_92, %mul3A_94 : i32
      %add3A_96 = arith.addi %mul3A_2, %mul3A_95 : i32
      %add3A_97 = vector.broadcast %add3A_96 : i32 to vector<16xi32>
      %add3A_98 = arith.addi %add3A_97, %iota3A : vector<16xi32>
      %broadcast_in_dim3A_99 = arith.constant 0 : i32
      %broadcast_in_dim3A_100 = vector.broadcast %broadcast_in_dim3A_99 : i32 to vector<16xi32>
      %broadcast_in_dim3A_101 = arith.constant 17584 : i32
      %broadcast_in_dim3A_102 = vector.broadcast %broadcast_in_dim3A_101 : i32 to vector<16xi32>
      %scan3A_103 = arith.constant 0 : i32
      %scan3A_104 = arith.constant 15 : i32
      %scan3A_105 = arith.addi %scan3A_103, %scan3A_104 : i32
      %scan3A_106 = arith.constant 1 : i32
      %scan3A_107:2 = scf.for %scan3A_910 = %scan3A_103 to %scan3A_105 step %scan3A_106 iter_args(%scan3A_911 = %broadcast_in_dim3A_100, %scan3A_912 = %broadcast_in_dim3A_102) -> (vector<16xi32>, vector<16xi32>)  : i32 {
        %add3A_913 = arith.addi %scan3A_911, %scan3A_912 : vector<16xi32>
        %shift_right_arithmetic3A = arith.constant 1 : i32
        %shift_right_arithmetic3A_914 = vector.broadcast %shift_right_arithmetic3A : i32 to vector<16xi32>
        %shift_right_arithmetic3A_915 = arith.shrsi %add3A_913, %shift_right_arithmetic3A_914 : vector<16xi32>
        %gather3A_916 = tpu.vector_load_idx %arg13[%shift_right_arithmetic3A_915] : memref<17592xi32, #tpu.memory_space<vmem>>[vector<16xi32>], vector<16xi32>,
        %le3A = arith.cmpi sle, %gather3A_916, %add3A_98 : vector<16xi32>
        %select_n3A_917 = arith.select %le3A, %shift_right_arithmetic3A_915, %scan3A_911 : vector<16xi1>, vector<16xi32>
        %select_n3A_918 = arith.select %le3A, %scan3A_912, %shift_right_arithmetic3A_915 : vector<16xi1>, vector<16xi32>
        scf.yield %select_n3A_917, %select_n3A_918 : vector<16xi32>, vector<16xi32>
      }
      %scan3A_108 = arith.constant 15 : i32
      %gather3A = tpu.vector_load_idx %arg13[%scan3A_107#0] : memref<17592xi32, #tpu.memory_space<vmem>>[vector<16xi32>], vector<16xi32>,
      %add3A_109 = arith.constant 1 : i32
      %add3A_110 = vector.broadcast %add3A_109 : i32 to vector<16xi32>
      %add3A_111 = arith.addi %scan3A_107#0, %add3A_110 : vector<16xi32>
      %gather3A_112 = tpu.vector_load_idx %arg13[%add3A_111] : memref<17592xi32, #tpu.memory_space<vmem>>[vector<16xi32>], vector<16xi32>,
      %sub3A = arith.subi %gather3A_112, %gather3A : vector<16xi32>
      %jit3A = arith.constant 1 : i32
      %jit3A_113 = arith.constant 8 : i32
      %max3A = vector.broadcast %jit3A : i32 to vector<16xi32>
      %max3A_114 = arith.maxsi %max3A, %sub3A : vector<16xi32>
      %min3A = vector.broadcast %jit3A_113 : i32 to vector<16xi32>
      %min3A_115 = arith.minsi %min3A, %max3A_114 : vector<16xi32>
      %sub3A_116 = arith.subi %add3A_98, %gather3A : vector<16xi32>
      %jit3A_117 = arith.constant 0 : i32
      %jit3A_118 = arith.constant 7 : i32
      %max3A_119 = vector.broadcast %jit3A_117 : i32 to vector<16xi32>
      %max3A_120 = arith.maxsi %max3A_119, %sub3A_116 : vector<16xi32>
      %min3A_121 = vector.broadcast %jit3A_118 : i32 to vector<16xi32>
      %min3A_122 = arith.minsi %min3A_121, %max3A_120 : vector<16xi32>
      %add3A_123 = arith.constant 16 : i32
      %add3A_124 = vector.broadcast %add3A_123 : i32 to vector<16xi32>
      %add3A_125 = arith.addi %gather3A, %add3A_124 : vector<16xi32>
      %sub3A_126 = vector.broadcast %mul3A_2 : i32 to vector<16xi32>
      %sub3A_127 = arith.subi %add3A_125, %sub3A_126 : vector<16xi32>
      %add3A_128 = arith.constant 0 : i32
      %add3A_129 = vector.broadcast %add3A_128 : i32 to vector<16xi32>
      %add3A_130 = arith.addi %sub3A_127, %add3A_129 : vector<16xi32>
      %jit3A_131 = arith.constant 0 : i32
      %jit3A_132 = arith.constant 303 : i32
      %max3A_133 = vector.broadcast %jit3A_131 : i32 to vector<16xi32>
      %max3A_134 = arith.maxsi %max3A_133, %add3A_130 : vector<16xi32>
      %min3A_135 = vector.broadcast %jit3A_132 : i32 to vector<16xi32>
      %min3A_136 = arith.minsi %min3A_135, %max3A_134 : vector<16xi32>
      %gather3A_137 = tpu.vector_load_idx %arg10[%min3A_136] : memref<304xi32, #tpu.memory_space<vmem>>[vector<16xi32>], vector<16xi32>,
      %gather3A_138 = tpu.vector_load_idx %arg11[%min3A_136] : memref<304xi32, #tpu.memory_space<vmem>>[vector<16xi32>], vector<16xi32>,
      %and3A = arith.constant 2047 : i32
      %and3A_139 = vector.broadcast %and3A : i32 to vector<16xi32>
      %and3A_140 = arith.andi %gather3A_137, %and3A_139 : vector<16xi32>
      %shift_left3A = arith.constant 20 : i32
      %shift_left3A_141 = vector.broadcast %shift_left3A : i32 to vector<16xi32>
      %shift_left3A_142 = arith.shli %and3A_140, %shift_left3A_141 : vector<16xi32>
      %or3A = arith.ori %shift_left3A_142, %gather3A_138 : vector<16xi32>
      %gt3A = arith.constant 0 : i32
      %gt3A_143 = vector.broadcast %gt3A : i32 to vector<16xi32>
      %gt3A_144 = arith.cmpi sgt, %min3A_115, %gt3A_143 : vector<16xi32>
      %jit3A_145 = arith.constant 2147483647 : i32
      %broadcast_in_dim3A_146 = vector.broadcast %jit3A_145 : i32 to vector<16xi32>
      %select_n3A = arith.select %gt3A_144, %or3A, %broadcast_in_dim3A_146 : vector<16xi1>, vector<16xi32>
      %add3A_147 = arith.constant 16 : i32
      %add3A_148 = vector.broadcast %add3A_147 : i32 to vector<16xi32>
      %add3A_149 = arith.addi %gather3A, %add3A_148 : vector<16xi32>
      %sub3A_150 = vector.broadcast %mul3A_2 : i32 to vector<16xi32>
      %sub3A_151 = arith.subi %add3A_149, %sub3A_150 : vector<16xi32>
      %add3A_152 = arith.constant 1 : i32
      %add3A_153 = vector.broadcast %add3A_152 : i32 to vector<16xi32>
      %add3A_154 = arith.addi %sub3A_151, %add3A_153 : vector<16xi32>
      %jit3A_155 = arith.constant 0 : i32
      %jit3A_156 = arith.constant 303 : i32
      %max3A_157 = vector.broadcast %jit3A_155 : i32 to vector<16xi32>
      %max3A_158 = arith.maxsi %max3A_157, %add3A_154 : vector<16xi32>
      %min3A_159 = vector.broadcast %jit3A_156 : i32 to vector<16xi32>
      %min3A_160 = arith.minsi %min3A_159, %max3A_158 : vector<16xi32>
      %gather3A_161 = tpu.vector_load_idx %arg10[%min3A_160] : memref<304xi32, #tpu.memory_space<vmem>>[vector<16xi32>], vector<16xi32>,
      %gather3A_162 = tpu.vector_load_idx %arg11[%min3A_160] : memref<304xi32, #tpu.memory_space<vmem>>[vector<16xi32>], vector<16xi32>,
      %and3A_163 = arith.constant 2047 : i32
      %and3A_164 = vector.broadcast %and3A_163 : i32 to vector<16xi32>
      %and3A_165 = arith.andi %gather3A_161, %and3A_164 : vector<16xi32>
      %shift_left3A_166 = arith.constant 20 : i32
      %shift_left3A_167 = vector.broadcast %shift_left3A_166 : i32 to vector<16xi32>
      %shift_left3A_168 = arith.shli %and3A_165, %shift_left3A_167 : vector<16xi32>
      %or3A_169 = arith.ori %shift_left3A_168, %gather3A_162 : vector<16xi32>
      %gt3A_170 = arith.constant 1 : i32
      %gt3A_171 = vector.broadcast %gt3A_170 : i32 to vector<16xi32>
      %gt3A_172 = arith.cmpi sgt, %min3A_115, %gt3A_171 : vector<16xi32>
      %jit3A_173 = arith.constant 2147483647 : i32
      %broadcast_in_dim3A_174 = vector.broadcast %jit3A_173 : i32 to vector<16xi32>
      %select_n3A_175 = arith.select %gt3A_172, %or3A_169, %broadcast_in_dim3A_174 : vector<16xi1>, vector<16xi32>
      %add3A_176 = arith.constant 16 : i32
      %add3A_177 = vector.broadcast %add3A_176 : i32 to vector<16xi32>
      %add3A_178 = arith.addi %gather3A, %add3A_177 : vector<16xi32>
      %sub3A_179 = vector.broadcast %mul3A_2 : i32 to vector<16xi32>
      %sub3A_180 = arith.subi %add3A_178, %sub3A_179 : vector<16xi32>
      %add3A_181 = arith.constant 2 : i32
      %add3A_182 = vector.broadcast %add3A_181 : i32 to vector<16xi32>
      %add3A_183 = arith.addi %sub3A_180, %add3A_182 : vector<16xi32>
      %jit3A_184 = arith.constant 0 : i32
      %jit3A_185 = arith.constant 303 : i32
      %max3A_186 = vector.broadcast %jit3A_184 : i32 to vector<16xi32>
      %max3A_187 = arith.maxsi %max3A_186, %add3A_183 : vector<16xi32>
      %min3A_188 = vector.broadcast %jit3A_185 : i32 to vector<16xi32>
      %min3A_189 = arith.minsi %min3A_188, %max3A_187 : vector<16xi32>
      %gather3A_190 = tpu.vector_load_idx %arg10[%min3A_189] : memref<304xi32, #tpu.memory_space<vmem>>[vector<16xi32>], vector<16xi32>,
      %gather3A_191 = tpu.vector_load_idx %arg11[%min3A_189] : memref<304xi32, #tpu.memory_space<vmem>>[vector<16xi32>], vector<16xi32>,
      %and3A_192 = arith.constant 2047 : i32
      %and3A_193 = vector.broadcast %and3A_192 : i32 to vector<16xi32>
      %and3A_194 = arith.andi %gather3A_190, %and3A_193 : vector<16xi32>
      %shift_left3A_195 = arith.constant 20 : i32
      %shift_left3A_196 = vector.broadcast %shift_left3A_195 : i32 to vector<16xi32>
      %shift_left3A_197 = arith.shli %and3A_194, %shift_left3A_196 : vector<16xi32>
      %or3A_198 = arith.ori %shift_left3A_197, %gather3A_191 : vector<16xi32>
      %gt3A_199 = arith.constant 2 : i32
      %gt3A_200 = vector.broadcast %gt3A_199 : i32 to vector<16xi32>
      %gt3A_201 = arith.cmpi sgt, %min3A_115, %gt3A_200 : vector<16xi32>
      %jit3A_202 = arith.constant 2147483647 : i32
      %broadcast_in_dim3A_203 = vector.broadcast %jit3A_202 : i32 to vector<16xi32>
      %select_n3A_204 = arith.select %gt3A_201, %or3A_198, %broadcast_in_dim3A_203 : vector<16xi1>, vector<16xi32>
      %add3A_205 = arith.constant 16 : i32
      %add3A_206 = vector.broadcast %add3A_205 : i32 to vector<16xi32>
      %add3A_207 = arith.addi %gather3A, %add3A_206 : vector<16xi32>
      %sub3A_208 = vector.broadcast %mul3A_2 : i32 to vector<16xi32>
      %sub3A_209 = arith.subi %add3A_207, %sub3A_208 : vector<16xi32>
      %add3A_210 = arith.constant 3 : i32
      %add3A_211 = vector.broadcast %add3A_210 : i32 to vector<16xi32>
      %add3A_212 = arith.addi %sub3A_209, %add3A_211 : vector<16xi32>
      %jit3A_213 = arith.constant 0 : i32
      %jit3A_214 = arith.constant 303 : i32
      %max3A_215 = vector.broadcast %jit3A_213 : i32 to vector<16xi32>
      %max3A_216 = arith.maxsi %max3A_215, %add3A_212 : vector<16xi32>
      %min3A_217 = vector.broadcast %jit3A_214 : i32 to vector<16xi32>
      %min3A_218 = arith.minsi %min3A_217, %max3A_216 : vector<16xi32>
      %gather3A_219 = tpu.vector_load_idx %arg10[%min3A_218] : memref<304xi32, #tpu.memory_space<vmem>>[vector<16xi32>], vector<16xi32>,
      %gather3A_220 = tpu.vector_load_idx %arg11[%min3A_218] : memref<304xi32, #tpu.memory_space<vmem>>[vector<16xi32>], vector<16xi32>,
      %and3A_221 = arith.constant 2047 : i32
      %and3A_222 = vector.broadcast %and3A_221 : i32 to vector<16xi32>
      %and3A_223 = arith.andi %gather3A_219, %and3A_222 : vector<16xi32>
      %shift_left3A_224 = arith.constant 20 : i32
      %shift_left3A_225 = vector.broadcast %shift_left3A_224 : i32 to vector<16xi32>
      %shift_left3A_226 = arith.shli %and3A_223, %shift_left3A_225 : vector<16xi32>
      %or3A_227 = arith.ori %shift_left3A_226, %gather3A_220 : vector<16xi32>
      %gt3A_228 = arith.constant 3 : i32
      %gt3A_229 = vector.broadcast %gt3A_228 : i32 to vector<16xi32>
      %gt3A_230 = arith.cmpi sgt, %min3A_115, %gt3A_229 : vector<16xi32>
      %jit3A_231 = arith.constant 2147483647 : i32
      %broadcast_in_dim3A_232 = vector.broadcast %jit3A_231 : i32 to vector<16xi32>
      %select_n3A_233 = arith.select %gt3A_230, %or3A_227, %broadcast_in_dim3A_232 : vector<16xi1>, vector<16xi32>
      %add3A_234 = arith.constant 16 : i32
      %add3A_235 = vector.broadcast %add3A_234 : i32 to vector<16xi32>
      %add3A_236 = arith.addi %gather3A, %add3A_235 : vector<16xi32>
      %sub3A_237 = vector.broadcast %mul3A_2 : i32 to vector<16xi32>
      %sub3A_238 = arith.subi %add3A_236, %sub3A_237 : vector<16xi32>
      %add3A_239 = arith.constant 4 : i32
      %add3A_240 = vector.broadcast %add3A_239 : i32 to vector<16xi32>
      %add3A_241 = arith.addi %sub3A_238, %add3A_240 : vector<16xi32>
      %jit3A_242 = arith.constant 0 : i32
      %jit3A_243 = arith.constant 303 : i32
      %max3A_244 = vector.broadcast %jit3A_242 : i32 to vector<16xi32>
      %max3A_245 = arith.maxsi %max3A_244, %add3A_241 : vector<16xi32>
      %min3A_246 = vector.broadcast %jit3A_243 : i32 to vector<16xi32>
      %min3A_247 = arith.minsi %min3A_246, %max3A_245 : vector<16xi32>
      %gather3A_248 = tpu.vector_load_idx %arg10[%min3A_247] : memref<304xi32, #tpu.memory_space<vmem>>[vector<16xi32>], vector<16xi32>,
      %gather3A_249 = tpu.vector_load_idx %arg11[%min3A_247] : memref<304xi32, #tpu.memory_space<vmem>>[vector<16xi32>], vector<16xi32>,
      %and3A_250 = arith.constant 2047 : i32
      %and3A_251 = vector.broadcast %and3A_250 : i32 to vector<16xi32>
      %and3A_252 = arith.andi %gather3A_248, %and3A_251 : vector<16xi32>
      %shift_left3A_253 = arith.constant 20 : i32
      %shift_left3A_254 = vector.broadcast %shift_left3A_253 : i32 to vector<16xi32>
      %shift_left3A_255 = arith.shli %and3A_252, %shift_left3A_254 : vector<16xi32>
      %or3A_256 = arith.ori %shift_left3A_255, %gather3A_249 : vector<16xi32>
      %gt3A_257 = arith.constant 4 : i32
      %gt3A_258 = vector.broadcast %gt3A_257 : i32 to vector<16xi32>
      %gt3A_259 = arith.cmpi sgt, %min3A_115, %gt3A_258 : vector<16xi32>
      %jit3A_260 = arith.constant 2147483647 : i32
      %broadcast_in_dim3A_261 = vector.broadcast %jit3A_260 : i32 to vector<16xi32>
      %select_n3A_262 = arith.select %gt3A_259, %or3A_256, %broadcast_in_dim3A_261 : vector<16xi1>, vector<16xi32>
      %add3A_263 = arith.constant 16 : i32
      %add3A_264 = vector.broadcast %add3A_263 : i32 to vector<16xi32>
      %add3A_265 = arith.addi %gather3A, %add3A_264 : vector<16xi32>
      %sub3A_266 = vector.broadcast %mul3A_2 : i32 to vector<16xi32>
      %sub3A_267 = arith.subi %add3A_265, %sub3A_266 : vector<16xi32>
      %add3A_268 = arith.constant 5 : i32
      %add3A_269 = vector.broadcast %add3A_268 : i32 to vector<16xi32>
      %add3A_270 = arith.addi %sub3A_267, %add3A_269 : vector<16xi32>
      %jit3A_271 = arith.constant 0 : i32
      %jit3A_272 = arith.constant 303 : i32
      %max3A_273 = vector.broadcast %jit3A_271 : i32 to vector<16xi32>
      %max3A_274 = arith.maxsi %max3A_273, %add3A_270 : vector<16xi32>
      %min3A_275 = vector.broadcast %jit3A_272 : i32 to vector<16xi32>
      %min3A_276 = arith.minsi %min3A_275, %max3A_274 : vector<16xi32>
      %gather3A_277 = tpu.vector_load_idx %arg10[%min3A_276] : memref<304xi32, #tpu.memory_space<vmem>>[vector<16xi32>], vector<16xi32>,
      %gather3A_278 = tpu.vector_load_idx %arg11[%min3A_276] : memref<304xi32, #tpu.memory_space<vmem>>[vector<16xi32>], vector<16xi32>,
      %and3A_279 = arith.constant 2047 : i32
      %and3A_280 = vector.broadcast %and3A_279 : i32 to vector<16xi32>
      %and3A_281 = arith.andi %gather3A_277, %and3A_280 : vector<16xi32>
      %shift_left3A_282 = arith.constant 20 : i32
      %shift_left3A_283 = vector.broadcast %shift_left3A_282 : i32 to vector<16xi32>
      %shift_left3A_284 = arith.shli %and3A_281, %shift_left3A_283 : vector<16xi32>
      %or3A_285 = arith.ori %shift_left3A_284, %gather3A_278 : vector<16xi32>
      %gt3A_286 = arith.constant 5 : i32
      %gt3A_287 = vector.broadcast %gt3A_286 : i32 to vector<16xi32>
      %gt3A_288 = arith.cmpi sgt, %min3A_115, %gt3A_287 : vector<16xi32>
      %jit3A_289 = arith.constant 2147483647 : i32
      %broadcast_in_dim3A_290 = vector.broadcast %jit3A_289 : i32 to vector<16xi32>
      %select_n3A_291 = arith.select %gt3A_288, %or3A_285, %broadcast_in_dim3A_290 : vector<16xi1>, vector<16xi32>
      %add3A_292 = arith.constant 16 : i32
      %add3A_293 = vector.broadcast %add3A_292 : i32 to vector<16xi32>
      %add3A_294 = arith.addi %gather3A, %add3A_293 : vector<16xi32>
      %sub3A_295 = vector.broadcast %mul3A_2 : i32 to vector<16xi32>
      %sub3A_296 = arith.subi %add3A_294, %sub3A_295 : vector<16xi32>
      %add3A_297 = arith.constant 6 : i32
      %add3A_298 = vector.broadcast %add3A_297 : i32 to vector<16xi32>
      %add3A_299 = arith.addi %sub3A_296, %add3A_298 : vector<16xi32>
      %jit3A_300 = arith.constant 0 : i32
      %jit3A_301 = arith.constant 303 : i32
      %max3A_302 = vector.broadcast %jit3A_300 : i32 to vector<16xi32>
      %max3A_303 = arith.maxsi %max3A_302, %add3A_299 : vector<16xi32>
      %min3A_304 = vector.broadcast %jit3A_301 : i32 to vector<16xi32>
      %min3A_305 = arith.minsi %min3A_304, %max3A_303 : vector<16xi32>
      %gather3A_306 = tpu.vector_load_idx %arg10[%min3A_305] : memref<304xi32, #tpu.memory_space<vmem>>[vector<16xi32>], vector<16xi32>,
      %gather3A_307 = tpu.vector_load_idx %arg11[%min3A_305] : memref<304xi32, #tpu.memory_space<vmem>>[vector<16xi32>], vector<16xi32>,
      %and3A_308 = arith.constant 2047 : i32
      %and3A_309 = vector.broadcast %and3A_308 : i32 to vector<16xi32>
      %and3A_310 = arith.andi %gather3A_306, %and3A_309 : vector<16xi32>
      %shift_left3A_311 = arith.constant 20 : i32
      %shift_left3A_312 = vector.broadcast %shift_left3A_311 : i32 to vector<16xi32>
      %shift_left3A_313 = arith.shli %and3A_310, %shift_left3A_312 : vector<16xi32>
      %or3A_314 = arith.ori %shift_left3A_313, %gather3A_307 : vector<16xi32>
      %gt3A_315 = arith.constant 6 : i32
      %gt3A_316 = vector.broadcast %gt3A_315 : i32 to vector<16xi32>
      %gt3A_317 = arith.cmpi sgt, %min3A_115, %gt3A_316 : vector<16xi32>
      %jit3A_318 = arith.constant 2147483647 : i32
      %broadcast_in_dim3A_319 = vector.broadcast %jit3A_318 : i32 to vector<16xi32>
      %select_n3A_320 = arith.select %gt3A_317, %or3A_314, %broadcast_in_dim3A_319 : vector<16xi1>, vector<16xi32>
      %add3A_321 = arith.constant 16 : i32
      %add3A_322 = vector.broadcast %add3A_321 : i32 to vector<16xi32>
      %add3A_323 = arith.addi %gather3A, %add3A_322 : vector<16xi32>
      %sub3A_324 = vector.broadcast %mul3A_2 : i32 to vector<16xi32>
      %sub3A_325 = arith.subi %add3A_323, %sub3A_324 : vector<16xi32>
      %add3A_326 = arith.constant 7 : i32
      %add3A_327 = vector.broadcast %add3A_326 : i32 to vector<16xi32>
      %add3A_328 = arith.addi %sub3A_325, %add3A_327 : vector<16xi32>
      %jit3A_329 = arith.constant 0 : i32
      %jit3A_330 = arith.constant 303 : i32
      %max3A_331 = vector.broadcast %jit3A_329 : i32 to vector<16xi32>
      %max3A_332 = arith.maxsi %max3A_331, %add3A_328 : vector<16xi32>
      %min3A_333 = vector.broadcast %jit3A_330 : i32 to vector<16xi32>
      %min3A_334 = arith.minsi %min3A_333, %max3A_332 : vector<16xi32>
      %gather3A_335 = tpu.vector_load_idx %arg10[%min3A_334] : memref<304xi32, #tpu.memory_space<vmem>>[vector<16xi32>], vector<16xi32>,
      %gather3A_336 = tpu.vector_load_idx %arg11[%min3A_334] : memref<304xi32, #tpu.memory_space<vmem>>[vector<16xi32>], vector<16xi32>,
      %and3A_337 = arith.constant 2047 : i32
      %and3A_338 = vector.broadcast %and3A_337 : i32 to vector<16xi32>
      %and3A_339 = arith.andi %gather3A_335, %and3A_338 : vector<16xi32>
      %shift_left3A_340 = arith.constant 20 : i32
      %shift_left3A_341 = vector.broadcast %shift_left3A_340 : i32 to vector<16xi32>
      %shift_left3A_342 = arith.shli %and3A_339, %shift_left3A_341 : vector<16xi32>
      %or3A_343 = arith.ori %shift_left3A_342, %gather3A_336 : vector<16xi32>
      %gt3A_344 = arith.constant 7 : i32
      %gt3A_345 = vector.broadcast %gt3A_344 : i32 to vector<16xi32>
      %gt3A_346 = arith.cmpi sgt, %min3A_115, %gt3A_345 : vector<16xi32>
      %jit3A_347 = arith.constant 2147483647 : i32
      %broadcast_in_dim3A_348 = vector.broadcast %jit3A_347 : i32 to vector<16xi32>
      %select_n3A_349 = arith.select %gt3A_346, %or3A_343, %broadcast_in_dim3A_348 : vector<16xi1>, vector<16xi32>
      %broadcast_in_dim3A_350 = arith.constant 0 : i32
      %broadcast_in_dim3A_351 = vector.broadcast %broadcast_in_dim3A_350 : i32 to vector<16xi32>
      %broadcast_in_dim3A_352 = arith.constant 0 : i32
      %broadcast_in_dim3A_353 = vector.broadcast %broadcast_in_dim3A_352 : i32 to vector<16xi32>
      %lt3A = arith.cmpi slt, %select_n3A, %select_n3A : vector<16xi32>
      %jit3A_354 = arith.constant 1 : i32
      %jit3A_355 = arith.constant 0 : i32
      %broadcast_in_dim3A_356 = vector.broadcast %jit3A_354 : i32 to vector<16xi32>
      %broadcast_in_dim3A_357 = vector.broadcast %jit3A_355 : i32 to vector<16xi32>
      %select_n3A_358 = arith.select %lt3A, %broadcast_in_dim3A_356, %broadcast_in_dim3A_357 : vector<16xi1>, vector<16xi32>
      %add3A_359 = arith.addi %broadcast_in_dim3A_353, %select_n3A_358 : vector<16xi32>
      %lt3A_360 = arith.cmpi slt, %select_n3A_175, %select_n3A : vector<16xi32>
      %jit3A_361 = arith.constant 1 : i32
      %jit3A_362 = arith.constant 0 : i32
      %broadcast_in_dim3A_363 = vector.broadcast %jit3A_361 : i32 to vector<16xi32>
      %broadcast_in_dim3A_364 = vector.broadcast %jit3A_362 : i32 to vector<16xi32>
      %select_n3A_365 = arith.select %lt3A_360, %broadcast_in_dim3A_363, %broadcast_in_dim3A_364 : vector<16xi1>, vector<16xi32>
      %add3A_366 = arith.addi %add3A_359, %select_n3A_365 : vector<16xi32>
      %lt3A_367 = arith.cmpi slt, %select_n3A_204, %select_n3A : vector<16xi32>
      %jit3A_368 = arith.constant 1 : i32
      %jit3A_369 = arith.constant 0 : i32
      %broadcast_in_dim3A_370 = vector.broadcast %jit3A_368 : i32 to vector<16xi32>
      %broadcast_in_dim3A_371 = vector.broadcast %jit3A_369 : i32 to vector<16xi32>
      %select_n3A_372 = arith.select %lt3A_367, %broadcast_in_dim3A_370, %broadcast_in_dim3A_371 : vector<16xi1>, vector<16xi32>
      %add3A_373 = arith.addi %add3A_366, %select_n3A_372 : vector<16xi32>
      %lt3A_374 = arith.cmpi slt, %select_n3A_233, %select_n3A : vector<16xi32>
      %jit3A_375 = arith.constant 1 : i32
      %jit3A_376 = arith.constant 0 : i32
      %broadcast_in_dim3A_377 = vector.broadcast %jit3A_375 : i32 to vector<16xi32>
      %broadcast_in_dim3A_378 = vector.broadcast %jit3A_376 : i32 to vector<16xi32>
      %select_n3A_379 = arith.select %lt3A_374, %broadcast_in_dim3A_377, %broadcast_in_dim3A_378 : vector<16xi1>, vector<16xi32>
      %add3A_380 = arith.addi %add3A_373, %select_n3A_379 : vector<16xi32>
      %lt3A_381 = arith.cmpi slt, %select_n3A_262, %select_n3A : vector<16xi32>
      %jit3A_382 = arith.constant 1 : i32
      %jit3A_383 = arith.constant 0 : i32
      %broadcast_in_dim3A_384 = vector.broadcast %jit3A_382 : i32 to vector<16xi32>
      %broadcast_in_dim3A_385 = vector.broadcast %jit3A_383 : i32 to vector<16xi32>
      %select_n3A_386 = arith.select %lt3A_381, %broadcast_in_dim3A_384, %broadcast_in_dim3A_385 : vector<16xi1>, vector<16xi32>
      %add3A_387 = arith.addi %add3A_380, %select_n3A_386 : vector<16xi32>
      %lt3A_388 = arith.cmpi slt, %select_n3A_291, %select_n3A : vector<16xi32>
      %jit3A_389 = arith.constant 1 : i32
      %jit3A_390 = arith.constant 0 : i32
      %broadcast_in_dim3A_391 = vector.broadcast %jit3A_389 : i32 to vector<16xi32>
      %broadcast_in_dim3A_392 = vector.broadcast %jit3A_390 : i32 to vector<16xi32>
      %select_n3A_393 = arith.select %lt3A_388, %broadcast_in_dim3A_391, %broadcast_in_dim3A_392 : vector<16xi1>, vector<16xi32>
      %add3A_394 = arith.addi %add3A_387, %select_n3A_393 : vector<16xi32>
      %lt3A_395 = arith.cmpi slt, %select_n3A_320, %select_n3A : vector<16xi32>
      %jit3A_396 = arith.constant 1 : i32
      %jit3A_397 = arith.constant 0 : i32
      %broadcast_in_dim3A_398 = vector.broadcast %jit3A_396 : i32 to vector<16xi32>
      %broadcast_in_dim3A_399 = vector.broadcast %jit3A_397 : i32 to vector<16xi32>
      %select_n3A_400 = arith.select %lt3A_395, %broadcast_in_dim3A_398, %broadcast_in_dim3A_399 : vector<16xi1>, vector<16xi32>
      %add3A_401 = arith.addi %add3A_394, %select_n3A_400 : vector<16xi32>
      %lt3A_402 = arith.cmpi slt, %select_n3A_349, %select_n3A : vector<16xi32>
      %jit3A_403 = arith.constant 1 : i32
      %jit3A_404 = arith.constant 0 : i32
      %broadcast_in_dim3A_405 = vector.broadcast %jit3A_403 : i32 to vector<16xi32>
      %broadcast_in_dim3A_406 = vector.broadcast %jit3A_404 : i32 to vector<16xi32>
      %select_n3A_407 = arith.select %lt3A_402, %broadcast_in_dim3A_405, %broadcast_in_dim3A_406 : vector<16xi1>, vector<16xi32>
      %add3A_408 = arith.addi %add3A_401, %select_n3A_407 : vector<16xi32>
      %eq3A = arith.cmpi eq, %add3A_408, %min3A_122 : vector<16xi32>
      %gt3A_409 = arith.constant 0 : i32
      %gt3A_410 = vector.broadcast %gt3A_409 : i32 to vector<16xi32>
      %gt3A_411 = arith.cmpi sgt, %min3A_115, %gt3A_410 : vector<16xi32>
      %and3A_412 = arith.andi %eq3A, %gt3A_411 : vector<16xi1>
      %select_n3A_413 = arith.select %and3A_412, %gather3A_138, %broadcast_in_dim3A_351 : vector<16xi1>, vector<16xi32>
      %broadcast_in_dim3A_414 = arith.constant 0 : i32
      %broadcast_in_dim3A_415 = vector.broadcast %broadcast_in_dim3A_414 : i32 to vector<16xi32>
      %lt3A_416 = arith.cmpi slt, %select_n3A, %select_n3A_175 : vector<16xi32>
      %jit3A_417 = arith.constant 1 : i32
      %jit3A_418 = arith.constant 0 : i32
      %broadcast_in_dim3A_419 = vector.broadcast %jit3A_417 : i32 to vector<16xi32>
      %broadcast_in_dim3A_420 = vector.broadcast %jit3A_418 : i32 to vector<16xi32>
      %select_n3A_421 = arith.select %lt3A_416, %broadcast_in_dim3A_419, %broadcast_in_dim3A_420 : vector<16xi1>, vector<16xi32>
      %add3A_422 = arith.addi %broadcast_in_dim3A_415, %select_n3A_421 : vector<16xi32>
      %lt3A_423 = arith.cmpi slt, %select_n3A_175, %select_n3A_175 : vector<16xi32>
      %jit3A_424 = arith.constant 1 : i32
      %jit3A_425 = arith.constant 0 : i32
      %broadcast_in_dim3A_426 = vector.broadcast %jit3A_424 : i32 to vector<16xi32>
      %broadcast_in_dim3A_427 = vector.broadcast %jit3A_425 : i32 to vector<16xi32>
      %select_n3A_428 = arith.select %lt3A_423, %broadcast_in_dim3A_426, %broadcast_in_dim3A_427 : vector<16xi1>, vector<16xi32>
      %add3A_429 = arith.addi %add3A_422, %select_n3A_428 : vector<16xi32>
      %lt3A_430 = arith.cmpi slt, %select_n3A_204, %select_n3A_175 : vector<16xi32>
      %jit3A_431 = arith.constant 1 : i32
      %jit3A_432 = arith.constant 0 : i32
      %broadcast_in_dim3A_433 = vector.broadcast %jit3A_431 : i32 to vector<16xi32>
      %broadcast_in_dim3A_434 = vector.broadcast %jit3A_432 : i32 to vector<16xi32>
      %select_n3A_435 = arith.select %lt3A_430, %broadcast_in_dim3A_433, %broadcast_in_dim3A_434 : vector<16xi1>, vector<16xi32>
      %add3A_436 = arith.addi %add3A_429, %select_n3A_435 : vector<16xi32>
      %lt3A_437 = arith.cmpi slt, %select_n3A_233, %select_n3A_175 : vector<16xi32>
      %jit3A_438 = arith.constant 1 : i32
      %jit3A_439 = arith.constant 0 : i32
      %broadcast_in_dim3A_440 = vector.broadcast %jit3A_438 : i32 to vector<16xi32>
      %broadcast_in_dim3A_441 = vector.broadcast %jit3A_439 : i32 to vector<16xi32>
      %select_n3A_442 = arith.select %lt3A_437, %broadcast_in_dim3A_440, %broadcast_in_dim3A_441 : vector<16xi1>, vector<16xi32>
      %add3A_443 = arith.addi %add3A_436, %select_n3A_442 : vector<16xi32>
      %lt3A_444 = arith.cmpi slt, %select_n3A_262, %select_n3A_175 : vector<16xi32>
      %jit3A_445 = arith.constant 1 : i32
      %jit3A_446 = arith.constant 0 : i32
      %broadcast_in_dim3A_447 = vector.broadcast %jit3A_445 : i32 to vector<16xi32>
      %broadcast_in_dim3A_448 = vector.broadcast %jit3A_446 : i32 to vector<16xi32>
      %select_n3A_449 = arith.select %lt3A_444, %broadcast_in_dim3A_447, %broadcast_in_dim3A_448 : vector<16xi1>, vector<16xi32>
      %add3A_450 = arith.addi %add3A_443, %select_n3A_449 : vector<16xi32>
      %lt3A_451 = arith.cmpi slt, %select_n3A_291, %select_n3A_175 : vector<16xi32>
      %jit3A_452 = arith.constant 1 : i32
      %jit3A_453 = arith.constant 0 : i32
      %broadcast_in_dim3A_454 = vector.broadcast %jit3A_452 : i32 to vector<16xi32>
      %broadcast_in_dim3A_455 = vector.broadcast %jit3A_453 : i32 to vector<16xi32>
      %select_n3A_456 = arith.select %lt3A_451, %broadcast_in_dim3A_454, %broadcast_in_dim3A_455 : vector<16xi1>, vector<16xi32>
      %add3A_457 = arith.addi %add3A_450, %select_n3A_456 : vector<16xi32>
      %lt3A_458 = arith.cmpi slt, %select_n3A_320, %select_n3A_175 : vector<16xi32>
      %jit3A_459 = arith.constant 1 : i32
      %jit3A_460 = arith.constant 0 : i32
      %broadcast_in_dim3A_461 = vector.broadcast %jit3A_459 : i32 to vector<16xi32>
      %broadcast_in_dim3A_462 = vector.broadcast %jit3A_460 : i32 to vector<16xi32>
      %select_n3A_463 = arith.select %lt3A_458, %broadcast_in_dim3A_461, %broadcast_in_dim3A_462 : vector<16xi1>, vector<16xi32>
      %add3A_464 = arith.addi %add3A_457, %select_n3A_463 : vector<16xi32>
      %lt3A_465 = arith.cmpi slt, %select_n3A_349, %select_n3A_175 : vector<16xi32>
      %jit3A_466 = arith.constant 1 : i32
      %jit3A_467 = arith.constant 0 : i32
      %broadcast_in_dim3A_468 = vector.broadcast %jit3A_466 : i32 to vector<16xi32>
      %broadcast_in_dim3A_469 = vector.broadcast %jit3A_467 : i32 to vector<16xi32>
      %select_n3A_470 = arith.select %lt3A_465, %broadcast_in_dim3A_468, %broadcast_in_dim3A_469 : vector<16xi1>, vector<16xi32>
      %add3A_471 = arith.addi %add3A_464, %select_n3A_470 : vector<16xi32>
      %eq3A_472 = arith.cmpi eq, %add3A_471, %min3A_122 : vector<16xi32>
      %gt3A_473 = arith.constant 1 : i32
      %gt3A_474 = vector.broadcast %gt3A_473 : i32 to vector<16xi32>
      %gt3A_475 = arith.cmpi sgt, %min3A_115, %gt3A_474 : vector<16xi32>
      %and3A_476 = arith.andi %eq3A_472, %gt3A_475 : vector<16xi1>
      %select_n3A_477 = arith.select %and3A_476, %gather3A_162, %select_n3A_413 : vector<16xi1>, vector<16xi32>
      %broadcast_in_dim3A_478 = arith.constant 0 : i32
      %broadcast_in_dim3A_479 = vector.broadcast %broadcast_in_dim3A_478 : i32 to vector<16xi32>
      %lt3A_480 = arith.cmpi slt, %select_n3A, %select_n3A_204 : vector<16xi32>
      %jit3A_481 = arith.constant 1 : i32
      %jit3A_482 = arith.constant 0 : i32
      %broadcast_in_dim3A_483 = vector.broadcast %jit3A_481 : i32 to vector<16xi32>
      %broadcast_in_dim3A_484 = vector.broadcast %jit3A_482 : i32 to vector<16xi32>
      %select_n3A_485 = arith.select %lt3A_480, %broadcast_in_dim3A_483, %broadcast_in_dim3A_484 : vector<16xi1>, vector<16xi32>
      %add3A_486 = arith.addi %broadcast_in_dim3A_479, %select_n3A_485 : vector<16xi32>
      %lt3A_487 = arith.cmpi slt, %select_n3A_175, %select_n3A_204 : vector<16xi32>
      %jit3A_488 = arith.constant 1 : i32
      %jit3A_489 = arith.constant 0 : i32
      %broadcast_in_dim3A_490 = vector.broadcast %jit3A_488 : i32 to vector<16xi32>
      %broadcast_in_dim3A_491 = vector.broadcast %jit3A_489 : i32 to vector<16xi32>
      %select_n3A_492 = arith.select %lt3A_487, %broadcast_in_dim3A_490, %broadcast_in_dim3A_491 : vector<16xi1>, vector<16xi32>
      %add3A_493 = arith.addi %add3A_486, %select_n3A_492 : vector<16xi32>
      %lt3A_494 = arith.cmpi slt, %select_n3A_204, %select_n3A_204 : vector<16xi32>
      %jit3A_495 = arith.constant 1 : i32
      %jit3A_496 = arith.constant 0 : i32
      %broadcast_in_dim3A_497 = vector.broadcast %jit3A_495 : i32 to vector<16xi32>
      %broadcast_in_dim3A_498 = vector.broadcast %jit3A_496 : i32 to vector<16xi32>
      %select_n3A_499 = arith.select %lt3A_494, %broadcast_in_dim3A_497, %broadcast_in_dim3A_498 : vector<16xi1>, vector<16xi32>
      %add3A_500 = arith.addi %add3A_493, %select_n3A_499 : vector<16xi32>
      %lt3A_501 = arith.cmpi slt, %select_n3A_233, %select_n3A_204 : vector<16xi32>
      %jit3A_502 = arith.constant 1 : i32
      %jit3A_503 = arith.constant 0 : i32
      %broadcast_in_dim3A_504 = vector.broadcast %jit3A_502 : i32 to vector<16xi32>
      %broadcast_in_dim3A_505 = vector.broadcast %jit3A_503 : i32 to vector<16xi32>
      %select_n3A_506 = arith.select %lt3A_501, %broadcast_in_dim3A_504, %broadcast_in_dim3A_505 : vector<16xi1>, vector<16xi32>
      %add3A_507 = arith.addi %add3A_500, %select_n3A_506 : vector<16xi32>
      %lt3A_508 = arith.cmpi slt, %select_n3A_262, %select_n3A_204 : vector<16xi32>
      %jit3A_509 = arith.constant 1 : i32
      %jit3A_510 = arith.constant 0 : i32
      %broadcast_in_dim3A_511 = vector.broadcast %jit3A_509 : i32 to vector<16xi32>
      %broadcast_in_dim3A_512 = vector.broadcast %jit3A_510 : i32 to vector<16xi32>
      %select_n3A_513 = arith.select %lt3A_508, %broadcast_in_dim3A_511, %broadcast_in_dim3A_512 : vector<16xi1>, vector<16xi32>
      %add3A_514 = arith.addi %add3A_507, %select_n3A_513 : vector<16xi32>
      %lt3A_515 = arith.cmpi slt, %select_n3A_291, %select_n3A_204 : vector<16xi32>
      %jit3A_516 = arith.constant 1 : i32
      %jit3A_517 = arith.constant 0 : i32
      %broadcast_in_dim3A_518 = vector.broadcast %jit3A_516 : i32 to vector<16xi32>
      %broadcast_in_dim3A_519 = vector.broadcast %jit3A_517 : i32 to vector<16xi32>
      %select_n3A_520 = arith.select %lt3A_515, %broadcast_in_dim3A_518, %broadcast_in_dim3A_519 : vector<16xi1>, vector<16xi32>
      %add3A_521 = arith.addi %add3A_514, %select_n3A_520 : vector<16xi32>
      %lt3A_522 = arith.cmpi slt, %select_n3A_320, %select_n3A_204 : vector<16xi32>
      %jit3A_523 = arith.constant 1 : i32
      %jit3A_524 = arith.constant 0 : i32
      %broadcast_in_dim3A_525 = vector.broadcast %jit3A_523 : i32 to vector<16xi32>
      %broadcast_in_dim3A_526 = vector.broadcast %jit3A_524 : i32 to vector<16xi32>
      %select_n3A_527 = arith.select %lt3A_522, %broadcast_in_dim3A_525, %broadcast_in_dim3A_526 : vector<16xi1>, vector<16xi32>
      %add3A_528 = arith.addi %add3A_521, %select_n3A_527 : vector<16xi32>
      %lt3A_529 = arith.cmpi slt, %select_n3A_349, %select_n3A_204 : vector<16xi32>
      %jit3A_530 = arith.constant 1 : i32
      %jit3A_531 = arith.constant 0 : i32
      %broadcast_in_dim3A_532 = vector.broadcast %jit3A_530 : i32 to vector<16xi32>
      %broadcast_in_dim3A_533 = vector.broadcast %jit3A_531 : i32 to vector<16xi32>
      %select_n3A_534 = arith.select %lt3A_529, %broadcast_in_dim3A_532, %broadcast_in_dim3A_533 : vector<16xi1>, vector<16xi32>
      %add3A_535 = arith.addi %add3A_528, %select_n3A_534 : vector<16xi32>
      %eq3A_536 = arith.cmpi eq, %add3A_535, %min3A_122 : vector<16xi32>
      %gt3A_537 = arith.constant 2 : i32
      %gt3A_538 = vector.broadcast %gt3A_537 : i32 to vector<16xi32>
      %gt3A_539 = arith.cmpi sgt, %min3A_115, %gt3A_538 : vector<16xi32>
      %and3A_540 = arith.andi %eq3A_536, %gt3A_539 : vector<16xi1>
      %select_n3A_541 = arith.select %and3A_540, %gather3A_191, %select_n3A_477 : vector<16xi1>, vector<16xi32>
      %broadcast_in_dim3A_542 = arith.constant 0 : i32
      %broadcast_in_dim3A_543 = vector.broadcast %broadcast_in_dim3A_542 : i32 to vector<16xi32>
      %lt3A_544 = arith.cmpi slt, %select_n3A, %select_n3A_233 : vector<16xi32>
      %jit3A_545 = arith.constant 1 : i32
      %jit3A_546 = arith.constant 0 : i32
      %broadcast_in_dim3A_547 = vector.broadcast %jit3A_545 : i32 to vector<16xi32>
      %broadcast_in_dim3A_548 = vector.broadcast %jit3A_546 : i32 to vector<16xi32>
      %select_n3A_549 = arith.select %lt3A_544, %broadcast_in_dim3A_547, %broadcast_in_dim3A_548 : vector<16xi1>, vector<16xi32>
      %add3A_550 = arith.addi %broadcast_in_dim3A_543, %select_n3A_549 : vector<16xi32>
      %lt3A_551 = arith.cmpi slt, %select_n3A_175, %select_n3A_233 : vector<16xi32>
      %jit3A_552 = arith.constant 1 : i32
      %jit3A_553 = arith.constant 0 : i32
      %broadcast_in_dim3A_554 = vector.broadcast %jit3A_552 : i32 to vector<16xi32>
      %broadcast_in_dim3A_555 = vector.broadcast %jit3A_553 : i32 to vector<16xi32>
      %select_n3A_556 = arith.select %lt3A_551, %broadcast_in_dim3A_554, %broadcast_in_dim3A_555 : vector<16xi1>, vector<16xi32>
      %add3A_557 = arith.addi %add3A_550, %select_n3A_556 : vector<16xi32>
      %lt3A_558 = arith.cmpi slt, %select_n3A_204, %select_n3A_233 : vector<16xi32>
      %jit3A_559 = arith.constant 1 : i32
      %jit3A_560 = arith.constant 0 : i32
      %broadcast_in_dim3A_561 = vector.broadcast %jit3A_559 : i32 to vector<16xi32>
      %broadcast_in_dim3A_562 = vector.broadcast %jit3A_560 : i32 to vector<16xi32>
      %select_n3A_563 = arith.select %lt3A_558, %broadcast_in_dim3A_561, %broadcast_in_dim3A_562 : vector<16xi1>, vector<16xi32>
      %add3A_564 = arith.addi %add3A_557, %select_n3A_563 : vector<16xi32>
      %lt3A_565 = arith.cmpi slt, %select_n3A_233, %select_n3A_233 : vector<16xi32>
      %jit3A_566 = arith.constant 1 : i32
      %jit3A_567 = arith.constant 0 : i32
      %broadcast_in_dim3A_568 = vector.broadcast %jit3A_566 : i32 to vector<16xi32>
      %broadcast_in_dim3A_569 = vector.broadcast %jit3A_567 : i32 to vector<16xi32>
      %select_n3A_570 = arith.select %lt3A_565, %broadcast_in_dim3A_568, %broadcast_in_dim3A_569 : vector<16xi1>, vector<16xi32>
      %add3A_571 = arith.addi %add3A_564, %select_n3A_570 : vector<16xi32>
      %lt3A_572 = arith.cmpi slt, %select_n3A_262, %select_n3A_233 : vector<16xi32>
      %jit3A_573 = arith.constant 1 : i32
      %jit3A_574 = arith.constant 0 : i32
      %broadcast_in_dim3A_575 = vector.broadcast %jit3A_573 : i32 to vector<16xi32>
      %broadcast_in_dim3A_576 = vector.broadcast %jit3A_574 : i32 to vector<16xi32>
      %select_n3A_577 = arith.select %lt3A_572, %broadcast_in_dim3A_575, %broadcast_in_dim3A_576 : vector<16xi1>, vector<16xi32>
      %add3A_578 = arith.addi %add3A_571, %select_n3A_577 : vector<16xi32>
      %lt3A_579 = arith.cmpi slt, %select_n3A_291, %select_n3A_233 : vector<16xi32>
      %jit3A_580 = arith.constant 1 : i32
      %jit3A_581 = arith.constant 0 : i32
      %broadcast_in_dim3A_582 = vector.broadcast %jit3A_580 : i32 to vector<16xi32>
      %broadcast_in_dim3A_583 = vector.broadcast %jit3A_581 : i32 to vector<16xi32>
      %select_n3A_584 = arith.select %lt3A_579, %broadcast_in_dim3A_582, %broadcast_in_dim3A_583 : vector<16xi1>, vector<16xi32>
      %add3A_585 = arith.addi %add3A_578, %select_n3A_584 : vector<16xi32>
      %lt3A_586 = arith.cmpi slt, %select_n3A_320, %select_n3A_233 : vector<16xi32>
      %jit3A_587 = arith.constant 1 : i32
      %jit3A_588 = arith.constant 0 : i32
      %broadcast_in_dim3A_589 = vector.broadcast %jit3A_587 : i32 to vector<16xi32>
      %broadcast_in_dim3A_590 = vector.broadcast %jit3A_588 : i32 to vector<16xi32>
      %select_n3A_591 = arith.select %lt3A_586, %broadcast_in_dim3A_589, %broadcast_in_dim3A_590 : vector<16xi1>, vector<16xi32>
      %add3A_592 = arith.addi %add3A_585, %select_n3A_591 : vector<16xi32>
      %lt3A_593 = arith.cmpi slt, %select_n3A_349, %select_n3A_233 : vector<16xi32>
      %jit3A_594 = arith.constant 1 : i32
      %jit3A_595 = arith.constant 0 : i32
      %broadcast_in_dim3A_596 = vector.broadcast %jit3A_594 : i32 to vector<16xi32>
      %broadcast_in_dim3A_597 = vector.broadcast %jit3A_595 : i32 to vector<16xi32>
      %select_n3A_598 = arith.select %lt3A_593, %broadcast_in_dim3A_596, %broadcast_in_dim3A_597 : vector<16xi1>, vector<16xi32>
      %add3A_599 = arith.addi %add3A_592, %select_n3A_598 : vector<16xi32>
      %eq3A_600 = arith.cmpi eq, %add3A_599, %min3A_122 : vector<16xi32>
      %gt3A_601 = arith.constant 3 : i32
      %gt3A_602 = vector.broadcast %gt3A_601 : i32 to vector<16xi32>
      %gt3A_603 = arith.cmpi sgt, %min3A_115, %gt3A_602 : vector<16xi32>
      %and3A_604 = arith.andi %eq3A_600, %gt3A_603 : vector<16xi1>
      %select_n3A_605 = arith.select %and3A_604, %gather3A_220, %select_n3A_541 : vector<16xi1>, vector<16xi32>
      %broadcast_in_dim3A_606 = arith.constant 0 : i32
      %broadcast_in_dim3A_607 = vector.broadcast %broadcast_in_dim3A_606 : i32 to vector<16xi32>
      %lt3A_608 = arith.cmpi slt, %select_n3A, %select_n3A_262 : vector<16xi32>
      %jit3A_609 = arith.constant 1 : i32
      %jit3A_610 = arith.constant 0 : i32
      %broadcast_in_dim3A_611 = vector.broadcast %jit3A_609 : i32 to vector<16xi32>
      %broadcast_in_dim3A_612 = vector.broadcast %jit3A_610 : i32 to vector<16xi32>
      %select_n3A_613 = arith.select %lt3A_608, %broadcast_in_dim3A_611, %broadcast_in_dim3A_612 : vector<16xi1>, vector<16xi32>
      %add3A_614 = arith.addi %broadcast_in_dim3A_607, %select_n3A_613 : vector<16xi32>
      %lt3A_615 = arith.cmpi slt, %select_n3A_175, %select_n3A_262 : vector<16xi32>
      %jit3A_616 = arith.constant 1 : i32
      %jit3A_617 = arith.constant 0 : i32
      %broadcast_in_dim3A_618 = vector.broadcast %jit3A_616 : i32 to vector<16xi32>
      %broadcast_in_dim3A_619 = vector.broadcast %jit3A_617 : i32 to vector<16xi32>
      %select_n3A_620 = arith.select %lt3A_615, %broadcast_in_dim3A_618, %broadcast_in_dim3A_619 : vector<16xi1>, vector<16xi32>
      %add3A_621 = arith.addi %add3A_614, %select_n3A_620 : vector<16xi32>
      %lt3A_622 = arith.cmpi slt, %select_n3A_204, %select_n3A_262 : vector<16xi32>
      %jit3A_623 = arith.constant 1 : i32
      %jit3A_624 = arith.constant 0 : i32
      %broadcast_in_dim3A_625 = vector.broadcast %jit3A_623 : i32 to vector<16xi32>
      %broadcast_in_dim3A_626 = vector.broadcast %jit3A_624 : i32 to vector<16xi32>
      %select_n3A_627 = arith.select %lt3A_622, %broadcast_in_dim3A_625, %broadcast_in_dim3A_626 : vector<16xi1>, vector<16xi32>
      %add3A_628 = arith.addi %add3A_621, %select_n3A_627 : vector<16xi32>
      %lt3A_629 = arith.cmpi slt, %select_n3A_233, %select_n3A_262 : vector<16xi32>
      %jit3A_630 = arith.constant 1 : i32
      %jit3A_631 = arith.constant 0 : i32
      %broadcast_in_dim3A_632 = vector.broadcast %jit3A_630 : i32 to vector<16xi32>
      %broadcast_in_dim3A_633 = vector.broadcast %jit3A_631 : i32 to vector<16xi32>
      %select_n3A_634 = arith.select %lt3A_629, %broadcast_in_dim3A_632, %broadcast_in_dim3A_633 : vector<16xi1>, vector<16xi32>
      %add3A_635 = arith.addi %add3A_628, %select_n3A_634 : vector<16xi32>
      %lt3A_636 = arith.cmpi slt, %select_n3A_262, %select_n3A_262 : vector<16xi32>
      %jit3A_637 = arith.constant 1 : i32
      %jit3A_638 = arith.constant 0 : i32
      %broadcast_in_dim3A_639 = vector.broadcast %jit3A_637 : i32 to vector<16xi32>
      %broadcast_in_dim3A_640 = vector.broadcast %jit3A_638 : i32 to vector<16xi32>
      %select_n3A_641 = arith.select %lt3A_636, %broadcast_in_dim3A_639, %broadcast_in_dim3A_640 : vector<16xi1>, vector<16xi32>
      %add3A_642 = arith.addi %add3A_635, %select_n3A_641 : vector<16xi32>
      %lt3A_643 = arith.cmpi slt, %select_n3A_291, %select_n3A_262 : vector<16xi32>
      %jit3A_644 = arith.constant 1 : i32
      %jit3A_645 = arith.constant 0 : i32
      %broadcast_in_dim3A_646 = vector.broadcast %jit3A_644 : i32 to vector<16xi32>
      %broadcast_in_dim3A_647 = vector.broadcast %jit3A_645 : i32 to vector<16xi32>
      %select_n3A_648 = arith.select %lt3A_643, %broadcast_in_dim3A_646, %broadcast_in_dim3A_647 : vector<16xi1>, vector<16xi32>
      %add3A_649 = arith.addi %add3A_642, %select_n3A_648 : vector<16xi32>
      %lt3A_650 = arith.cmpi slt, %select_n3A_320, %select_n3A_262 : vector<16xi32>
      %jit3A_651 = arith.constant 1 : i32
      %jit3A_652 = arith.constant 0 : i32
      %broadcast_in_dim3A_653 = vector.broadcast %jit3A_651 : i32 to vector<16xi32>
      %broadcast_in_dim3A_654 = vector.broadcast %jit3A_652 : i32 to vector<16xi32>
      %select_n3A_655 = arith.select %lt3A_650, %broadcast_in_dim3A_653, %broadcast_in_dim3A_654 : vector<16xi1>, vector<16xi32>
      %add3A_656 = arith.addi %add3A_649, %select_n3A_655 : vector<16xi32>
      %lt3A_657 = arith.cmpi slt, %select_n3A_349, %select_n3A_262 : vector<16xi32>
      %jit3A_658 = arith.constant 1 : i32
      %jit3A_659 = arith.constant 0 : i32
      %broadcast_in_dim3A_660 = vector.broadcast %jit3A_658 : i32 to vector<16xi32>
      %broadcast_in_dim3A_661 = vector.broadcast %jit3A_659 : i32 to vector<16xi32>
      %select_n3A_662 = arith.select %lt3A_657, %broadcast_in_dim3A_660, %broadcast_in_dim3A_661 : vector<16xi1>, vector<16xi32>
      %add3A_663 = arith.addi %add3A_656, %select_n3A_662 : vector<16xi32>
      %eq3A_664 = arith.cmpi eq, %add3A_663, %min3A_122 : vector<16xi32>
      %gt3A_665 = arith.constant 4 : i32
      %gt3A_666 = vector.broadcast %gt3A_665 : i32 to vector<16xi32>
      %gt3A_667 = arith.cmpi sgt, %min3A_115, %gt3A_666 : vector<16xi32>
      %and3A_668 = arith.andi %eq3A_664, %gt3A_667 : vector<16xi1>
      %select_n3A_669 = arith.select %and3A_668, %gather3A_249, %select_n3A_605 : vector<16xi1>, vector<16xi32>
      %broadcast_in_dim3A_670 = arith.constant 0 : i32
      %broadcast_in_dim3A_671 = vector.broadcast %broadcast_in_dim3A_670 : i32 to vector<16xi32>
      %lt3A_672 = arith.cmpi slt, %select_n3A, %select_n3A_291 : vector<16xi32>
      %jit3A_673 = arith.constant 1 : i32
      %jit3A_674 = arith.constant 0 : i32
      %broadcast_in_dim3A_675 = vector.broadcast %jit3A_673 : i32 to vector<16xi32>
      %broadcast_in_dim3A_676 = vector.broadcast %jit3A_674 : i32 to vector<16xi32>
      %select_n3A_677 = arith.select %lt3A_672, %broadcast_in_dim3A_675, %broadcast_in_dim3A_676 : vector<16xi1>, vector<16xi32>
      %add3A_678 = arith.addi %broadcast_in_dim3A_671, %select_n3A_677 : vector<16xi32>
      %lt3A_679 = arith.cmpi slt, %select_n3A_175, %select_n3A_291 : vector<16xi32>
      %jit3A_680 = arith.constant 1 : i32
      %jit3A_681 = arith.constant 0 : i32
      %broadcast_in_dim3A_682 = vector.broadcast %jit3A_680 : i32 to vector<16xi32>
      %broadcast_in_dim3A_683 = vector.broadcast %jit3A_681 : i32 to vector<16xi32>
      %select_n3A_684 = arith.select %lt3A_679, %broadcast_in_dim3A_682, %broadcast_in_dim3A_683 : vector<16xi1>, vector<16xi32>
      %add3A_685 = arith.addi %add3A_678, %select_n3A_684 : vector<16xi32>
      %lt3A_686 = arith.cmpi slt, %select_n3A_204, %select_n3A_291 : vector<16xi32>
      %jit3A_687 = arith.constant 1 : i32
      %jit3A_688 = arith.constant 0 : i32
      %broadcast_in_dim3A_689 = vector.broadcast %jit3A_687 : i32 to vector<16xi32>
      %broadcast_in_dim3A_690 = vector.broadcast %jit3A_688 : i32 to vector<16xi32>
      %select_n3A_691 = arith.select %lt3A_686, %broadcast_in_dim3A_689, %broadcast_in_dim3A_690 : vector<16xi1>, vector<16xi32>
      %add3A_692 = arith.addi %add3A_685, %select_n3A_691 : vector<16xi32>
      %lt3A_693 = arith.cmpi slt, %select_n3A_233, %select_n3A_291 : vector<16xi32>
      %jit3A_694 = arith.constant 1 : i32
      %jit3A_695 = arith.constant 0 : i32
      %broadcast_in_dim3A_696 = vector.broadcast %jit3A_694 : i32 to vector<16xi32>
      %broadcast_in_dim3A_697 = vector.broadcast %jit3A_695 : i32 to vector<16xi32>
      %select_n3A_698 = arith.select %lt3A_693, %broadcast_in_dim3A_696, %broadcast_in_dim3A_697 : vector<16xi1>, vector<16xi32>
      %add3A_699 = arith.addi %add3A_692, %select_n3A_698 : vector<16xi32>
      %lt3A_700 = arith.cmpi slt, %select_n3A_262, %select_n3A_291 : vector<16xi32>
      %jit3A_701 = arith.constant 1 : i32
      %jit3A_702 = arith.constant 0 : i32
      %broadcast_in_dim3A_703 = vector.broadcast %jit3A_701 : i32 to vector<16xi32>
      %broadcast_in_dim3A_704 = vector.broadcast %jit3A_702 : i32 to vector<16xi32>
      %select_n3A_705 = arith.select %lt3A_700, %broadcast_in_dim3A_703, %broadcast_in_dim3A_704 : vector<16xi1>, vector<16xi32>
      %add3A_706 = arith.addi %add3A_699, %select_n3A_705 : vector<16xi32>
      %lt3A_707 = arith.cmpi slt, %select_n3A_291, %select_n3A_291 : vector<16xi32>
      %jit3A_708 = arith.constant 1 : i32
      %jit3A_709 = arith.constant 0 : i32
      %broadcast_in_dim3A_710 = vector.broadcast %jit3A_708 : i32 to vector<16xi32>
      %broadcast_in_dim3A_711 = vector.broadcast %jit3A_709 : i32 to vector<16xi32>
      %select_n3A_712 = arith.select %lt3A_707, %broadcast_in_dim3A_710, %broadcast_in_dim3A_711 : vector<16xi1>, vector<16xi32>
      %add3A_713 = arith.addi %add3A_706, %select_n3A_712 : vector<16xi32>
      %lt3A_714 = arith.cmpi slt, %select_n3A_320, %select_n3A_291 : vector<16xi32>
      %jit3A_715 = arith.constant 1 : i32
      %jit3A_716 = arith.constant 0 : i32
      %broadcast_in_dim3A_717 = vector.broadcast %jit3A_715 : i32 to vector<16xi32>
      %broadcast_in_dim3A_718 = vector.broadcast %jit3A_716 : i32 to vector<16xi32>
      %select_n3A_719 = arith.select %lt3A_714, %broadcast_in_dim3A_717, %broadcast_in_dim3A_718 : vector<16xi1>, vector<16xi32>
      %add3A_720 = arith.addi %add3A_713, %select_n3A_719 : vector<16xi32>
      %lt3A_721 = arith.cmpi slt, %select_n3A_349, %select_n3A_291 : vector<16xi32>
      %jit3A_722 = arith.constant 1 : i32
      %jit3A_723 = arith.constant 0 : i32
      %broadcast_in_dim3A_724 = vector.broadcast %jit3A_722 : i32 to vector<16xi32>
      %broadcast_in_dim3A_725 = vector.broadcast %jit3A_723 : i32 to vector<16xi32>
      %select_n3A_726 = arith.select %lt3A_721, %broadcast_in_dim3A_724, %broadcast_in_dim3A_725 : vector<16xi1>, vector<16xi32>
      %add3A_727 = arith.addi %add3A_720, %select_n3A_726 : vector<16xi32>
      %eq3A_728 = arith.cmpi eq, %add3A_727, %min3A_122 : vector<16xi32>
      %gt3A_729 = arith.constant 5 : i32
      %gt3A_730 = vector.broadcast %gt3A_729 : i32 to vector<16xi32>
      %gt3A_731 = arith.cmpi sgt, %min3A_115, %gt3A_730 : vector<16xi32>
      %and3A_732 = arith.andi %eq3A_728, %gt3A_731 : vector<16xi1>
      %select_n3A_733 = arith.select %and3A_732, %gather3A_278, %select_n3A_669 : vector<16xi1>, vector<16xi32>
      %broadcast_in_dim3A_734 = arith.constant 0 : i32
      %broadcast_in_dim3A_735 = vector.broadcast %broadcast_in_dim3A_734 : i32 to vector<16xi32>
      %lt3A_736 = arith.cmpi slt, %select_n3A, %select_n3A_320 : vector<16xi32>
      %jit3A_737 = arith.constant 1 : i32
      %jit3A_738 = arith.constant 0 : i32
      %broadcast_in_dim3A_739 = vector.broadcast %jit3A_737 : i32 to vector<16xi32>
      %broadcast_in_dim3A_740 = vector.broadcast %jit3A_738 : i32 to vector<16xi32>
      %select_n3A_741 = arith.select %lt3A_736, %broadcast_in_dim3A_739, %broadcast_in_dim3A_740 : vector<16xi1>, vector<16xi32>
      %add3A_742 = arith.addi %broadcast_in_dim3A_735, %select_n3A_741 : vector<16xi32>
      %lt3A_743 = arith.cmpi slt, %select_n3A_175, %select_n3A_320 : vector<16xi32>
      %jit3A_744 = arith.constant 1 : i32
      %jit3A_745 = arith.constant 0 : i32
      %broadcast_in_dim3A_746 = vector.broadcast %jit3A_744 : i32 to vector<16xi32>
      %broadcast_in_dim3A_747 = vector.broadcast %jit3A_745 : i32 to vector<16xi32>
      %select_n3A_748 = arith.select %lt3A_743, %broadcast_in_dim3A_746, %broadcast_in_dim3A_747 : vector<16xi1>, vector<16xi32>
      %add3A_749 = arith.addi %add3A_742, %select_n3A_748 : vector<16xi32>
      %lt3A_750 = arith.cmpi slt, %select_n3A_204, %select_n3A_320 : vector<16xi32>
      %jit3A_751 = arith.constant 1 : i32
      %jit3A_752 = arith.constant 0 : i32
      %broadcast_in_dim3A_753 = vector.broadcast %jit3A_751 : i32 to vector<16xi32>
      %broadcast_in_dim3A_754 = vector.broadcast %jit3A_752 : i32 to vector<16xi32>
      %select_n3A_755 = arith.select %lt3A_750, %broadcast_in_dim3A_753, %broadcast_in_dim3A_754 : vector<16xi1>, vector<16xi32>
      %add3A_756 = arith.addi %add3A_749, %select_n3A_755 : vector<16xi32>
      %lt3A_757 = arith.cmpi slt, %select_n3A_233, %select_n3A_320 : vector<16xi32>
      %jit3A_758 = arith.constant 1 : i32
      %jit3A_759 = arith.constant 0 : i32
      %broadcast_in_dim3A_760 = vector.broadcast %jit3A_758 : i32 to vector<16xi32>
      %broadcast_in_dim3A_761 = vector.broadcast %jit3A_759 : i32 to vector<16xi32>
      %select_n3A_762 = arith.select %lt3A_757, %broadcast_in_dim3A_760, %broadcast_in_dim3A_761 : vector<16xi1>, vector<16xi32>
      %add3A_763 = arith.addi %add3A_756, %select_n3A_762 : vector<16xi32>
      %lt3A_764 = arith.cmpi slt, %select_n3A_262, %select_n3A_320 : vector<16xi32>
      %jit3A_765 = arith.constant 1 : i32
      %jit3A_766 = arith.constant 0 : i32
      %broadcast_in_dim3A_767 = vector.broadcast %jit3A_765 : i32 to vector<16xi32>
      %broadcast_in_dim3A_768 = vector.broadcast %jit3A_766 : i32 to vector<16xi32>
      %select_n3A_769 = arith.select %lt3A_764, %broadcast_in_dim3A_767, %broadcast_in_dim3A_768 : vector<16xi1>, vector<16xi32>
      %add3A_770 = arith.addi %add3A_763, %select_n3A_769 : vector<16xi32>
      %lt3A_771 = arith.cmpi slt, %select_n3A_291, %select_n3A_320 : vector<16xi32>
      %jit3A_772 = arith.constant 1 : i32
      %jit3A_773 = arith.constant 0 : i32
      %broadcast_in_dim3A_774 = vector.broadcast %jit3A_772 : i32 to vector<16xi32>
      %broadcast_in_dim3A_775 = vector.broadcast %jit3A_773 : i32 to vector<16xi32>
      %select_n3A_776 = arith.select %lt3A_771, %broadcast_in_dim3A_774, %broadcast_in_dim3A_775 : vector<16xi1>, vector<16xi32>
      %add3A_777 = arith.addi %add3A_770, %select_n3A_776 : vector<16xi32>
      %lt3A_778 = arith.cmpi slt, %select_n3A_320, %select_n3A_320 : vector<16xi32>
      %jit3A_779 = arith.constant 1 : i32
      %jit3A_780 = arith.constant 0 : i32
      %broadcast_in_dim3A_781 = vector.broadcast %jit3A_779 : i32 to vector<16xi32>
      %broadcast_in_dim3A_782 = vector.broadcast %jit3A_780 : i32 to vector<16xi32>
      %select_n3A_783 = arith.select %lt3A_778, %broadcast_in_dim3A_781, %broadcast_in_dim3A_782 : vector<16xi1>, vector<16xi32>
      %add3A_784 = arith.addi %add3A_777, %select_n3A_783 : vector<16xi32>
      %lt3A_785 = arith.cmpi slt, %select_n3A_349, %select_n3A_320 : vector<16xi32>
      %jit3A_786 = arith.constant 1 : i32
      %jit3A_787 = arith.constant 0 : i32
      %broadcast_in_dim3A_788 = vector.broadcast %jit3A_786 : i32 to vector<16xi32>
      %broadcast_in_dim3A_789 = vector.broadcast %jit3A_787 : i32 to vector<16xi32>
      %select_n3A_790 = arith.select %lt3A_785, %broadcast_in_dim3A_788, %broadcast_in_dim3A_789 : vector<16xi1>, vector<16xi32>
      %add3A_791 = arith.addi %add3A_784, %select_n3A_790 : vector<16xi32>
      %eq3A_792 = arith.cmpi eq, %add3A_791, %min3A_122 : vector<16xi32>
      %gt3A_793 = arith.constant 6 : i32
      %gt3A_794 = vector.broadcast %gt3A_793 : i32 to vector<16xi32>
      %gt3A_795 = arith.cmpi sgt, %min3A_115, %gt3A_794 : vector<16xi32>
      %and3A_796 = arith.andi %eq3A_792, %gt3A_795 : vector<16xi1>
      %select_n3A_797 = arith.select %and3A_796, %gather3A_307, %select_n3A_733 : vector<16xi1>, vector<16xi32>
      %broadcast_in_dim3A_798 = arith.constant 0 : i32
      %broadcast_in_dim3A_799 = vector.broadcast %broadcast_in_dim3A_798 : i32 to vector<16xi32>
      %lt3A_800 = arith.cmpi slt, %select_n3A, %select_n3A_349 : vector<16xi32>
      %jit3A_801 = arith.constant 1 : i32
      %jit3A_802 = arith.constant 0 : i32
      %broadcast_in_dim3A_803 = vector.broadcast %jit3A_801 : i32 to vector<16xi32>
      %broadcast_in_dim3A_804 = vector.broadcast %jit3A_802 : i32 to vector<16xi32>
      %select_n3A_805 = arith.select %lt3A_800, %broadcast_in_dim3A_803, %broadcast_in_dim3A_804 : vector<16xi1>, vector<16xi32>
      %add3A_806 = arith.addi %broadcast_in_dim3A_799, %select_n3A_805 : vector<16xi32>
      %lt3A_807 = arith.cmpi slt, %select_n3A_175, %select_n3A_349 : vector<16xi32>
      %jit3A_808 = arith.constant 1 : i32
      %jit3A_809 = arith.constant 0 : i32
      %broadcast_in_dim3A_810 = vector.broadcast %jit3A_808 : i32 to vector<16xi32>
      %broadcast_in_dim3A_811 = vector.broadcast %jit3A_809 : i32 to vector<16xi32>
      %select_n3A_812 = arith.select %lt3A_807, %broadcast_in_dim3A_810, %broadcast_in_dim3A_811 : vector<16xi1>, vector<16xi32>
      %add3A_813 = arith.addi %add3A_806, %select_n3A_812 : vector<16xi32>
      %lt3A_814 = arith.cmpi slt, %select_n3A_204, %select_n3A_349 : vector<16xi32>
      %jit3A_815 = arith.constant 1 : i32
      %jit3A_816 = arith.constant 0 : i32
      %broadcast_in_dim3A_817 = vector.broadcast %jit3A_815 : i32 to vector<16xi32>
      %broadcast_in_dim3A_818 = vector.broadcast %jit3A_816 : i32 to vector<16xi32>
      %select_n3A_819 = arith.select %lt3A_814, %broadcast_in_dim3A_817, %broadcast_in_dim3A_818 : vector<16xi1>, vector<16xi32>
      %add3A_820 = arith.addi %add3A_813, %select_n3A_819 : vector<16xi32>
      %lt3A_821 = arith.cmpi slt, %select_n3A_233, %select_n3A_349 : vector<16xi32>
      %jit3A_822 = arith.constant 1 : i32
      %jit3A_823 = arith.constant 0 : i32
      %broadcast_in_dim3A_824 = vector.broadcast %jit3A_822 : i32 to vector<16xi32>
      %broadcast_in_dim3A_825 = vector.broadcast %jit3A_823 : i32 to vector<16xi32>
      %select_n3A_826 = arith.select %lt3A_821, %broadcast_in_dim3A_824, %broadcast_in_dim3A_825 : vector<16xi1>, vector<16xi32>
      %add3A_827 = arith.addi %add3A_820, %select_n3A_826 : vector<16xi32>
      %lt3A_828 = arith.cmpi slt, %select_n3A_262, %select_n3A_349 : vector<16xi32>
      %jit3A_829 = arith.constant 1 : i32
      %jit3A_830 = arith.constant 0 : i32
      %broadcast_in_dim3A_831 = vector.broadcast %jit3A_829 : i32 to vector<16xi32>
      %broadcast_in_dim3A_832 = vector.broadcast %jit3A_830 : i32 to vector<16xi32>
      %select_n3A_833 = arith.select %lt3A_828, %broadcast_in_dim3A_831, %broadcast_in_dim3A_832 : vector<16xi1>, vector<16xi32>
      %add3A_834 = arith.addi %add3A_827, %select_n3A_833 : vector<16xi32>
      %lt3A_835 = arith.cmpi slt, %select_n3A_291, %select_n3A_349 : vector<16xi32>
      %jit3A_836 = arith.constant 1 : i32
      %jit3A_837 = arith.constant 0 : i32
      %broadcast_in_dim3A_838 = vector.broadcast %jit3A_836 : i32 to vector<16xi32>
      %broadcast_in_dim3A_839 = vector.broadcast %jit3A_837 : i32 to vector<16xi32>
      %select_n3A_840 = arith.select %lt3A_835, %broadcast_in_dim3A_838, %broadcast_in_dim3A_839 : vector<16xi1>, vector<16xi32>
      %add3A_841 = arith.addi %add3A_834, %select_n3A_840 : vector<16xi32>
      %lt3A_842 = arith.cmpi slt, %select_n3A_320, %select_n3A_349 : vector<16xi32>
      %jit3A_843 = arith.constant 1 : i32
      %jit3A_844 = arith.constant 0 : i32
      %broadcast_in_dim3A_845 = vector.broadcast %jit3A_843 : i32 to vector<16xi32>
      %broadcast_in_dim3A_846 = vector.broadcast %jit3A_844 : i32 to vector<16xi32>
      %select_n3A_847 = arith.select %lt3A_842, %broadcast_in_dim3A_845, %broadcast_in_dim3A_846 : vector<16xi1>, vector<16xi32>
      %add3A_848 = arith.addi %add3A_841, %select_n3A_847 : vector<16xi32>
      %lt3A_849 = arith.cmpi slt, %select_n3A_349, %select_n3A_349 : vector<16xi32>
      %jit3A_850 = arith.constant 1 : i32
      %jit3A_851 = arith.constant 0 : i32
      %broadcast_in_dim3A_852 = vector.broadcast %jit3A_850 : i32 to vector<16xi32>
      %broadcast_in_dim3A_853 = vector.broadcast %jit3A_851 : i32 to vector<16xi32>
      %select_n3A_854 = arith.select %lt3A_849, %broadcast_in_dim3A_852, %broadcast_in_dim3A_853 : vector<16xi1>, vector<16xi32>
      %add3A_855 = arith.addi %add3A_848, %select_n3A_854 : vector<16xi32>
      %eq3A_856 = arith.cmpi eq, %add3A_855, %min3A_122 : vector<16xi32>
      %gt3A_857 = arith.constant 7 : i32
      %gt3A_858 = vector.broadcast %gt3A_857 : i32 to vector<16xi32>
      %gt3A_859 = arith.cmpi sgt, %min3A_115, %gt3A_858 : vector<16xi32>
      %and3A_860 = arith.andi %eq3A_856, %gt3A_859 : vector<16xi1>
      %select_n3A_861 = arith.select %and3A_860, %gather3A_336, %select_n3A_797 : vector<16xi1>, vector<16xi32>
      %jit3A_862 = arith.constant 0 : i32
      %jit3A_863 = arith.constant 999999 : i32
      %max3A_864 = vector.broadcast %jit3A_862 : i32 to vector<16xi32>
      %max3A_865 = arith.maxsi %max3A_864, %select_n3A_861 : vector<16xi32>
      %min3A_866 = vector.broadcast %jit3A_863 : i32 to vector<16xi32>
      %min3A_867 = arith.minsi %min3A_866, %max3A_865 : vector<16xi32>
      %broadcast_in_dim3A_868 = arith.constant 0 : i32
      %broadcast_in_dim3A_869 = vector.broadcast %broadcast_in_dim3A_868 : i32 to vector<16xi32>
      %broadcast_in_dim3A_870 = arith.constant 32768 : i32
      %broadcast_in_dim3A_871 = vector.broadcast %broadcast_in_dim3A_870 : i32 to vector<16xi32>
      %scan3A_872 = arith.constant 0 : i32
      %scan3A_873 = arith.constant 15 : i32
      %scan3A_874 = arith.addi %scan3A_872, %scan3A_873 : i32
      %scan3A_875 = arith.constant 1 : i32
      %scan3A_876:2 = scf.for %scan3A_910 = %scan3A_872 to %scan3A_874 step %scan3A_875 iter_args(%scan3A_911 = %broadcast_in_dim3A_869, %scan3A_912 = %broadcast_in_dim3A_871) -> (vector<16xi32>, vector<16xi32>)  : i32 {
        %add3A_913 = arith.addi %scan3A_911, %scan3A_912 : vector<16xi32>
        %shift_right_arithmetic3A = arith.constant 1 : i32
        %shift_right_arithmetic3A_914 = vector.broadcast %shift_right_arithmetic3A : i32 to vector<16xi32>
        %shift_right_arithmetic3A_915 = arith.shrsi %add3A_913, %shift_right_arithmetic3A_914 : vector<16xi32>
        %gather3A_916 = tpu.vector_load_idx %arg12[%shift_right_arithmetic3A_915] : memref<32776xi32, #tpu.memory_space<vmem>>[vector<16xi32>], vector<16xi32>,
        %le3A = arith.cmpi sle, %gather3A_916, %min3A_867 : vector<16xi32>
        %select_n3A_917 = arith.select %le3A, %shift_right_arithmetic3A_915, %scan3A_911 : vector<16xi1>, vector<16xi32>
        %select_n3A_918 = arith.select %le3A, %scan3A_912, %shift_right_arithmetic3A_915 : vector<16xi1>, vector<16xi32>
        scf.yield %select_n3A_917, %select_n3A_918 : vector<16xi32>, vector<16xi32>
      }
      %scan3A_877 = arith.constant 15 : i32
      %gather3A_878 = tpu.vector_load_idx %arg12[%scan3A_876#0] : memref<32776xi32, #tpu.memory_space<vmem>>[vector<16xi32>], vector<16xi32>,
      %add3A_879 = arith.constant 1 : i32
      %add3A_880 = vector.broadcast %add3A_879 : i32 to vector<16xi32>
      %add3A_881 = arith.addi %scan3A_876#0, %add3A_880 : vector<16xi32>
      %gather3A_882 = tpu.vector_load_idx %arg12[%add3A_881] : memref<32776xi32, #tpu.memory_space<vmem>>[vector<16xi32>], vector<16xi32>,
      %mul3A_883 = arith.constant 16 : i32
      %mul3A_884 = arith.muli %scan3A_92, %mul3A_883 : i32
      %swap3A_885 = arith.index_cast %mul3A_884 : i32 to index
      %swap3A_886 = tpu.vector_load %arg15[%swap3A_885] {strides = array<i32>} : memref<272xi32, #tpu.memory_space<vmem>>, vector<16xi32>,
      tpu.vector_store %arg15[%swap3A_885], %gather3A_878 {strides = array<i32>} : memref<272xi32, #tpu.memory_space<vmem>>, vector<16xi32>,
      %sub3A_887 = arith.subi %min3A_867, %gather3A_878 : vector<16xi32>
      %jit3A_888 = arith.constant 0 : i32
      %jit3A_889 = arith.constant 63 : i32
      %max3A_890 = vector.broadcast %jit3A_888 : i32 to vector<16xi32>
      %max3A_891 = arith.maxsi %max3A_890, %sub3A_887 : vector<16xi32>
      %min3A_892 = vector.broadcast %jit3A_889 : i32 to vector<16xi32>
      %min3A_893 = arith.minsi %min3A_892, %max3A_891 : vector<16xi32>
      %mul3A_894 = arith.constant 16 : i32
      %mul3A_895 = arith.muli %scan3A_92, %mul3A_894 : i32
      %swap3A_896 = arith.index_cast %mul3A_895 : i32 to index
      %swap3A_897 = tpu.vector_load %arg16[%swap3A_896] {strides = array<i32>} : memref<272xi32, #tpu.memory_space<vmem>>, vector<16xi32>,
      tpu.vector_store %arg16[%swap3A_896], %min3A_893 {strides = array<i32>} : memref<272xi32, #tpu.memory_space<vmem>>, vector<16xi32>,
      %sub3A_898 = arith.subi %gather3A_882, %gather3A_878 : vector<16xi32>
      %jit3A_899 = arith.constant 0 : i32
      %jit3A_900 = arith.constant 64 : i32
      %max3A_901 = vector.broadcast %jit3A_899 : i32 to vector<16xi32>
      %max3A_902 = arith.maxsi %max3A_901, %sub3A_898 : vector<16xi32>
      %min3A_903 = vector.broadcast %jit3A_900 : i32 to vector<16xi32>
      %min3A_904 = arith.minsi %min3A_903, %max3A_902 : vector<16xi32>
      %mul3A_905 = arith.constant 16 : i32
      %mul3A_906 = arith.muli %scan3A_92, %mul3A_905 : i32
      %swap3A_907 = arith.index_cast %mul3A_906 : i32 to index
      %swap3A_908 = tpu.vector_load %arg17[%swap3A_907] {strides = array<i32>} : memref<272xi32, #tpu.memory_space<vmem>>, vector<16xi32>,
      tpu.vector_store %arg17[%swap3A_907], %min3A_904 {strides = array<i32>} : memref<272xi32, #tpu.memory_space<vmem>>, vector<16xi32>,
      %scan3A_909 = arith.constant 0 : i32
      scf.yield %scan3A_909 : i32
    }
    %scan3A_37 = arith.constant 16 : i32
    %scan3A_38 = arith.constant 0 : i32
    %scan3A_39 = arith.constant 0 : i32
    %scan3A_40 = arith.constant 256 : i32
    %scan3A_41 = arith.addi %scan3A_39, %scan3A_40 : i32
    %scan3A_42 = arith.constant 1 : i32
    %scan3A_43 = scf.for %scan3A_92 = %scan3A_39 to %scan3A_41 step %scan3A_42 iter_args(%scan3A_93 = %scan3A_38) -> (i32)  : i32 {
      %get3A_94 = arith.index_cast %scan3A_92 : i32 to index
      %get3A_95 = tpu.vector_load %arg15[%get3A_94] {strides = array<i32>} : memref<272xi32, #tpu.memory_space<vmem>>, vector<16xi32>,
      %slice3A_96 = vector.extract_strided_slice %get3A_95 {offsets = [0], sizes = [1], strides = [1]} : vector<16xi32> to vector<1xi32>
      %squeeze3A_97 = vector.extract %slice3A_96[0] : i32 from vector<1xi32>
      %add3A_98 = arith.constant 0 : i32
      %add3A_99 = arith.addi %squeeze3A_97, %add3A_98 : i32
      %add3A_100 = vector.broadcast %add3A_99 : i32 to vector<16xi32>
      %add3A_101 = arith.addi %add3A_100, %iota3A : vector<16xi32>
      %mul3A_102 = arith.constant 64 : i32
      %mul3A_103 = arith.muli %scan3A_92, %mul3A_102 : i32
      %add3A_104 = arith.constant 0 : i32
      %add3A_105 = arith.addi %mul3A_103, %add3A_104 : i32
      %swap3A_106 = arith.index_cast %add3A_105 : i32 to index
      %swap3A_107 = tpu.vector_load %arg18[%swap3A_106] {strides = array<i32>} : memref<16384xi32, #tpu.memory_space<vmem>>, vector<16xi32>,
      tpu.vector_store %arg18[%swap3A_106], %add3A_101 {strides = array<i32>} : memref<16384xi32, #tpu.memory_space<vmem>>, vector<16xi32>,
      %add3A_108 = arith.constant 16 : i32
      %add3A_109 = arith.addi %squeeze3A_97, %add3A_108 : i32
      %add3A_110 = vector.broadcast %add3A_109 : i32 to vector<16xi32>
      %add3A_111 = arith.addi %add3A_110, %iota3A : vector<16xi32>
      %mul3A_112 = arith.constant 64 : i32
      %mul3A_113 = arith.muli %scan3A_92, %mul3A_112 : i32
      %add3A_114 = arith.constant 16 : i32
      %add3A_115 = arith.addi %mul3A_113, %add3A_114 : i32
      %swap3A_116 = arith.index_cast %add3A_115 : i32 to index
      %swap3A_117 = tpu.vector_load %arg18[%swap3A_116] {strides = array<i32>} : memref<16384xi32, #tpu.memory_space<vmem>>, vector<16xi32>,
      tpu.vector_store %arg18[%swap3A_116], %add3A_111 {strides = array<i32>} : memref<16384xi32, #tpu.memory_space<vmem>>, vector<16xi32>,
      %add3A_118 = arith.constant 32 : i32
      %add3A_119 = arith.addi %squeeze3A_97, %add3A_118 : i32
      %add3A_120 = vector.broadcast %add3A_119 : i32 to vector<16xi32>
      %add3A_121 = arith.addi %add3A_120, %iota3A : vector<16xi32>
      %mul3A_122 = arith.constant 64 : i32
      %mul3A_123 = arith.muli %scan3A_92, %mul3A_122 : i32
      %add3A_124 = arith.constant 32 : i32
      %add3A_125 = arith.addi %mul3A_123, %add3A_124 : i32
      %swap3A_126 = arith.index_cast %add3A_125 : i32 to index
      %swap3A_127 = tpu.vector_load %arg18[%swap3A_126] {strides = array<i32>} : memref<16384xi32, #tpu.memory_space<vmem>>, vector<16xi32>,
      tpu.vector_store %arg18[%swap3A_126], %add3A_121 {strides = array<i32>} : memref<16384xi32, #tpu.memory_space<vmem>>, vector<16xi32>,
      %add3A_128 = arith.constant 48 : i32
      %add3A_129 = arith.addi %squeeze3A_97, %add3A_128 : i32
      %add3A_130 = vector.broadcast %add3A_129 : i32 to vector<16xi32>
      %add3A_131 = arith.addi %add3A_130, %iota3A : vector<16xi32>
      %mul3A_132 = arith.constant 64 : i32
      %mul3A_133 = arith.muli %scan3A_92, %mul3A_132 : i32
      %add3A_134 = arith.constant 48 : i32
      %add3A_135 = arith.addi %mul3A_133, %add3A_134 : i32
      %swap3A_136 = arith.index_cast %add3A_135 : i32 to index
      %swap3A_137 = tpu.vector_load %arg18[%swap3A_136] {strides = array<i32>} : memref<16384xi32, #tpu.memory_space<vmem>>, vector<16xi32>,
      tpu.vector_store %arg18[%swap3A_136], %add3A_131 {strides = array<i32>} : memref<16384xi32, #tpu.memory_space<vmem>>, vector<16xi32>,
      %scan3A_138 = arith.constant 0 : i32
      scf.yield %scan3A_138 : i32
    }
    %scan3A_44 = arith.constant 256 : i32
    %dma_start3A_45 = arith.constant 0 : i32
    %dma_start3A_46 = tpu.memref_slice %arg6[%dma_start3A_45] : memref<1048576xi32, #tpu.memory_space<hbm>> -> memref<1048576xi32, #tpu.memory_space<hbm>>
    tpu.enqueue_indirect_dma source(%dma_start3A_46 : memref<1048576xi32, #tpu.memory_space<hbm>>) target(%arg19 : memref<16384xi32, #tpu.memory_space<vmem>>) offsets(%arg18 : memref<16384xi32, #tpu.memory_space<vmem>>) semaphore(%arg23 : memref<!tpu.dma_semaphore, #tpu.memory_space<semaphore_mem>>)
    %dma_start3A_47 = arith.constant 0 : i32
    %dma_start3A_48 = tpu.memref_slice %arg7[%dma_start3A_47] : memref<1048576xi32, #tpu.memory_space<hbm>> -> memref<1048576xi32, #tpu.memory_space<hbm>>
    tpu.enqueue_indirect_dma source(%dma_start3A_48 : memref<1048576xi32, #tpu.memory_space<hbm>>) target(%arg20 : memref<16384xi32, #tpu.memory_space<vmem>>) offsets(%arg18 : memref<16384xi32, #tpu.memory_space<vmem>>) semaphore(%arg24 : memref<!tpu.dma_semaphore, #tpu.memory_space<semaphore_mem>>)
    %dma_wait3A_49 = arith.constant 0 : i32
    %dma_wait3A_50 = tpu.memref_slice %arg6[%dma_wait3A_49] : memref<1048576xi32, #tpu.memory_space<hbm>> -> memref<1048576xi32, #tpu.memory_space<hbm>>
    tpu.wait_indirect_dma semaphore(%arg23 : memref<!tpu.dma_semaphore, #tpu.memory_space<semaphore_mem>>) src(%dma_wait3A_50 : memref<1048576xi32, #tpu.memory_space<hbm>>) dst(%arg19 : memref<16384xi32, #tpu.memory_space<vmem>>)
    %dma_wait3A_51 = arith.constant 0 : i32
    %dma_wait3A_52 = tpu.memref_slice %arg7[%dma_wait3A_51] : memref<1048576xi32, #tpu.memory_space<hbm>> -> memref<1048576xi32, #tpu.memory_space<hbm>>
    tpu.wait_indirect_dma semaphore(%arg24 : memref<!tpu.dma_semaphore, #tpu.memory_space<semaphore_mem>>) src(%dma_wait3A_52 : memref<1048576xi32, #tpu.memory_space<hbm>>) dst(%arg20 : memref<16384xi32, #tpu.memory_space<vmem>>)
    %scan3A_53 = arith.constant 0 : i32
    %scan3A_54 = arith.constant 0 : i32
    %scan3A_55 = arith.constant 256 : i32
    %scan3A_56 = arith.addi %scan3A_54, %scan3A_55 : i32
    %scan3A_57 = arith.constant 1 : i32
    %scan3A_58 = scf.for %scan3A_92 = %scan3A_54 to %scan3A_56 step %scan3A_57 iter_args(%scan3A_93 = %scan3A_53) -> (i32)  : i32 {
      %get3A_94 = arith.index_cast %scan3A_92 : i32 to index
      %get3A_95 = tpu.vector_load %arg17[%get3A_94] {strides = array<i32>} : memref<272xi32, #tpu.memory_space<vmem>>, vector<16xi32>,
      %slice3A_96 = vector.extract_strided_slice %get3A_95 {offsets = [0], sizes = [1], strides = [1]} : vector<16xi32> to vector<1xi32>
      %squeeze3A_97 = vector.extract %slice3A_96[0] : i32 from vector<1xi32>
      %add3A_98 = arith.constant 0 : i32
      %add3A_99 = vector.broadcast %add3A_98 : i32 to vector<16xi32>
      %add3A_100 = arith.addi %add3A_99, %iota3A : vector<16xi32>
      %mul3A_101 = arith.constant 64 : i32
      %mul3A_102 = arith.muli %scan3A_92, %mul3A_101 : i32
      %add3A_103 = arith.constant 0 : i32
      %add3A_104 = arith.addi %mul3A_102, %add3A_103 : i32
      %get3A_105 = arith.index_cast %add3A_104 : i32 to index
      %get3A_106 = tpu.vector_load %arg19[%get3A_105] {strides = array<i32>} : memref<16384xi32, #tpu.memory_space<vmem>>, vector<16xi32>,
      %mul3A_107 = arith.constant 64 : i32
      %mul3A_108 = arith.muli %scan3A_92, %mul3A_107 : i32
      %add3A_109 = arith.constant 0 : i32
      %add3A_110 = arith.addi %mul3A_108, %add3A_109 : i32
      %get3A_111 = arith.index_cast %add3A_110 : i32 to index
      %get3A_112 = tpu.vector_load %arg20[%get3A_111] {strides = array<i32>} : memref<16384xi32, #tpu.memory_space<vmem>>, vector<16xi32>,
      %and3A = arith.constant 131071 : i32
      %and3A_113 = vector.broadcast %and3A : i32 to vector<16xi32>
      %and3A_114 = arith.andi %get3A_106, %and3A_113 : vector<16xi32>
      %shift_left3A = arith.constant 6 : i32
      %shift_left3A_115 = vector.broadcast %shift_left3A : i32 to vector<16xi32>
      %shift_left3A_116 = arith.shli %and3A_114, %shift_left3A_115 : vector<16xi32>
      %or3A = arith.ori %shift_left3A_116, %add3A_100 : vector<16xi32>
      %lt3A = vector.broadcast %squeeze3A_97 : i32 to vector<16xi32>
      %lt3A_117 = arith.cmpi slt, %add3A_100, %lt3A : vector<16xi32>
      %jit3A = arith.constant 2147483647 : i32
      %broadcast_in_dim3A_118 = vector.broadcast %jit3A : i32 to vector<16xi32>
      %select_n3A = arith.select %lt3A_117, %or3A, %broadcast_in_dim3A_118 : vector<16xi1>, vector<16xi32>
      %masked_sort3A = arith.constant dense<true> : vector<16xi1>
      %masked_sort3A_119 = arith.constant -2147483648 : i32
      %masked_sort3A_120 = vector.broadcast %masked_sort3A_119 : i32 to vector<16xi32>
      %masked_sort3A_121 = arith.xori %select_n3A, %masked_sort3A_120 : vector<16xi32>
      %masked_sort3A_122, %masked_sort3A_123, %masked_sort3A_124 = tpu.sort %masked_sort3A_121, %get3A_112 masked %masked_sort3A : (vector<16xi32>, vector<16xi32>, vector<16xi1>) -> (vector<16xi1>, vector<16xi32>, vector<16xi32>)
      %masked_sort3A_125 = arith.xori %masked_sort3A_123, %masked_sort3A_120 : vector<16xi32>
      %add3A_126 = arith.constant 16 : i32
      %add3A_127 = vector.broadcast %add3A_126 : i32 to vector<16xi32>
      %add3A_128 = arith.addi %add3A_127, %iota3A : vector<16xi32>
      %mul3A_129 = arith.constant 64 : i32
      %mul3A_130 = arith.muli %scan3A_92, %mul3A_129 : i32
      %add3A_131 = arith.constant 16 : i32
      %add3A_132 = arith.addi %mul3A_130, %add3A_131 : i32
      %get3A_133 = arith.index_cast %add3A_132 : i32 to index
      %get3A_134 = tpu.vector_load %arg19[%get3A_133] {strides = array<i32>} : memref<16384xi32, #tpu.memory_space<vmem>>, vector<16xi32>,
      %mul3A_135 = arith.constant 64 : i32
      %mul3A_136 = arith.muli %scan3A_92, %mul3A_135 : i32
      %add3A_137 = arith.constant 16 : i32
      %add3A_138 = arith.addi %mul3A_136, %add3A_137 : i32
      %get3A_139 = arith.index_cast %add3A_138 : i32 to index
      %get3A_140 = tpu.vector_load %arg20[%get3A_139] {strides = array<i32>} : memref<16384xi32, #tpu.memory_space<vmem>>, vector<16xi32>,
      %and3A_141 = arith.constant 131071 : i32
      %and3A_142 = vector.broadcast %and3A_141 : i32 to vector<16xi32>
      %and3A_143 = arith.andi %get3A_134, %and3A_142 : vector<16xi32>
      %shift_left3A_144 = arith.constant 6 : i32
      %shift_left3A_145 = vector.broadcast %shift_left3A_144 : i32 to vector<16xi32>
      %shift_left3A_146 = arith.shli %and3A_143, %shift_left3A_145 : vector<16xi32>
      %or3A_147 = arith.ori %shift_left3A_146, %add3A_128 : vector<16xi32>
      %lt3A_148 = vector.broadcast %squeeze3A_97 : i32 to vector<16xi32>
      %lt3A_149 = arith.cmpi slt, %add3A_128, %lt3A_148 : vector<16xi32>
      %jit3A_150 = arith.constant 2147483647 : i32
      %broadcast_in_dim3A_151 = vector.broadcast %jit3A_150 : i32 to vector<16xi32>
      %select_n3A_152 = arith.select %lt3A_149, %or3A_147, %broadcast_in_dim3A_151 : vector<16xi1>, vector<16xi32>
      %masked_sort3A_153 = arith.constant dense<true> : vector<16xi1>
      %masked_sort3A_154 = arith.constant -2147483648 : i32
      %masked_sort3A_155 = vector.broadcast %masked_sort3A_154 : i32 to vector<16xi32>
      %masked_sort3A_156 = arith.xori %select_n3A_152, %masked_sort3A_155 : vector<16xi32>
      %masked_sort3A_157, %masked_sort3A_158, %masked_sort3A_159 = tpu.sort %masked_sort3A_156, %get3A_140 masked %masked_sort3A_153 : (vector<16xi32>, vector<16xi32>, vector<16xi1>) -> (vector<16xi1>, vector<16xi32>, vector<16xi32>)
      %masked_sort3A_160 = arith.xori %masked_sort3A_158, %masked_sort3A_155 : vector<16xi32>
      %add3A_161 = arith.constant 32 : i32
      %add3A_162 = vector.broadcast %add3A_161 : i32 to vector<16xi32>
      %add3A_163 = arith.addi %add3A_162, %iota3A : vector<16xi32>
      %mul3A_164 = arith.constant 64 : i32
      %mul3A_165 = arith.muli %scan3A_92, %mul3A_164 : i32
      %add3A_166 = arith.constant 32 : i32
      %add3A_167 = arith.addi %mul3A_165, %add3A_166 : i32
      %get3A_168 = arith.index_cast %add3A_167 : i32 to index
      %get3A_169 = tpu.vector_load %arg19[%get3A_168] {strides = array<i32>} : memref<16384xi32, #tpu.memory_space<vmem>>, vector<16xi32>,
      %mul3A_170 = arith.constant 64 : i32
      %mul3A_171 = arith.muli %scan3A_92, %mul3A_170 : i32
      %add3A_172 = arith.constant 32 : i32
      %add3A_173 = arith.addi %mul3A_171, %add3A_172 : i32
      %get3A_174 = arith.index_cast %add3A_173 : i32 to index
      %get3A_175 = tpu.vector_load %arg20[%get3A_174] {strides = array<i32>} : memref<16384xi32, #tpu.memory_space<vmem>>, vector<16xi32>,
      %and3A_176 = arith.constant 131071 : i32
      %and3A_177 = vector.broadcast %and3A_176 : i32 to vector<16xi32>
      %and3A_178 = arith.andi %get3A_169, %and3A_177 : vector<16xi32>
      %shift_left3A_179 = arith.constant 6 : i32
      %shift_left3A_180 = vector.broadcast %shift_left3A_179 : i32 to vector<16xi32>
      %shift_left3A_181 = arith.shli %and3A_178, %shift_left3A_180 : vector<16xi32>
      %or3A_182 = arith.ori %shift_left3A_181, %add3A_163 : vector<16xi32>
      %lt3A_183 = vector.broadcast %squeeze3A_97 : i32 to vector<16xi32>
      %lt3A_184 = arith.cmpi slt, %add3A_163, %lt3A_183 : vector<16xi32>
      %jit3A_185 = arith.constant 2147483647 : i32
      %broadcast_in_dim3A_186 = vector.broadcast %jit3A_185 : i32 to vector<16xi32>
      %select_n3A_187 = arith.select %lt3A_184, %or3A_182, %broadcast_in_dim3A_186 : vector<16xi1>, vector<16xi32>
      %masked_sort3A_188 = arith.constant dense<true> : vector<16xi1>
      %masked_sort3A_189 = arith.constant -2147483648 : i32
      %masked_sort3A_190 = vector.broadcast %masked_sort3A_189 : i32 to vector<16xi32>
      %masked_sort3A_191 = arith.xori %select_n3A_187, %masked_sort3A_190 : vector<16xi32>
      %masked_sort3A_192, %masked_sort3A_193, %masked_sort3A_194 = tpu.sort %masked_sort3A_191, %get3A_175 masked %masked_sort3A_188 : (vector<16xi32>, vector<16xi32>, vector<16xi1>) -> (vector<16xi1>, vector<16xi32>, vector<16xi32>)
      %masked_sort3A_195 = arith.xori %masked_sort3A_193, %masked_sort3A_190 : vector<16xi32>
      %add3A_196 = arith.constant 48 : i32
      %add3A_197 = vector.broadcast %add3A_196 : i32 to vector<16xi32>
      %add3A_198 = arith.addi %add3A_197, %iota3A : vector<16xi32>
      %mul3A_199 = arith.constant 64 : i32
      %mul3A_200 = arith.muli %scan3A_92, %mul3A_199 : i32
      %add3A_201 = arith.constant 48 : i32
      %add3A_202 = arith.addi %mul3A_200, %add3A_201 : i32
      %get3A_203 = arith.index_cast %add3A_202 : i32 to index
      %get3A_204 = tpu.vector_load %arg19[%get3A_203] {strides = array<i32>} : memref<16384xi32, #tpu.memory_space<vmem>>, vector<16xi32>,
      %mul3A_205 = arith.constant 64 : i32
      %mul3A_206 = arith.muli %scan3A_92, %mul3A_205 : i32
      %add3A_207 = arith.constant 48 : i32
      %add3A_208 = arith.addi %mul3A_206, %add3A_207 : i32
      %get3A_209 = arith.index_cast %add3A_208 : i32 to index
      %get3A_210 = tpu.vector_load %arg20[%get3A_209] {strides = array<i32>} : memref<16384xi32, #tpu.memory_space<vmem>>, vector<16xi32>,
      %and3A_211 = arith.constant 131071 : i32
      %and3A_212 = vector.broadcast %and3A_211 : i32 to vector<16xi32>
      %and3A_213 = arith.andi %get3A_204, %and3A_212 : vector<16xi32>
      %shift_left3A_214 = arith.constant 6 : i32
      %shift_left3A_215 = vector.broadcast %shift_left3A_214 : i32 to vector<16xi32>
      %shift_left3A_216 = arith.shli %and3A_213, %shift_left3A_215 : vector<16xi32>
      %or3A_217 = arith.ori %shift_left3A_216, %add3A_198 : vector<16xi32>
      %lt3A_218 = vector.broadcast %squeeze3A_97 : i32 to vector<16xi32>
      %lt3A_219 = arith.cmpi slt, %add3A_198, %lt3A_218 : vector<16xi32>
      %jit3A_220 = arith.constant 2147483647 : i32
      %broadcast_in_dim3A_221 = vector.broadcast %jit3A_220 : i32 to vector<16xi32>
      %select_n3A_222 = arith.select %lt3A_219, %or3A_217, %broadcast_in_dim3A_221 : vector<16xi1>, vector<16xi32>
      %masked_sort3A_223 = arith.constant dense<true> : vector<16xi1>
      %masked_sort3A_224 = arith.constant -2147483648 : i32
      %masked_sort3A_225 = vector.broadcast %masked_sort3A_224 : i32 to vector<16xi32>
      %masked_sort3A_226 = arith.xori %select_n3A_222, %masked_sort3A_225 : vector<16xi32>
      %masked_sort3A_227, %masked_sort3A_228, %masked_sort3A_229 = tpu.sort %masked_sort3A_226, %get3A_210 masked %masked_sort3A_223 : (vector<16xi32>, vector<16xi32>, vector<16xi1>) -> (vector<16xi1>, vector<16xi32>, vector<16xi32>)
      %masked_sort3A_230 = arith.xori %masked_sort3A_228, %masked_sort3A_225 : vector<16xi32>
      %rev3A = arith.constant 15 : i32
      %rev3A_231 = vector.broadcast %rev3A : i32 to vector<16xi32>
      %rev3A_232 = tpu.iota {dimensions = array<i32: 0>} : vector<16xi32>
      %rev3A_233 = arith.subi %rev3A_231, %rev3A_232 : vector<16xi32>
      %rev3A_234 = tpu.dynamic_gather %masked_sort3A_160[%rev3A_233] in [0] : vector<16xi32>, vector<16xi32> -> vector<16xi32>
      %rev3A_235 = arith.constant 15 : i32
      %rev3A_236 = vector.broadcast %rev3A_235 : i32 to vector<16xi32>
      %rev3A_237 = tpu.iota {dimensions = array<i32: 0>} : vector<16xi32>
      %rev3A_238 = arith.subi %rev3A_236, %rev3A_237 : vector<16xi32>
      %rev3A_239 = tpu.dynamic_gather %masked_sort3A_159[%rev3A_238] in [0] : vector<16xi32>, vector<16xi32> -> vector<16xi32>
      %lt3A_240 = arith.cmpi slt, %masked_sort3A_125, %rev3A_234 : vector<16xi32>
      %select_n3A_241 = arith.select %lt3A_240, %masked_sort3A_125, %rev3A_234 : vector<16xi1>, vector<16xi32>
      %select_n3A_242 = arith.select %lt3A_240, %masked_sort3A_124, %rev3A_239 : vector<16xi1>, vector<16xi32>
      %select_n3A_243 = arith.select %lt3A_240, %rev3A_234, %masked_sort3A_125 : vector<16xi1>, vector<16xi32>
      %select_n3A_244 = arith.select %lt3A_240, %rev3A_239, %masked_sort3A_124 : vector<16xi1>, vector<16xi32>
      %masked_sort3A_245 = arith.constant dense<true> : vector<16xi1>
      %masked_sort3A_246 = arith.constant -2147483648 : i32
      %masked_sort3A_247 = vector.broadcast %masked_sort3A_246 : i32 to vector<16xi32>
      %masked_sort3A_248 = arith.xori %select_n3A_241, %masked_sort3A_247 : vector<16xi32>
      %masked_sort3A_249, %masked_sort3A_250, %masked_sort3A_251 = tpu.sort %masked_sort3A_248, %select_n3A_242 masked %masked_sort3A_245 : (vector<16xi32>, vector<16xi32>, vector<16xi1>) -> (vector<16xi1>, vector<16xi32>, vector<16xi32>)
      %masked_sort3A_252 = arith.xori %masked_sort3A_250, %masked_sort3A_247 : vector<16xi32>
      %masked_sort3A_253 = arith.constant dense<true> : vector<16xi1>
      %masked_sort3A_254 = arith.constant -2147483648 : i32
      %masked_sort3A_255 = vector.broadcast %masked_sort3A_254 : i32 to vector<16xi32>
      %masked_sort3A_256 = arith.xori %select_n3A_243, %masked_sort3A_255 : vector<16xi32>
      %masked_sort3A_257, %masked_sort3A_258, %masked_sort3A_259 = tpu.sort %masked_sort3A_256, %select_n3A_244 masked %masked_sort3A_253 : (vector<16xi32>, vector<16xi32>, vector<16xi1>) -> (vector<16xi1>, vector<16xi32>, vector<16xi32>)
      %masked_sort3A_260 = arith.xori %masked_sort3A_258, %masked_sort3A_255 : vector<16xi32>
      %rev3A_261 = arith.constant 15 : i32
      %rev3A_262 = vector.broadcast %rev3A_261 : i32 to vector<16xi32>
      %rev3A_263 = tpu.iota {dimensions = array<i32: 0>} : vector<16xi32>
      %rev3A_264 = arith.subi %rev3A_262, %rev3A_263 : vector<16xi32>
      %rev3A_265 = tpu.dynamic_gather %masked_sort3A_230[%rev3A_264] in [0] : vector<16xi32>, vector<16xi32> -> vector<16xi32>
      %rev3A_266 = arith.constant 15 : i32
      %rev3A_267 = vector.broadcast %rev3A_266 : i32 to vector<16xi32>
      %rev3A_268 = tpu.iota {dimensions = array<i32: 0>} : vector<16xi32>
      %rev3A_269 = arith.subi %rev3A_267, %rev3A_268 : vector<16xi32>
      %rev3A_270 = tpu.dynamic_gather %masked_sort3A_229[%rev3A_269] in [0] : vector<16xi32>, vector<16xi32> -> vector<16xi32>
      %lt3A_271 = arith.cmpi slt, %masked_sort3A_195, %rev3A_265 : vector<16xi32>
      %select_n3A_272 = arith.select %lt3A_271, %masked_sort3A_195, %rev3A_265 : vector<16xi1>, vector<16xi32>
      %select_n3A_273 = arith.select %lt3A_271, %masked_sort3A_194, %rev3A_270 : vector<16xi1>, vector<16xi32>
      %select_n3A_274 = arith.select %lt3A_271, %rev3A_265, %masked_sort3A_195 : vector<16xi1>, vector<16xi32>
      %select_n3A_275 = arith.select %lt3A_271, %rev3A_270, %masked_sort3A_194 : vector<16xi1>, vector<16xi32>
      %masked_sort3A_276 = arith.constant dense<true> : vector<16xi1>
      %masked_sort3A_277 = arith.constant -2147483648 : i32
      %masked_sort3A_278 = vector.broadcast %masked_sort3A_277 : i32 to vector<16xi32>
      %masked_sort3A_279 = arith.xori %select_n3A_272, %masked_sort3A_278 : vector<16xi32>
      %masked_sort3A_280, %masked_sort3A_281, %masked_sort3A_282 = tpu.sort %masked_sort3A_279, %select_n3A_273 masked %masked_sort3A_276 : (vector<16xi32>, vector<16xi32>, vector<16xi1>) -> (vector<16xi1>, vector<16xi32>, vector<16xi32>)
      %masked_sort3A_283 = arith.xori %masked_sort3A_281, %masked_sort3A_278 : vector<16xi32>
      %masked_sort3A_284 = arith.constant dense<true> : vector<16xi1>
      %masked_sort3A_285 = arith.constant -2147483648 : i32
      %masked_sort3A_286 = vector.broadcast %masked_sort3A_285 : i32 to vector<16xi32>
      %masked_sort3A_287 = arith.xori %select_n3A_274, %masked_sort3A_286 : vector<16xi32>
      %masked_sort3A_288, %masked_sort3A_289, %masked_sort3A_290 = tpu.sort %masked_sort3A_287, %select_n3A_275 masked %masked_sort3A_284 : (vector<16xi32>, vector<16xi32>, vector<16xi1>) -> (vector<16xi1>, vector<16xi32>, vector<16xi32>)
      %masked_sort3A_291 = arith.xori %masked_sort3A_289, %masked_sort3A_286 : vector<16xi32>
      %rev3A_292 = arith.constant 15 : i32
      %rev3A_293 = vector.broadcast %rev3A_292 : i32 to vector<16xi32>
      %rev3A_294 = tpu.iota {dimensions = array<i32: 0>} : vector<16xi32>
      %rev3A_295 = arith.subi %rev3A_293, %rev3A_294 : vector<16xi32>
      %rev3A_296 = tpu.dynamic_gather %masked_sort3A_291[%rev3A_295] in [0] : vector<16xi32>, vector<16xi32> -> vector<16xi32>
      %rev3A_297 = arith.constant 15 : i32
      %rev3A_298 = vector.broadcast %rev3A_297 : i32 to vector<16xi32>
      %rev3A_299 = tpu.iota {dimensions = array<i32: 0>} : vector<16xi32>
      %rev3A_300 = arith.subi %rev3A_298, %rev3A_299 : vector<16xi32>
      %rev3A_301 = tpu.dynamic_gather %masked_sort3A_290[%rev3A_300] in [0] : vector<16xi32>, vector<16xi32> -> vector<16xi32>
      %rev3A_302 = arith.constant 15 : i32
      %rev3A_303 = vector.broadcast %rev3A_302 : i32 to vector<16xi32>
      %rev3A_304 = tpu.iota {dimensions = array<i32: 0>} : vector<16xi32>
      %rev3A_305 = arith.subi %rev3A_303, %rev3A_304 : vector<16xi32>
      %rev3A_306 = tpu.dynamic_gather %masked_sort3A_283[%rev3A_305] in [0] : vector<16xi32>, vector<16xi32> -> vector<16xi32>
      %rev3A_307 = arith.constant 15 : i32
      %rev3A_308 = vector.broadcast %rev3A_307 : i32 to vector<16xi32>
      %rev3A_309 = tpu.iota {dimensions = array<i32: 0>} : vector<16xi32>
      %rev3A_310 = arith.subi %rev3A_308, %rev3A_309 : vector<16xi32>
      %rev3A_311 = tpu.dynamic_gather %masked_sort3A_282[%rev3A_310] in [0] : vector<16xi32>, vector<16xi32> -> vector<16xi32>
      %lt3A_312 = arith.cmpi slt, %masked_sort3A_252, %rev3A_296 : vector<16xi32>
      %select_n3A_313 = arith.select %lt3A_312, %masked_sort3A_252, %rev3A_296 : vector<16xi1>, vector<16xi32>
      %select_n3A_314 = arith.select %lt3A_312, %masked_sort3A_251, %rev3A_301 : vector<16xi1>, vector<16xi32>
      %select_n3A_315 = arith.select %lt3A_312, %rev3A_296, %masked_sort3A_252 : vector<16xi1>, vector<16xi32>
      %select_n3A_316 = arith.select %lt3A_312, %rev3A_301, %masked_sort3A_251 : vector<16xi1>, vector<16xi32>
      %lt3A_317 = arith.cmpi slt, %masked_sort3A_260, %rev3A_306 : vector<16xi32>
      %select_n3A_318 = arith.select %lt3A_317, %masked_sort3A_260, %rev3A_306 : vector<16xi1>, vector<16xi32>
      %select_n3A_319 = arith.select %lt3A_317, %masked_sort3A_259, %rev3A_311 : vector<16xi1>, vector<16xi32>
      %select_n3A_320 = arith.select %lt3A_317, %rev3A_306, %masked_sort3A_260 : vector<16xi1>, vector<16xi32>
      %select_n3A_321 = arith.select %lt3A_317, %rev3A_311, %masked_sort3A_259 : vector<16xi1>, vector<16xi32>
      %lt3A_322 = arith.cmpi slt, %select_n3A_313, %select_n3A_318 : vector<16xi32>
      %select_n3A_323 = arith.select %lt3A_322, %select_n3A_313, %select_n3A_318 : vector<16xi1>, vector<16xi32>
      %select_n3A_324 = arith.select %lt3A_322, %select_n3A_314, %select_n3A_319 : vector<16xi1>, vector<16xi32>
      %select_n3A_325 = arith.select %lt3A_322, %select_n3A_318, %select_n3A_313 : vector<16xi1>, vector<16xi32>
      %select_n3A_326 = arith.select %lt3A_322, %select_n3A_319, %select_n3A_314 : vector<16xi1>, vector<16xi32>
      %masked_sort3A_327 = arith.constant dense<true> : vector<16xi1>
      %masked_sort3A_328 = arith.constant -2147483648 : i32
      %masked_sort3A_329 = vector.broadcast %masked_sort3A_328 : i32 to vector<16xi32>
      %masked_sort3A_330 = arith.xori %select_n3A_323, %masked_sort3A_329 : vector<16xi32>
      %masked_sort3A_331, %masked_sort3A_332, %masked_sort3A_333 = tpu.sort %masked_sort3A_330, %select_n3A_324 masked %masked_sort3A_327 : (vector<16xi32>, vector<16xi32>, vector<16xi1>) -> (vector<16xi1>, vector<16xi32>, vector<16xi32>)
      %masked_sort3A_334 = arith.xori %masked_sort3A_332, %masked_sort3A_329 : vector<16xi32>
      %masked_sort3A_335 = arith.constant dense<true> : vector<16xi1>
      %masked_sort3A_336 = arith.constant -2147483648 : i32
      %masked_sort3A_337 = vector.broadcast %masked_sort3A_336 : i32 to vector<16xi32>
      %masked_sort3A_338 = arith.xori %select_n3A_325, %masked_sort3A_337 : vector<16xi32>
      %masked_sort3A_339, %masked_sort3A_340, %masked_sort3A_341 = tpu.sort %masked_sort3A_338, %select_n3A_326 masked %masked_sort3A_335 : (vector<16xi32>, vector<16xi32>, vector<16xi1>) -> (vector<16xi1>, vector<16xi32>, vector<16xi32>)
      %masked_sort3A_342 = arith.xori %masked_sort3A_340, %masked_sort3A_337 : vector<16xi32>
      %lt3A_343 = arith.cmpi slt, %select_n3A_315, %select_n3A_320 : vector<16xi32>
      %select_n3A_344 = arith.select %lt3A_343, %select_n3A_315, %select_n3A_320 : vector<16xi1>, vector<16xi32>
      %select_n3A_345 = arith.select %lt3A_343, %select_n3A_316, %select_n3A_321 : vector<16xi1>, vector<16xi32>
      %select_n3A_346 = arith.select %lt3A_343, %select_n3A_320, %select_n3A_315 : vector<16xi1>, vector<16xi32>
      %select_n3A_347 = arith.select %lt3A_343, %select_n3A_321, %select_n3A_316 : vector<16xi1>, vector<16xi32>
      %masked_sort3A_348 = arith.constant dense<true> : vector<16xi1>
      %masked_sort3A_349 = arith.constant -2147483648 : i32
      %masked_sort3A_350 = vector.broadcast %masked_sort3A_349 : i32 to vector<16xi32>
      %masked_sort3A_351 = arith.xori %select_n3A_344, %masked_sort3A_350 : vector<16xi32>
      %masked_sort3A_352, %masked_sort3A_353, %masked_sort3A_354 = tpu.sort %masked_sort3A_351, %select_n3A_345 masked %masked_sort3A_348 : (vector<16xi32>, vector<16xi32>, vector<16xi1>) -> (vector<16xi1>, vector<16xi32>, vector<16xi32>)
      %masked_sort3A_355 = arith.xori %masked_sort3A_353, %masked_sort3A_350 : vector<16xi32>
      %masked_sort3A_356 = arith.constant dense<true> : vector<16xi1>
      %masked_sort3A_357 = arith.constant -2147483648 : i32
      %masked_sort3A_358 = vector.broadcast %masked_sort3A_357 : i32 to vector<16xi32>
      %masked_sort3A_359 = arith.xori %select_n3A_346, %masked_sort3A_358 : vector<16xi32>
      %masked_sort3A_360, %masked_sort3A_361, %masked_sort3A_362 = tpu.sort %masked_sort3A_359, %select_n3A_347 masked %masked_sort3A_356 : (vector<16xi32>, vector<16xi32>, vector<16xi1>) -> (vector<16xi1>, vector<16xi32>, vector<16xi32>)
      %masked_sort3A_363 = arith.xori %masked_sort3A_361, %masked_sort3A_358 : vector<16xi32>
      %swap3A_364 = arith.constant 0 : index
      %swap3A_365 = tpu.vector_load %arg21[%swap3A_364] {strides = array<i32>} : memref<80xi32, #tpu.memory_space<vmem>>, vector<16xi32>,
      tpu.vector_store %arg21[%swap3A_364], %masked_sort3A_333 {strides = array<i32>} : memref<80xi32, #tpu.memory_space<vmem>>, vector<16xi32>,
      %swap3A_366 = arith.constant 16 : index
      %swap3A_367 = tpu.vector_load %arg21[%swap3A_366] {strides = array<i32>} : memref<80xi32, #tpu.memory_space<vmem>>, vector<16xi32>,
      tpu.vector_store %arg21[%swap3A_366], %masked_sort3A_341 {strides = array<i32>} : memref<80xi32, #tpu.memory_space<vmem>>, vector<16xi32>,
      %swap3A_368 = arith.constant 32 : index
      %swap3A_369 = tpu.vector_load %arg21[%swap3A_368] {strides = array<i32>} : memref<80xi32, #tpu.memory_space<vmem>>, vector<16xi32>,
      tpu.vector_store %arg21[%swap3A_368], %masked_sort3A_354 {strides = array<i32>} : memref<80xi32, #tpu.memory_space<vmem>>, vector<16xi32>,
      %swap3A_370 = arith.constant 48 : index
      %swap3A_371 = tpu.vector_load %arg21[%swap3A_370] {strides = array<i32>} : memref<80xi32, #tpu.memory_space<vmem>>, vector<16xi32>,
      tpu.vector_store %arg21[%swap3A_370], %masked_sort3A_362 {strides = array<i32>} : memref<80xi32, #tpu.memory_space<vmem>>, vector<16xi32>,
      %get3A_372 = arith.index_cast %scan3A_92 : i32 to index
      %get3A_373 = tpu.vector_load %arg16[%get3A_372] {strides = array<i32>} : memref<272xi32, #tpu.memory_space<vmem>>, vector<16xi32>,
      %slice3A_374 = vector.extract_strided_slice %get3A_373 {offsets = [0], sizes = [1], strides = [1]} : vector<16xi32> to vector<1xi32>
      %squeeze3A_375 = vector.extract %slice3A_374[0] : i32 from vector<1xi32>
      %get3A_376 = arith.index_cast %squeeze3A_375 : i32 to index
      %get3A_377 = tpu.vector_load %arg21[%get3A_376] {strides = array<i32>} : memref<80xi32, #tpu.memory_space<vmem>>, vector<16xi32>,
      %slice3A_378 = vector.extract_strided_slice %get3A_377 {offsets = [0], sizes = [1], strides = [1]} : vector<16xi32> to vector<1xi32>
      %squeeze3A_379 = vector.extract %slice3A_378[0] : i32 from vector<1xi32>
      %broadcast_in_dim3A_380 = vector.broadcast %scan3A_92 : i32 to vector<16xi32>
      %broadcast_in_dim3A_381 = vector.broadcast %squeeze3A_379 : i32 to vector<16xi32>
      %eq3A = arith.constant 0 : i32
      %eq3A_382 = vector.broadcast %eq3A : i32 to vector<16xi32>
      %eq3A_383 = arith.cmpi eq, %iota3A, %eq3A_382 : vector<16xi32>
      tpu.vector_store_idx %arg22[%broadcast_in_dim3A_380], %broadcast_in_dim3A_381 masked %eq3A_383 : memref<256xi32, #tpu.memory_space<vmem>>[vector<16xi32>], vector<16xi32>, vector<16xi1>
      %scan3A_384 = arith.constant 0 : i32
      scf.yield %scan3A_384 : i32
    }
    %scan3A_59 = arith.constant 256 : i32
    %add3A_60 = arith.constant 0 : i32
    %add3A_61 = arith.addi %add3A_60, %mul3A_2 : i32
    %dma_start3A_62 = tpu.memref_slice %arg9[%add3A_61] : memref<24576xi32, #tpu.memory_space<hbm>> -> memref<256xi32, #tpu.memory_space<hbm>>
    %dma_start3A_63 = tpu.memref_slice %arg9[%add3A_61] : memref<24576xi32, #tpu.memory_space<hbm>> -> memref<256xi32, #tpu.memory_space<hbm>>
    tpu.enqueue_dma source(%arg22 : memref<256xi32, #tpu.memory_space<vmem>>) target(%dma_start3A_63 : memref<256xi32, #tpu.memory_space<hbm>>) target_semaphore(%arg23 : memref<!tpu.dma_semaphore, #tpu.memory_space<semaphore_mem>>)
    %dma_wait3A_64 = tpu.memref_slice %arg9[%add3A_61] : memref<24576xi32, #tpu.memory_space<hbm>> -> memref<256xi32, #tpu.memory_space<hbm>>
    %dma_wait3A_65 = tpu.memref_slice %arg9[%add3A_61] : memref<24576xi32, #tpu.memory_space<hbm>> -> memref<256xi32, #tpu.memory_space<hbm>>
    tpu.wait_dma2 semaphore(%arg23 : memref<!tpu.dma_semaphore, #tpu.memory_space<semaphore_mem>>) src(%arg22 : memref<256xi32, #tpu.memory_space<vmem>>) dst(%dma_wait3A_65 : memref<256xi32, #tpu.memory_space<hbm>>)
    %scan3A_66 = arith.constant 0 : i32
    %scan3A_67 = arith.constant 0 : i32
    %scan3A_68 = arith.constant 16 : i32
    %scan3A_69 = arith.addi %scan3A_67, %scan3A_68 : i32
    %scan3A_70 = arith.constant 1 : i32
    %scan3A_71 = scf.for %scan3A_92 = %scan3A_67 to %scan3A_69 step %scan3A_70 iter_args(%scan3A_93 = %scan3A_66) -> (i32)  : i32 {
      %mul3A_94 = arith.constant 16 : i32
      %mul3A_95 = arith.muli %scan3A_92, %mul3A_94 : i32
      %get3A_96 = arith.index_cast %mul3A_95 : i32 to index
      %get3A_97 = tpu.vector_load %arg22[%get3A_96] {strides = array<i32>} : memref<256xi32, #tpu.memory_space<vmem>>, vector<16xi32>,
      %add3A_98 = arith.constant 1000000 : i32
      %add3A_99 = vector.broadcast %add3A_98 : i32 to vector<16xi32>
      %add3A_100 = arith.addi %get3A_97, %add3A_99 : vector<16xi32>
      %mul3A_101 = arith.constant 16 : i32
      %mul3A_102 = arith.muli %scan3A_92, %mul3A_101 : i32
      %swap3A_103 = arith.index_cast %mul3A_102 : i32 to index
      %swap3A_104 = tpu.vector_load %arg22[%swap3A_103] {strides = array<i32>} : memref<256xi32, #tpu.memory_space<vmem>>, vector<16xi32>,
      tpu.vector_store %arg22[%swap3A_103], %add3A_100 {strides = array<i32>} : memref<256xi32, #tpu.memory_space<vmem>>, vector<16xi32>,
      %scan3A_105 = arith.constant 0 : i32
      scf.yield %scan3A_105 : i32
    }
    %scan3A_72 = arith.constant 16 : i32
    %add3A_73 = arith.constant 8192 : i32
    %add3A_74 = arith.addi %add3A_73, %mul3A_2 : i32
    %dma_start3A_75 = tpu.memref_slice %arg9[%add3A_74] : memref<24576xi32, #tpu.memory_space<hbm>> -> memref<256xi32, #tpu.memory_space<hbm>>
    %dma_start3A_76 = tpu.memref_slice %arg9[%add3A_74] : memref<24576xi32, #tpu.memory_space<hbm>> -> memref<256xi32, #tpu.memory_space<hbm>>
    tpu.enqueue_dma source(%arg22 : memref<256xi32, #tpu.memory_space<vmem>>) target(%dma_start3A_76 : memref<256xi32, #tpu.memory_space<hbm>>) target_semaphore(%arg23 : memref<!tpu.dma_semaphore, #tpu.memory_space<semaphore_mem>>)
    %dma_wait3A_77 = tpu.memref_slice %arg9[%add3A_74] : memref<24576xi32, #tpu.memory_space<hbm>> -> memref<256xi32, #tpu.memory_space<hbm>>
    %dma_wait3A_78 = tpu.memref_slice %arg9[%add3A_74] : memref<24576xi32, #tpu.memory_space<hbm>> -> memref<256xi32, #tpu.memory_space<hbm>>
    tpu.wait_dma2 semaphore(%arg23 : memref<!tpu.dma_semaphore, #tpu.memory_space<semaphore_mem>>) src(%arg22 : memref<256xi32, #tpu.memory_space<vmem>>) dst(%dma_wait3A_78 : memref<256xi32, #tpu.memory_space<hbm>>)
    %scan3A_79 = arith.constant 0 : i32
    %scan3A_80 = arith.constant 0 : i32
    %scan3A_81 = arith.constant 16 : i32
    %scan3A_82 = arith.addi %scan3A_80, %scan3A_81 : i32
    %scan3A_83 = arith.constant 1 : i32
    %scan3A_84 = scf.for %scan3A_92 = %scan3A_80 to %scan3A_82 step %scan3A_83 iter_args(%scan3A_93 = %scan3A_79) -> (i32)  : i32 {
      %mul3A_94 = arith.constant 16 : i32
      %mul3A_95 = arith.muli %scan3A_92, %mul3A_94 : i32
      %get3A_96 = arith.index_cast %mul3A_95 : i32 to index
      %get3A_97 = tpu.vector_load %arg22[%get3A_96] {strides = array<i32>} : memref<256xi32, #tpu.memory_space<vmem>>, vector<16xi32>,
      %add3A_98 = arith.constant 1000000 : i32
      %add3A_99 = vector.broadcast %add3A_98 : i32 to vector<16xi32>
      %add3A_100 = arith.addi %get3A_97, %add3A_99 : vector<16xi32>
      %mul3A_101 = arith.constant 16 : i32
      %mul3A_102 = arith.muli %scan3A_92, %mul3A_101 : i32
      %swap3A_103 = arith.index_cast %mul3A_102 : i32 to index
      %swap3A_104 = tpu.vector_load %arg22[%swap3A_103] {strides = array<i32>} : memref<256xi32, #tpu.memory_space<vmem>>, vector<16xi32>,
      tpu.vector_store %arg22[%swap3A_103], %add3A_100 {strides = array<i32>} : memref<256xi32, #tpu.memory_space<vmem>>, vector<16xi32>,
      %scan3A_105 = arith.constant 0 : i32
      scf.yield %scan3A_105 : i32
    }
    %scan3A_85 = arith.constant 16 : i32
    %add3A_86 = arith.constant 16384 : i32
    %add3A_87 = arith.addi %add3A_86, %mul3A_2 : i32
    %dma_start3A_88 = tpu.memref_slice %arg9[%add3A_87] : memref<24576xi32, #tpu.memory_space<hbm>> -> memref<256xi32, #tpu.memory_space<hbm>>
    %dma_start3A_89 = tpu.memref_slice %arg9[%add3A_87] : memref<24576xi32, #tpu.memory_space<hbm>> -> memref<256xi32, #tpu.memory_space<hbm>>
    tpu.enqueue_dma source(%arg22 : memref<256xi32, #tpu.memory_space<vmem>>) target(%dma_start3A_89 : memref<256xi32, #tpu.memory_space<hbm>>) target_semaphore(%arg23 : memref<!tpu.dma_semaphore, #tpu.memory_space<semaphore_mem>>)
    %dma_wait3A_90 = tpu.memref_slice %arg9[%add3A_87] : memref<24576xi32, #tpu.memory_space<hbm>> -> memref<256xi32, #tpu.memory_space<hbm>>
    %dma_wait3A_91 = tpu.memref_slice %arg9[%add3A_87] : memref<24576xi32, #tpu.memory_space<hbm>> -> memref<256xi32, #tpu.memory_space<hbm>>
    tpu.wait_dma2 semaphore(%arg23 : memref<!tpu.dma_semaphore, #tpu.memory_space<semaphore_mem>>) src(%arg22 : memref<256xi32, #tpu.memory_space<vmem>>) dst(%dma_wait3A_91 : memref<256xi32, #tpu.memory_space<hbm>>)
    return
  }
}

#map = affine_map<(d0, d1) -> (0, 0)>
#map1 = affine_map<(d0, d1) -> (0)>
module attributes {stable_mosaic.version = 14 : i64} {
  func.func @_sc2a(%arg0: i32, %arg1: i32, %arg2: memref<8192x128xi32, #tpu.memory_space<hbm>>, %arg3: memref<32x32768xi32, #tpu.memory_space<hbm>>, %arg4: memref<1048576xi32, #tpu.memory_space<hbm>>, %arg5: memref<1048576xi32, #tpu.memory_space<hbm>>, %arg6: memref<128x128xi32, #tpu.memory_space<vmem>>, %arg7: memref<32768xi32, #tpu.memory_space<vmem>>, %arg8: memref<16384xi32, #tpu.memory_space<vmem>>, %arg9: memref<16384xi32, #tpu.memory_space<vmem>>, %arg10: memref<16384xi32, #tpu.memory_space<vmem>>, %arg11: memref<!tpu.dma_semaphore, #tpu.memory_space<semaphore_mem>>, %arg12: memref<!tpu.dma_semaphore, #tpu.memory_space<semaphore_mem>>) attributes {dimension_semantics = [#tpu.dimension_semantics<core_parallel>, #tpu.dimension_semantics<subcore_parallel>], iteration_bounds = array<i64: 2, 16>, scalar_prefetch = 0 : i64, scratch_operands = 7 : i64, tpu.core_type = #tpu.core_type<sc_vector_subcore>, window_params = [{transform_indices = #map}, {transform_indices = #map}, {transform_indices = #map1}, {transform_indices = #map1}]} {
    %mul3A = arith.constant 2 : i32
    %mul3A_0 = arith.muli %arg1, %mul3A : i32
    %add3A = arith.addi %mul3A_0, %arg0 : i32
    %iota3A = tpu.iota {dimensions = array<i32: 0>} : vector<16xi32>
    %dma_start3A = arith.constant 0 : i32
    %dma_start3A_1 = tpu.memref_slice %arg3[%add3A, %dma_start3A] : memref<32x32768xi32, #tpu.memory_space<hbm>> -> memref<1x32768xi32, #tpu.memory_space<hbm>>
    %dma_start3A_2 = tpu.memref_squeeze %dma_start3A_1 : memref<1x32768xi32, #tpu.memory_space<hbm>> -> memref<32768xi32, #tpu.memory_space<hbm>>
    %dma_start3A_3 = arith.constant 0 : i32
    %dma_start3A_4 = tpu.memref_slice %arg3[%add3A, %dma_start3A_3] : memref<32x32768xi32, #tpu.memory_space<hbm>> -> memref<1x32768xi32, #tpu.memory_space<hbm>>
    %dma_start3A_5 = tpu.memref_squeeze %dma_start3A_4 : memref<1x32768xi32, #tpu.memory_space<hbm>> -> memref<32768xi32, #tpu.memory_space<hbm>>
    tpu.enqueue_dma source(%dma_start3A_5 : memref<32768xi32, #tpu.memory_space<hbm>>) target(%arg7 : memref<32768xi32, #tpu.memory_space<vmem>>) target_semaphore(%arg11 : memref<!tpu.dma_semaphore, #tpu.memory_space<semaphore_mem>>)
    %dma_wait3A = arith.constant 0 : i32
    %dma_wait3A_6 = tpu.memref_slice %arg3[%add3A, %dma_wait3A] : memref<32x32768xi32, #tpu.memory_space<hbm>> -> memref<1x32768xi32, #tpu.memory_space<hbm>>
    %dma_wait3A_7 = tpu.memref_squeeze %dma_wait3A_6 : memref<1x32768xi32, #tpu.memory_space<hbm>> -> memref<32768xi32, #tpu.memory_space<hbm>>
    %dma_wait3A_8 = arith.constant 0 : i32
    %dma_wait3A_9 = tpu.memref_slice %arg3[%add3A, %dma_wait3A_8] : memref<32x32768xi32, #tpu.memory_space<hbm>> -> memref<1x32768xi32, #tpu.memory_space<hbm>>
    %dma_wait3A_10 = tpu.memref_squeeze %dma_wait3A_9 : memref<1x32768xi32, #tpu.memory_space<hbm>> -> memref<32768xi32, #tpu.memory_space<hbm>>
    tpu.wait_dma2 semaphore(%arg11 : memref<!tpu.dma_semaphore, #tpu.memory_space<semaphore_mem>>) src(%dma_wait3A_10 : memref<32768xi32, #tpu.memory_space<hbm>>) dst(%arg7 : memref<32768xi32, #tpu.memory_space<vmem>>)
    %mul3A_11 = arith.constant 256 : i32
    %mul3A_12 = arith.muli %add3A, %mul3A_11 : i32
    %add3A_13 = arith.constant 0 : i32
    %add3A_14 = arith.addi %mul3A_12, %add3A_13 : i32
    %mul3A_15 = arith.constant 128 : i32
    %mul3A_16 = arith.muli %add3A_14, %mul3A_15 : i32
    %dma_start3A_17 = arith.constant 0 : i32
    %dma_start3A_18 = tpu.memref_slice %arg2[%add3A_14, %dma_start3A_17] : memref<8192x128xi32, #tpu.memory_space<hbm>> -> memref<128x128xi32, #tpu.memory_space<hbm>>
    %dma_start3A_19 = arith.constant 0 : i32
    %dma_start3A_20 = tpu.memref_slice %arg2[%add3A_14, %dma_start3A_19] : memref<8192x128xi32, #tpu.memory_space<hbm>> -> memref<128x128xi32, #tpu.memory_space<hbm>>
    tpu.enqueue_dma source(%dma_start3A_20 : memref<128x128xi32, #tpu.memory_space<hbm>>) target(%arg6 : memref<128x128xi32, #tpu.memory_space<vmem>>) target_semaphore(%arg11 : memref<!tpu.dma_semaphore, #tpu.memory_space<semaphore_mem>>)
    %dma_wait3A_21 = arith.constant 0 : i32
    %dma_wait3A_22 = tpu.memref_slice %arg2[%add3A_14, %dma_wait3A_21] : memref<8192x128xi32, #tpu.memory_space<hbm>> -> memref<128x128xi32, #tpu.memory_space<hbm>>
    %dma_wait3A_23 = arith.constant 0 : i32
    %dma_wait3A_24 = tpu.memref_slice %arg2[%add3A_14, %dma_wait3A_23] : memref<8192x128xi32, #tpu.memory_space<hbm>> -> memref<128x128xi32, #tpu.memory_space<hbm>>
    tpu.wait_dma2 semaphore(%arg11 : memref<!tpu.dma_semaphore, #tpu.memory_space<semaphore_mem>>) src(%dma_wait3A_24 : memref<128x128xi32, #tpu.memory_space<hbm>>) dst(%arg6 : memref<128x128xi32, #tpu.memory_space<vmem>>)
    %scan3A = arith.constant 0 : i32
    %scan3A_25 = arith.constant 0 : i32
    %scan3A_26 = arith.constant 1024 : i32
    %scan3A_27 = arith.addi %scan3A_25, %scan3A_26 : i32
    %scan3A_28 = arith.constant 1 : i32
    %scan3A_29 = scf.for %scan3A_68 = %scan3A_25 to %scan3A_27 step %scan3A_28 iter_args(%scan3A_69 = %scan3A) -> (i32)  : i32 {
      %jit3A = arith.constant 8 : i32
      %div3A = arith.divsi %scan3A_68, %jit3A : i32
      %sign3A = arith.constant 0 : i32
      %sign3A_70 = arith.cmpi sgt, %scan3A_68, %sign3A : i32
      %sign3A_71 = arith.extui %sign3A_70 : i1 to i32
      %sign3A_72 = arith.constant 0 : i32
      %sign3A_73 = arith.cmpi slt, %scan3A_68, %sign3A_72 : i32
      %sign3A_74 = arith.extui %sign3A_73 : i1 to i32
      %sign3A_75 = arith.subi %sign3A_71, %sign3A_74 : i32
      %sign3A_76 = arith.constant 0 : i32
      %sign3A_77 = arith.cmpi sgt, %jit3A, %sign3A_76 : i32
      %sign3A_78 = arith.extui %sign3A_77 : i1 to i32
      %sign3A_79 = arith.constant 0 : i32
      %sign3A_80 = arith.cmpi slt, %jit3A, %sign3A_79 : i32
      %sign3A_81 = arith.extui %sign3A_80 : i1 to i32
      %sign3A_82 = arith.subi %sign3A_78, %sign3A_81 : i32
      %ne3A = arith.cmpi ne, %sign3A_75, %sign3A_82 : i32
      %rem3A = arith.remsi %scan3A_68, %jit3A : i32
      %ne3A_83 = arith.constant 0 : i32
      %ne3A_84 = arith.cmpi ne, %rem3A, %ne3A_83 : i32
      %and3A = arith.andi %ne3A, %ne3A_84 : i1
      %sub3A = arith.constant 1 : i32
      %sub3A_85 = arith.subi %div3A, %sub3A : i32
      %select_n3A = arith.select %and3A, %sub3A_85, %div3A : i32
      %jit3A_86 = arith.constant 8 : i32
      %eq3A = arith.constant 0 : i32
      %eq3A_87 = arith.cmpi eq, %jit3A_86, %eq3A : i32
      %jit3A_88 = arith.constant 1 : i32
      %select_n3A_89 = arith.select %eq3A_87, %jit3A_88, %jit3A_86 : i32
      %rem3A_90 = arith.remsi %scan3A_68, %select_n3A_89 : i32
      %ne3A_91 = arith.constant 0 : i32
      %ne3A_92 = arith.cmpi ne, %rem3A_90, %ne3A_91 : i32
      %lt3A = arith.constant 0 : i32
      %lt3A_93 = arith.cmpi slt, %rem3A_90, %lt3A : i32
      %lt3A_94 = arith.constant 0 : i32
      %lt3A_95 = arith.cmpi slt, %select_n3A_89, %lt3A_94 : i32
      %ne3A_96 = arith.xori %lt3A_93, %lt3A_95 : i1
      %and3A_97 = arith.andi %ne3A_96, %ne3A_92 : i1
      %add3A_98 = arith.addi %rem3A_90, %select_n3A_89 : i32
      %select_n3A_99 = arith.select %and3A_97, %add3A_98, %rem3A_90 : i32
      %mul3A_100 = arith.constant 16 : i32
      %mul3A_101 = arith.muli %select_n3A_99, %mul3A_100 : i32
      %get3A = arith.index_cast %select_n3A : i32 to index
      %get3A_102 = arith.index_cast %mul3A_101 : i32 to index
      %get3A_103 = tpu.vector_load %arg6[%get3A, %get3A_102] {strides = array<i32>} : memref<128x128xi32, #tpu.memory_space<vmem>>, vector<16xi32>,
      %mul3A_104 = arith.constant 128 : i32
      %mul3A_105 = arith.muli %select_n3A, %mul3A_104 : i32
      %add3A_106 = arith.addi %mul3A_105, %mul3A_101 : i32
      %add3A_107 = arith.addi %mul3A_16, %add3A_106 : i32
      %add3A_108 = vector.broadcast %add3A_107 : i32 to vector<16xi32>
      %add3A_109 = arith.addi %add3A_108, %iota3A : vector<16xi32>
      %lt3A_110 = arith.constant 1000000 : i32
      %lt3A_111 = vector.broadcast %lt3A_110 : i32 to vector<16xi32>
      %lt3A_112 = arith.cmpi slt, %add3A_109, %lt3A_111 : vector<16xi32>
      %shift_right_logical3A = arith.constant 17 : i32
      %shift_right_logical3A_113 = vector.broadcast %shift_right_logical3A : i32 to vector<16xi32>
      %shift_right_logical3A_114 = arith.shrui %get3A_103, %shift_right_logical3A_113 : vector<16xi32>
      %unique3A, %unique3A_115 = tpu.scan_count mask(%lt3A_112 : vector<16xi1>) value(%shift_right_logical3A_114 : vector<16xi32>) : vector<16xi1>, vector<16xi32>
      %gather3A = tpu.vector_load_idx %arg7[%shift_right_logical3A_114] masked %lt3A_112 : memref<32768xi32, #tpu.memory_space<vmem>>[vector<16xi32>], vector<16xi32>, vector<16xi1>
      %add3A_116 = arith.addi %gather3A, %unique3A_115 : vector<16xi32>
      %sub3A_117 = arith.constant 1 : i32
      %sub3A_118 = vector.broadcast %sub3A_117 : i32 to vector<16xi32>
      %sub3A_119 = arith.subi %add3A_116, %sub3A_118 : vector<16xi32>
      %add3A_120 = arith.addi %gather3A, %unique3A_115 : vector<16xi32>
      %and3A_121 = arith.andi %lt3A_112, %unique3A : vector<16xi1>
      tpu.vector_store_idx %arg7[%shift_right_logical3A_114], %add3A_120 masked %and3A_121 : memref<32768xi32, #tpu.memory_space<vmem>>[vector<16xi32>], vector<16xi32>, vector<16xi1>
      %mul3A_122 = arith.constant 16 : i32
      %mul3A_123 = arith.muli %add3A, %mul3A_122 : i32
      %add3A_124 = arith.constant 1001024 : i32
      %add3A_125 = arith.addi %add3A_124, %mul3A_123 : i32
      %broadcast_in_dim3A = vector.broadcast %add3A_125 : i32 to vector<16xi32>
      %select_n3A_126 = arith.select %lt3A_112, %sub3A_119, %broadcast_in_dim3A : vector<16xi1>, vector<16xi32>
      %swap3A = arith.index_cast %add3A_106 : i32 to index
      %swap3A_127 = tpu.vector_load %arg8[%swap3A] {strides = array<i32>} : memref<16384xi32, #tpu.memory_space<vmem>>, vector<16xi32>,
      tpu.vector_store %arg8[%swap3A], %select_n3A_126 {strides = array<i32>} : memref<16384xi32, #tpu.memory_space<vmem>>, vector<16xi32>,
      %swap3A_128 = arith.index_cast %add3A_106 : i32 to index
      %swap3A_129 = tpu.vector_load %arg9[%swap3A_128] {strides = array<i32>} : memref<16384xi32, #tpu.memory_space<vmem>>, vector<16xi32>,
      tpu.vector_store %arg9[%swap3A_128], %get3A_103 {strides = array<i32>} : memref<16384xi32, #tpu.memory_space<vmem>>, vector<16xi32>,
      %swap3A_130 = arith.index_cast %add3A_106 : i32 to index
      %swap3A_131 = tpu.vector_load %arg10[%swap3A_130] {strides = array<i32>} : memref<16384xi32, #tpu.memory_space<vmem>>, vector<16xi32>,
      tpu.vector_store %arg10[%swap3A_130], %add3A_109 {strides = array<i32>} : memref<16384xi32, #tpu.memory_space<vmem>>, vector<16xi32>,
      %scan3A_132 = arith.constant 0 : i32
      scf.yield %scan3A_132 : i32
    }
    %scan3A_30 = arith.constant 1024 : i32
    %dma_start3A_31 = arith.constant 0 : i32
    %dma_start3A_32 = tpu.memref_slice %arg4[%dma_start3A_31] : memref<1048576xi32, #tpu.memory_space<hbm>> -> memref<1048576xi32, #tpu.memory_space<hbm>>
    tpu.enqueue_indirect_dma source(%arg9 : memref<16384xi32, #tpu.memory_space<vmem>>) target(%dma_start3A_32 : memref<1048576xi32, #tpu.memory_space<hbm>>) offsets(%arg8 : memref<16384xi32, #tpu.memory_space<vmem>>) semaphore(%arg11 : memref<!tpu.dma_semaphore, #tpu.memory_space<semaphore_mem>>)
    %dma_start3A_33 = arith.constant 0 : i32
    %dma_start3A_34 = tpu.memref_slice %arg5[%dma_start3A_33] : memref<1048576xi32, #tpu.memory_space<hbm>> -> memref<1048576xi32, #tpu.memory_space<hbm>>
    tpu.enqueue_indirect_dma source(%arg10 : memref<16384xi32, #tpu.memory_space<vmem>>) target(%dma_start3A_34 : memref<1048576xi32, #tpu.memory_space<hbm>>) offsets(%arg8 : memref<16384xi32, #tpu.memory_space<vmem>>) semaphore(%arg12 : memref<!tpu.dma_semaphore, #tpu.memory_space<semaphore_mem>>)
    %dma_wait3A_35 = arith.constant 0 : i32
    %dma_wait3A_36 = tpu.memref_slice %arg4[%dma_wait3A_35] : memref<1048576xi32, #tpu.memory_space<hbm>> -> memref<1048576xi32, #tpu.memory_space<hbm>>
    tpu.wait_indirect_dma semaphore(%arg11 : memref<!tpu.dma_semaphore, #tpu.memory_space<semaphore_mem>>) src(%arg9 : memref<16384xi32, #tpu.memory_space<vmem>>) dst(%dma_wait3A_36 : memref<1048576xi32, #tpu.memory_space<hbm>>)
    %dma_wait3A_37 = arith.constant 0 : i32
    %dma_wait3A_38 = tpu.memref_slice %arg5[%dma_wait3A_37] : memref<1048576xi32, #tpu.memory_space<hbm>> -> memref<1048576xi32, #tpu.memory_space<hbm>>
    tpu.wait_indirect_dma semaphore(%arg12 : memref<!tpu.dma_semaphore, #tpu.memory_space<semaphore_mem>>) src(%arg10 : memref<16384xi32, #tpu.memory_space<vmem>>) dst(%dma_wait3A_38 : memref<1048576xi32, #tpu.memory_space<hbm>>)
    %mul3A_39 = arith.constant 256 : i32
    %mul3A_40 = arith.muli %add3A, %mul3A_39 : i32
    %add3A_41 = arith.constant 128 : i32
    %add3A_42 = arith.addi %mul3A_40, %add3A_41 : i32
    %mul3A_43 = arith.constant 128 : i32
    %mul3A_44 = arith.muli %add3A_42, %mul3A_43 : i32
    %dma_start3A_45 = arith.constant 0 : i32
    %dma_start3A_46 = tpu.memref_slice %arg2[%add3A_42, %dma_start3A_45] : memref<8192x128xi32, #tpu.memory_space<hbm>> -> memref<128x128xi32, #tpu.memory_space<hbm>>
    %dma_start3A_47 = arith.constant 0 : i32
    %dma_start3A_48 = tpu.memref_slice %arg2[%add3A_42, %dma_start3A_47] : memref<8192x128xi32, #tpu.memory_space<hbm>> -> memref<128x128xi32, #tpu.memory_space<hbm>>
    tpu.enqueue_dma source(%dma_start3A_48 : memref<128x128xi32, #tpu.memory_space<hbm>>) target(%arg6 : memref<128x128xi32, #tpu.memory_space<vmem>>) target_semaphore(%arg11 : memref<!tpu.dma_semaphore, #tpu.memory_space<semaphore_mem>>)
    %dma_wait3A_49 = arith.constant 0 : i32
    %dma_wait3A_50 = tpu.memref_slice %arg2[%add3A_42, %dma_wait3A_49] : memref<8192x128xi32, #tpu.memory_space<hbm>> -> memref<128x128xi32, #tpu.memory_space<hbm>>
    %dma_wait3A_51 = arith.constant 0 : i32
    %dma_wait3A_52 = tpu.memref_slice %arg2[%add3A_42, %dma_wait3A_51] : memref<8192x128xi32, #tpu.memory_space<hbm>> -> memref<128x128xi32, #tpu.memory_space<hbm>>
    tpu.wait_dma2 semaphore(%arg11 : memref<!tpu.dma_semaphore, #tpu.memory_space<semaphore_mem>>) src(%dma_wait3A_52 : memref<128x128xi32, #tpu.memory_space<hbm>>) dst(%arg6 : memref<128x128xi32, #tpu.memory_space<vmem>>)
    %scan3A_53 = arith.constant 0 : i32
    %scan3A_54 = arith.constant 0 : i32
    %scan3A_55 = arith.constant 1024 : i32
    %scan3A_56 = arith.addi %scan3A_54, %scan3A_55 : i32
    %scan3A_57 = arith.constant 1 : i32
    %scan3A_58 = scf.for %scan3A_68 = %scan3A_54 to %scan3A_56 step %scan3A_57 iter_args(%scan3A_69 = %scan3A_53) -> (i32)  : i32 {
      %jit3A = arith.constant 8 : i32
      %div3A = arith.divsi %scan3A_68, %jit3A : i32
      %sign3A = arith.constant 0 : i32
      %sign3A_70 = arith.cmpi sgt, %scan3A_68, %sign3A : i32
      %sign3A_71 = arith.extui %sign3A_70 : i1 to i32
      %sign3A_72 = arith.constant 0 : i32
      %sign3A_73 = arith.cmpi slt, %scan3A_68, %sign3A_72 : i32
      %sign3A_74 = arith.extui %sign3A_73 : i1 to i32
      %sign3A_75 = arith.subi %sign3A_71, %sign3A_74 : i32
      %sign3A_76 = arith.constant 0 : i32
      %sign3A_77 = arith.cmpi sgt, %jit3A, %sign3A_76 : i32
      %sign3A_78 = arith.extui %sign3A_77 : i1 to i32
      %sign3A_79 = arith.constant 0 : i32
      %sign3A_80 = arith.cmpi slt, %jit3A, %sign3A_79 : i32
      %sign3A_81 = arith.extui %sign3A_80 : i1 to i32
      %sign3A_82 = arith.subi %sign3A_78, %sign3A_81 : i32
      %ne3A = arith.cmpi ne, %sign3A_75, %sign3A_82 : i32
      %rem3A = arith.remsi %scan3A_68, %jit3A : i32
      %ne3A_83 = arith.constant 0 : i32
      %ne3A_84 = arith.cmpi ne, %rem3A, %ne3A_83 : i32
      %and3A = arith.andi %ne3A, %ne3A_84 : i1
      %sub3A = arith.constant 1 : i32
      %sub3A_85 = arith.subi %div3A, %sub3A : i32
      %select_n3A = arith.select %and3A, %sub3A_85, %div3A : i32
      %jit3A_86 = arith.constant 8 : i32
      %eq3A = arith.constant 0 : i32
      %eq3A_87 = arith.cmpi eq, %jit3A_86, %eq3A : i32
      %jit3A_88 = arith.constant 1 : i32
      %select_n3A_89 = arith.select %eq3A_87, %jit3A_88, %jit3A_86 : i32
      %rem3A_90 = arith.remsi %scan3A_68, %select_n3A_89 : i32
      %ne3A_91 = arith.constant 0 : i32
      %ne3A_92 = arith.cmpi ne, %rem3A_90, %ne3A_91 : i32
      %lt3A = arith.constant 0 : i32
      %lt3A_93 = arith.cmpi slt, %rem3A_90, %lt3A : i32
      %lt3A_94 = arith.constant 0 : i32
      %lt3A_95 = arith.cmpi slt, %select_n3A_89, %lt3A_94 : i32
      %ne3A_96 = arith.xori %lt3A_93, %lt3A_95 : i1
      %and3A_97 = arith.andi %ne3A_96, %ne3A_92 : i1
      %add3A_98 = arith.addi %rem3A_90, %select_n3A_89 : i32
      %select_n3A_99 = arith.select %and3A_97, %add3A_98, %rem3A_90 : i32
      %mul3A_100 = arith.constant 16 : i32
      %mul3A_101 = arith.muli %select_n3A_99, %mul3A_100 : i32
      %get3A = arith.index_cast %select_n3A : i32 to index
      %get3A_102 = arith.index_cast %mul3A_101 : i32 to index
      %get3A_103 = tpu.vector_load %arg6[%get3A, %get3A_102] {strides = array<i32>} : memref<128x128xi32, #tpu.memory_space<vmem>>, vector<16xi32>,
      %mul3A_104 = arith.constant 128 : i32
      %mul3A_105 = arith.muli %select_n3A, %mul3A_104 : i32
      %add3A_106 = arith.addi %mul3A_105, %mul3A_101 : i32
      %add3A_107 = arith.addi %mul3A_44, %add3A_106 : i32
      %add3A_108 = vector.broadcast %add3A_107 : i32 to vector<16xi32>
      %add3A_109 = arith.addi %add3A_108, %iota3A : vector<16xi32>
      %lt3A_110 = arith.constant 1000000 : i32
      %lt3A_111 = vector.broadcast %lt3A_110 : i32 to vector<16xi32>
      %lt3A_112 = arith.cmpi slt, %add3A_109, %lt3A_111 : vector<16xi32>
      %shift_right_logical3A = arith.constant 17 : i32
      %shift_right_logical3A_113 = vector.broadcast %shift_right_logical3A : i32 to vector<16xi32>
      %shift_right_logical3A_114 = arith.shrui %get3A_103, %shift_right_logical3A_113 : vector<16xi32>
      %unique3A, %unique3A_115 = tpu.scan_count mask(%lt3A_112 : vector<16xi1>) value(%shift_right_logical3A_114 : vector<16xi32>) : vector<16xi1>, vector<16xi32>
      %gather3A = tpu.vector_load_idx %arg7[%shift_right_logical3A_114] masked %lt3A_112 : memref<32768xi32, #tpu.memory_space<vmem>>[vector<16xi32>], vector<16xi32>, vector<16xi1>
      %add3A_116 = arith.addi %gather3A, %unique3A_115 : vector<16xi32>
      %sub3A_117 = arith.constant 1 : i32
      %sub3A_118 = vector.broadcast %sub3A_117 : i32 to vector<16xi32>
      %sub3A_119 = arith.subi %add3A_116, %sub3A_118 : vector<16xi32>
      %add3A_120 = arith.addi %gather3A, %unique3A_115 : vector<16xi32>
      %and3A_121 = arith.andi %lt3A_112, %unique3A : vector<16xi1>
      tpu.vector_store_idx %arg7[%shift_right_logical3A_114], %add3A_120 masked %and3A_121 : memref<32768xi32, #tpu.memory_space<vmem>>[vector<16xi32>], vector<16xi32>, vector<16xi1>
      %mul3A_122 = arith.constant 16 : i32
      %mul3A_123 = arith.muli %add3A, %mul3A_122 : i32
      %add3A_124 = arith.constant 1001024 : i32
      %add3A_125 = arith.addi %add3A_124, %mul3A_123 : i32
      %broadcast_in_dim3A = vector.broadcast %add3A_125 : i32 to vector<16xi32>
      %select_n3A_126 = arith.select %lt3A_112, %sub3A_119, %broadcast_in_dim3A : vector<16xi1>, vector<16xi32>
      %swap3A = arith.index_cast %add3A_106 : i32 to index
      %swap3A_127 = tpu.vector_load %arg8[%swap3A] {strides = array<i32>} : memref<16384xi32, #tpu.memory_space<vmem>>, vector<16xi32>,
      tpu.vector_store %arg8[%swap3A], %select_n3A_126 {strides = array<i32>} : memref<16384xi32, #tpu.memory_space<vmem>>, vector<16xi32>,
      %swap3A_128 = arith.index_cast %add3A_106 : i32 to index
      %swap3A_129 = tpu.vector_load %arg9[%swap3A_128] {strides = array<i32>} : memref<16384xi32, #tpu.memory_space<vmem>>, vector<16xi32>,
      tpu.vector_store %arg9[%swap3A_128], %get3A_103 {strides = array<i32>} : memref<16384xi32, #tpu.memory_space<vmem>>, vector<16xi32>,
      %swap3A_130 = arith.index_cast %add3A_106 : i32 to index
      %swap3A_131 = tpu.vector_load %arg10[%swap3A_130] {strides = array<i32>} : memref<16384xi32, #tpu.memory_space<vmem>>, vector<16xi32>,
      tpu.vector_store %arg10[%swap3A_130], %add3A_109 {strides = array<i32>} : memref<16384xi32, #tpu.memory_space<vmem>>, vector<16xi32>,
      %scan3A_132 = arith.constant 0 : i32
      scf.yield %scan3A_132 : i32
    }
    %scan3A_59 = arith.constant 1024 : i32
    %dma_start3A_60 = arith.constant 0 : i32
    %dma_start3A_61 = tpu.memref_slice %arg4[%dma_start3A_60] : memref<1048576xi32, #tpu.memory_space<hbm>> -> memref<1048576xi32, #tpu.memory_space<hbm>>
    tpu.enqueue_indirect_dma source(%arg9 : memref<16384xi32, #tpu.memory_space<vmem>>) target(%dma_start3A_61 : memref<1048576xi32, #tpu.memory_space<hbm>>) offsets(%arg8 : memref<16384xi32, #tpu.memory_space<vmem>>) semaphore(%arg11 : memref<!tpu.dma_semaphore, #tpu.memory_space<semaphore_mem>>)
    %dma_start3A_62 = arith.constant 0 : i32
    %dma_start3A_63 = tpu.memref_slice %arg5[%dma_start3A_62] : memref<1048576xi32, #tpu.memory_space<hbm>> -> memref<1048576xi32, #tpu.memory_space<hbm>>
    tpu.enqueue_indirect_dma source(%arg10 : memref<16384xi32, #tpu.memory_space<vmem>>) target(%dma_start3A_63 : memref<1048576xi32, #tpu.memory_space<hbm>>) offsets(%arg8 : memref<16384xi32, #tpu.memory_space<vmem>>) semaphore(%arg12 : memref<!tpu.dma_semaphore, #tpu.memory_space<semaphore_mem>>)
    %dma_wait3A_64 = arith.constant 0 : i32
    %dma_wait3A_65 = tpu.memref_slice %arg4[%dma_wait3A_64] : memref<1048576xi32, #tpu.memory_space<hbm>> -> memref<1048576xi32, #tpu.memory_space<hbm>>
    tpu.wait_indirect_dma semaphore(%arg11 : memref<!tpu.dma_semaphore, #tpu.memory_space<semaphore_mem>>) src(%arg9 : memref<16384xi32, #tpu.memory_space<vmem>>) dst(%dma_wait3A_65 : memref<1048576xi32, #tpu.memory_space<hbm>>)
    %dma_wait3A_66 = arith.constant 0 : i32
    %dma_wait3A_67 = tpu.memref_slice %arg5[%dma_wait3A_66] : memref<1048576xi32, #tpu.memory_space<hbm>> -> memref<1048576xi32, #tpu.memory_space<hbm>>
    tpu.wait_indirect_dma semaphore(%arg12 : memref<!tpu.dma_semaphore, #tpu.memory_space<semaphore_mem>>) src(%arg10 : memref<16384xi32, #tpu.memory_space<vmem>>) dst(%dma_wait3A_67 : memref<1048576xi32, #tpu.memory_space<hbm>>)
    return
  }
}

#map = affine_map<(d0, d1) -> (0)>
module attributes {stable_mosaic.version = 14 : i64} {
  func.func @_sc_gather(%arg0: i32, %arg1: i32, %arg2: memref<3000000xf32, #tpu.memory_space<hbm>>, %arg3: memref<3000000xf32, #tpu.memory_space<hbm>>, %arg4: memref<24576xi32, #tpu.memory_space<hbm>>, %arg5: memref<24576xf32, #tpu.memory_space<hbm>>, %arg6: memref<24576xf32, #tpu.memory_space<hbm>>, %arg7: memref<768xi32, #tpu.memory_space<vmem>>, %arg8: memref<768xf32, #tpu.memory_space<vmem>>, %arg9: memref<768xf32, #tpu.memory_space<vmem>>, %arg10: memref<!tpu.dma_semaphore, #tpu.memory_space<semaphore_mem>>, %arg11: memref<!tpu.dma_semaphore, #tpu.memory_space<semaphore_mem>>) attributes {dimension_semantics = [#tpu.dimension_semantics<core_parallel>, #tpu.dimension_semantics<subcore_parallel>], iteration_bounds = array<i64: 2, 16>, scalar_prefetch = 0 : i64, scratch_operands = 5 : i64, tpu.core_type = #tpu.core_type<sc_vector_subcore>, window_params = [{transform_indices = #map}, {transform_indices = #map}, {transform_indices = #map}, {transform_indices = #map}, {transform_indices = #map}]} {
    %mul3A = arith.constant 2 : i32
    %mul3A_0 = arith.muli %arg1, %mul3A : i32
    %add3A = arith.addi %mul3A_0, %arg0 : i32
    %mul3A_1 = arith.constant 768 : i32
    %mul3A_2 = arith.muli %add3A, %mul3A_1 : i32
    "tpu.region"() ({
      %run_scoped3A = tpu.sem_alloc : memref<!tpu.dma_semaphore, #tpu.memory_space<semaphore_mem>>
      %dma_start3A_9 = tpu.memref_slice %arg4[%mul3A_2] : memref<24576xi32, #tpu.memory_space<hbm>> -> memref<768xi32, #tpu.memory_space<hbm>>
      %dma_start3A_10 = tpu.memref_slice %arg4[%mul3A_2] : memref<24576xi32, #tpu.memory_space<hbm>> -> memref<768xi32, #tpu.memory_space<hbm>>
      tpu.enqueue_dma source(%dma_start3A_10 : memref<768xi32, #tpu.memory_space<hbm>>) target(%arg7 : memref<768xi32, #tpu.memory_space<vmem>>) target_semaphore(%run_scoped3A : memref<!tpu.dma_semaphore, #tpu.memory_space<semaphore_mem>>)
      %dma_wait3A_11 = tpu.memref_slice %arg4[%mul3A_2] : memref<24576xi32, #tpu.memory_space<hbm>> -> memref<768xi32, #tpu.memory_space<hbm>>
      %dma_wait3A_12 = tpu.memref_slice %arg4[%mul3A_2] : memref<24576xi32, #tpu.memory_space<hbm>> -> memref<768xi32, #tpu.memory_space<hbm>>
      tpu.wait_dma2 semaphore(%run_scoped3A : memref<!tpu.dma_semaphore, #tpu.memory_space<semaphore_mem>>) src(%dma_wait3A_12 : memref<768xi32, #tpu.memory_space<hbm>>) dst(%arg7 : memref<768xi32, #tpu.memory_space<vmem>>)
      tpu.yield
    }) : () -> ()
    %dma_start3A = arith.constant 0 : i32
    %dma_start3A_3 = tpu.memref_slice %arg2[%dma_start3A] : memref<3000000xf32, #tpu.memory_space<hbm>> -> memref<3000000xf32, #tpu.memory_space<hbm>>
    tpu.enqueue_indirect_dma source(%dma_start3A_3 : memref<3000000xf32, #tpu.memory_space<hbm>>) target(%arg8 : memref<768xf32, #tpu.memory_space<vmem>>) offsets(%arg7 : memref<768xi32, #tpu.memory_space<vmem>>) semaphore(%arg10 : memref<!tpu.dma_semaphore, #tpu.memory_space<semaphore_mem>>)
    %dma_start3A_4 = arith.constant 0 : i32
    %dma_start3A_5 = tpu.memref_slice %arg3[%dma_start3A_4] : memref<3000000xf32, #tpu.memory_space<hbm>> -> memref<3000000xf32, #tpu.memory_space<hbm>>
    tpu.enqueue_indirect_dma source(%dma_start3A_5 : memref<3000000xf32, #tpu.memory_space<hbm>>) target(%arg9 : memref<768xf32, #tpu.memory_space<vmem>>) offsets(%arg7 : memref<768xi32, #tpu.memory_space<vmem>>) semaphore(%arg11 : memref<!tpu.dma_semaphore, #tpu.memory_space<semaphore_mem>>)
    %dma_wait3A = arith.constant 0 : i32
    %dma_wait3A_6 = tpu.memref_slice %arg2[%dma_wait3A] : memref<3000000xf32, #tpu.memory_space<hbm>> -> memref<3000000xf32, #tpu.memory_space<hbm>>
    tpu.wait_indirect_dma semaphore(%arg10 : memref<!tpu.dma_semaphore, #tpu.memory_space<semaphore_mem>>) src(%dma_wait3A_6 : memref<3000000xf32, #tpu.memory_space<hbm>>) dst(%arg8 : memref<768xf32, #tpu.memory_space<vmem>>)
    %dma_wait3A_7 = arith.constant 0 : i32
    %dma_wait3A_8 = tpu.memref_slice %arg3[%dma_wait3A_7] : memref<3000000xf32, #tpu.memory_space<hbm>> -> memref<3000000xf32, #tpu.memory_space<hbm>>
    tpu.wait_indirect_dma semaphore(%arg11 : memref<!tpu.dma_semaphore, #tpu.memory_space<semaphore_mem>>) src(%dma_wait3A_8 : memref<3000000xf32, #tpu.memory_space<hbm>>) dst(%arg9 : memref<768xf32, #tpu.memory_space<vmem>>)
    "tpu.region"() ({
      %run_scoped3A = tpu.sem_alloc : memref<!tpu.dma_semaphore, #tpu.memory_space<semaphore_mem>>
      %dma_start3A_9 = tpu.memref_slice %arg5[%mul3A_2] : memref<24576xf32, #tpu.memory_space<hbm>> -> memref<768xf32, #tpu.memory_space<hbm>>
      %dma_start3A_10 = tpu.memref_slice %arg5[%mul3A_2] : memref<24576xf32, #tpu.memory_space<hbm>> -> memref<768xf32, #tpu.memory_space<hbm>>
      tpu.enqueue_dma source(%arg8 : memref<768xf32, #tpu.memory_space<vmem>>) target(%dma_start3A_10 : memref<768xf32, #tpu.memory_space<hbm>>) target_semaphore(%run_scoped3A : memref<!tpu.dma_semaphore, #tpu.memory_space<semaphore_mem>>)
      %dma_wait3A_11 = tpu.memref_slice %arg5[%mul3A_2] : memref<24576xf32, #tpu.memory_space<hbm>> -> memref<768xf32, #tpu.memory_space<hbm>>
      %dma_wait3A_12 = tpu.memref_slice %arg5[%mul3A_2] : memref<24576xf32, #tpu.memory_space<hbm>> -> memref<768xf32, #tpu.memory_space<hbm>>
      tpu.wait_dma2 semaphore(%run_scoped3A : memref<!tpu.dma_semaphore, #tpu.memory_space<semaphore_mem>>) src(%arg8 : memref<768xf32, #tpu.memory_space<vmem>>) dst(%dma_wait3A_12 : memref<768xf32, #tpu.memory_space<hbm>>)
      tpu.yield
    }) : () -> ()
    "tpu.region"() ({
      %run_scoped3A = tpu.sem_alloc : memref<!tpu.dma_semaphore, #tpu.memory_space<semaphore_mem>>
      %dma_start3A_9 = tpu.memref_slice %arg6[%mul3A_2] : memref<24576xf32, #tpu.memory_space<hbm>> -> memref<768xf32, #tpu.memory_space<hbm>>
      %dma_start3A_10 = tpu.memref_slice %arg6[%mul3A_2] : memref<24576xf32, #tpu.memory_space<hbm>> -> memref<768xf32, #tpu.memory_space<hbm>>
      tpu.enqueue_dma source(%arg9 : memref<768xf32, #tpu.memory_space<vmem>>) target(%dma_start3A_10 : memref<768xf32, #tpu.memory_space<hbm>>) target_semaphore(%run_scoped3A : memref<!tpu.dma_semaphore, #tpu.memory_space<semaphore_mem>>)
      %dma_wait3A_11 = tpu.memref_slice %arg6[%mul3A_2] : memref<24576xf32, #tpu.memory_space<hbm>> -> memref<768xf32, #tpu.memory_space<hbm>>
      %dma_wait3A_12 = tpu.memref_slice %arg6[%mul3A_2] : memref<24576xf32, #tpu.memory_space<hbm>> -> memref<768xf32, #tpu.memory_space<hbm>>
      tpu.wait_dma2 semaphore(%run_scoped3A : memref<!tpu.dma_semaphore, #tpu.memory_space<semaphore_mem>>) src(%arg9 : memref<768xf32, #tpu.memory_space<vmem>>) dst(%dma_wait3A_12 : memref<768xf32, #tpu.memory_space<hbm>>)
      tpu.yield
    }) : () -> ()
    return
  }
}

module attributes {stable_mosaic.version = 14 : i64} {
  func.func @_tc_rng_body(%arg0: i32, %arg1: memref<8xi32, #tpu.memory_space<smem>>, %arg2: memref<1024x128xi32, #tpu.memory_space<vmem>>, %arg3: memref<1024x128xi32, #tpu.memory_space<vmem>>, %arg4: memref<192x128xf32, #tpu.memory_space<vmem>>) attributes {dimension_semantics = [#tpu.dimension_semantics<arbitrary>], iteration_bounds = array<i64: 8>, scalar_prefetch = 0 : i64, scratch_operands = 0 : i64, tpu.core_type = #tpu.core_type<tc>, window_params = [{transform_indices = @transform_0, window_bounds = array<i64: 8>}, {transform_indices = @transform_1, window_bounds = array<i64: 1024, 128>}, {transform_indices = @transform_2, window_bounds = array<i64: 1024, 128>}, {pipeline_mode = #tpu.pipeline_mode<synchronous>, transform_indices = @transform_3, window_bounds = array<i64: 192, 128>}]} {
    %iota3A = tpu.iota {dimensions = array<i32: 0>} : vector<1024x128xi32>
    %iota3A_0 = tpu.iota {dimensions = array<i32: 1>} : vector<1024x128xi32>
    %mul3A = arith.constant 1024 : i32
    %mul3A_1 = arith.muli %arg0, %mul3A : i32
    %add3A = vector.broadcast %mul3A_1 : i32 to vector<1024x128xi32>
    %add3A_2 = arith.addi %add3A, %iota3A : vector<1024x128xi32>
    %mul3A_3 = arith.constant 128 : i32
    %mul3A_4 = vector.broadcast %mul3A_3 : i32 to vector<1024x128xi32>
    %mul3A_5 = arith.muli %add3A_2, %mul3A_4 : vector<1024x128xi32>
    %add3A_6 = arith.addi %mul3A_5, %iota3A_0 : vector<1024x128xi32>
    %get3A = arith.constant 0 : index
    %get3A_7 = memref.load %arg1[%get3A] : memref<8xi32, #tpu.memory_space<smem>>
    %get3A_8 = arith.constant 1 : index
    %get3A_9 = memref.load %arg1[%get3A_8] : memref<8xi32, #tpu.memory_space<smem>>
    %broadcast_in_dim3A = arith.constant 0 : i32
    %broadcast_in_dim3A_10 = vector.broadcast %broadcast_in_dim3A : i32 to vector<1024x128xi32>
    %xor3A = arith.xori %get3A_7, %get3A_9 : i32
    %xor3A_11 = arith.constant 466688986 : i32
    %xor3A_12 = arith.xori %xor3A, %xor3A_11 : i32
    %add3A_13 = vector.broadcast %get3A_7 : i32 to vector<1024x128xi32>
    %add3A_14 = arith.addi %broadcast_in_dim3A_10, %add3A_13 : vector<1024x128xi32>
    %add3A_15 = vector.broadcast %get3A_9 : i32 to vector<1024x128xi32>
    %add3A_16 = arith.addi %add3A_6, %add3A_15 : vector<1024x128xi32>
    %add3A_17 = arith.addi %add3A_14, %add3A_16 : vector<1024x128xi32>
    %shift_left3A = arith.constant 13 : i32
    %shift_left3A_18 = vector.broadcast %shift_left3A : i32 to vector<1024x128xi32>
    %shift_left3A_19 = arith.shli %add3A_16, %shift_left3A_18 : vector<1024x128xi32>
    %shift_right_logical3A = arith.constant 19 : i32
    %shift_right_logical3A_20 = vector.broadcast %shift_right_logical3A : i32 to vector<1024x128xi32>
    %shift_right_logical3A_21 = arith.shrui %add3A_16, %shift_right_logical3A_20 : vector<1024x128xi32>
    %or3A = arith.ori %shift_left3A_19, %shift_right_logical3A_21 : vector<1024x128xi32>
    %xor3A_22 = arith.xori %or3A, %add3A_17 : vector<1024x128xi32>
    %add3A_23 = arith.addi %add3A_17, %xor3A_22 : vector<1024x128xi32>
    %shift_left3A_24 = arith.constant 15 : i32
    %shift_left3A_25 = vector.broadcast %shift_left3A_24 : i32 to vector<1024x128xi32>
    %shift_left3A_26 = arith.shli %xor3A_22, %shift_left3A_25 : vector<1024x128xi32>
    %shift_right_logical3A_27 = arith.constant 17 : i32
    %shift_right_logical3A_28 = vector.broadcast %shift_right_logical3A_27 : i32 to vector<1024x128xi32>
    %shift_right_logical3A_29 = arith.shrui %xor3A_22, %shift_right_logical3A_28 : vector<1024x128xi32>
    %or3A_30 = arith.ori %shift_left3A_26, %shift_right_logical3A_29 : vector<1024x128xi32>
    %xor3A_31 = arith.xori %or3A_30, %add3A_23 : vector<1024x128xi32>
    %add3A_32 = arith.addi %add3A_23, %xor3A_31 : vector<1024x128xi32>
    %shift_left3A_33 = arith.constant 26 : i32
    %shift_left3A_34 = vector.broadcast %shift_left3A_33 : i32 to vector<1024x128xi32>
    %shift_left3A_35 = arith.shli %xor3A_31, %shift_left3A_34 : vector<1024x128xi32>
    %shift_right_logical3A_36 = arith.constant 6 : i32
    %shift_right_logical3A_37 = vector.broadcast %shift_right_logical3A_36 : i32 to vector<1024x128xi32>
    %shift_right_logical3A_38 = arith.shrui %xor3A_31, %shift_right_logical3A_37 : vector<1024x128xi32>
    %or3A_39 = arith.ori %shift_left3A_35, %shift_right_logical3A_38 : vector<1024x128xi32>
    %xor3A_40 = arith.xori %or3A_39, %add3A_32 : vector<1024x128xi32>
    %add3A_41 = arith.addi %add3A_32, %xor3A_40 : vector<1024x128xi32>
    %shift_left3A_42 = arith.constant 6 : i32
    %shift_left3A_43 = vector.broadcast %shift_left3A_42 : i32 to vector<1024x128xi32>
    %shift_left3A_44 = arith.shli %xor3A_40, %shift_left3A_43 : vector<1024x128xi32>
    %shift_right_logical3A_45 = arith.constant 26 : i32
    %shift_right_logical3A_46 = vector.broadcast %shift_right_logical3A_45 : i32 to vector<1024x128xi32>
    %shift_right_logical3A_47 = arith.shrui %xor3A_40, %shift_right_logical3A_46 : vector<1024x128xi32>
    %or3A_48 = arith.ori %shift_left3A_44, %shift_right_logical3A_47 : vector<1024x128xi32>
    %xor3A_49 = arith.xori %or3A_48, %add3A_41 : vector<1024x128xi32>
    %add3A_50 = vector.broadcast %get3A_9 : i32 to vector<1024x128xi32>
    %add3A_51 = arith.addi %add3A_41, %add3A_50 : vector<1024x128xi32>
    %add3A_52 = vector.broadcast %xor3A_12 : i32 to vector<1024x128xi32>
    %add3A_53 = arith.addi %xor3A_49, %add3A_52 : vector<1024x128xi32>
    %add3A_54 = arith.constant 1 : i32
    %add3A_55 = vector.broadcast %add3A_54 : i32 to vector<1024x128xi32>
    %add3A_56 = arith.addi %add3A_53, %add3A_55 : vector<1024x128xi32>
    %add3A_57 = arith.addi %add3A_51, %add3A_56 : vector<1024x128xi32>
    %shift_left3A_58 = arith.constant 17 : i32
    %shift_left3A_59 = vector.broadcast %shift_left3A_58 : i32 to vector<1024x128xi32>
    %shift_left3A_60 = arith.shli %add3A_56, %shift_left3A_59 : vector<1024x128xi32>
    %shift_right_logical3A_61 = arith.constant 15 : i32
    %shift_right_logical3A_62 = vector.broadcast %shift_right_logical3A_61 : i32 to vector<1024x128xi32>
    %shift_right_logical3A_63 = arith.shrui %add3A_56, %shift_right_logical3A_62 : vector<1024x128xi32>
    %or3A_64 = arith.ori %shift_left3A_60, %shift_right_logical3A_63 : vector<1024x128xi32>
    %xor3A_65 = arith.xori %or3A_64, %add3A_57 : vector<1024x128xi32>
    %add3A_66 = arith.addi %add3A_57, %xor3A_65 : vector<1024x128xi32>
    %shift_left3A_67 = arith.constant 29 : i32
    %shift_left3A_68 = vector.broadcast %shift_left3A_67 : i32 to vector<1024x128xi32>
    %shift_left3A_69 = arith.shli %xor3A_65, %shift_left3A_68 : vector<1024x128xi32>
    %shift_right_logical3A_70 = arith.constant 3 : i32
    %shift_right_logical3A_71 = vector.broadcast %shift_right_logical3A_70 : i32 to vector<1024x128xi32>
    %shift_right_logical3A_72 = arith.shrui %xor3A_65, %shift_right_logical3A_71 : vector<1024x128xi32>
    %or3A_73 = arith.ori %shift_left3A_69, %shift_right_logical3A_72 : vector<1024x128xi32>
    %xor3A_74 = arith.xori %or3A_73, %add3A_66 : vector<1024x128xi32>
    %add3A_75 = arith.addi %add3A_66, %xor3A_74 : vector<1024x128xi32>
    %shift_left3A_76 = arith.constant 16 : i32
    %shift_left3A_77 = vector.broadcast %shift_left3A_76 : i32 to vector<1024x128xi32>
    %shift_left3A_78 = arith.shli %xor3A_74, %shift_left3A_77 : vector<1024x128xi32>
    %shift_right_logical3A_79 = arith.constant 16 : i32
    %shift_right_logical3A_80 = vector.broadcast %shift_right_logical3A_79 : i32 to vector<1024x128xi32>
    %shift_right_logical3A_81 = arith.shrui %xor3A_74, %shift_right_logical3A_80 : vector<1024x128xi32>
    %or3A_82 = arith.ori %shift_left3A_78, %shift_right_logical3A_81 : vector<1024x128xi32>
    %xor3A_83 = arith.xori %or3A_82, %add3A_75 : vector<1024x128xi32>
    %add3A_84 = arith.addi %add3A_75, %xor3A_83 : vector<1024x128xi32>
    %shift_left3A_85 = arith.constant 24 : i32
    %shift_left3A_86 = vector.broadcast %shift_left3A_85 : i32 to vector<1024x128xi32>
    %shift_left3A_87 = arith.shli %xor3A_83, %shift_left3A_86 : vector<1024x128xi32>
    %shift_right_logical3A_88 = arith.constant 8 : i32
    %shift_right_logical3A_89 = vector.broadcast %shift_right_logical3A_88 : i32 to vector<1024x128xi32>
    %shift_right_logical3A_90 = arith.shrui %xor3A_83, %shift_right_logical3A_89 : vector<1024x128xi32>
    %or3A_91 = arith.ori %shift_left3A_87, %shift_right_logical3A_90 : vector<1024x128xi32>
    %xor3A_92 = arith.xori %or3A_91, %add3A_84 : vector<1024x128xi32>
    %add3A_93 = vector.broadcast %xor3A_12 : i32 to vector<1024x128xi32>
    %add3A_94 = arith.addi %add3A_84, %add3A_93 : vector<1024x128xi32>
    %add3A_95 = vector.broadcast %get3A_7 : i32 to vector<1024x128xi32>
    %add3A_96 = arith.addi %xor3A_92, %add3A_95 : vector<1024x128xi32>
    %add3A_97 = arith.constant 2 : i32
    %add3A_98 = vector.broadcast %add3A_97 : i32 to vector<1024x128xi32>
    %add3A_99 = arith.addi %add3A_96, %add3A_98 : vector<1024x128xi32>
    %add3A_100 = arith.addi %add3A_94, %add3A_99 : vector<1024x128xi32>
    %shift_left3A_101 = arith.constant 13 : i32
    %shift_left3A_102 = vector.broadcast %shift_left3A_101 : i32 to vector<1024x128xi32>
    %shift_left3A_103 = arith.shli %add3A_99, %shift_left3A_102 : vector<1024x128xi32>
    %shift_right_logical3A_104 = arith.constant 19 : i32
    %shift_right_logical3A_105 = vector.broadcast %shift_right_logical3A_104 : i32 to vector<1024x128xi32>
    %shift_right_logical3A_106 = arith.shrui %add3A_99, %shift_right_logical3A_105 : vector<1024x128xi32>
    %or3A_107 = arith.ori %shift_left3A_103, %shift_right_logical3A_106 : vector<1024x128xi32>
    %xor3A_108 = arith.xori %or3A_107, %add3A_100 : vector<1024x128xi32>
    %add3A_109 = arith.addi %add3A_100, %xor3A_108 : vector<1024x128xi32>
    %shift_left3A_110 = arith.constant 15 : i32
    %shift_left3A_111 = vector.broadcast %shift_left3A_110 : i32 to vector<1024x128xi32>
    %shift_left3A_112 = arith.shli %xor3A_108, %shift_left3A_111 : vector<1024x128xi32>
    %shift_right_logical3A_113 = arith.constant 17 : i32
    %shift_right_logical3A_114 = vector.broadcast %shift_right_logical3A_113 : i32 to vector<1024x128xi32>
    %shift_right_logical3A_115 = arith.shrui %xor3A_108, %shift_right_logical3A_114 : vector<1024x128xi32>
    %or3A_116 = arith.ori %shift_left3A_112, %shift_right_logical3A_115 : vector<1024x128xi32>
    %xor3A_117 = arith.xori %or3A_116, %add3A_109 : vector<1024x128xi32>
    %add3A_118 = arith.addi %add3A_109, %xor3A_117 : vector<1024x128xi32>
    %shift_left3A_119 = arith.constant 26 : i32
    %shift_left3A_120 = vector.broadcast %shift_left3A_119 : i32 to vector<1024x128xi32>
    %shift_left3A_121 = arith.shli %xor3A_117, %shift_left3A_120 : vector<1024x128xi32>
    %shift_right_logical3A_122 = arith.constant 6 : i32
    %shift_right_logical3A_123 = vector.broadcast %shift_right_logical3A_122 : i32 to vector<1024x128xi32>
    %shift_right_logical3A_124 = arith.shrui %xor3A_117, %shift_right_logical3A_123 : vector<1024x128xi32>
    %or3A_125 = arith.ori %shift_left3A_121, %shift_right_logical3A_124 : vector<1024x128xi32>
    %xor3A_126 = arith.xori %or3A_125, %add3A_118 : vector<1024x128xi32>
    %add3A_127 = arith.addi %add3A_118, %xor3A_126 : vector<1024x128xi32>
    %shift_left3A_128 = arith.constant 6 : i32
    %shift_left3A_129 = vector.broadcast %shift_left3A_128 : i32 to vector<1024x128xi32>
    %shift_left3A_130 = arith.shli %xor3A_126, %shift_left3A_129 : vector<1024x128xi32>
    %shift_right_logical3A_131 = arith.constant 26 : i32
    %shift_right_logical3A_132 = vector.broadcast %shift_right_logical3A_131 : i32 to vector<1024x128xi32>
    %shift_right_logical3A_133 = arith.shrui %xor3A_126, %shift_right_logical3A_132 : vector<1024x128xi32>
    %or3A_134 = arith.ori %shift_left3A_130, %shift_right_logical3A_133 : vector<1024x128xi32>
    %xor3A_135 = arith.xori %or3A_134, %add3A_127 : vector<1024x128xi32>
    %add3A_136 = vector.broadcast %get3A_7 : i32 to vector<1024x128xi32>
    %add3A_137 = arith.addi %add3A_127, %add3A_136 : vector<1024x128xi32>
    %add3A_138 = vector.broadcast %get3A_9 : i32 to vector<1024x128xi32>
    %add3A_139 = arith.addi %xor3A_135, %add3A_138 : vector<1024x128xi32>
    %add3A_140 = arith.constant 3 : i32
    %add3A_141 = vector.broadcast %add3A_140 : i32 to vector<1024x128xi32>
    %add3A_142 = arith.addi %add3A_139, %add3A_141 : vector<1024x128xi32>
    %add3A_143 = arith.addi %add3A_137, %add3A_142 : vector<1024x128xi32>
    %shift_left3A_144 = arith.constant 17 : i32
    %shift_left3A_145 = vector.broadcast %shift_left3A_144 : i32 to vector<1024x128xi32>
    %shift_left3A_146 = arith.shli %add3A_142, %shift_left3A_145 : vector<1024x128xi32>
    %shift_right_logical3A_147 = arith.constant 15 : i32
    %shift_right_logical3A_148 = vector.broadcast %shift_right_logical3A_147 : i32 to vector<1024x128xi32>
    %shift_right_logical3A_149 = arith.shrui %add3A_142, %shift_right_logical3A_148 : vector<1024x128xi32>
    %or3A_150 = arith.ori %shift_left3A_146, %shift_right_logical3A_149 : vector<1024x128xi32>
    %xor3A_151 = arith.xori %or3A_150, %add3A_143 : vector<1024x128xi32>
    %add3A_152 = arith.addi %add3A_143, %xor3A_151 : vector<1024x128xi32>
    %shift_left3A_153 = arith.constant 29 : i32
    %shift_left3A_154 = vector.broadcast %shift_left3A_153 : i32 to vector<1024x128xi32>
    %shift_left3A_155 = arith.shli %xor3A_151, %shift_left3A_154 : vector<1024x128xi32>
    %shift_right_logical3A_156 = arith.constant 3 : i32
    %shift_right_logical3A_157 = vector.broadcast %shift_right_logical3A_156 : i32 to vector<1024x128xi32>
    %shift_right_logical3A_158 = arith.shrui %xor3A_151, %shift_right_logical3A_157 : vector<1024x128xi32>
    %or3A_159 = arith.ori %shift_left3A_155, %shift_right_logical3A_158 : vector<1024x128xi32>
    %xor3A_160 = arith.xori %or3A_159, %add3A_152 : vector<1024x128xi32>
    %add3A_161 = arith.addi %add3A_152, %xor3A_160 : vector<1024x128xi32>
    %shift_left3A_162 = arith.constant 16 : i32
    %shift_left3A_163 = vector.broadcast %shift_left3A_162 : i32 to vector<1024x128xi32>
    %shift_left3A_164 = arith.shli %xor3A_160, %shift_left3A_163 : vector<1024x128xi32>
    %shift_right_logical3A_165 = arith.constant 16 : i32
    %shift_right_logical3A_166 = vector.broadcast %shift_right_logical3A_165 : i32 to vector<1024x128xi32>
    %shift_right_logical3A_167 = arith.shrui %xor3A_160, %shift_right_logical3A_166 : vector<1024x128xi32>
    %or3A_168 = arith.ori %shift_left3A_164, %shift_right_logical3A_167 : vector<1024x128xi32>
    %xor3A_169 = arith.xori %or3A_168, %add3A_161 : vector<1024x128xi32>
    %add3A_170 = arith.addi %add3A_161, %xor3A_169 : vector<1024x128xi32>
    %shift_left3A_171 = arith.constant 24 : i32
    %shift_left3A_172 = vector.broadcast %shift_left3A_171 : i32 to vector<1024x128xi32>
    %shift_left3A_173 = arith.shli %xor3A_169, %shift_left3A_172 : vector<1024x128xi32>
    %shift_right_logical3A_174 = arith.constant 8 : i32
    %shift_right_logical3A_175 = vector.broadcast %shift_right_logical3A_174 : i32 to vector<1024x128xi32>
    %shift_right_logical3A_176 = arith.shrui %xor3A_169, %shift_right_logical3A_175 : vector<1024x128xi32>
    %or3A_177 = arith.ori %shift_left3A_173, %shift_right_logical3A_176 : vector<1024x128xi32>
    %xor3A_178 = arith.xori %or3A_177, %add3A_170 : vector<1024x128xi32>
    %add3A_179 = vector.broadcast %get3A_9 : i32 to vector<1024x128xi32>
    %add3A_180 = arith.addi %add3A_170, %add3A_179 : vector<1024x128xi32>
    %add3A_181 = vector.broadcast %xor3A_12 : i32 to vector<1024x128xi32>
    %add3A_182 = arith.addi %xor3A_178, %add3A_181 : vector<1024x128xi32>
    %add3A_183 = arith.constant 4 : i32
    %add3A_184 = vector.broadcast %add3A_183 : i32 to vector<1024x128xi32>
    %add3A_185 = arith.addi %add3A_182, %add3A_184 : vector<1024x128xi32>
    %add3A_186 = arith.addi %add3A_180, %add3A_185 : vector<1024x128xi32>
    %shift_left3A_187 = arith.constant 13 : i32
    %shift_left3A_188 = vector.broadcast %shift_left3A_187 : i32 to vector<1024x128xi32>
    %shift_left3A_189 = arith.shli %add3A_185, %shift_left3A_188 : vector<1024x128xi32>
    %shift_right_logical3A_190 = arith.constant 19 : i32
    %shift_right_logical3A_191 = vector.broadcast %shift_right_logical3A_190 : i32 to vector<1024x128xi32>
    %shift_right_logical3A_192 = arith.shrui %add3A_185, %shift_right_logical3A_191 : vector<1024x128xi32>
    %or3A_193 = arith.ori %shift_left3A_189, %shift_right_logical3A_192 : vector<1024x128xi32>
    %xor3A_194 = arith.xori %or3A_193, %add3A_186 : vector<1024x128xi32>
    %add3A_195 = arith.addi %add3A_186, %xor3A_194 : vector<1024x128xi32>
    %shift_left3A_196 = arith.constant 15 : i32
    %shift_left3A_197 = vector.broadcast %shift_left3A_196 : i32 to vector<1024x128xi32>
    %shift_left3A_198 = arith.shli %xor3A_194, %shift_left3A_197 : vector<1024x128xi32>
    %shift_right_logical3A_199 = arith.constant 17 : i32
    %shift_right_logical3A_200 = vector.broadcast %shift_right_logical3A_199 : i32 to vector<1024x128xi32>
    %shift_right_logical3A_201 = arith.shrui %xor3A_194, %shift_right_logical3A_200 : vector<1024x128xi32>
    %or3A_202 = arith.ori %shift_left3A_198, %shift_right_logical3A_201 : vector<1024x128xi32>
    %xor3A_203 = arith.xori %or3A_202, %add3A_195 : vector<1024x128xi32>
    %add3A_204 = arith.addi %add3A_195, %xor3A_203 : vector<1024x128xi32>
    %shift_left3A_205 = arith.constant 26 : i32
    %shift_left3A_206 = vector.broadcast %shift_left3A_205 : i32 to vector<1024x128xi32>
    %shift_left3A_207 = arith.shli %xor3A_203, %shift_left3A_206 : vector<1024x128xi32>
    %shift_right_logical3A_208 = arith.constant 6 : i32
    %shift_right_logical3A_209 = vector.broadcast %shift_right_logical3A_208 : i32 to vector<1024x128xi32>
    %shift_right_logical3A_210 = arith.shrui %xor3A_203, %shift_right_logical3A_209 : vector<1024x128xi32>
    %or3A_211 = arith.ori %shift_left3A_207, %shift_right_logical3A_210 : vector<1024x128xi32>
    %xor3A_212 = arith.xori %or3A_211, %add3A_204 : vector<1024x128xi32>
    %add3A_213 = arith.addi %add3A_204, %xor3A_212 : vector<1024x128xi32>
    %shift_left3A_214 = arith.constant 6 : i32
    %shift_left3A_215 = vector.broadcast %shift_left3A_214 : i32 to vector<1024x128xi32>
    %shift_left3A_216 = arith.shli %xor3A_212, %shift_left3A_215 : vector<1024x128xi32>
    %shift_right_logical3A_217 = arith.constant 26 : i32
    %shift_right_logical3A_218 = vector.broadcast %shift_right_logical3A_217 : i32 to vector<1024x128xi32>
    %shift_right_logical3A_219 = arith.shrui %xor3A_212, %shift_right_logical3A_218 : vector<1024x128xi32>
    %or3A_220 = arith.ori %shift_left3A_216, %shift_right_logical3A_219 : vector<1024x128xi32>
    %xor3A_221 = arith.xori %or3A_220, %add3A_213 : vector<1024x128xi32>
    %add3A_222 = vector.broadcast %xor3A_12 : i32 to vector<1024x128xi32>
    %add3A_223 = arith.addi %add3A_213, %add3A_222 : vector<1024x128xi32>
    %add3A_224 = vector.broadcast %get3A_7 : i32 to vector<1024x128xi32>
    %add3A_225 = arith.addi %xor3A_221, %add3A_224 : vector<1024x128xi32>
    %add3A_226 = arith.constant 5 : i32
    %add3A_227 = vector.broadcast %add3A_226 : i32 to vector<1024x128xi32>
    %add3A_228 = arith.addi %add3A_225, %add3A_227 : vector<1024x128xi32>
    %xor3A_229 = arith.xori %add3A_223, %add3A_228 : vector<1024x128xi32>
    %swap3A = arith.constant 0 : index
    %swap3A_230 = arith.constant 0 : index
    %swap3A_231 = vector.load %arg2[%swap3A, %swap3A_230] : memref<1024x128xi32, #tpu.memory_space<vmem>>, vector<1024x128xi32>
    tpu.vector_store %arg2[%swap3A, %swap3A_230], %xor3A_229 {strides = array<i32>} : memref<1024x128xi32, #tpu.memory_space<vmem>>, vector<1024x128xi32>,
    %get3A_232 = arith.constant 2 : index
    %get3A_233 = memref.load %arg1[%get3A_232] : memref<8xi32, #tpu.memory_space<smem>>
    %get3A_234 = arith.constant 3 : index
    %get3A_235 = memref.load %arg1[%get3A_234] : memref<8xi32, #tpu.memory_space<smem>>
    %broadcast_in_dim3A_236 = arith.constant 0 : i32
    %broadcast_in_dim3A_237 = vector.broadcast %broadcast_in_dim3A_236 : i32 to vector<1024x128xi32>
    %xor3A_238 = arith.xori %get3A_233, %get3A_235 : i32
    %xor3A_239 = arith.constant 466688986 : i32
    %xor3A_240 = arith.xori %xor3A_238, %xor3A_239 : i32
    %add3A_241 = vector.broadcast %get3A_233 : i32 to vector<1024x128xi32>
    %add3A_242 = arith.addi %broadcast_in_dim3A_237, %add3A_241 : vector<1024x128xi32>
    %add3A_243 = vector.broadcast %get3A_235 : i32 to vector<1024x128xi32>
    %add3A_244 = arith.addi %add3A_6, %add3A_243 : vector<1024x128xi32>
    %add3A_245 = arith.addi %add3A_242, %add3A_244 : vector<1024x128xi32>
    %shift_left3A_246 = arith.constant 13 : i32
    %shift_left3A_247 = vector.broadcast %shift_left3A_246 : i32 to vector<1024x128xi32>
    %shift_left3A_248 = arith.shli %add3A_244, %shift_left3A_247 : vector<1024x128xi32>
    %shift_right_logical3A_249 = arith.constant 19 : i32
    %shift_right_logical3A_250 = vector.broadcast %shift_right_logical3A_249 : i32 to vector<1024x128xi32>
    %shift_right_logical3A_251 = arith.shrui %add3A_244, %shift_right_logical3A_250 : vector<1024x128xi32>
    %or3A_252 = arith.ori %shift_left3A_248, %shift_right_logical3A_251 : vector<1024x128xi32>
    %xor3A_253 = arith.xori %or3A_252, %add3A_245 : vector<1024x128xi32>
    %add3A_254 = arith.addi %add3A_245, %xor3A_253 : vector<1024x128xi32>
    %shift_left3A_255 = arith.constant 15 : i32
    %shift_left3A_256 = vector.broadcast %shift_left3A_255 : i32 to vector<1024x128xi32>
    %shift_left3A_257 = arith.shli %xor3A_253, %shift_left3A_256 : vector<1024x128xi32>
    %shift_right_logical3A_258 = arith.constant 17 : i32
    %shift_right_logical3A_259 = vector.broadcast %shift_right_logical3A_258 : i32 to vector<1024x128xi32>
    %shift_right_logical3A_260 = arith.shrui %xor3A_253, %shift_right_logical3A_259 : vector<1024x128xi32>
    %or3A_261 = arith.ori %shift_left3A_257, %shift_right_logical3A_260 : vector<1024x128xi32>
    %xor3A_262 = arith.xori %or3A_261, %add3A_254 : vector<1024x128xi32>
    %add3A_263 = arith.addi %add3A_254, %xor3A_262 : vector<1024x128xi32>
    %shift_left3A_264 = arith.constant 26 : i32
    %shift_left3A_265 = vector.broadcast %shift_left3A_264 : i32 to vector<1024x128xi32>
    %shift_left3A_266 = arith.shli %xor3A_262, %shift_left3A_265 : vector<1024x128xi32>
    %shift_right_logical3A_267 = arith.constant 6 : i32
    %shift_right_logical3A_268 = vector.broadcast %shift_right_logical3A_267 : i32 to vector<1024x128xi32>
    %shift_right_logical3A_269 = arith.shrui %xor3A_262, %shift_right_logical3A_268 : vector<1024x128xi32>
    %or3A_270 = arith.ori %shift_left3A_266, %shift_right_logical3A_269 : vector<1024x128xi32>
    %xor3A_271 = arith.xori %or3A_270, %add3A_263 : vector<1024x128xi32>
    %add3A_272 = arith.addi %add3A_263, %xor3A_271 : vector<1024x128xi32>
    %shift_left3A_273 = arith.constant 6 : i32
    %shift_left3A_274 = vector.broadcast %shift_left3A_273 : i32 to vector<1024x128xi32>
    %shift_left3A_275 = arith.shli %xor3A_271, %shift_left3A_274 : vector<1024x128xi32>
    %shift_right_logical3A_276 = arith.constant 26 : i32
    %shift_right_logical3A_277 = vector.broadcast %shift_right_logical3A_276 : i32 to vector<1024x128xi32>
    %shift_right_logical3A_278 = arith.shrui %xor3A_271, %shift_right_logical3A_277 : vector<1024x128xi32>
    %or3A_279 = arith.ori %shift_left3A_275, %shift_right_logical3A_278 : vector<1024x128xi32>
    %xor3A_280 = arith.xori %or3A_279, %add3A_272 : vector<1024x128xi32>
    %add3A_281 = vector.broadcast %get3A_235 : i32 to vector<1024x128xi32>
    %add3A_282 = arith.addi %add3A_272, %add3A_281 : vector<1024x128xi32>
    %add3A_283 = vector.broadcast %xor3A_240 : i32 to vector<1024x128xi32>
    %add3A_284 = arith.addi %xor3A_280, %add3A_283 : vector<1024x128xi32>
    %add3A_285 = arith.constant 1 : i32
    %add3A_286 = vector.broadcast %add3A_285 : i32 to vector<1024x128xi32>
    %add3A_287 = arith.addi %add3A_284, %add3A_286 : vector<1024x128xi32>
    %add3A_288 = arith.addi %add3A_282, %add3A_287 : vector<1024x128xi32>
    %shift_left3A_289 = arith.constant 17 : i32
    %shift_left3A_290 = vector.broadcast %shift_left3A_289 : i32 to vector<1024x128xi32>
    %shift_left3A_291 = arith.shli %add3A_287, %shift_left3A_290 : vector<1024x128xi32>
    %shift_right_logical3A_292 = arith.constant 15 : i32
    %shift_right_logical3A_293 = vector.broadcast %shift_right_logical3A_292 : i32 to vector<1024x128xi32>
    %shift_right_logical3A_294 = arith.shrui %add3A_287, %shift_right_logical3A_293 : vector<1024x128xi32>
    %or3A_295 = arith.ori %shift_left3A_291, %shift_right_logical3A_294 : vector<1024x128xi32>
    %xor3A_296 = arith.xori %or3A_295, %add3A_288 : vector<1024x128xi32>
    %add3A_297 = arith.addi %add3A_288, %xor3A_296 : vector<1024x128xi32>
    %shift_left3A_298 = arith.constant 29 : i32
    %shift_left3A_299 = vector.broadcast %shift_left3A_298 : i32 to vector<1024x128xi32>
    %shift_left3A_300 = arith.shli %xor3A_296, %shift_left3A_299 : vector<1024x128xi32>
    %shift_right_logical3A_301 = arith.constant 3 : i32
    %shift_right_logical3A_302 = vector.broadcast %shift_right_logical3A_301 : i32 to vector<1024x128xi32>
    %shift_right_logical3A_303 = arith.shrui %xor3A_296, %shift_right_logical3A_302 : vector<1024x128xi32>
    %or3A_304 = arith.ori %shift_left3A_300, %shift_right_logical3A_303 : vector<1024x128xi32>
    %xor3A_305 = arith.xori %or3A_304, %add3A_297 : vector<1024x128xi32>
    %add3A_306 = arith.addi %add3A_297, %xor3A_305 : vector<1024x128xi32>
    %shift_left3A_307 = arith.constant 16 : i32
    %shift_left3A_308 = vector.broadcast %shift_left3A_307 : i32 to vector<1024x128xi32>
    %shift_left3A_309 = arith.shli %xor3A_305, %shift_left3A_308 : vector<1024x128xi32>
    %shift_right_logical3A_310 = arith.constant 16 : i32
    %shift_right_logical3A_311 = vector.broadcast %shift_right_logical3A_310 : i32 to vector<1024x128xi32>
    %shift_right_logical3A_312 = arith.shrui %xor3A_305, %shift_right_logical3A_311 : vector<1024x128xi32>
    %or3A_313 = arith.ori %shift_left3A_309, %shift_right_logical3A_312 : vector<1024x128xi32>
    %xor3A_314 = arith.xori %or3A_313, %add3A_306 : vector<1024x128xi32>
    %add3A_315 = arith.addi %add3A_306, %xor3A_314 : vector<1024x128xi32>
    %shift_left3A_316 = arith.constant 24 : i32
    %shift_left3A_317 = vector.broadcast %shift_left3A_316 : i32 to vector<1024x128xi32>
    %shift_left3A_318 = arith.shli %xor3A_314, %shift_left3A_317 : vector<1024x128xi32>
    %shift_right_logical3A_319 = arith.constant 8 : i32
    %shift_right_logical3A_320 = vector.broadcast %shift_right_logical3A_319 : i32 to vector<1024x128xi32>
    %shift_right_logical3A_321 = arith.shrui %xor3A_314, %shift_right_logical3A_320 : vector<1024x128xi32>
    %or3A_322 = arith.ori %shift_left3A_318, %shift_right_logical3A_321 : vector<1024x128xi32>
    %xor3A_323 = arith.xori %or3A_322, %add3A_315 : vector<1024x128xi32>
    %add3A_324 = vector.broadcast %xor3A_240 : i32 to vector<1024x128xi32>
    %add3A_325 = arith.addi %add3A_315, %add3A_324 : vector<1024x128xi32>
    %add3A_326 = vector.broadcast %get3A_233 : i32 to vector<1024x128xi32>
    %add3A_327 = arith.addi %xor3A_323, %add3A_326 : vector<1024x128xi32>
    %add3A_328 = arith.constant 2 : i32
    %add3A_329 = vector.broadcast %add3A_328 : i32 to vector<1024x128xi32>
    %add3A_330 = arith.addi %add3A_327, %add3A_329 : vector<1024x128xi32>
    %add3A_331 = arith.addi %add3A_325, %add3A_330 : vector<1024x128xi32>
    %shift_left3A_332 = arith.constant 13 : i32
    %shift_left3A_333 = vector.broadcast %shift_left3A_332 : i32 to vector<1024x128xi32>
    %shift_left3A_334 = arith.shli %add3A_330, %shift_left3A_333 : vector<1024x128xi32>
    %shift_right_logical3A_335 = arith.constant 19 : i32
    %shift_right_logical3A_336 = vector.broadcast %shift_right_logical3A_335 : i32 to vector<1024x128xi32>
    %shift_right_logical3A_337 = arith.shrui %add3A_330, %shift_right_logical3A_336 : vector<1024x128xi32>
    %or3A_338 = arith.ori %shift_left3A_334, %shift_right_logical3A_337 : vector<1024x128xi32>
    %xor3A_339 = arith.xori %or3A_338, %add3A_331 : vector<1024x128xi32>
    %add3A_340 = arith.addi %add3A_331, %xor3A_339 : vector<1024x128xi32>
    %shift_left3A_341 = arith.constant 15 : i32
    %shift_left3A_342 = vector.broadcast %shift_left3A_341 : i32 to vector<1024x128xi32>
    %shift_left3A_343 = arith.shli %xor3A_339, %shift_left3A_342 : vector<1024x128xi32>
    %shift_right_logical3A_344 = arith.constant 17 : i32
    %shift_right_logical3A_345 = vector.broadcast %shift_right_logical3A_344 : i32 to vector<1024x128xi32>
    %shift_right_logical3A_346 = arith.shrui %xor3A_339, %shift_right_logical3A_345 : vector<1024x128xi32>
    %or3A_347 = arith.ori %shift_left3A_343, %shift_right_logical3A_346 : vector<1024x128xi32>
    %xor3A_348 = arith.xori %or3A_347, %add3A_340 : vector<1024x128xi32>
    %add3A_349 = arith.addi %add3A_340, %xor3A_348 : vector<1024x128xi32>
    %shift_left3A_350 = arith.constant 26 : i32
    %shift_left3A_351 = vector.broadcast %shift_left3A_350 : i32 to vector<1024x128xi32>
    %shift_left3A_352 = arith.shli %xor3A_348, %shift_left3A_351 : vector<1024x128xi32>
    %shift_right_logical3A_353 = arith.constant 6 : i32
    %shift_right_logical3A_354 = vector.broadcast %shift_right_logical3A_353 : i32 to vector<1024x128xi32>
    %shift_right_logical3A_355 = arith.shrui %xor3A_348, %shift_right_logical3A_354 : vector<1024x128xi32>
    %or3A_356 = arith.ori %shift_left3A_352, %shift_right_logical3A_355 : vector<1024x128xi32>
    %xor3A_357 = arith.xori %or3A_356, %add3A_349 : vector<1024x128xi32>
    %add3A_358 = arith.addi %add3A_349, %xor3A_357 : vector<1024x128xi32>
    %shift_left3A_359 = arith.constant 6 : i32
    %shift_left3A_360 = vector.broadcast %shift_left3A_359 : i32 to vector<1024x128xi32>
    %shift_left3A_361 = arith.shli %xor3A_357, %shift_left3A_360 : vector<1024x128xi32>
    %shift_right_logical3A_362 = arith.constant 26 : i32
    %shift_right_logical3A_363 = vector.broadcast %shift_right_logical3A_362 : i32 to vector<1024x128xi32>
    %shift_right_logical3A_364 = arith.shrui %xor3A_357, %shift_right_logical3A_363 : vector<1024x128xi32>
    %or3A_365 = arith.ori %shift_left3A_361, %shift_right_logical3A_364 : vector<1024x128xi32>
    %xor3A_366 = arith.xori %or3A_365, %add3A_358 : vector<1024x128xi32>
    %add3A_367 = vector.broadcast %get3A_233 : i32 to vector<1024x128xi32>
    %add3A_368 = arith.addi %add3A_358, %add3A_367 : vector<1024x128xi32>
    %add3A_369 = vector.broadcast %get3A_235 : i32 to vector<1024x128xi32>
    %add3A_370 = arith.addi %xor3A_366, %add3A_369 : vector<1024x128xi32>
    %add3A_371 = arith.constant 3 : i32
    %add3A_372 = vector.broadcast %add3A_371 : i32 to vector<1024x128xi32>
    %add3A_373 = arith.addi %add3A_370, %add3A_372 : vector<1024x128xi32>
    %add3A_374 = arith.addi %add3A_368, %add3A_373 : vector<1024x128xi32>
    %shift_left3A_375 = arith.constant 17 : i32
    %shift_left3A_376 = vector.broadcast %shift_left3A_375 : i32 to vector<1024x128xi32>
    %shift_left3A_377 = arith.shli %add3A_373, %shift_left3A_376 : vector<1024x128xi32>
    %shift_right_logical3A_378 = arith.constant 15 : i32
    %shift_right_logical3A_379 = vector.broadcast %shift_right_logical3A_378 : i32 to vector<1024x128xi32>
    %shift_right_logical3A_380 = arith.shrui %add3A_373, %shift_right_logical3A_379 : vector<1024x128xi32>
    %or3A_381 = arith.ori %shift_left3A_377, %shift_right_logical3A_380 : vector<1024x128xi32>
    %xor3A_382 = arith.xori %or3A_381, %add3A_374 : vector<1024x128xi32>
    %add3A_383 = arith.addi %add3A_374, %xor3A_382 : vector<1024x128xi32>
    %shift_left3A_384 = arith.constant 29 : i32
    %shift_left3A_385 = vector.broadcast %shift_left3A_384 : i32 to vector<1024x128xi32>
    %shift_left3A_386 = arith.shli %xor3A_382, %shift_left3A_385 : vector<1024x128xi32>
    %shift_right_logical3A_387 = arith.constant 3 : i32
    %shift_right_logical3A_388 = vector.broadcast %shift_right_logical3A_387 : i32 to vector<1024x128xi32>
    %shift_right_logical3A_389 = arith.shrui %xor3A_382, %shift_right_logical3A_388 : vector<1024x128xi32>
    %or3A_390 = arith.ori %shift_left3A_386, %shift_right_logical3A_389 : vector<1024x128xi32>
    %xor3A_391 = arith.xori %or3A_390, %add3A_383 : vector<1024x128xi32>
    %add3A_392 = arith.addi %add3A_383, %xor3A_391 : vector<1024x128xi32>
    %shift_left3A_393 = arith.constant 16 : i32
    %shift_left3A_394 = vector.broadcast %shift_left3A_393 : i32 to vector<1024x128xi32>
    %shift_left3A_395 = arith.shli %xor3A_391, %shift_left3A_394 : vector<1024x128xi32>
    %shift_right_logical3A_396 = arith.constant 16 : i32
    %shift_right_logical3A_397 = vector.broadcast %shift_right_logical3A_396 : i32 to vector<1024x128xi32>
    %shift_right_logical3A_398 = arith.shrui %xor3A_391, %shift_right_logical3A_397 : vector<1024x128xi32>
    %or3A_399 = arith.ori %shift_left3A_395, %shift_right_logical3A_398 : vector<1024x128xi32>
    %xor3A_400 = arith.xori %or3A_399, %add3A_392 : vector<1024x128xi32>
    %add3A_401 = arith.addi %add3A_392, %xor3A_400 : vector<1024x128xi32>
    %shift_left3A_402 = arith.constant 24 : i32
    %shift_left3A_403 = vector.broadcast %shift_left3A_402 : i32 to vector<1024x128xi32>
    %shift_left3A_404 = arith.shli %xor3A_400, %shift_left3A_403 : vector<1024x128xi32>
    %shift_right_logical3A_405 = arith.constant 8 : i32
    %shift_right_logical3A_406 = vector.broadcast %shift_right_logical3A_405 : i32 to vector<1024x128xi32>
    %shift_right_logical3A_407 = arith.shrui %xor3A_400, %shift_right_logical3A_406 : vector<1024x128xi32>
    %or3A_408 = arith.ori %shift_left3A_404, %shift_right_logical3A_407 : vector<1024x128xi32>
    %xor3A_409 = arith.xori %or3A_408, %add3A_401 : vector<1024x128xi32>
    %add3A_410 = vector.broadcast %get3A_235 : i32 to vector<1024x128xi32>
    %add3A_411 = arith.addi %add3A_401, %add3A_410 : vector<1024x128xi32>
    %add3A_412 = vector.broadcast %xor3A_240 : i32 to vector<1024x128xi32>
    %add3A_413 = arith.addi %xor3A_409, %add3A_412 : vector<1024x128xi32>
    %add3A_414 = arith.constant 4 : i32
    %add3A_415 = vector.broadcast %add3A_414 : i32 to vector<1024x128xi32>
    %add3A_416 = arith.addi %add3A_413, %add3A_415 : vector<1024x128xi32>
    %add3A_417 = arith.addi %add3A_411, %add3A_416 : vector<1024x128xi32>
    %shift_left3A_418 = arith.constant 13 : i32
    %shift_left3A_419 = vector.broadcast %shift_left3A_418 : i32 to vector<1024x128xi32>
    %shift_left3A_420 = arith.shli %add3A_416, %shift_left3A_419 : vector<1024x128xi32>
    %shift_right_logical3A_421 = arith.constant 19 : i32
    %shift_right_logical3A_422 = vector.broadcast %shift_right_logical3A_421 : i32 to vector<1024x128xi32>
    %shift_right_logical3A_423 = arith.shrui %add3A_416, %shift_right_logical3A_422 : vector<1024x128xi32>
    %or3A_424 = arith.ori %shift_left3A_420, %shift_right_logical3A_423 : vector<1024x128xi32>
    %xor3A_425 = arith.xori %or3A_424, %add3A_417 : vector<1024x128xi32>
    %add3A_426 = arith.addi %add3A_417, %xor3A_425 : vector<1024x128xi32>
    %shift_left3A_427 = arith.constant 15 : i32
    %shift_left3A_428 = vector.broadcast %shift_left3A_427 : i32 to vector<1024x128xi32>
    %shift_left3A_429 = arith.shli %xor3A_425, %shift_left3A_428 : vector<1024x128xi32>
    %shift_right_logical3A_430 = arith.constant 17 : i32
    %shift_right_logical3A_431 = vector.broadcast %shift_right_logical3A_430 : i32 to vector<1024x128xi32>
    %shift_right_logical3A_432 = arith.shrui %xor3A_425, %shift_right_logical3A_431 : vector<1024x128xi32>
    %or3A_433 = arith.ori %shift_left3A_429, %shift_right_logical3A_432 : vector<1024x128xi32>
    %xor3A_434 = arith.xori %or3A_433, %add3A_426 : vector<1024x128xi32>
    %add3A_435 = arith.addi %add3A_426, %xor3A_434 : vector<1024x128xi32>
    %shift_left3A_436 = arith.constant 26 : i32
    %shift_left3A_437 = vector.broadcast %shift_left3A_436 : i32 to vector<1024x128xi32>
    %shift_left3A_438 = arith.shli %xor3A_434, %shift_left3A_437 : vector<1024x128xi32>
    %shift_right_logical3A_439 = arith.constant 6 : i32
    %shift_right_logical3A_440 = vector.broadcast %shift_right_logical3A_439 : i32 to vector<1024x128xi32>
    %shift_right_logical3A_441 = arith.shrui %xor3A_434, %shift_right_logical3A_440 : vector<1024x128xi32>
    %or3A_442 = arith.ori %shift_left3A_438, %shift_right_logical3A_441 : vector<1024x128xi32>
    %xor3A_443 = arith.xori %or3A_442, %add3A_435 : vector<1024x128xi32>
    %add3A_444 = arith.addi %add3A_435, %xor3A_443 : vector<1024x128xi32>
    %shift_left3A_445 = arith.constant 6 : i32
    %shift_left3A_446 = vector.broadcast %shift_left3A_445 : i32 to vector<1024x128xi32>
    %shift_left3A_447 = arith.shli %xor3A_443, %shift_left3A_446 : vector<1024x128xi32>
    %shift_right_logical3A_448 = arith.constant 26 : i32
    %shift_right_logical3A_449 = vector.broadcast %shift_right_logical3A_448 : i32 to vector<1024x128xi32>
    %shift_right_logical3A_450 = arith.shrui %xor3A_443, %shift_right_logical3A_449 : vector<1024x128xi32>
    %or3A_451 = arith.ori %shift_left3A_447, %shift_right_logical3A_450 : vector<1024x128xi32>
    %xor3A_452 = arith.xori %or3A_451, %add3A_444 : vector<1024x128xi32>
    %add3A_453 = vector.broadcast %xor3A_240 : i32 to vector<1024x128xi32>
    %add3A_454 = arith.addi %add3A_444, %add3A_453 : vector<1024x128xi32>
    %add3A_455 = vector.broadcast %get3A_233 : i32 to vector<1024x128xi32>
    %add3A_456 = arith.addi %xor3A_452, %add3A_455 : vector<1024x128xi32>
    %add3A_457 = arith.constant 5 : i32
    %add3A_458 = vector.broadcast %add3A_457 : i32 to vector<1024x128xi32>
    %add3A_459 = arith.addi %add3A_456, %add3A_458 : vector<1024x128xi32>
    %xor3A_460 = arith.xori %add3A_454, %add3A_459 : vector<1024x128xi32>
    %swap3A_461 = arith.constant 0 : index
    %swap3A_462 = arith.constant 0 : index
    %swap3A_463 = vector.load %arg3[%swap3A_461, %swap3A_462] : memref<1024x128xi32, #tpu.memory_space<vmem>>, vector<1024x128xi32>
    tpu.vector_store %arg3[%swap3A_461, %swap3A_462], %xor3A_460 {strides = array<i32>} : memref<1024x128xi32, #tpu.memory_space<vmem>>, vector<1024x128xi32>,
    %eq3A = arith.constant 0 : i32
    %eq3A_464 = arith.cmpi eq, %arg0, %eq3A : i32
    %convert_element_type3A = arith.extui %eq3A_464 : i1 to i32
    %cond3A = arith.constant 0 : i32
    %cond3A_465 = arith.cmpi ne, %convert_element_type3A, %cond3A : i32
    scf.if %cond3A_465 {
      %iota3A_466 = tpu.iota {dimensions = array<i32: 0>} : vector<192x128xi32>
      %iota3A_467 = tpu.iota {dimensions = array<i32: 1>} : vector<192x128xi32>
      %mul3A_468 = arith.constant 128 : i32
      %mul3A_469 = vector.broadcast %mul3A_468 : i32 to vector<192x128xi32>
      %mul3A_470 = arith.muli %iota3A_466, %mul3A_469 : vector<192x128xi32>
      %add3A_471 = arith.addi %mul3A_470, %iota3A_467 : vector<192x128xi32>
      %get3A_472 = arith.constant 4 : index
      %get3A_473 = memref.load %arg1[%get3A_472] : memref<8xi32, #tpu.memory_space<smem>>
      %get3A_474 = arith.constant 5 : index
      %get3A_475 = memref.load %arg1[%get3A_474] : memref<8xi32, #tpu.memory_space<smem>>
      %broadcast_in_dim3A_476 = arith.constant 0 : i32
      %broadcast_in_dim3A_477 = vector.broadcast %broadcast_in_dim3A_476 : i32 to vector<192x128xi32>
      %xor3A_478 = arith.xori %get3A_473, %get3A_475 : i32
      %xor3A_479 = arith.constant 466688986 : i32
      %xor3A_480 = arith.xori %xor3A_478, %xor3A_479 : i32
      %add3A_481 = vector.broadcast %get3A_473 : i32 to vector<192x128xi32>
      %add3A_482 = arith.addi %broadcast_in_dim3A_477, %add3A_481 : vector<192x128xi32>
      %add3A_483 = vector.broadcast %get3A_475 : i32 to vector<192x128xi32>
      %add3A_484 = arith.addi %add3A_471, %add3A_483 : vector<192x128xi32>
      %add3A_485 = arith.addi %add3A_482, %add3A_484 : vector<192x128xi32>
      %shift_left3A_486 = arith.constant 13 : i32
      %shift_left3A_487 = vector.broadcast %shift_left3A_486 : i32 to vector<192x128xi32>
      %shift_left3A_488 = arith.shli %add3A_484, %shift_left3A_487 : vector<192x128xi32>
      %shift_right_logical3A_489 = arith.constant 19 : i32
      %shift_right_logical3A_490 = vector.broadcast %shift_right_logical3A_489 : i32 to vector<192x128xi32>
      %shift_right_logical3A_491 = arith.shrui %add3A_484, %shift_right_logical3A_490 : vector<192x128xi32>
      %or3A_492 = arith.ori %shift_left3A_488, %shift_right_logical3A_491 : vector<192x128xi32>
      %xor3A_493 = arith.xori %or3A_492, %add3A_485 : vector<192x128xi32>
      %add3A_494 = arith.addi %add3A_485, %xor3A_493 : vector<192x128xi32>
      %shift_left3A_495 = arith.constant 15 : i32
      %shift_left3A_496 = vector.broadcast %shift_left3A_495 : i32 to vector<192x128xi32>
      %shift_left3A_497 = arith.shli %xor3A_493, %shift_left3A_496 : vector<192x128xi32>
      %shift_right_logical3A_498 = arith.constant 17 : i32
      %shift_right_logical3A_499 = vector.broadcast %shift_right_logical3A_498 : i32 to vector<192x128xi32>
      %shift_right_logical3A_500 = arith.shrui %xor3A_493, %shift_right_logical3A_499 : vector<192x128xi32>
      %or3A_501 = arith.ori %shift_left3A_497, %shift_right_logical3A_500 : vector<192x128xi32>
      %xor3A_502 = arith.xori %or3A_501, %add3A_494 : vector<192x128xi32>
      %add3A_503 = arith.addi %add3A_494, %xor3A_502 : vector<192x128xi32>
      %shift_left3A_504 = arith.constant 26 : i32
      %shift_left3A_505 = vector.broadcast %shift_left3A_504 : i32 to vector<192x128xi32>
      %shift_left3A_506 = arith.shli %xor3A_502, %shift_left3A_505 : vector<192x128xi32>
      %shift_right_logical3A_507 = arith.constant 6 : i32
      %shift_right_logical3A_508 = vector.broadcast %shift_right_logical3A_507 : i32 to vector<192x128xi32>
      %shift_right_logical3A_509 = arith.shrui %xor3A_502, %shift_right_logical3A_508 : vector<192x128xi32>
      %or3A_510 = arith.ori %shift_left3A_506, %shift_right_logical3A_509 : vector<192x128xi32>
      %xor3A_511 = arith.xori %or3A_510, %add3A_503 : vector<192x128xi32>
      %add3A_512 = arith.addi %add3A_503, %xor3A_511 : vector<192x128xi32>
      %shift_left3A_513 = arith.constant 6 : i32
      %shift_left3A_514 = vector.broadcast %shift_left3A_513 : i32 to vector<192x128xi32>
      %shift_left3A_515 = arith.shli %xor3A_511, %shift_left3A_514 : vector<192x128xi32>
      %shift_right_logical3A_516 = arith.constant 26 : i32
      %shift_right_logical3A_517 = vector.broadcast %shift_right_logical3A_516 : i32 to vector<192x128xi32>
      %shift_right_logical3A_518 = arith.shrui %xor3A_511, %shift_right_logical3A_517 : vector<192x128xi32>
      %or3A_519 = arith.ori %shift_left3A_515, %shift_right_logical3A_518 : vector<192x128xi32>
      %xor3A_520 = arith.xori %or3A_519, %add3A_512 : vector<192x128xi32>
      %add3A_521 = vector.broadcast %get3A_475 : i32 to vector<192x128xi32>
      %add3A_522 = arith.addi %add3A_512, %add3A_521 : vector<192x128xi32>
      %add3A_523 = vector.broadcast %xor3A_480 : i32 to vector<192x128xi32>
      %add3A_524 = arith.addi %xor3A_520, %add3A_523 : vector<192x128xi32>
      %add3A_525 = arith.constant 1 : i32
      %add3A_526 = vector.broadcast %add3A_525 : i32 to vector<192x128xi32>
      %add3A_527 = arith.addi %add3A_524, %add3A_526 : vector<192x128xi32>
      %add3A_528 = arith.addi %add3A_522, %add3A_527 : vector<192x128xi32>
      %shift_left3A_529 = arith.constant 17 : i32
      %shift_left3A_530 = vector.broadcast %shift_left3A_529 : i32 to vector<192x128xi32>
      %shift_left3A_531 = arith.shli %add3A_527, %shift_left3A_530 : vector<192x128xi32>
      %shift_right_logical3A_532 = arith.constant 15 : i32
      %shift_right_logical3A_533 = vector.broadcast %shift_right_logical3A_532 : i32 to vector<192x128xi32>
      %shift_right_logical3A_534 = arith.shrui %add3A_527, %shift_right_logical3A_533 : vector<192x128xi32>
      %or3A_535 = arith.ori %shift_left3A_531, %shift_right_logical3A_534 : vector<192x128xi32>
      %xor3A_536 = arith.xori %or3A_535, %add3A_528 : vector<192x128xi32>
      %add3A_537 = arith.addi %add3A_528, %xor3A_536 : vector<192x128xi32>
      %shift_left3A_538 = arith.constant 29 : i32
      %shift_left3A_539 = vector.broadcast %shift_left3A_538 : i32 to vector<192x128xi32>
      %shift_left3A_540 = arith.shli %xor3A_536, %shift_left3A_539 : vector<192x128xi32>
      %shift_right_logical3A_541 = arith.constant 3 : i32
      %shift_right_logical3A_542 = vector.broadcast %shift_right_logical3A_541 : i32 to vector<192x128xi32>
      %shift_right_logical3A_543 = arith.shrui %xor3A_536, %shift_right_logical3A_542 : vector<192x128xi32>
      %or3A_544 = arith.ori %shift_left3A_540, %shift_right_logical3A_543 : vector<192x128xi32>
      %xor3A_545 = arith.xori %or3A_544, %add3A_537 : vector<192x128xi32>
      %add3A_546 = arith.addi %add3A_537, %xor3A_545 : vector<192x128xi32>
      %shift_left3A_547 = arith.constant 16 : i32
      %shift_left3A_548 = vector.broadcast %shift_left3A_547 : i32 to vector<192x128xi32>
      %shift_left3A_549 = arith.shli %xor3A_545, %shift_left3A_548 : vector<192x128xi32>
      %shift_right_logical3A_550 = arith.constant 16 : i32
      %shift_right_logical3A_551 = vector.broadcast %shift_right_logical3A_550 : i32 to vector<192x128xi32>
      %shift_right_logical3A_552 = arith.shrui %xor3A_545, %shift_right_logical3A_551 : vector<192x128xi32>
      %or3A_553 = arith.ori %shift_left3A_549, %shift_right_logical3A_552 : vector<192x128xi32>
      %xor3A_554 = arith.xori %or3A_553, %add3A_546 : vector<192x128xi32>
      %add3A_555 = arith.addi %add3A_546, %xor3A_554 : vector<192x128xi32>
      %shift_left3A_556 = arith.constant 24 : i32
      %shift_left3A_557 = vector.broadcast %shift_left3A_556 : i32 to vector<192x128xi32>
      %shift_left3A_558 = arith.shli %xor3A_554, %shift_left3A_557 : vector<192x128xi32>
      %shift_right_logical3A_559 = arith.constant 8 : i32
      %shift_right_logical3A_560 = vector.broadcast %shift_right_logical3A_559 : i32 to vector<192x128xi32>
      %shift_right_logical3A_561 = arith.shrui %xor3A_554, %shift_right_logical3A_560 : vector<192x128xi32>
      %or3A_562 = arith.ori %shift_left3A_558, %shift_right_logical3A_561 : vector<192x128xi32>
      %xor3A_563 = arith.xori %or3A_562, %add3A_555 : vector<192x128xi32>
      %add3A_564 = vector.broadcast %xor3A_480 : i32 to vector<192x128xi32>
      %add3A_565 = arith.addi %add3A_555, %add3A_564 : vector<192x128xi32>
      %add3A_566 = vector.broadcast %get3A_473 : i32 to vector<192x128xi32>
      %add3A_567 = arith.addi %xor3A_563, %add3A_566 : vector<192x128xi32>
      %add3A_568 = arith.constant 2 : i32
      %add3A_569 = vector.broadcast %add3A_568 : i32 to vector<192x128xi32>
      %add3A_570 = arith.addi %add3A_567, %add3A_569 : vector<192x128xi32>
      %add3A_571 = arith.addi %add3A_565, %add3A_570 : vector<192x128xi32>
      %shift_left3A_572 = arith.constant 13 : i32
      %shift_left3A_573 = vector.broadcast %shift_left3A_572 : i32 to vector<192x128xi32>
      %shift_left3A_574 = arith.shli %add3A_570, %shift_left3A_573 : vector<192x128xi32>
      %shift_right_logical3A_575 = arith.constant 19 : i32
      %shift_right_logical3A_576 = vector.broadcast %shift_right_logical3A_575 : i32 to vector<192x128xi32>
      %shift_right_logical3A_577 = arith.shrui %add3A_570, %shift_right_logical3A_576 : vector<192x128xi32>
      %or3A_578 = arith.ori %shift_left3A_574, %shift_right_logical3A_577 : vector<192x128xi32>
      %xor3A_579 = arith.xori %or3A_578, %add3A_571 : vector<192x128xi32>
      %add3A_580 = arith.addi %add3A_571, %xor3A_579 : vector<192x128xi32>
      %shift_left3A_581 = arith.constant 15 : i32
      %shift_left3A_582 = vector.broadcast %shift_left3A_581 : i32 to vector<192x128xi32>
      %shift_left3A_583 = arith.shli %xor3A_579, %shift_left3A_582 : vector<192x128xi32>
      %shift_right_logical3A_584 = arith.constant 17 : i32
      %shift_right_logical3A_585 = vector.broadcast %shift_right_logical3A_584 : i32 to vector<192x128xi32>
      %shift_right_logical3A_586 = arith.shrui %xor3A_579, %shift_right_logical3A_585 : vector<192x128xi32>
      %or3A_587 = arith.ori %shift_left3A_583, %shift_right_logical3A_586 : vector<192x128xi32>
      %xor3A_588 = arith.xori %or3A_587, %add3A_580 : vector<192x128xi32>
      %add3A_589 = arith.addi %add3A_580, %xor3A_588 : vector<192x128xi32>
      %shift_left3A_590 = arith.constant 26 : i32
      %shift_left3A_591 = vector.broadcast %shift_left3A_590 : i32 to vector<192x128xi32>
      %shift_left3A_592 = arith.shli %xor3A_588, %shift_left3A_591 : vector<192x128xi32>
      %shift_right_logical3A_593 = arith.constant 6 : i32
      %shift_right_logical3A_594 = vector.broadcast %shift_right_logical3A_593 : i32 to vector<192x128xi32>
      %shift_right_logical3A_595 = arith.shrui %xor3A_588, %shift_right_logical3A_594 : vector<192x128xi32>
      %or3A_596 = arith.ori %shift_left3A_592, %shift_right_logical3A_595 : vector<192x128xi32>
      %xor3A_597 = arith.xori %or3A_596, %add3A_589 : vector<192x128xi32>
      %add3A_598 = arith.addi %add3A_589, %xor3A_597 : vector<192x128xi32>
      %shift_left3A_599 = arith.constant 6 : i32
      %shift_left3A_600 = vector.broadcast %shift_left3A_599 : i32 to vector<192x128xi32>
      %shift_left3A_601 = arith.shli %xor3A_597, %shift_left3A_600 : vector<192x128xi32>
      %shift_right_logical3A_602 = arith.constant 26 : i32
      %shift_right_logical3A_603 = vector.broadcast %shift_right_logical3A_602 : i32 to vector<192x128xi32>
      %shift_right_logical3A_604 = arith.shrui %xor3A_597, %shift_right_logical3A_603 : vector<192x128xi32>
      %or3A_605 = arith.ori %shift_left3A_601, %shift_right_logical3A_604 : vector<192x128xi32>
      %xor3A_606 = arith.xori %or3A_605, %add3A_598 : vector<192x128xi32>
      %add3A_607 = vector.broadcast %get3A_473 : i32 to vector<192x128xi32>
      %add3A_608 = arith.addi %add3A_598, %add3A_607 : vector<192x128xi32>
      %add3A_609 = vector.broadcast %get3A_475 : i32 to vector<192x128xi32>
      %add3A_610 = arith.addi %xor3A_606, %add3A_609 : vector<192x128xi32>
      %add3A_611 = arith.constant 3 : i32
      %add3A_612 = vector.broadcast %add3A_611 : i32 to vector<192x128xi32>
      %add3A_613 = arith.addi %add3A_610, %add3A_612 : vector<192x128xi32>
      %add3A_614 = arith.addi %add3A_608, %add3A_613 : vector<192x128xi32>
      %shift_left3A_615 = arith.constant 17 : i32
      %shift_left3A_616 = vector.broadcast %shift_left3A_615 : i32 to vector<192x128xi32>
      %shift_left3A_617 = arith.shli %add3A_613, %shift_left3A_616 : vector<192x128xi32>
      %shift_right_logical3A_618 = arith.constant 15 : i32
      %shift_right_logical3A_619 = vector.broadcast %shift_right_logical3A_618 : i32 to vector<192x128xi32>
      %shift_right_logical3A_620 = arith.shrui %add3A_613, %shift_right_logical3A_619 : vector<192x128xi32>
      %or3A_621 = arith.ori %shift_left3A_617, %shift_right_logical3A_620 : vector<192x128xi32>
      %xor3A_622 = arith.xori %or3A_621, %add3A_614 : vector<192x128xi32>
      %add3A_623 = arith.addi %add3A_614, %xor3A_622 : vector<192x128xi32>
      %shift_left3A_624 = arith.constant 29 : i32
      %shift_left3A_625 = vector.broadcast %shift_left3A_624 : i32 to vector<192x128xi32>
      %shift_left3A_626 = arith.shli %xor3A_622, %shift_left3A_625 : vector<192x128xi32>
      %shift_right_logical3A_627 = arith.constant 3 : i32
      %shift_right_logical3A_628 = vector.broadcast %shift_right_logical3A_627 : i32 to vector<192x128xi32>
      %shift_right_logical3A_629 = arith.shrui %xor3A_622, %shift_right_logical3A_628 : vector<192x128xi32>
      %or3A_630 = arith.ori %shift_left3A_626, %shift_right_logical3A_629 : vector<192x128xi32>
      %xor3A_631 = arith.xori %or3A_630, %add3A_623 : vector<192x128xi32>
      %add3A_632 = arith.addi %add3A_623, %xor3A_631 : vector<192x128xi32>
      %shift_left3A_633 = arith.constant 16 : i32
      %shift_left3A_634 = vector.broadcast %shift_left3A_633 : i32 to vector<192x128xi32>
      %shift_left3A_635 = arith.shli %xor3A_631, %shift_left3A_634 : vector<192x128xi32>
      %shift_right_logical3A_636 = arith.constant 16 : i32
      %shift_right_logical3A_637 = vector.broadcast %shift_right_logical3A_636 : i32 to vector<192x128xi32>
      %shift_right_logical3A_638 = arith.shrui %xor3A_631, %shift_right_logical3A_637 : vector<192x128xi32>
      %or3A_639 = arith.ori %shift_left3A_635, %shift_right_logical3A_638 : vector<192x128xi32>
      %xor3A_640 = arith.xori %or3A_639, %add3A_632 : vector<192x128xi32>
      %add3A_641 = arith.addi %add3A_632, %xor3A_640 : vector<192x128xi32>
      %shift_left3A_642 = arith.constant 24 : i32
      %shift_left3A_643 = vector.broadcast %shift_left3A_642 : i32 to vector<192x128xi32>
      %shift_left3A_644 = arith.shli %xor3A_640, %shift_left3A_643 : vector<192x128xi32>
      %shift_right_logical3A_645 = arith.constant 8 : i32
      %shift_right_logical3A_646 = vector.broadcast %shift_right_logical3A_645 : i32 to vector<192x128xi32>
      %shift_right_logical3A_647 = arith.shrui %xor3A_640, %shift_right_logical3A_646 : vector<192x128xi32>
      %or3A_648 = arith.ori %shift_left3A_644, %shift_right_logical3A_647 : vector<192x128xi32>
      %xor3A_649 = arith.xori %or3A_648, %add3A_641 : vector<192x128xi32>
      %add3A_650 = vector.broadcast %get3A_475 : i32 to vector<192x128xi32>
      %add3A_651 = arith.addi %add3A_641, %add3A_650 : vector<192x128xi32>
      %add3A_652 = vector.broadcast %xor3A_480 : i32 to vector<192x128xi32>
      %add3A_653 = arith.addi %xor3A_649, %add3A_652 : vector<192x128xi32>
      %add3A_654 = arith.constant 4 : i32
      %add3A_655 = vector.broadcast %add3A_654 : i32 to vector<192x128xi32>
      %add3A_656 = arith.addi %add3A_653, %add3A_655 : vector<192x128xi32>
      %add3A_657 = arith.addi %add3A_651, %add3A_656 : vector<192x128xi32>
      %shift_left3A_658 = arith.constant 13 : i32
      %shift_left3A_659 = vector.broadcast %shift_left3A_658 : i32 to vector<192x128xi32>
      %shift_left3A_660 = arith.shli %add3A_656, %shift_left3A_659 : vector<192x128xi32>
      %shift_right_logical3A_661 = arith.constant 19 : i32
      %shift_right_logical3A_662 = vector.broadcast %shift_right_logical3A_661 : i32 to vector<192x128xi32>
      %shift_right_logical3A_663 = arith.shrui %add3A_656, %shift_right_logical3A_662 : vector<192x128xi32>
      %or3A_664 = arith.ori %shift_left3A_660, %shift_right_logical3A_663 : vector<192x128xi32>
      %xor3A_665 = arith.xori %or3A_664, %add3A_657 : vector<192x128xi32>
      %add3A_666 = arith.addi %add3A_657, %xor3A_665 : vector<192x128xi32>
      %shift_left3A_667 = arith.constant 15 : i32
      %shift_left3A_668 = vector.broadcast %shift_left3A_667 : i32 to vector<192x128xi32>
      %shift_left3A_669 = arith.shli %xor3A_665, %shift_left3A_668 : vector<192x128xi32>
      %shift_right_logical3A_670 = arith.constant 17 : i32
      %shift_right_logical3A_671 = vector.broadcast %shift_right_logical3A_670 : i32 to vector<192x128xi32>
      %shift_right_logical3A_672 = arith.shrui %xor3A_665, %shift_right_logical3A_671 : vector<192x128xi32>
      %or3A_673 = arith.ori %shift_left3A_669, %shift_right_logical3A_672 : vector<192x128xi32>
      %xor3A_674 = arith.xori %or3A_673, %add3A_666 : vector<192x128xi32>
      %add3A_675 = arith.addi %add3A_666, %xor3A_674 : vector<192x128xi32>
      %shift_left3A_676 = arith.constant 26 : i32
      %shift_left3A_677 = vector.broadcast %shift_left3A_676 : i32 to vector<192x128xi32>
      %shift_left3A_678 = arith.shli %xor3A_674, %shift_left3A_677 : vector<192x128xi32>
      %shift_right_logical3A_679 = arith.constant 6 : i32
      %shift_right_logical3A_680 = vector.broadcast %shift_right_logical3A_679 : i32 to vector<192x128xi32>
      %shift_right_logical3A_681 = arith.shrui %xor3A_674, %shift_right_logical3A_680 : vector<192x128xi32>
      %or3A_682 = arith.ori %shift_left3A_678, %shift_right_logical3A_681 : vector<192x128xi32>
      %xor3A_683 = arith.xori %or3A_682, %add3A_675 : vector<192x128xi32>
      %add3A_684 = arith.addi %add3A_675, %xor3A_683 : vector<192x128xi32>
      %shift_left3A_685 = arith.constant 6 : i32
      %shift_left3A_686 = vector.broadcast %shift_left3A_685 : i32 to vector<192x128xi32>
      %shift_left3A_687 = arith.shli %xor3A_683, %shift_left3A_686 : vector<192x128xi32>
      %shift_right_logical3A_688 = arith.constant 26 : i32
      %shift_right_logical3A_689 = vector.broadcast %shift_right_logical3A_688 : i32 to vector<192x128xi32>
      %shift_right_logical3A_690 = arith.shrui %xor3A_683, %shift_right_logical3A_689 : vector<192x128xi32>
      %or3A_691 = arith.ori %shift_left3A_687, %shift_right_logical3A_690 : vector<192x128xi32>
      %xor3A_692 = arith.xori %or3A_691, %add3A_684 : vector<192x128xi32>
      %add3A_693 = vector.broadcast %xor3A_480 : i32 to vector<192x128xi32>
      %add3A_694 = arith.addi %add3A_684, %add3A_693 : vector<192x128xi32>
      %add3A_695 = vector.broadcast %get3A_473 : i32 to vector<192x128xi32>
      %add3A_696 = arith.addi %xor3A_692, %add3A_695 : vector<192x128xi32>
      %add3A_697 = arith.constant 5 : i32
      %add3A_698 = vector.broadcast %add3A_697 : i32 to vector<192x128xi32>
      %add3A_699 = arith.addi %add3A_696, %add3A_698 : vector<192x128xi32>
      %xor3A_700 = arith.xori %add3A_694, %add3A_699 : vector<192x128xi32>
      %shift_right_logical3A_701 = arith.constant 9 : i32
      %shift_right_logical3A_702 = vector.broadcast %shift_right_logical3A_701 : i32 to vector<192x128xi32>
      %shift_right_logical3A_703 = arith.shrui %xor3A_700, %shift_right_logical3A_702 : vector<192x128xi32>
      %or3A_704 = arith.constant 1065353216 : i32
      %or3A_705 = vector.broadcast %or3A_704 : i32 to vector<192x128xi32>
      %or3A_706 = arith.ori %shift_right_logical3A_703, %or3A_705 : vector<192x128xi32>
      %bitcast_convert_type3A = tpu.bitcast %or3A_706 : vector<192x128xi32> -> vector<192x128xf32>
      %sub3A = arith.constant 1.000000e+00 : f32
      %sub3A_707 = vector.broadcast %sub3A : f32 to vector<192x128xf32>
      %sub3A_708 = arith.subf %bitcast_convert_type3A, %sub3A_707 : vector<192x128xf32>
      %mul3A_709 = arith.constant 2.000000e+00 : f32
      %mul3A_710 = vector.broadcast %mul3A_709 : f32 to vector<192x128xf32>
      %mul3A_711 = arith.mulf %sub3A_708, %mul3A_710 : vector<192x128xf32>
      %add3A_712 = arith.constant -1.000000e+00 : f32
      %add3A_713 = vector.broadcast %add3A_712 : f32 to vector<192x128xf32>
      %add3A_714 = arith.addf %mul3A_711, %add3A_713 : vector<192x128xf32>
      %max3A = arith.constant -1.000000e+00 : f32
      %max3A_715 = vector.broadcast %max3A : f32 to vector<192x128xf32>
      %max3A_716 = arith.maximumf %max3A_715, %add3A_714 : vector<192x128xf32>
      %swap3A_717 = arith.constant 0 : index
      %swap3A_718 = arith.constant 0 : index
      %swap3A_719 = vector.load %arg4[%swap3A_717, %swap3A_718] : memref<192x128xf32, #tpu.memory_space<vmem>>, vector<192x128xf32>
      tpu.vector_store %arg4[%swap3A_717, %swap3A_718], %max3A_716 {strides = array<i32>} : memref<192x128xf32, #tpu.memory_space<vmem>>, vector<192x128xf32>,
    } else {
    }
    return
  }
  func.func @transform_0(%arg0: i32) -> i32 {
    %c0_i32 = arith.constant 0 : i32
    %c0_i32_0 = arith.constant 0 : i32
    return %c0_i32 : i32
  }
  func.func @transform_1(%arg0: i32) -> (i32, i32) {
    %c0_i32 = arith.constant 0 : i32
    %c0_i32_0 = arith.constant 0 : i32
    return %arg0, %c0_i32 : i32, i32
  }
  func.func @transform_2(%arg0: i32) -> (i32, i32) {
    %c0_i32 = arith.constant 0 : i32
    %c0_i32_0 = arith.constant 0 : i32
    return %arg0, %c0_i32 : i32, i32
  }
  func.func @transform_3(%arg0: i32) -> (i32, i32) {
    %c0_i32 = arith.constant 0 : i32
    %c0_i32_0 = arith.constant 0 : i32
    %c0_i32_1 = arith.constant 0 : i32
    return %c0_i32, %c0_i32_0 : i32, i32
  }
}

</mosaic_0001>

<sc_bundles>
// kernel: kernel.11.cloned.1.call-start
scs
__scs_entry_jumppad:
0x0: {  	(pc) =	sbr.rel $0x88, $3  }
0x1: {  	(tag) =	ssettag $0x0;
	lr =	simm.s32 $0x1  }
0x2: {  	[smem:$0x3F9E] =	sst lr;
	_ =	strace $0xD0000000  }
0x3: {  	_ = 	snop  }
0x4: {  	_ = 	snop  }
0x5: {  	_ = 	snop  }
0x6: {  	_ = 	snop  }
0x7: {  	_ = 	snop  }
__scs_overlays_trampoline_lowered:
0x8: {  	[smem:$0x3FAD] =	sst s0  }
0x9: {  	[smem:$0x3FAE] =	sst s1  }
0xa: {  	[smem:$0x3FAF] =	sst s2  }
0xb: {  	[smem:$0x3FB0] =	sst s3  }
0xc: {  	[smem:$0x3FB1] =	sst s4  }
0xd: {  	[smem:$0x3FB2] =	sst s5  }
0xe: {  	[smem:$0x3FB3] =	sst s6  }
0xf: {  	[smem:$0x3FB4] =	sst s7  }
0x10: {  	[smem:$0x3FB5] =	sst s8  }
0x11: {  	[smem:$0x3FB6] =	sst s9;
	s0 =	simm.s32 @!p0 $0x0  }
0x12: {  	s1 =	sld [smem:$0x3F9C];
	s0 =	simm.s32 @p0 $0x1  }
0x13: {  	[smem:$0x3FB7] =	sst s0;
	s0 =	simm.s32 @!p1 $0x0  }
0x14: {  	s2 =	sld [smem:$0x3F9B];
	s0 =	simm.s32 @p1 $0x1  }
0x15: {  	[smem:$0x3FB8] =	sst s0;
	s0 =	simm.s32 @!p2 $0x0  }
0x16: {  	s3 =	sld [smem:$0x3FDB];
	s0 =	simm.s32 @p2 $0x1  }
0x17: {  	s4 =	simm.s32 $0x1BF5;
	[smem:$0x3FBA] =	sst s0  }
0x18: {  	s0 =	sld [smem:$0x3F9D];
	_ =	swait.ge [sflag:s4], $0x0  }
0x19: {  	s7 =	sld [smem:$0x3F9E]  }
0x1a: {  	s8 =	sadd.s32 $0xFFFFE003, lr  }
0x1b: {  	s9 =	sadd.s32 $0xFFFFFEF7, lr;
	s5 =	simm.s32 $0xFFFFFFFF;
	p2 =	slt.u32 s8, $0xFFFFF086  }
0x1c: {  	p1 =	slt.u32 s9, $0xF7A;
	s5 =	simm.s32 @!p2 $0x0  }
0x1d: {  	s5 =	simm.s32 @p1 $0x1;
	p0 =	seq.s32 s7, s2  }
0x1e: {  	s7 =	smul.u32 @!p0 $0xF7A, s2;
	p2 =	seq.s32 @!p0 s5, $0x0  }
0x1f: {  	s9 =	smul.u32 $0xF7A, s1;
	s8 =	simm.s32 @!p0 $0x1BF5;
	p2 =	por !p2, p0  }
0x20: {  	[sflag:s8] =	ssyncset.s32 @!p0 $0xFFFFF086;
	s6 =	sadd.s32 @!p0 s3, s7;
	s7 =	simm.s32 @!p0 $0x108  }
0x21: {  	s3 =	sadd.s32 s3, s9;
	s6 =	sadd.s32 @!p0 $0x88, s6;
	s7 =	simm.s32 @p2 $0x1082  }
0x22: {  	[simem:s7], [sflag:s8] =	dma.local @!p0 [hbm:s6], $0xF7A  }
0x23: {  	s9 =	sor.u32 $0xD0000000, s2;
	s6 =	simm.s32 $0x108;
	_ =	swait.ge @!p0 [sflag:s8], $0x0  }
0x24: {  	s3 =	sadd.s32 $0x88, s3;
	s6 =	simm.s32 @!p1 $0x1082;
	[sflag:s4] =	ssyncset.s32 $0xFFFFF086  }
0x25: {  	[simem:s6], [sflag:s4] =	dma.local [hbm:s3], $0xF7A  }
0x26: {  	[smem:$0x3F9E] =	sst s1;
	(tag) =	ssettag s2;
	_ =	strace s9  }
0x27: {  	s1 =	sld [smem:$0x3FAE]  }
0x28: {  	s2 =	sld [smem:$0x3FAF]  }
0x29: {  	s4 =	sld [smem:$0x3FB1]  }
0x2a: {  	p0 =	seq.s32 s5, $0x0;
	s5 =	sld [smem:$0x3FB2]  }
0x2b: {  	s6 =	sld [smem:$0x3FB3]  }
0x2c: {  	s7 =	sld [smem:$0x3FB4]  }
0x2d: {  	s3 =	simm.s32 $0x108;
	s8 =	sld [smem:$0x3FB5]  }
0x2e: {  	s3 =	simm.s32 @!p0 $0x1082;
	s9 =	sld [smem:$0x3FB6]  }
0x2f: {  	lr =	sadd.s32 s0, s3;
	s0 =	sld [smem:$0x3FAD]  }
0x30: {  	s3 =	sld [smem:$0x3FB0]  }
0x31: {  	[smem:$0x3FB9] =	sst s10  }
0x32: {  	s10 =	sld [smem:$0x3FB7];
	_ =	sdelay $0x3  }
0x33: {  	p0 =	seq.s32 s10, $0x1;
	s10 =	sld [smem:$0x3FB9];
	_ =	sdelay $0x3  }
0x34: {  	[smem:$0x3FB9] =	sst s10  }
0x35: {  	s10 =	sld [smem:$0x3FB8];
	_ =	sdelay $0x3  }
0x36: {  	p1 =	seq.s32 s10, $0x1;
	s10 =	sld [smem:$0x3FB9];
	_ =	sdelay $0x3  }
0x37: {  	[smem:$0x3FB9] =	sst s10  }
0x38: {  	s10 =	sld [smem:$0x3FBA]  }
0x39: {  	_ = 	snop;
	(pc) =	sbr.ind lr, $3  }
0x3a: {  	_ = 	snop  }
0x3b: {  	_ = 	snop  }
0x3c: {  	p2 =	seq.s32 s10, $0x1;
	s10 =	sld [smem:$0x3FB9]  }
0x3d: {  	_ =	shalt  }
0x3e: {  	_ =	shalt  }
0x3f: {  	_ =	shalt  }
0x40: {  	_ =	shalt  }
0x41: {  	_ =	shalt  }
0x42: {  	_ =	shalt  }
0x43: {  	_ =	shalt  }
0x44: {  	_ =	shalt  }
0x45: {  	_ =	shalt  }
0x46: {  	_ =	shalt  }
0x47: {  	_ =	shalt  }
0x48: {  	_ =	shalt  }
0x49: {  	_ =	shalt  }
0x4a: {  	_ =	shalt  }
0x4b: {  	_ =	shalt  }
0x4c: {  	_ =	shalt  }
0x4d: {  	_ =	shalt  }
0x4e: {  	_ =	shalt  }
0x4f: {  	_ =	shalt  }
0x50: {  	_ =	shalt  }
0x51: {  	_ =	shalt  }
0x52: {  	_ =	shalt  }
0x53: {  	_ =	shalt  }
0x54: {  	_ =	shalt  }
0x55: {  	_ =	shalt  }
0x56: {  	_ =	shalt  }
0x57: {  	_ =	shalt  }
0x58: {  	_ =	shalt  }
0x59: {  	_ =	shalt  }
0x5a: {  	_ =	shalt  }
0x5b: {  	_ =	shalt  }
0x5c: {  	_ =	shalt  }
0x5d: {  	_ =	shalt  }
0x5e: {  	_ =	shalt  }
0x5f: {  	_ =	shalt  }
0x60: {  	_ =	shalt  }
0x61: {  	_ =	shalt  }
0x62: {  	_ =	shalt  }
0x63: {  	_ =	shalt  }
0x64: {  	_ =	shalt  }
0x65: {  	_ =	shalt  }
0x66: {  	_ =	shalt  }
0x67: {  	_ =	shalt  }
0x68: {  	_ =	shalt  }
0x69: {  	_ =	shalt  }
0x6a: {  	_ =	shalt  }
0x6b: {  	_ =	shalt  }
0x6c: {  	_ =	shalt  }
0x6d: {  	_ =	shalt  }
0x6e: {  	_ =	shalt  }
0x6f: {  	_ =	shalt  }
0x70: {  	_ =	shalt  }
0x71: {  	_ =	shalt  }
0x72: {  	_ =	shalt  }
0x73: {  	_ =	shalt  }
0x74: {  	_ =	shalt  }
0x75: {  	_ =	shalt  }
0x76: {  	_ =	shalt  }
0x77: {  	_ =	shalt  }
0x78: {  	_ =	shalt  }
0x79: {  	_ =	shalt  }
0x7a: {  	_ =	shalt  }
0x7b: {  	_ =	shalt  }
0x7c: {  	_ =	shalt  }
0x7d: {  	_ =	shalt  }
0x7e: {  	_ =	shalt  }
0x7f: {  	_ =	shalt  }
0x80: {  	_ =	shalt  }
0x81: {  	_ =	shalt  }
0x82: {  	_ =	shalt  }
0x83: {  	_ =	shalt  }
0x84: {  	_ =	shalt  }
0x85: {  	_ =	shalt  }
0x86: {  	_ =	shalt  }
0x87: {  	_ =	shalt  }
.Lfunc_end0:
.L_simem_size_0:
called_computation.1_lowered:
.L_overlay_start_0:
0x88: {  	s2 =	sld [smem:$0x3FD9]  }
0x89: {  	s3 =	sld [smem:$0x3FFE];
	_ =	sdelay $0x1  }
0x8a: {  	s1 =	srdreg.scid  }
0x8b: {  	s0 =	sand.u32 $0x1, s1  }
0x8c: {  	s16 =	sshll.u32 s0, $0xA;
	s2 =	sadd.s32 s3, s2  }
0x8d: {  	s2 =	sadd.s32 s2, s16  }
0x8e: {  	[smem:$0x3FC5] =	sst s2  }
0x8f: {  	_ = 	snop  }
0x90: {  	(tm) =	ssettm $0x1  }
0x91: {  	s17 =	sld [smem:$0x3FFB];
	_ =	sdelay $0x3  }
0x92: {  	_ =	strace s17  }
0x93: {  	s2 =	sld [smem:$0x3FFC];
	_ =	sdelay $0x3  }
0x94: {  	_ =	strace s2  }
0x95: {  	s2 =	sld [smem:$0x3FFD];
	_ =	sdelay $0x3  }
0x96: {  	_ =	strace s2  }
0x97: {  	_ =	strace $0x8FFFFFFF  }
0x98: {  	s18 =	sld [smem:$0x3FDB];
	_ =	sdelay $0x1  }
0x99: {  	s19 =	simm.s32 $_scs_section_size  }
0x9a: {  	s4 =	simm.s32 $_size__tile_overlayer_lowered;
	s5 =	simm.s32 $_tile_overlayer_lowered  }
0x9b: {  	s22 =	simm.s32 $0x1BFF;
	s21 =	sshll.u32 s5, $0x1;
	s2 =	sadd.s32 s19, s18  }
0x9c: {  	s6 =	simm.s32 $0x0;
	s20 =	sshll.u32 s4, $0x1;
	s4 =	sadd.s32 s21, s2  }
0x9d: {  	[timem:s6], [sflag:s22] =	dma.local [hbm:s4], s20  }
0x9e: {  	_ =	swait.ge [sflag:s22], s20  }
0x9f: {  	s3 =	ssub.s32 $0x0, s20;
	[sflag:s22] =	ssyncset.done $0x0  }
0xa0: {  	[sflag:s22] =	ssyncadd.s32 s3;
	_ =	sdelay $0x1  }
0xa1: {  	s23 =	simm.s32 $0x1B8B  }
0xa2: {  	_ =	swait.ge [sflag:s23], $0x1  }
0xa3: {  	[sflag:s23] =	ssyncset.done $0x0  }
0xa4: {  	s25 =	simm.s32 $0x1B8E;
	s24 =	sld [smem:$0x3FFE];
	[sflag:s23] =	ssyncadd.s32 $0xFFFFFFFF  }
0xa5: {  	s26 =	simm.s32 $execute0_lowered;
	[smem:$0x3FD2] =	sst s25  }
0xa6: {  	s4 =	sshll.u32 s26, $0x1;
	_ =	strace $0x80000049;
	[dreg:$0x1] =	wrdreg $0xFFFFFFFF  }
0xa7: {  	s28 =	simm.s32 $_size_execute0_lowered;
	s2 =	sadd.s32 s2, s4;
	[dreg:$0x0] =	wrdreg $0x0  }
0xa8: {  	s4 =	sshll.u32 s28, $0x1;
	[dreg:$0x2] =	wrdreg s2  }
0xa9: {  	[dreg:$0x3] =	wrdreg s4  }
0xaa: {  	[dreg:$0x4] =	wrdreg $0xC0  }
0xab: {  	_ =	task [dreg:s6], $0x5FFFF  }
0xac: {  	[dreg:$0x1] =	wrdreg $0xFFFFFFFF  }
0xad: {  	[dreg:$0x0] =	wrdreg $0x60  }
0xae: {  	[dreg:$0x2] =	wrdreg s24  }
0xaf: {  	[dreg:$0x3] =	wrdreg $0x9  }
0xb0: {  	_ =	task.clear_ibuf [dreg:s6], $0x4FFFF;
	_ =	strace $0x90000049  }
0xb1: {  	s29 =	simm.s32 $0x9;
	_ =	strace $0x8000004B  }
0xb2: {  	_ =	swait.ge [sflag:s29], $0x1  }
0xb3: {  	[sflag:s29] =	ssyncadd.s32 $0xFFFFFFFF  }
0xb4: {  	_ =	strace $0x9000004B  }
0xb5: {  	_ =	sfence  }
0xb6: {  	s30 =	sld [smem:$0x0];
	_ =	sdelay $0x2  }
0xb7: {  	s31 =	sshll.u32 s1, $0xD;
	s1 =	sshrl.u32 s1, $0x2  }
0xb8: {  	s3 =	sand.u32 $0x4000, s31;
	s1 =	sadd.s32 s1, s30  }
0xb9: {  	s0 =	sor.u32 s3, s0;
	s1 =	sshll.u32 s1, $0x11  }
0xba: {  	s0 =	sor.u32 s1, s0  }
0xbb: {  	s0 =	sadd.s32 $0x8F2B, s0  }
0xbc: {  	[sflag:s0] =	ssyncadd.remote.s32 $0x1  }
0xbd: {  	_ =	sfence.sel $0xFFFF  }
0xbe: {  	[dreg:$0x0] =	wrdreg $0xFFFFFFFF;
	(pc) =	sbr.abs _section_cstart, $3  }
0xbf: {  	[dreg:$0x1] =	wrdreg $0xFFFFFFFF  }
0xc0: {  	_ =	task.clear_ibuf [dreg:s6], $0x2FFFF;
	_ =	strace $0x9FFFFFFF  }
0xc1: {  	(tm) =	ssettm $0x7FFFFFFF  }
tec
execute0_lowered:
.L_overlay_start_1:
0x0: {  	(tag) =	ssettag $0x1  }
0x1: {  	s1 =	srdreg.scid;
	s0 =	stileid.u32  }
0x2: {  	s4 =	rddreg [dreg:$0x0];
	s14 =	simm.s32 $0x1;
	s15 =	simm.s32 $0x2  }
0x3: {  	s16 =	simm.s32 $0xC000;
	s18 =	simm.s32 $0x14000;
	s19 =	simm.s32 $0x0  }
0x4: {  	s8 =	sand.u32 $0x1, s1;
	s2 =	sshll.u32 s0, $0x1;
	s1 =	rddreg [dreg:$0x1]  }
0x5: {  	s10 =	sshll.u32 s0, $0x10;
	s9 =	sadd.s32 $0xC00, s4;
	s6 =	sor.u32 s8, s2  }
0x6: {  	s2 =	simm.s32 $0x0;
	s5 =	ssub.s32 $0x2, s8;
	s31 =	sshll.u32 s8, $0xF  }
0x7: {  	s3 =	sshll.u32 s6, $0x7;
	[smem:$0x7FF] =	sst s2;
	s11 =	sshrl.u32 s5, $0x1  }
0x8: {  	s29 =	sshll.u32 s6, $0x8;
	s12 =	sshll.u32 s6, $0xC;
	s13 =	sshll.u32 s6, $0x4  }
0x9: {  	s3 =	sor.u32 s3, s10;
	_ =	strace $0x8000004A;
	s11 =	ssub.s32 s5, s11  }
0xa: {  	s6 =	sadd.s32 s9, s12;
	s17 =	sadd.s32 $0xF4640, s13;
	s30 =	sor.u32 $0x80, s29  }
0xb: {  	s10 =	sor.u32 s31, s10;
	s13 =	simm.s32 $0x4000;
	s3 =	sand.u32 $0xC0380, s3  }
0xc: {  	s12 =	sshll.u32 s30, $0x4;
	v0 =	vmov s17;
	s17 =	simm.s32 $0x10000;
	s3 =	sshrl.u32 s3, $0x3  }
0xd: {  	s8 =	sadd.s32 s9, s12;
	s9 =	smax.u32 s11, $0x1;
	s11 =	simm.s32 $0x80  }
0xe: {  	s12 =	simm.s32 $0x400;
	s7 =	sadd.s32 s3, s4;
	s3 =	sadd.s32 $0x40C00, s4  }
0xf: {  	v1 =	vlaneseq.u32;
	s4 =	sadd.s32 $0x72800, s4;
	s5 =	sadd.s32 $0x20C00, s7;
	s7 =	sshll.u32 s30, $0x7  }
.LBB2_1:
0x10: {  	[tilespmem:s13], [sflag:$0x1] =	stream.strided.gather [hbm4b:s5+s11], $0x8000, s12, s11, $0x38;
	[tilespmem:$0x18000] =	vst v63  }
0x11: {  	_ =	swait.ge [sflag:s14], $0x8000  }
0x12: {  	[sflag:s14] =	ssyncset.done $0x0  }
0x13: {  	[sflag:s14] =	ssyncadd.s32 $0xFFFF8000  }
0x14: {  	[tilespmem:s2], [sflag:$0x1] =	stream.linear.gather [hbm4b:s6+s2], $0x4000, $0x38;
	[tilespmem:$0x18000] =	vst v63  }
0x15: {  	_ =	swait.ge [sflag:s14], $0x4000  }
0x16: {  	[sflag:s14] =	ssyncset.done $0x0  }
0x17: {  	s20 =	sand.u32 $0x3FF0, s2;
	[sflag:s14] =	ssyncadd.s32 $0xFFFFC000  }
0x18: {  	v2 =	vld [tilespmem:s20+$0x0];
	_ =	sdelay $0x2  }
0x19: {  	s30 =	sadd.s32 $0x0, s10  }
0x1a: {  	v3 =	vmov s30  }
0x1b: {  	vm0 =	vlt.u32 v3, $0xF4240;
	v3 =	vshrl.u32 v2, $0x11  }
0x1c: {  	(xrf1) =	vunique.msk.u32 vm0, v3;
	_ =	sdelay $0xd  }
0x1d: {  	v4 =	vld.idx.msk [tilespmem:v3+s13+$0x0], vm0;
	_, v5, vm1 =	vpop (xrf1)  }
0x1e: {  	vm1 =	vmand vm0, vm1;
	_ =	sdelay $0x3  }
0x1f: {  	v4 =	vadd.s32 v4, v5  }
0x20: {  	v5 =	vadd.s32 $0xFFFFFFFF, v4  }
0x21: {  	[tilespmem:v3+s13+$0x0] =	vst.idx.msk vm1, v4;
	v3 =	vsel vm0, v5, v0  }
0x22: {  	[tilespmem:s16+$0x0] =	vst v3  }
0x23: {  	s23 =	simm.s32 $0x10;
	v3 =	vor.u32 s30, v1;
	[tilespmem:s17+$0x0] =	vst v2  }
0x24: {  	s31 =	sand.u32 $0x3FF0, s23;
	[tilespmem:s18+$0x0] =	vst v3  }
0x25: {  	v2 =	vld [tilespmem:s31+$0x0]  }
0x26: {  	s24 =	simm.s32 $0x20  }
0x27: {  	s22 =	simm.s32 $0xC000;
	s21 =	simm.s32 $0x10000;
	s20 =	simm.s32 $0x14000  }
.LBB2_2:
0x28: {  	p0 =	sne.s32 s24, $0x3FF0;
	s25 =	sadd.s32 s23, s10;
	s23 =	smov.u32 s24  }
0x29: {  	v3 =	vmov s25  }
0x2a: {  	vm0 =	vlt.u32 v3, $0xF4240;
	v3 =	vshrl.u32 v2, $0x11  }
0x2b: {  	(xrf1) =	vunique.msk.u32 vm0, v3;
	_ =	sdelay $0xc  }
0x2c: {  	v4 =	vld.idx.msk [tilespmem:v3+s13+$0x0], vm0  }
0x2d: {  	_, v5, vm1 =	vpop (xrf1)  }
0x2e: {  	vm1 =	vmand vm0, vm1;
	_ =	sdelay $0x3  }
0x2f: {  	v4 =	vadd.s32 v4, v5  }
0x30: {  	v5 =	vadd.s32 $0xFFFFFFFF, v4  }
0x31: {  	s22 =	sadd.s32 $0x10, s22;
	[tilespmem:v3+s13+$0x0] =	vst.idx.msk vm1, v4;
	v3 =	vsel vm0, v5, v0  }
0x32: {  	s21 =	sadd.s32 $0x10, s21;
	[tilespmem:s22+$0x0] =	vst v3  }
.Ltmp0:
0x33: {  	s20 =	sadd.s32 $0x10, s20;
	v3 =	vor.u32 s25, v1;
	[tilespmem:s21+$0x0] =	vst v2;
	(pc) =	sbr.rel @p0 .LBB2_2-.Ltmp0, $3  }
0x34: {  	s25 =	sand.u32 $0x3FF0, s24;
	[tilespmem:s20+$0x0] =	vst v3  }
0x35: {  	v2 =	vld [tilespmem:s25+$0x0];
	_ =	sdelay $0x1  }
0x36: {  	s24 =	sadd.s32 $0x10, s24  }
0x37: {  	s23 =	sadd.s32 s23, s10  }
0x38: {  	v3 =	vmov s23  }
0x39: {  	vm0 =	vlt.u32 v3, $0xF4240;
	v3 =	vshrl.u32 v2, $0x11  }
0x3a: {  	(xrf1) =	vunique.msk.u32 vm0, v3;
	_ =	sdelay $0xd  }
0x3b: {  	v4 =	vld.idx.msk [tilespmem:v3+s13+$0x0], vm0;
	_, v5, vm1 =	vpop (xrf1)  }
0x3c: {  	vm1 =	vmand vm0, vm1;
	_ =	sdelay $0x3  }
0x3d: {  	v4 =	vadd.s32 v4, v5  }
0x3e: {  	v5 =	vadd.s32 $0xFFFFFFFF, v4  }
0x3f: {  	s22 =	sadd.s32 $0x10, s22;
	[tilespmem:v3+s13+$0x0] =	vst.idx.msk vm1, v4;
	v3 =	vsel vm0, v5, v0  }
0x40: {  	s21 =	sadd.s32 $0x10, s21;
	[tilespmem:s22+$0x0] =	vst v3  }
0x41: {  	s20 =	sadd.s32 $0x10, s20;
	v3 =	vor.u32 s23, v1;
	[tilespmem:s21+$0x0] =	vst v2  }
0x42: {  	s22 =	simm.s32 $0xC000;
	s21 =	simm.s32 $0x10000;
	[tilespmem:s20+$0x0] =	vst v3  }
0x43: {  	[hbm4b:s3+s13] =	stream.indirect.scatter [tilespmem:s21], [sflag:$0x1], $0x1, s22, s13, $0xb8;
	[tilespmem:$0x18000] =	vst v63  }
0x44: {  	s20 =	simm.s32 $0x14000  }
0x45: {  	[hbm4b:s4+s13] =	stream.indirect.scatter [tilespmem:s20], [sflag:$0x2], $0x1, s22, s13, $0xb8;
	[tilespmem:$0x18000] =	vst v63  }
0x46: {  	_ =	swait.ge [sflag:s14], $0x4000  }
0x47: {  	[sflag:s14] =	ssyncset.done $0x0  }
0x48: {  	[sflag:s14] =	ssyncadd.s32 $0xFFFFC000  }
0x49: {  	_ =	swait.ge [sflag:s15], $0x4000  }
0x4a: {  	[sflag:s15] =	ssyncset.done $0x0  }
0x4b: {  	s29 =	simm.s32 $0x0;
	[sflag:s15] =	ssyncadd.s32 $0xFFFFC000  }
0x4c: {  	[tilespmem:s29], [sflag:$0x1] =	stream.linear.gather [hbm4b:s8+s29], $0x4000, $0x38;
	[tilespmem:$0x18000] =	vst v63  }
0x4d: {  	_ =	swait.ge [sflag:s14], $0x4000  }
0x4e: {  	s24 =	sand.u32 $0x70, s29;
	s23 =	sand.u32 $0x3F80, s29;
	[sflag:s14] =	ssyncset.done $0x0  }
0x4f: {  	s25 =	sor.u32 s24, s23;
	[sflag:s14] =	ssyncadd.s32 $0xFFFFC000  }
0x50: {  	v2 =	vld [tilespmem:s25+$0x0];
	_ =	sdelay $0x1  }
0x51: {  	s24 =	sor.u32 s7, s24  }
0x52: {  	s23 =	sor.u32 s23, s24  }
0x53: {  	v3 =	vmov s23  }
0x54: {  	vm14 =	vlt.u32 v3, $0xF4240;
	v3 =	vshrl.u32 v2, $0x11  }
0x55: {  	(xrf1) =	vunique.msk.u32 vm14, v3;
	_ =	sdelay $0xd  }
0x56: {  	v62 =	vld.idx.msk [tilespmem:v3+s13+$0x0], vm14;
	_, v63, vm15 =	vpop (xrf1)  }
0x57: {  	vm1 =	vmand vm14, vm15;
	_ =	sdelay $0x3  }
0x58: {  	v4 =	vadd.s32 v62, v63  }
0x59: {  	v5 =	vadd.s32 $0xFFFFFFFF, v4  }
0x5a: {  	[tilespmem:v3+s13+$0x0] =	vst.idx.msk vm1, v4;
	v3 =	vsel vm14, v5, v0  }
0x5b: {  	s30 =	simm.s32 $0x10;
	[tilespmem:s22+$0x0] =	vst v3  }
0x5c: {  	s24 =	sand.u32 $0x3F80, s30;
	s25 =	sand.u32 $0x70, s30;
	v3 =	vor.u32 s23, v1;
	[tilespmem:s21+$0x0] =	vst v2  }
0x5d: {  	s31 =	sor.u32 s25, s24;
	[tilespmem:s20+$0x0] =	vst v3  }
0x5e: {  	v2 =	vld [tilespmem:s31+$0x0]  }
0x5f: {  	s23 =	simm.s32 $0x20  }
.LBB2_4:
0x60: {  	p0 =	sne.s32 s23, $0x3FF0;
	s25 =	sor.u32 s7, s25  }
0x61: {  	s26 =	sor.u32 s24, s25  }
0x62: {  	v3 =	vmov s26  }
0x63: {  	vm0 =	vlt.u32 v3, $0xF4240;
	v3 =	vshrl.u32 v2, $0x11  }
0x64: {  	(xrf1) =	vunique.msk.u32 vm0, v3;
	_ =	sdelay $0xc  }
0x65: {  	v4 =	vld.idx.msk [tilespmem:v3+s13+$0x0], vm0  }
0x66: {  	_, v5, vm1 =	vpop (xrf1)  }
0x67: {  	vm1 =	vmand vm0, vm1;
	_ =	sdelay $0x3  }
0x68: {  	v4 =	vadd.s32 v4, v5  }
0x69: {  	v5 =	vadd.s32 $0xFFFFFFFF, v4  }
0x6a: {  	s22 =	sadd.s32 $0x10, s22;
	[tilespmem:v3+s13+$0x0] =	vst.idx.msk vm1, v4;
	v3 =	vsel vm0, v5, v0  }
.Ltmp1:
0x6b: {  	s21 =	sadd.s32 $0x10, s21;
	[tilespmem:s22+$0x0] =	vst v3;
	(pc) =	sbr.rel @p0 .LBB2_4-.Ltmp1, $4  }
0x6c: {  	s20 =	sadd.s32 $0x10, s20;
	s25 =	sand.u32 $0x70, s23;
	s24 =	sand.u32 $0x3F80, s23;
	v3 =	vor.u32 s26, v1;
	[tilespmem:s21+$0x0] =	vst v2  }
0x6d: {  	s26 =	sor.u32 s25, s24;
	[tilespmem:s20+$0x0] =	vst v3  }
0x6e: {  	v2 =	vld [tilespmem:s26+$0x0]  }
0x6f: {  	s23 =	sadd.s32 $0x10, s23  }
0x70: {  	s23 =	sor.u32 s7, s25  }
0x71: {  	s23 =	sor.u32 s24, s23  }
0x72: {  	v3 =	vmov s23  }
0x73: {  	vm0 =	vlt.u32 v3, $0xF4240;
	v3 =	vshrl.u32 v2, $0x11  }
0x74: {  	(xrf1) =	vunique.msk.u32 vm0, v3;
	_ =	sdelay $0xd  }
0x75: {  	v4 =	vld.idx.msk [tilespmem:v3+s13+$0x0], vm0;
	_, v5, vm1 =	vpop (xrf1)  }
0x76: {  	vm1 =	vmand vm0, vm1;
	_ =	sdelay $0x3  }
0x77: {  	v4 =	vadd.s32 v4, v5  }
0x78: {  	v5 =	vadd.s32 $0xFFFFFFFF, v4  }
0x79: {  	s22 =	sadd.s32 $0x10, s22;
	[tilespmem:v3+s13+$0x0] =	vst.idx.msk vm1, v4;
	v3 =	vsel vm0, v5, v0  }
0x7a: {  	s21 =	sadd.s32 $0x10, s21;
	[tilespmem:s22+$0x0] =	vst v3  }
0x7b: {  	s20 =	sadd.s32 $0x10, s20;
	v3 =	vor.u32 s23, v1;
	[tilespmem:s21+$0x0] =	vst v2  }
0x7c: {  	[tilespmem:s20+$0x0] =	vst v3  }
0x7d: {  	[hbm4b:s3+s13] =	stream.indirect.scatter [tilespmem:s17], [sflag:$0x1], $0x1, s16, s13, $0xb8;
	[tilespmem:$0x18000] =	vst v63  }
0x7e: {  	s19 =	sadd.s32 $0x1, s19  }
0x7f: {  	[hbm4b:s4+s13] =	stream.indirect.scatter [tilespmem:s18], [sflag:$0x2], $0x1, s16, s13, $0xb8;
	[tilespmem:$0x18000] =	vst v63  }
0x80: {  	p0 =	sne.s32 s19, s9;
	_ =	swait.ge [sflag:s14], $0x4000  }
.Ltmp2:
0x81: {  	[sflag:s14] =	ssyncset.done $0x0;
	(pc) =	sbr.rel @p0 .LBB2_1-.Ltmp2, $4  }
0x82: {  	[sflag:s14] =	ssyncadd.s32 $0xFFFFC000  }
0x83: {  	_ =	swait.ge [sflag:s15], $0x4000  }
0x84: {  	[sflag:s15] =	ssyncset.done $0x0  }
0x85: {  	[sflag:s15] =	ssyncadd.s32 $0xFFFFC000  }
0x86: {  	_ =	sfence.sel $0x180000  }
0x87: {  	[bflag:$0x0] =	sbarrier.arrive $0xFFFF  }
0x88: {  	p0 =	sne.s32 s0, $0x0;
	_ =	strace $0x9000004A  }
0x89: {  	s0 =	sadd.s32 @!p0 $0x100000, s1;
	[bflag:$0x2] =	sbarrier.arrive $0xFFFF  }
0x8a: {  	[sflag:s0] =	ssyncadd.tile.s32 @!p0 $0x1;
	_ =	shalt  }
.Lfunc_end2:
_tile_overlayer_lowered:
.L_overlay_start_2:
0x8b: {  	(tag) =	ssettag $0x2  }
0x8c: {  	s0 =	rddreg [dreg:$0x0];
	s2 =	stileid.u32  }
0x8d: {  	s1 =	rddreg [dreg:$0x1];
	p0 =	sne.s32 s2, $0x0  }
0x8e: {  	s3 =	rddreg [dreg:$0x2];
	[bflag:$0x3] =	sbarrier.arrive $0xFFFF;
	s2 =	simm.s32 @!p0 $0x1C03  }
0x8f: {  	[timem:s3], [sflag:s2] =	dma.local @!p0 [hbm:s0], s1  }
0x90: {  	s0 =	simm.s32 @!p0 $0x3  }
0x91: {  	_ =	swait.ge @!p0 [sflag:s0], s1  }
0x92: {  	s1 =	ssub.s32 @!p0 $0x0, s1;
	[sflag:s0] =	ssyncset.done @!p0 $0x0  }
0x93: {  	[sflag:s0] =	ssyncadd.s32 @!p0 s1  }
0x94: {  	[bflag:$0x3] =	sbarrier.arrive $0xFFFF  }
0x95: {  	_ =	shalt  }

// kernel: kernel.16.cloned.1.call-start
scs
__scs_entry_jumppad:
0x0: {  	(pc) =	sbr.rel $0x88, $3  }
0x1: {  	(tag) =	ssettag $0x0;
	lr =	simm.s32 $0x1  }
0x2: {  	[smem:$0x3F9E] =	sst lr;
	_ =	strace $0xD0000000  }
0x3: {  	_ = 	snop  }
0x4: {  	_ = 	snop  }
0x5: {  	_ = 	snop  }
0x6: {  	_ = 	snop  }
0x7: {  	_ = 	snop  }
__scs_overlays_trampoline_lowered:
0x8: {  	[smem:$0x3FAD] =	sst s0  }
0x9: {  	[smem:$0x3FAE] =	sst s1  }
0xa: {  	[smem:$0x3FAF] =	sst s2  }
0xb: {  	[smem:$0x3FB0] =	sst s3  }
0xc: {  	[smem:$0x3FB1] =	sst s4  }
0xd: {  	[smem:$0x3FB2] =	sst s5  }
0xe: {  	[smem:$0x3FB3] =	sst s6  }
0xf: {  	[smem:$0x3FB4] =	sst s7  }
0x10: {  	[smem:$0x3FB5] =	sst s8  }
0x11: {  	[smem:$0x3FB6] =	sst s9;
	s0 =	simm.s32 @!p0 $0x0  }
0x12: {  	s1 =	sld [smem:$0x3F9C];
	s0 =	simm.s32 @p0 $0x1  }
0x13: {  	[smem:$0x3FB7] =	sst s0;
	s0 =	simm.s32 @!p1 $0x0  }
0x14: {  	s2 =	sld [smem:$0x3F9B];
	s0 =	simm.s32 @p1 $0x1  }
0x15: {  	[smem:$0x3FB8] =	sst s0;
	s0 =	simm.s32 @!p2 $0x0  }
0x16: {  	s3 =	sld [smem:$0x3FDB];
	s0 =	simm.s32 @p2 $0x1  }
0x17: {  	s4 =	simm.s32 $0x1BF5;
	[smem:$0x3FBA] =	sst s0  }
0x18: {  	s0 =	sld [smem:$0x3F9D];
	_ =	swait.ge [sflag:s4], $0x0  }
0x19: {  	s7 =	sld [smem:$0x3F9E]  }
0x1a: {  	s8 =	sadd.s32 $0xFFFFE003, lr  }
0x1b: {  	s9 =	sadd.s32 $0xFFFFFEF7, lr;
	s5 =	simm.s32 $0xFFFFFFFF;
	p2 =	slt.u32 s8, $0xFFFFF086  }
0x1c: {  	p1 =	slt.u32 s9, $0xF7A;
	s5 =	simm.s32 @!p2 $0x0  }
0x1d: {  	s5 =	simm.s32 @p1 $0x1;
	p0 =	seq.s32 s7, s2  }
0x1e: {  	s7 =	smul.u32 @!p0 $0xF7A, s2;
	p2 =	seq.s32 @!p0 s5, $0x0  }
0x1f: {  	s9 =	smul.u32 $0xF7A, s1;
	s8 =	simm.s32 @!p0 $0x1BF5;
	p2 =	por !p2, p0  }
0x20: {  	[sflag:s8] =	ssyncset.s32 @!p0 $0xFFFFF086;
	s6 =	sadd.s32 @!p0 s3, s7;
	s7 =	simm.s32 @!p0 $0x108  }
0x21: {  	s3 =	sadd.s32 s3, s9;
	s6 =	sadd.s32 @!p0 $0x88, s6;
	s7 =	simm.s32 @p2 $0x1082  }
0x22: {  	[simem:s7], [sflag:s8] =	dma.local @!p0 [hbm:s6], $0xF7A  }
0x23: {  	s9 =	sor.u32 $0xD0000000, s2;
	s6 =	simm.s32 $0x108;
	_ =	swait.ge @!p0 [sflag:s8], $0x0  }
0x24: {  	s3 =	sadd.s32 $0x88, s3;
	s6 =	simm.s32 @!p1 $0x1082;
	[sflag:s4] =	ssyncset.s32 $0xFFFFF086  }
0x25: {  	[simem:s6], [sflag:s4] =	dma.local [hbm:s3], $0xF7A  }
0x26: {  	[smem:$0x3F9E] =	sst s1;
	(tag) =	ssettag s2;
	_ =	strace s9  }
0x27: {  	s1 =	sld [smem:$0x3FAE]  }
0x28: {  	s2 =	sld [smem:$0x3FAF]  }
0x29: {  	s4 =	sld [smem:$0x3FB1]  }
0x2a: {  	p0 =	seq.s32 s5, $0x0;
	s5 =	sld [smem:$0x3FB2]  }
0x2b: {  	s6 =	sld [smem:$0x3FB3]  }
0x2c: {  	s7 =	sld [smem:$0x3FB4]  }
0x2d: {  	s3 =	simm.s32 $0x108;
	s8 =	sld [smem:$0x3FB5]  }
0x2e: {  	s3 =	simm.s32 @!p0 $0x1082;
	s9 =	sld [smem:$0x3FB6]  }
0x2f: {  	lr =	sadd.s32 s0, s3;
	s0 =	sld [smem:$0x3FAD]  }
0x30: {  	s3 =	sld [smem:$0x3FB0]  }
0x31: {  	[smem:$0x3FB9] =	sst s10  }
0x32: {  	s10 =	sld [smem:$0x3FB7];
	_ =	sdelay $0x3  }
0x33: {  	p0 =	seq.s32 s10, $0x1;
	s10 =	sld [smem:$0x3FB9];
	_ =	sdelay $0x3  }
0x34: {  	[smem:$0x3FB9] =	sst s10  }
0x35: {  	s10 =	sld [smem:$0x3FB8];
	_ =	sdelay $0x3  }
0x36: {  	p1 =	seq.s32 s10, $0x1;
	s10 =	sld [smem:$0x3FB9];
	_ =	sdelay $0x3  }
0x37: {  	[smem:$0x3FB9] =	sst s10  }
0x38: {  	s10 =	sld [smem:$0x3FBA]  }
0x39: {  	_ = 	snop;
	(pc) =	sbr.ind lr, $3  }
0x3a: {  	_ = 	snop  }
0x3b: {  	_ = 	snop  }
0x3c: {  	p2 =	seq.s32 s10, $0x1;
	s10 =	sld [smem:$0x3FB9]  }
0x3d: {  	_ =	shalt  }
0x3e: {  	_ =	shalt  }
0x3f: {  	_ =	shalt  }
0x40: {  	_ =	shalt  }
0x41: {  	_ =	shalt  }
0x42: {  	_ =	shalt  }
0x43: {  	_ =	shalt  }
0x44: {  	_ =	shalt  }
0x45: {  	_ =	shalt  }
0x46: {  	_ =	shalt  }
0x47: {  	_ =	shalt  }
0x48: {  	_ =	shalt  }
0x49: {  	_ =	shalt  }
0x4a: {  	_ =	shalt  }
0x4b: {  	_ =	shalt  }
0x4c: {  	_ =	shalt  }
0x4d: {  	_ =	shalt  }
0x4e: {  	_ =	shalt  }
0x4f: {  	_ =	shalt  }
0x50: {  	_ =	shalt  }
0x51: {  	_ =	shalt  }
0x52: {  	_ =	shalt  }
0x53: {  	_ =	shalt  }
0x54: {  	_ =	shalt  }
0x55: {  	_ =	shalt  }
0x56: {  	_ =	shalt  }
0x57: {  	_ =	shalt  }
0x58: {  	_ =	shalt  }
0x59: {  	_ =	shalt  }
0x5a: {  	_ =	shalt  }
0x5b: {  	_ =	shalt  }
0x5c: {  	_ =	shalt  }
0x5d: {  	_ =	shalt  }
0x5e: {  	_ =	shalt  }
0x5f: {  	_ =	shalt  }
0x60: {  	_ =	shalt  }
0x61: {  	_ =	shalt  }
0x62: {  	_ =	shalt  }
0x63: {  	_ =	shalt  }
0x64: {  	_ =	shalt  }
0x65: {  	_ =	shalt  }
0x66: {  	_ =	shalt  }
0x67: {  	_ =	shalt  }
0x68: {  	_ =	shalt  }
0x69: {  	_ =	shalt  }
0x6a: {  	_ =	shalt  }
0x6b: {  	_ =	shalt  }
0x6c: {  	_ =	shalt  }
0x6d: {  	_ =	shalt  }
0x6e: {  	_ =	shalt  }
0x6f: {  	_ =	shalt  }
0x70: {  	_ =	shalt  }
0x71: {  	_ =	shalt  }
0x72: {  	_ =	shalt  }
0x73: {  	_ =	shalt  }
0x74: {  	_ =	shalt  }
0x75: {  	_ =	shalt  }
0x76: {  	_ =	shalt  }
0x77: {  	_ =	shalt  }
0x78: {  	_ =	shalt  }
0x79: {  	_ =	shalt  }
0x7a: {  	_ =	shalt  }
0x7b: {  	_ =	shalt  }
0x7c: {  	_ =	shalt  }
0x7d: {  	_ =	shalt  }
0x7e: {  	_ =	shalt  }
0x7f: {  	_ =	shalt  }
0x80: {  	_ =	shalt  }
0x81: {  	_ =	shalt  }
0x82: {  	_ =	shalt  }
0x83: {  	_ =	shalt  }
0x84: {  	_ =	shalt  }
0x85: {  	_ =	shalt  }
0x86: {  	_ =	shalt  }
0x87: {  	_ =	shalt  }
.Lfunc_end0:
.L_simem_size_0:
called_computation.2_lowered:
.L_overlay_start_0:
0x88: {  	s2 =	sld [smem:$0x3FD9]  }
0x89: {  	s3 =	sld [smem:$0x3FFE];
	_ =	sdelay $0x1  }
0x8a: {  	s1 =	srdreg.scid  }
0x8b: {  	s0 =	sand.u32 $0x1, s1  }
0x8c: {  	s14 =	sshll.u32 s0, $0xA;
	s2 =	sadd.s32 s3, s2  }
0x8d: {  	s2 =	sadd.s32 s2, s14  }
0x8e: {  	[smem:$0x3FC5] =	sst s2  }
0x8f: {  	_ = 	snop  }
0x90: {  	s2 =	sld [smem:$0x3FD0];
	_ =	sdelay $0x2  }
0x91: {  	s15 =	simm.s32 $0xA;
	s4 =	simm.s32 $0x10  }
0x92: {  	[smem:s4], [sflag:s15] =	dma.local [hbm:s2], $0x1  }
0x93: {  	_ =	swait.eq [sflag:s15], $0x1  }
0x94: {  	[sflag:s15] =	ssyncset.done $0x0  }
0x95: {  	[sflag:s15] =	ssyncadd.s32 $0xFFFFFFFF  }
0x96: {  	s16 =	sld [smem:$0x12];
	(tm) =	ssettm $0x1  }
0x97: {  	s17 =	sld [smem:$0x3FFB];
	_ =	sdelay $0x3  }
0x98: {  	_ =	strace s17  }
0x99: {  	s3 =	sld [smem:$0x3FFC];
	_ =	sdelay $0x3  }
0x9a: {  	_ =	strace s3  }
0x9b: {  	s3 =	sld [smem:$0x3FFD];
	_ =	sdelay $0x3  }
0x9c: {  	_ =	strace s3  }
0x9d: {  	_ =	strace $0x8FFFFFFF  }
0x9e: {  	s18 =	sld [smem:$0x3FDB];
	_ =	sdelay $0x1  }
0x9f: {  	s19 =	simm.s32 $_scs_section_size  }
0xa0: {  	s5 =	simm.s32 $_size__tile_overlayer_lowered;
	s6 =	simm.s32 $_tile_overlayer_lowered  }
0xa1: {  	s22 =	simm.s32 $0x1BFF;
	s21 =	sshll.u32 s6, $0x1;
	s3 =	sadd.s32 s19, s18  }
0xa2: {  	s7 =	simm.s32 $0x0;
	s20 =	sshll.u32 s5, $0x1;
	s5 =	sadd.s32 s21, s3  }
0xa3: {  	[timem:s7], [sflag:s22] =	dma.local [hbm:s5], s20  }
0xa4: {  	_ =	swait.ge [sflag:s22], s20  }
0xa5: {  	s4 =	ssub.s32 $0x0, s20;
	[sflag:s22] =	ssyncset.done $0x0  }
0xa6: {  	[sflag:s22] =	ssyncadd.s32 s4;
	_ =	sdelay $0x1  }
0xa7: {  	s23 =	simm.s32 $0x1B8B  }
0xa8: {  	_ =	swait.ge [sflag:s23], $0x1  }
0xa9: {  	[sflag:s23] =	ssyncset.done $0x0  }
0xaa: {  	s25 =	simm.s32 $0x1B8E;
	s24 =	sld [smem:$0x3FFE];
	[sflag:s23] =	ssyncadd.s32 $0xFFFFFFFF  }
0xab: {  	s26 =	simm.s32 $execute0_lowered;
	[smem:$0x3FD2] =	sst s25  }
0xac: {  	s5 =	sshll.u32 s26, $0x1;
	_ =	strace $0x8000004C;
	[dreg:$0x1] =	wrdreg $0xFFFFFFFF  }
0xad: {  	s28 =	simm.s32 $_size_execute0_lowered;
	s3 =	sadd.s32 s3, s5;
	[dreg:$0x0] =	wrdreg $0x0  }
0xae: {  	s5 =	sshll.u32 s28, $0x1;
	[dreg:$0x2] =	wrdreg s3  }
0xaf: {  	[dreg:$0x3] =	wrdreg s5  }
0xb0: {  	[dreg:$0x4] =	wrdreg $0xC0  }
0xb1: {  	_ =	task [dreg:s7], $0x5FFFF  }
0xb2: {  	[dreg:$0x1] =	wrdreg $0xFFFFFFFF  }
0xb3: {  	[dreg:$0x0] =	wrdreg $0x60  }
0xb4: {  	[dreg:$0x2] =	wrdreg s16  }
0xb5: {  	[dreg:$0x3] =	wrdreg s24  }
0xb6: {  	[dreg:$0x4] =	wrdreg $0x9  }
0xb7: {  	_ =	task.clear_ibuf [dreg:s7], $0x5FFFF;
	_ =	strace $0x9000004C  }
0xb8: {  	s29 =	simm.s32 $0x9;
	_ =	strace $0x8000004E  }
0xb9: {  	_ =	swait.ge [sflag:s29], $0x1  }
0xba: {  	[sflag:s29] =	ssyncadd.s32 $0xFFFFFFFF  }
0xbb: {  	_ =	strace $0x9000004E  }
0xbc: {  	_ =	sfence  }
0xbd: {  	s30 =	sld [smem:$0x0];
	_ =	sdelay $0x2  }
0xbe: {  	s31 =	sshll.u32 s1, $0xD;
	s1 =	sshrl.u32 s1, $0x2  }
0xbf: {  	s3 =	sand.u32 $0x4000, s31;
	s1 =	sadd.s32 s1, s30  }
0xc0: {  	s0 =	sor.u32 s3, s0;
	s1 =	sshll.u32 s1, $0x11  }
0xc1: {  	s0 =	sor.u32 s1, s0  }
0xc2: {  	s0 =	sadd.s32 $0x8F2B, s0  }
0xc3: {  	[sflag:s0] =	ssyncadd.remote.s32 $0x1  }
0xc4: {  	_ =	sfence.sel $0xFFFF  }
0xc5: {  	[dreg:$0x0] =	wrdreg $0xFFFFFFFF;
	(pc) =	sbr.abs _section_cstart, $3  }
0xc6: {  	[dreg:$0x1] =	wrdreg $0xFFFFFFFF  }
0xc7: {  	_ =	task.clear_ibuf [dreg:s7], $0x2FFFF;
	_ =	strace $0x9FFFFFFF  }
0xc8: {  	(tm) =	ssettm $0x7FFFFFFF  }
0xc9: {  	_ =	shalt  }
tec
execute0_lowered:
.L_overlay_start_1:
0x0: {  	(tag) =	ssettag $0x1  }
0x1: {  	s6 =	rddreg [dreg:$0x0]  }
0x2: {  	s4 =	rddreg [dreg:$0x1]  }
0x3: {  	s0 =	rddreg [dreg:$0x2];
	s3 =	srdreg.scid  }
0x4: {  	s1 =	stileid.u32;
	s2 =	simm.s32 $0x0;
	s11 =	simm.s32 $0x1  }
0x5: {  	s12 =	simm.s32 $0x4500;
	s13 =	simm.s32 $0x4700;
	s14 =	simm.s32 $0x200  }
0x6: {  	s15 =	simm.s32 $0x4900;
	s16 =	simm.s32 $0x2;
	s17 =	simm.s32 $0x0  }
0x7: {  	s3 =	sand.u32 $0x1, s3;
	s5 =	sshll.u32 s1, $0x8;
	s7 =	sshrl.u32 s1, $0x2  }
0x8: {  	[smem:$0x7FF] =	sst s2;
	s8 =	sshll.u32 s3, $0x7;
	s5 =	sand.u32 $0x300, s5  }
0x9: {  	s30 =	sshll.u32 s7, $0xC;
	s7 =	smul.u32 $0x22800, s7;
	_ =	strace $0x8000004D  }
0xa: {  	s9 =	ssub.s32 $0x2, s3;
	s3 =	sadd.s32 $0x61000, s4;
	s5 =	sor.u32 s8, s5  }
0xb: {  	s10 =	sshrl.u32 s9, $0x1;
	s8 =	sor.u32 s30, s5;
	s5 =	sor.u32 s7, s5  }
0xc: {  	s9 =	ssub.s32 s9, s10;
	s8 =	sshrl.u32 s8, $0x3;
	s5 =	sshrl.u32 s5, $0x3  }
0xd: {  	s10 =	simm.s32 $0x400;
	s31 =	sadd.s32 s8, s4;
	s5 =	sadd.s32 s5, s4  }
0xe: {  	s4 =	sadd.s32 $0x61600, s4;
	s6 =	sadd.s32 s6, s8;
	s8 =	smax.u32 s9, $0x1  }
0xf: {  	s9 =	simm.s32 $0x80;
	s5 =	sadd.s32 $0x92800, s5;
	s7 =	sadd.s32 $0x72000, s31  }
.LBB2_1:
0x10: {  	[tilespmem:s2], [sflag:$0x1] =	stream.strided.gather [hbm4b:s5+s9], $0x4500, s10, s9, $0x38;
	[tilespmem:$0x4B00] =	vst v63  }
0x11: {  	_ =	swait.ge [sflag:s11], $0x4500  }
0x12: {  	[sflag:s11] =	ssyncset.done $0x0  }
0x13: {  	[sflag:s11] =	ssyncadd.s32 $0xFFFFBB00  }
0x14: {  	[tilespmem:s12], [sflag:$0x1] =	stream.strided.gather [hbm4b:s6+s9], $0x200, s10, s9, $0x38;
	[tilespmem:$0x4B00] =	vst v63  }
0x15: {  	_ =	swait.ge [sflag:s11], $0x200  }
0x16: {  	[sflag:s11] =	ssyncset.done $0x0  }
0x17: {  	[sflag:s11] =	ssyncadd.s32 $0xFFFFFE00  }
0x18: {  	[tilespmem:s13], [sflag:$0x1] =	stream.strided.gather [hbm4b:s7+s9], $0x200, s10, s9, $0x38;
	[tilespmem:$0x4B00] =	vst v63  }
0x19: {  	_ =	swait.ge [sflag:s11], $0x200  }
0x1a: {  	[sflag:s11] =	ssyncset.done $0x0  }
0x1b: {  	s18 =	simm.s32 $0x0;
	[sflag:s11] =	ssyncadd.s32 $0xFFFFFE00  }
0x1c: {  	v0 =	vld [tilespmem:s18+$0x4500];
	_ =	sdelay $0x4  }
0x1d: {  	vm0 =	vne.s32 v0, $0xFFFFFFFF;
	v0 =	vshrl.u32 v0, $0xB  }
0x1e: {  	v0 =	vnsel vm0, $0x0, v0  }
0x1f: {  	(xrf1) =	vunique.msk.u32 vm0, v0;
	_ =	sdelay $0xd  }
0x20: {  	v1 =	vld.idx.msk [tilespmem:v0+s2+$0x0], vm0;
	_, v2, vm1 =	vpop (xrf1)  }
0x21: {  	vm1 =	vmand vm0, vm1;
	_ =	sdelay $0x3  }
0x22: {  	v1 =	vadd.s32 v1, v2  }
0x23: {  	v2 =	vadd.s32 $0xFFFFFFFF, v1  }
0x24: {  	s19 =	simm.s32 $0x80;
	s20 =	simm.s32 $0x10;
	[tilespmem:v0+s2+$0x0] =	vst.idx.msk vm1, v1;
	v0 =	vnsel vm0, $0x2410, v2  }
.LBB2_2:
0x25: {  	p0 =	sne.s32 s19, $0x7C0;
	v1 =	vld [tilespmem:s20+$0x4500];
	[tilespmem:s18+$0x4900] =	vst v0;
	s21 =	smov.u32 s19;
	s19 =	sadd.s32 $0x40, s19  }
0x26: {  	s18 =	smov.u32 s20;
	_ =	sdelay $0x3  }
0x27: {  	vm0 =	vne.s32 v1, $0xFFFFFFFF;
	v0 =	vshrl.u32 v1, $0xB  }
0x28: {  	v0 =	vnsel vm0, $0x0, v0  }
0x29: {  	(xrf1) =	vunique.msk.u32 vm0, v0;
	_ =	sdelay $0xc  }
0x2a: {  	v1 =	vld.idx.msk [tilespmem:v0+s2+$0x0], vm0  }
0x2b: {  	_, v2, vm1 =	vpop (xrf1)  }
0x2c: {  	vm1 =	vmand vm0, vm1;
	_ =	sdelay $0x1  }
.Ltmp0:
0x2d: {  	(pc) =	sbr.rel @p0 .LBB2_2-.Ltmp0, $4  }
0x2e: {  	_ = 	snop  }
0x2f: {  	v1 =	vadd.s32 v1, v2  }
0x30: {  	v2 =	vadd.s32 $0xFFFFFFFF, v1  }
0x31: {  	s20 =	sshra.s32 s21, $0x2;
	[tilespmem:v0+s2+$0x0] =	vst.idx.msk vm1, v1;
	v0 =	vnsel vm0, $0x2410, v2  }
0x32: {  	v1 =	vld [tilespmem:s20+$0x4500];
	_ =	sdelay $0x4  }
0x33: {  	vm0 =	vne.s32 v1, $0xFFFFFFFF;
	v1 =	vshrl.u32 v1, $0xB  }
0x34: {  	v1 =	vnsel vm0, $0x0, v1  }
0x35: {  	(xrf1) =	vunique.msk.u32 vm0, v1;
	_ =	sdelay $0xc  }
0x36: {  	[tilespmem:s18+$0x4900] =	vst v0  }
0x37: {  	v0 =	vld.idx.msk [tilespmem:v1+s2+$0x0], vm0;
	_, v2, vm1 =	vpop (xrf1)  }
0x38: {  	vm1 =	vmand vm0, vm1;
	_ =	sdelay $0x3  }
0x39: {  	v0 =	vadd.s32 v0, v2  }
0x3a: {  	v2 =	vadd.s32 $0xFFFFFFFF, v0  }
0x3b: {  	v63 =	vnsel vm0, $0x2410, v2;
	[tilespmem:v1+s2+$0x0] =	vst.idx.msk vm1, v0  }
0x3c: {  	[tilespmem:s20+$0x4900] =	vst v63  }
0x3d: {  	[hbm4b:s3+s14] =	stream.indirect.scatter [tilespmem:s12], [sflag:$0x1], $0x1, s15, s14, $0xb8;
	[tilespmem:$0x4B00] =	vst v63  }
0x3e: {  	s17 =	sadd.s32 $0x1, s17  }
0x3f: {  	[hbm4b:s4+s14] =	stream.indirect.scatter [tilespmem:s13], [sflag:$0x2], $0x1, s15, s14, $0xb8;
	[tilespmem:$0x4B00] =	vst v63  }
0x40: {  	p0 =	sne.s32 s17, s8;
	_ =	swait.ge [sflag:s11], $0x200  }
.Ltmp1:
0x41: {  	[sflag:s11] =	ssyncset.done $0x0;
	(pc) =	sbr.rel @p0 .LBB2_1-.Ltmp1, $4  }
0x42: {  	[sflag:s11] =	ssyncadd.s32 $0xFFFFFE00  }
0x43: {  	_ =	swait.ge [sflag:s16], $0x200  }
0x44: {  	[sflag:s16] =	ssyncset.done $0x0  }
0x45: {  	[sflag:s16] =	ssyncadd.s32 $0xFFFFFE00  }
0x46: {  	_ =	sfence.sel $0x180000  }
0x47: {  	[bflag:$0x0] =	sbarrier.arrive $0xFFFF  }
0x48: {  	p0 =	sne.s32 s1, $0x0;
	_ =	strace $0x9000004D  }
0x49: {  	s0 =	sadd.s32 @!p0 $0x100000, s0;
	[bflag:$0x2] =	sbarrier.arrive $0xFFFF  }
0x4a: {  	[sflag:s0] =	ssyncadd.tile.s32 @!p0 $0x1;
	_ =	shalt  }
.Lfunc_end2:
_tile_overlayer_lowered:
.L_overlay_start_2:
0x4b: {  	(tag) =	ssettag $0x2  }
0x4c: {  	s0 =	rddreg [dreg:$0x0];
	s2 =	stileid.u32  }
0x4d: {  	s1 =	rddreg [dreg:$0x1];
	p0 =	sne.s32 s2, $0x0  }
0x4e: {  	s3 =	rddreg [dreg:$0x2];
	[bflag:$0x3] =	sbarrier.arrive $0xFFFF;
	s2 =	simm.s32 @!p0 $0x1C03  }
0x4f: {  	[timem:s3], [sflag:s2] =	dma.local @!p0 [hbm:s0], s1  }
0x50: {  	s0 =	simm.s32 @!p0 $0x3  }
0x51: {  	_ =	swait.ge @!p0 [sflag:s0], s1  }
0x52: {  	s1 =	ssub.s32 @!p0 $0x0, s1;
	[sflag:s0] =	ssyncset.done @!p0 $0x0  }
0x53: {  	[sflag:s0] =	ssyncadd.s32 @!p0 s1  }
0x54: {  	[bflag:$0x3] =	sbarrier.arrive $0xFFFF  }
0x55: {  	_ =	shalt  }

// kernel: kernel.19.cloned.1.call-start
scs
__scs_entry_jumppad:
0x0: {  	(pc) =	sbr.rel $0x88, $3  }
0x1: {  	(tag) =	ssettag $0x0;
	lr =	simm.s32 $0x1  }
0x2: {  	[smem:$0x3F9E] =	sst lr;
	_ =	strace $0xD0000000  }
0x3: {  	_ = 	snop  }
0x4: {  	_ = 	snop  }
0x5: {  	_ = 	snop  }
0x6: {  	_ = 	snop  }
0x7: {  	_ = 	snop  }
__scs_overlays_trampoline_lowered:
0x8: {  	[smem:$0x3FAD] =	sst s0  }
0x9: {  	[smem:$0x3FAE] =	sst s1  }
0xa: {  	[smem:$0x3FAF] =	sst s2  }
0xb: {  	[smem:$0x3FB0] =	sst s3  }
0xc: {  	[smem:$0x3FB1] =	sst s4  }
0xd: {  	[smem:$0x3FB2] =	sst s5  }
0xe: {  	[smem:$0x3FB3] =	sst s6  }
0xf: {  	[smem:$0x3FB4] =	sst s7  }
0x10: {  	[smem:$0x3FB5] =	sst s8  }
0x11: {  	[smem:$0x3FB6] =	sst s9;
	s0 =	simm.s32 @!p0 $0x0  }
0x12: {  	s1 =	sld [smem:$0x3F9C];
	s0 =	simm.s32 @p0 $0x1  }
0x13: {  	[smem:$0x3FB7] =	sst s0;
	s0 =	simm.s32 @!p1 $0x0  }
0x14: {  	s2 =	sld [smem:$0x3F9B];
	s0 =	simm.s32 @p1 $0x1  }
0x15: {  	[smem:$0x3FB8] =	sst s0;
	s0 =	simm.s32 @!p2 $0x0  }
0x16: {  	s3 =	sld [smem:$0x3FDB];
	s0 =	simm.s32 @p2 $0x1  }
0x17: {  	s4 =	simm.s32 $0x1BF5;
	[smem:$0x3FBA] =	sst s0  }
0x18: {  	s0 =	sld [smem:$0x3F9D];
	_ =	swait.ge [sflag:s4], $0x0  }
0x19: {  	s7 =	sld [smem:$0x3F9E]  }
0x1a: {  	s8 =	sadd.s32 $0xFFFFE003, lr  }
0x1b: {  	s9 =	sadd.s32 $0xFFFFFEF7, lr;
	s5 =	simm.s32 $0xFFFFFFFF;
	p2 =	slt.u32 s8, $0xFFFFF086  }
0x1c: {  	p1 =	slt.u32 s9, $0xF7A;
	s5 =	simm.s32 @!p2 $0x0  }
0x1d: {  	s5 =	simm.s32 @p1 $0x1;
	p0 =	seq.s32 s7, s2  }
0x1e: {  	s7 =	smul.u32 @!p0 $0xF7A, s2;
	p2 =	seq.s32 @!p0 s5, $0x0  }
0x1f: {  	s9 =	smul.u32 $0xF7A, s1;
	s8 =	simm.s32 @!p0 $0x1BF5;
	p2 =	por !p2, p0  }
0x20: {  	[sflag:s8] =	ssyncset.s32 @!p0 $0xFFFFF086;
	s6 =	sadd.s32 @!p0 s3, s7;
	s7 =	simm.s32 @!p0 $0x108  }
0x21: {  	s3 =	sadd.s32 s3, s9;
	s6 =	sadd.s32 @!p0 $0x88, s6;
	s7 =	simm.s32 @p2 $0x1082  }
0x22: {  	[simem:s7], [sflag:s8] =	dma.local @!p0 [hbm:s6], $0xF7A  }
0x23: {  	s9 =	sor.u32 $0xD0000000, s2;
	s6 =	simm.s32 $0x108;
	_ =	swait.ge @!p0 [sflag:s8], $0x0  }
0x24: {  	s3 =	sadd.s32 $0x88, s3;
	s6 =	simm.s32 @!p1 $0x1082;
	[sflag:s4] =	ssyncset.s32 $0xFFFFF086  }
0x25: {  	[simem:s6], [sflag:s4] =	dma.local [hbm:s3], $0xF7A  }
0x26: {  	[smem:$0x3F9E] =	sst s1;
	(tag) =	ssettag s2;
	_ =	strace s9  }
0x27: {  	s1 =	sld [smem:$0x3FAE]  }
0x28: {  	s2 =	sld [smem:$0x3FAF]  }
0x29: {  	s4 =	sld [smem:$0x3FB1]  }
0x2a: {  	p0 =	seq.s32 s5, $0x0;
	s5 =	sld [smem:$0x3FB2]  }
0x2b: {  	s6 =	sld [smem:$0x3FB3]  }
0x2c: {  	s7 =	sld [smem:$0x3FB4]  }
0x2d: {  	s3 =	simm.s32 $0x108;
	s8 =	sld [smem:$0x3FB5]  }
0x2e: {  	s3 =	simm.s32 @!p0 $0x1082;
	s9 =	sld [smem:$0x3FB6]  }
0x2f: {  	lr =	sadd.s32 s0, s3;
	s0 =	sld [smem:$0x3FAD]  }
0x30: {  	s3 =	sld [smem:$0x3FB0]  }
0x31: {  	[smem:$0x3FB9] =	sst s10  }
0x32: {  	s10 =	sld [smem:$0x3FB7];
	_ =	sdelay $0x3  }
0x33: {  	p0 =	seq.s32 s10, $0x1;
	s10 =	sld [smem:$0x3FB9];
	_ =	sdelay $0x3  }
0x34: {  	[smem:$0x3FB9] =	sst s10  }
0x35: {  	s10 =	sld [smem:$0x3FB8];
	_ =	sdelay $0x3  }
0x36: {  	p1 =	seq.s32 s10, $0x1;
	s10 =	sld [smem:$0x3FB9];
	_ =	sdelay $0x3  }
0x37: {  	[smem:$0x3FB9] =	sst s10  }
0x38: {  	s10 =	sld [smem:$0x3FBA]  }
0x39: {  	_ = 	snop;
	(pc) =	sbr.ind lr, $3  }
0x3a: {  	_ = 	snop  }
0x3b: {  	_ = 	snop  }
0x3c: {  	p2 =	seq.s32 s10, $0x1;
	s10 =	sld [smem:$0x3FB9]  }
0x3d: {  	_ =	shalt  }
0x3e: {  	_ =	shalt  }
0x3f: {  	_ =	shalt  }
0x40: {  	_ =	shalt  }
0x41: {  	_ =	shalt  }
0x42: {  	_ =	shalt  }
0x43: {  	_ =	shalt  }
0x44: {  	_ =	shalt  }
0x45: {  	_ =	shalt  }
0x46: {  	_ =	shalt  }
0x47: {  	_ =	shalt  }
0x48: {  	_ =	shalt  }
0x49: {  	_ =	shalt  }
0x4a: {  	_ =	shalt  }
0x4b: {  	_ =	shalt  }
0x4c: {  	_ =	shalt  }
0x4d: {  	_ =	shalt  }
0x4e: {  	_ =	shalt  }
0x4f: {  	_ =	shalt  }
0x50: {  	_ =	shalt  }
0x51: {  	_ =	shalt  }
0x52: {  	_ =	shalt  }
0x53: {  	_ =	shalt  }
0x54: {  	_ =	shalt  }
0x55: {  	_ =	shalt  }
0x56: {  	_ =	shalt  }
0x57: {  	_ =	shalt  }
0x58: {  	_ =	shalt  }
0x59: {  	_ =	shalt  }
0x5a: {  	_ =	shalt  }
0x5b: {  	_ =	shalt  }
0x5c: {  	_ =	shalt  }
0x5d: {  	_ =	shalt  }
0x5e: {  	_ =	shalt  }
0x5f: {  	_ =	shalt  }
0x60: {  	_ =	shalt  }
0x61: {  	_ =	shalt  }
0x62: {  	_ =	shalt  }
0x63: {  	_ =	shalt  }
0x64: {  	_ =	shalt  }
0x65: {  	_ =	shalt  }
0x66: {  	_ =	shalt  }
0x67: {  	_ =	shalt  }
0x68: {  	_ =	shalt  }
0x69: {  	_ =	shalt  }
0x6a: {  	_ =	shalt  }
0x6b: {  	_ =	shalt  }
0x6c: {  	_ =	shalt  }
0x6d: {  	_ =	shalt  }
0x6e: {  	_ =	shalt  }
0x6f: {  	_ =	shalt  }
0x70: {  	_ =	shalt  }
0x71: {  	_ =	shalt  }
0x72: {  	_ =	shalt  }
0x73: {  	_ =	shalt  }
0x74: {  	_ =	shalt  }
0x75: {  	_ =	shalt  }
0x76: {  	_ =	shalt  }
0x77: {  	_ =	shalt  }
0x78: {  	_ =	shalt  }
0x79: {  	_ =	shalt  }
0x7a: {  	_ =	shalt  }
0x7b: {  	_ =	shalt  }
0x7c: {  	_ =	shalt  }
0x7d: {  	_ =	shalt  }
0x7e: {  	_ =	shalt  }
0x7f: {  	_ =	shalt  }
0x80: {  	_ =	shalt  }
0x81: {  	_ =	shalt  }
0x82: {  	_ =	shalt  }
0x83: {  	_ =	shalt  }
0x84: {  	_ =	shalt  }
0x85: {  	_ =	shalt  }
0x86: {  	_ =	shalt  }
0x87: {  	_ =	shalt  }
.Lfunc_end0:
.L_simem_size_0:
called_computation.3_lowered:
.L_overlay_start_0:
0x88: {  	s2 =	sld [smem:$0x3FD9]  }
0x89: {  	s3 =	sld [smem:$0x3FFE];
	_ =	sdelay $0x1  }
0x8a: {  	s1 =	srdreg.scid  }
0x8b: {  	s0 =	sand.u32 $0x1, s1  }
0x8c: {  	s14 =	sshll.u32 s0, $0xA;
	s2 =	sadd.s32 s3, s2  }
0x8d: {  	s2 =	sadd.s32 s2, s14  }
0x8e: {  	[smem:$0x3FC5] =	sst s2  }
0x8f: {  	_ = 	snop  }
0x90: {  	s2 =	sld [smem:$0x3FD0];
	_ =	sdelay $0x2  }
0x91: {  	s15 =	simm.s32 $0xA;
	s4 =	simm.s32 $0x10  }
0x92: {  	[smem:s4], [sflag:s15] =	dma.local [hbm:s2], $0x1  }
0x93: {  	_ =	swait.eq [sflag:s15], $0x1  }
0x94: {  	s16 =	sld [smem:$0x10];
	[sflag:s15] =	ssyncset.done $0x0  }
0x95: {  	s17 =	sld [smem:$0x11];
	[sflag:s15] =	ssyncadd.s32 $0xFFFFFFFF  }
0x96: {  	s18 =	sld [smem:$0x12];
	(tm) =	ssettm $0x1  }
0x97: {  	s5 =	sld [smem:$0x3FFB];
	_ =	sdelay $0x3  }
0x98: {  	_ =	strace s5  }
0x99: {  	s5 =	sld [smem:$0x3FFC];
	_ =	sdelay $0x3  }
0x9a: {  	_ =	strace s5  }
0x9b: {  	s5 =	sld [smem:$0x3FFD];
	_ =	sdelay $0x3  }
0x9c: {  	_ =	strace s5  }
0x9d: {  	_ =	strace $0x8FFFFFFF  }
0x9e: {  	s19 =	sld [smem:$0x3FDB];
	_ =	sdelay $0x1  }
0x9f: {  	s6 =	simm.s32 $_scs_section_size  }
0xa0: {  	s7 =	simm.s32 $_size__tile_overlayer_lowered;
	s8 =	simm.s32 $_tile_overlayer_lowered  }
0xa1: {  	s22 =	simm.s32 $0x1BFF;
	s21 =	sshll.u32 s8, $0x1;
	s5 =	sadd.s32 s6, s19  }
0xa2: {  	s9 =	simm.s32 $0x0;
	s20 =	sshll.u32 s7, $0x1;
	s7 =	sadd.s32 s21, s5  }
0xa3: {  	[timem:s9], [sflag:s22] =	dma.local [hbm:s7], s20  }
0xa4: {  	_ =	swait.ge [sflag:s22], s20  }
0xa5: {  	s6 =	ssub.s32 $0x0, s20;
	[sflag:s22] =	ssyncset.done $0x0  }
0xa6: {  	[sflag:s22] =	ssyncadd.s32 s6;
	_ =	sdelay $0x1  }
0xa7: {  	s23 =	simm.s32 $0x1B8B  }
0xa8: {  	_ =	swait.ge [sflag:s23], $0x1  }
0xa9: {  	[sflag:s23] =	ssyncset.done $0x0  }
0xaa: {  	s25 =	simm.s32 $0x1B8E;
	s24 =	sld [smem:$0x3FFE];
	[sflag:s23] =	ssyncadd.s32 $0xFFFFFFFF  }
0xab: {  	s26 =	simm.s32 $execute0_lowered;
	[smem:$0x3FD2] =	sst s25  }
0xac: {  	s7 =	sshll.u32 s26, $0x1;
	_ =	strace $0x8000004F;
	[dreg:$0x1] =	wrdreg $0xFFFFFFFF  }
0xad: {  	s28 =	simm.s32 $_size_execute0_lowered;
	s5 =	sadd.s32 s5, s7;
	[dreg:$0x0] =	wrdreg $0x0  }
0xae: {  	s7 =	sshll.u32 s28, $0x1;
	[dreg:$0x2] =	wrdreg s5  }
0xaf: {  	[dreg:$0x3] =	wrdreg s7  }
0xb0: {  	[dreg:$0x4] =	wrdreg $0xC0  }
0xb1: {  	_ =	task [dreg:s9], $0x5FFFF  }
0xb2: {  	[dreg:$0x1] =	wrdreg $0xFFFFFFFF  }
0xb3: {  	[dreg:$0x0] =	wrdreg $0x60  }
0xb4: {  	[dreg:$0x2] =	wrdreg s24  }
0xb5: {  	[dreg:$0x3] =	wrdreg s17  }
0xb6: {  	[dreg:$0x4] =	wrdreg s16  }
0xb7: {  	[dreg:$0x5] =	wrdreg s18  }
0xb8: {  	[dreg:$0x6] =	wrdreg $0x9  }
0xb9: {  	_ =	task.clear_ibuf [dreg:s9], $0x7FFFF;
	_ =	strace $0x9000004F  }
0xba: {  	s29 =	simm.s32 $0x9;
	_ =	strace $0x80000051  }
0xbb: {  	_ =	swait.ge [sflag:s29], $0x1  }
0xbc: {  	[sflag:s29] =	ssyncadd.s32 $0xFFFFFFFF  }
0xbd: {  	_ =	strace $0x90000051  }
0xbe: {  	_ =	sfence  }
0xbf: {  	s30 =	sld [smem:$0x0];
	_ =	sdelay $0x2  }
0xc0: {  	s31 =	sshll.u32 s1, $0xD;
	s1 =	sshrl.u32 s1, $0x2  }
0xc1: {  	s3 =	sand.u32 $0x4000, s31;
	s1 =	sadd.s32 s1, s30  }
0xc2: {  	s0 =	sor.u32 s3, s0;
	s1 =	sshll.u32 s1, $0x11  }
0xc3: {  	s0 =	sor.u32 s1, s0  }
0xc4: {  	s0 =	sadd.s32 $0x8F2B, s0  }
0xc5: {  	[sflag:s0] =	ssyncadd.remote.s32 $0x1  }
0xc6: {  	_ =	sfence.sel $0xFFFF  }
0xc7: {  	[dreg:$0x0] =	wrdreg $0xFFFFFFFF;
	(pc) =	sbr.abs _section_cstart, $3  }
0xc8: {  	[dreg:$0x1] =	wrdreg $0xFFFFFFFF  }
0xc9: {  	_ =	task.clear_ibuf [dreg:s9], $0x2FFFF;
	_ =	strace $0x9FFFFFFF  }
0xca: {  	(tm) =	ssettm $0x7FFFFFFF  }
0xcb: {  	_ =	shalt  }
tec
execute0_lowered:
.L_overlay_start_1:
0x0: {  	(tag) =	ssettag $0x1  }
0x1: {  	s0 =	rddreg [dreg:$0x0]  }
0x2: {  	s2 =	rddreg [dreg:$0x2]  }
0x3: {  	s4 =	rddreg [dreg:$0x3];
	s3 =	srdreg.scid  }
0x4: {  	s5 =	simm.s32 $0x0;
	s1 =	stileid.u32;
	s15 =	simm.s32 $0xC880  }
0x5: {  	s16 =	simm.s32 $0x1;
	s17 =	simm.s32 $0x180;
	s18 =	simm.s32 $0x300  }
0x6: {  	s19 =	simm.s32 $0x8380;
	s20 =	simm.s32 $0x2;
	s21 =	simm.s32 $0x4000  }
0x7: {  	s22 =	simm.s32 $0xCD80;
	s23 =	simm.s32 $0x10D80;
	s24 =	simm.s32 $0x14D80  }
0x8: {  	s25 =	simm.s32 $0x18E00;
	s26 =	simm.s32 $0x0;
	s3 =	sand.u32 $0x1, s3  }
0x9: {  	[smem:$0x7FF] =	sst s5;
	s6 =	sshll.u32 s1, $0x9;
	s7 =	sshll.u32 s3, $0x8  }
0xa: {  	v4 =	vimm.s32 $0x2258;
	s8 =	sadd.s32 $0x72800, s0;
	s3 =	ssub.s32 $0x2, s3;
	s6 =	sor.u32 s7, s6  }
0xb: {  	v1 =	vimm.s32 $0x7FFFFFFF;
	v2 =	vimm.s32 $0x0;
	v3 =	vlaneseq.u32;
	_ =	strace $0x80000050;
	s10 =	sshrl.u32 s3, $0x1;
	s9 =	sshrl.u32 s6, $0x3  }
0xc: {  	v5 =	vimm.s32 $0x44B0;
	v6 =	vimm.s32 $0x3384;
	s7 =	sadd.s32 $0x40C00, s0;
	s3 =	ssub.s32 s3, s10;
	v0 =	vmov s6;
	s0 =	sadd.s32 s9, s0  }
0xd: {  	v7 =	vimm.s32 $0xFFFFFFFF;
	v8 =	vimm.s32 $0x4000;
	v0 =	vsub.s32 $0x10, v0;
	s14 =	smax.u32 s3, $0x1;
	s9 =	sadd.s32 $0x61000, s0;
	s10 =	sadd.s32 $0x61600, s0  }
0xe: {  	v9 =	vimm.s32 $0x8000;
	v10 =	vimm.s32 $0x6000;
	s11 =	sadd.s32 $0x61C00, s0;
	s12 =	sadd.s32 $0x62000, s0;
	s13 =	sadd.s32 $0x62400, s0;
	v0 =	vbroadcast v0, $0x0  }
.LBB2_1:
0xf: {  	[tilespmem:s15], [sflag:$0x1] =	stream.linear.gather [hbm4b:s4+s5], $0x80, $0x38;
	[tilespmem:$0x18F00] =	vst v63  }
0x10: {  	_ =	swait.ge [sflag:s16], $0x80  }
0x11: {  	[sflag:s16] =	ssyncset.done $0x0  }
0x12: {  	[sflag:s16] =	ssyncadd.s32 $0xFFFFFF80  }
0x13: {  	[tilespmem:s5], [sflag:$0x1] =	stream.linear.gather [hbm4b:s9+s5], $0x120, $0x38;
	[tilespmem:$0x18F00] =	vst v63  }
0x14: {  	_ =	swait.ge [sflag:s16], $0x120  }
0x15: {  	[sflag:s16] =	ssyncset.done $0x0  }
0x16: {  	[sflag:s16] =	ssyncadd.s32 $0xFFFFFEE0  }
0x17: {  	[tilespmem:s17], [sflag:$0x1] =	stream.linear.gather [hbm4b:s10+s5], $0x120, $0x38;
	[tilespmem:$0x18F00] =	vst v63  }
0x18: {  	_ =	swait.ge [sflag:s16], $0x120  }
0x19: {  	[sflag:s16] =	ssyncset.done $0x0  }
0x1a: {  	[sflag:s16] =	ssyncadd.s32 $0xFFFFFEE0  }
0x1b: {  	[tilespmem:$0x120] =	vst v1  }
0x1c: {  	[tilespmem:$0x2A0] =	vst v2;
	s0 =	rddreg [dreg:$0x1]  }
0x1d: {  	[tilespmem:s18], [sflag:$0x2] =	stream.linear.gather [hbm4b:s0+s5], $0x8080, $0x38;
	[tilespmem:$0x18F00] =	vst v63  }
0x1e: {  	_ = 	snop  }
0x1f: {  	[tilespmem:s19], [sflag:$0x1] =	stream.linear.gather [hbm4b:s2+s5], $0x4500, $0x38;
	[tilespmem:$0x18F00] =	vst v63  }
0x20: {  	_ =	swait.ge [sflag:s16], $0x4500  }
0x21: {  	[sflag:s16] =	ssyncset.done $0x0  }
0x22: {  	[sflag:s16] =	ssyncadd.s32 $0xFFFFBB00  }
0x23: {  	_ =	swait.ge [sflag:s20], $0x8080  }
0x24: {  	[sflag:s20] =	ssyncset.done $0x0  }
0x25: {  	s28 =	smov.u32 s6;
	s29 =	simm.s32 $0x0;
	[sflag:s20] =	ssyncadd.s32 $0xFFFF7F80  }
.LBB2_2:
0x26: {  	v12 =	vld.idx.msk [tilespmem:v4+s19+$0x0], $0xffff;
	_ =	sdelay $0x3  }
0x27: {  	v11 =	vor.u32 s28, v3  }
0x28: {  	vm0 =	vgt.s32 v12, v11  }
0x29: {  	v12 =	vsel vm0, $0x112C, v6;
	_ =	sdelay $0x4  }
0x2a: {  	v13 =	vld.idx.msk [tilespmem:v12+s19+$0x0], $0xffff;
	_ =	sdelay $0x4  }
0x2b: {  	v14 =	vsel vm0, $0x2258, v5;
	vm1 =	vgt.s32 v13, v11  }
0x2c: {  	v43 =	vsel vm0, $0x0, v4;
	v14 =	vsel vm1, v12, v14  }
0x2d: {  	v12 =	vsel vm1, v43, v12;
	v44 =	vadd.s32 v7, v14  }
0x2e: {  	v15 =	vxor.u32 v44, v12  }
0x2f: {  	v13 =	vor.u32 v44, v12;
	v15 =	vshrl.u32 v15, $0x1  }
0x30: {  	v13 =	vsub.s32 v13, v15;
	_ =	sdelay $0x4  }
0x31: {  	v15 =	vld.idx.msk [tilespmem:v13+s19+$0x0], $0xffff;
	_ =	sdelay $0x4  }
0x32: {  	vm11 =	vgt.s32 v15, v11  }
0x33: {  	v14 =	vsel vm11, v13, v14  }
0x34: {  	v12 =	vsel vm11, v12, v13;
	v45 =	vadd.s32 v7, v14  }
0x35: {  	v46 =	vxor.u32 v45, v12  }
0x36: {  	v13 =	vor.u32 v45, v12;
	v15 =	vshrl.u32 v46, $0x1  }
0x37: {  	v13 =	vsub.s32 v13, v15;
	_ =	sdelay $0x4  }
0x38: {  	v15 =	vld.idx.msk [tilespmem:v13+s19+$0x0], $0xffff;
	_ =	sdelay $0x4  }
0x39: {  	vm12 =	vgt.s32 v15, v11  }
0x3a: {  	v12 =	vsel vm12, v12, v13;
	v13 =	vsel vm12, v13, v14  }
0x3b: {  	v14 =	vxor.u32 v12, v13  }
0x3c: {  	v47 =	vand.u32 v12, v13;
	v14 =	vshrl.u32 v14, $0x1  }
0x3d: {  	v14 =	vadd.s32 v14, v47;
	_ =	sdelay $0x4  }
0x3e: {  	v15 =	vld.idx.msk [tilespmem:v14+s19+$0x0], $0xffff;
	_ =	sdelay $0x4  }
0x3f: {  	vm13 =	vgt.s32 v15, v11  }
0x40: {  	v12 =	vsel vm13, v12, v14;
	v13 =	vsel vm13, v14, v13  }
0x41: {  	v14 =	vadd.s32 v12, v13  }
0x42: {  	v14 =	vshrl.u32 v14, $0x1;
	_ =	sdelay $0x4  }
0x43: {  	v48 =	vld.idx.msk [tilespmem:v14+s19+$0x0], $0xffff;
	_ =	sdelay $0x4  }
0x44: {  	vm14 =	vgt.s32 v48, v11  }
0x45: {  	v12 =	vsel vm14, v12, v14;
	v13 =	vsel vm14, v14, v13  }
0x46: {  	v14 =	vadd.s32 v12, v13  }
0x47: {  	v14 =	vshrl.u32 v14, $0x1;
	_ =	sdelay $0x4  }
0x48: {  	v49 =	vld.idx.msk [tilespmem:v14+s19+$0x0], $0xffff;
	_ =	sdelay $0x4  }
0x49: {  	vm15 =	vgt.s32 v49, v11  }
0x4a: {  	v12 =	vsel vm15, v12, v14;
	v13 =	vsel vm15, v14, v13  }
0x4b: {  	v14 =	vadd.s32 v12, v13  }
0x4c: {  	v14 =	vshrl.u32 v14, $0x1;
	_ =	sdelay $0x4  }
0x4d: {  	v50 =	vld.idx.msk [tilespmem:v14+s19+$0x0], $0xffff;
	_ =	sdelay $0x4  }
0x4e: {  	vm4 =	vgt.s32 v50, v11  }
0x4f: {  	v12 =	vsel vm4, v12, v14;
	v13 =	vsel vm4, v14, v13  }
0x50: {  	v14 =	vadd.s32 v12, v13  }
0x51: {  	v14 =	vshrl.u32 v14, $0x1;
	_ =	sdelay $0x4  }
0x52: {  	v51 =	vld.idx.msk [tilespmem:v14+s19+$0x0], $0xffff;
	_ =	sdelay $0x4  }
0x53: {  	vm5 =	vgt.s32 v51, v11  }
0x54: {  	v12 =	vsel vm5, v12, v14;
	v13 =	vsel vm5, v14, v13  }
0x55: {  	v14 =	vadd.s32 v12, v13  }
0x56: {  	v14 =	vshrl.u32 v14, $0x1;
	_ =	sdelay $0x4  }
0x57: {  	v52 =	vld.idx.msk [tilespmem:v14+s19+$0x0], $0xffff;
	_ =	sdelay $0x4  }
0x58: {  	vm6 =	vgt.s32 v52, v11  }
0x59: {  	v12 =	vsel vm6, v12, v14;
	v13 =	vsel vm6, v14, v13  }
0x5a: {  	v14 =	vadd.s32 v12, v13  }
0x5b: {  	v14 =	vshrl.u32 v14, $0x1;
	_ =	sdelay $0x4  }
0x5c: {  	v53 =	vld.idx.msk [tilespmem:v14+s19+$0x0], $0xffff;
	_ =	sdelay $0x4  }
0x5d: {  	vm7 =	vgt.s32 v53, v11  }
0x5e: {  	v12 =	vsel vm7, v12, v14;
	v13 =	vsel vm7, v14, v13  }
0x5f: {  	v14 =	vadd.s32 v12, v13  }
0x60: {  	v14 =	vshrl.u32 v14, $0x1;
	_ =	sdelay $0x4  }
0x61: {  	v54 =	vld.idx.msk [tilespmem:v14+s19+$0x0], $0xffff;
	_ =	sdelay $0x4  }
0x62: {  	vm8 =	vgt.s32 v54, v11  }
0x63: {  	v12 =	vsel vm8, v12, v14;
	v13 =	vsel vm8, v14, v13  }
0x64: {  	v14 =	vadd.s32 v12, v13  }
0x65: {  	v14 =	vshrl.u32 v14, $0x1;
	_ =	sdelay $0x4  }
0x66: {  	v55 =	vld.idx.msk [tilespmem:v14+s19+$0x0], $0xffff;
	_ =	sdelay $0x4  }
0x67: {  	vm9 =	vgt.s32 v55, v11  }
0x68: {  	v12 =	vsel vm9, v12, v14;
	v13 =	vsel vm9, v14, v13  }
0x69: {  	v14 =	vadd.s32 v12, v13  }
0x6a: {  	v14 =	vshrl.u32 v14, $0x1;
	_ =	sdelay $0x4  }
0x6b: {  	v56 =	vld.idx.msk [tilespmem:v14+s19+$0x0], $0xffff;
	_ =	sdelay $0x4  }
0x6c: {  	vm10 =	vgt.s32 v56, v11  }
0x6d: {  	v12 =	vsel vm10, v12, v14;
	v13 =	vsel vm10, v14, v13  }
0x6e: {  	v13 =	vadd.s32 v12, v13  }
0x6f: {  	v13 =	vshrl.u32 v13, $0x1;
	_ =	sdelay $0x4  }
0x70: {  	v57 =	vld.idx.msk [tilespmem:v13+s19+$0x0], $0xffff;
	_ =	sdelay $0x4  }
0x71: {  	vm11 =	vgt.s32 v57, v11  }
0x72: {  	v12 =	vsel vm11, v12, v13;
	_ =	sdelay $0x4  }
0x73: {  	v13 =	vld.idx.msk [tilespmem:v12+s19+$0x0], $0xffff;
	_ =	sdelay $0x4  }
0x74: {  	v58 =	vadd.s32 v13, v0  }
0x75: {  	v12 =	vadd.s32 $0x1, v12;
	vm12 =	vgt.s32 v58, $0x0  }
0x76: {  	v16 =	vadd.s32 $0x1, v58;
	v17 =	vadd.s32 $0x2, v58;
	v59 =	vnsel vm12, $0x0, v58  }
0x77: {  	v18 =	vadd.s32 $0x3, v58;
	vm13 =	vgt.s32 v16, $0x0;
	v15 =	vmin.u32 v59, $0x12F  }
0x78: {  	v20 =	vadd.s32 $0x4, v58;
	v21 =	vadd.s32 $0x5, v58;
	v16 =	vnsel vm13, $0x0, v16  }
0x79: {  	v33 =	vadd.s32 $0x6, v58;
	vm14 =	vgt.s32 v17, $0x0;
	v16 =	vmin.u32 v16, $0x12F  }
0x7a: {  	v14 =	vadd.s32 $0x7, v58;
	vm15 =	vgt.s32 v18, $0x0;
	v17 =	vnsel vm14, $0x0, v17  }
0x7b: {  	s0 =	simm.s32 $0x0;
	v12 =	vld.idx.msk [tilespmem:v12+s19+$0x0], $0xffff;
	vm4 =	vgt.s32 v20, $0x0;
	v18 =	vnsel vm15, $0x0, v18;
	v17 =	vmin.u32 v17, $0x12F  }
0x7c: {  	vm5 =	vgt.s32 v21, $0x0;
	v20 =	vnsel vm4, $0x0, v20;
	v60 =	vmin.u32 v18, $0x12F;
	v19 =	vld.idx.msk [tilespmem:v15+s0+$0x0], $0xffff  }
0x7d: {  	vm6 =	vgt.s32 v33, $0x0;
	v32 =	vnsel vm5, $0x0, v21;
	v62 =	vmin.u32 v20, $0x12F;
	v26 =	vld.idx.msk [tilespmem:v15+s17+$0x0], $0xffff  }
0x7e: {  	vm7 =	vgt.s32 v14, $0x0;
	v36 =	vnsel vm6, $0x0, v33;
	v34 =	vmin.u32 v32, $0x12F;
	v61 =	vld.idx.msk [tilespmem:v16+s0+$0x0], $0xffff  }
0x7f: {  	v14 =	vnsel vm7, $0x0, v14;
	v20 =	vmin.u32 v36, $0x12F;
	v27 =	vld.idx.msk [tilespmem:v16+s17+$0x0], $0xffff  }
0x80: {  	v39 =	vmin.u32 v14, $0x12F;
	v63 =	vld.idx.msk [tilespmem:v17+s0+$0x0], $0xffff  }
0x81: {  	v35 =	vld.idx.msk [tilespmem:v60+s0+$0x0], $0xffff  }
0x82: {  	v11 =	vsub.s32 v11, v13;
	v38 =	vld.idx.msk [tilespmem:v62+s0+$0x0], $0xffff  }
0x83: {  	vm8 =	vgt.s32 v11, $0x0;
	v42 =	vld.idx.msk [tilespmem:v34+s0+$0x0], $0xffff  }
0x84: {  	v28 =	vnsel vm8, $0x0, v11;
	v25 =	vsub.s32 v12, v13;
	v29 =	vld.idx.msk [tilespmem:v20+s0+$0x0], $0xffff  }
0x85: {  	vm6 =	vgt.s32 v25, $0x1;
	vm5 =	vgt.s32 v25, $0x2;
	vm4 =	vgt.s32 v25, $0x3;
	v30 =	vld.idx.msk [tilespmem:v39+s0+$0x0], $0xffff  }
0x86: {  	vm3 =	vgt.s32 v25, $0x4;
	vm0 =	vgt.s32 v25, $0x5;
	vm1 =	vgt.s32 v25, $0x6;
	v24 =	vld.idx.msk [tilespmem:v17+s17+$0x0], $0xffff  }
0x87: {  	vm2 =	vgt.s32 v25, $0x7;
	v23 =	vld.idx.msk [tilespmem:v60+s17+$0x0], $0xffff;
	v37 =	vshll.u32 v19, $0x14;
	v18 =	vshll.u32 v61, $0x14  }
0x88: {  	v22 =	vld.idx.msk [tilespmem:v62+s17+$0x0], $0xffff;
	v11 =	vand.u32 $0x7FF00000, v37;
	v12 =	vshll.u32 v63, $0x14;
	v13 =	vshll.u32 v35, $0x14  }
0x89: {  	v44 =	vshll.u32 v38, $0x14;
	v47 =	vshll.u32 v42, $0x14;
	v49 =	vshll.u32 v29, $0x14  }
0x8a: {  	v50 =	vshll.u32 v30, $0x14;
	v40 =	vand.u32 $0x7FF00000, v18;
	v14 =	vor.u32 v26, v11  }
0x8b: {  	v12 =	vand.u32 $0x7FF00000, v12;
	v43 =	vand.u32 $0x7FF00000, v13;
	v13 =	vand.u32 $0x7FF00000, v44  }
0x8c: {  	v48 =	vand.u32 $0x7FF00000, v47;
	v21 =	vand.u32 $0x7FF00000, v50;
	v41 =	vor.u32 v27, v40  }
0x8d: {  	v12 =	vor.u32 v24, v12;
	v45 =	vor.u32 v23, v43;
	v46 =	vor.u32 v22, v13  }
0x8e: {  	v11 =	vld.idx.msk [tilespmem:v34+s17+$0x0], $0xffff;
	v15 =	vnsel vm6, $0x7FFFFFFF, v41;
	v16 =	vnsel vm5, $0x7FFFFFFF, v12;
	v18 =	vnsel vm4, $0x7FFFFFFF, v45  }
0x8f: {  	v12 =	vld.idx.msk [tilespmem:v20+s17+$0x0], $0xffff;
	v17 =	vnsel vm3, $0x7FFFFFFF, v46;
	v20 =	vand.u32 $0x7FF00000, v49;
	vm7 =	vlt.s32 v15, v14  }
0x90: {  	vm8 =	vlt.s32 v16, v14;
	vm9 =	vlt.s32 v18, v14;
	vm10 =	vlt.s32 v17, v14  }
0x91: {  	v13 =	vld.idx.msk [tilespmem:v39+s17+$0x0], $0xffff;
	vm13 =	vlt.s32 v14, v15;
	vm14 =	vlt.s32 v16, v15;
	v51 =	vsel vm7, $0x1, v2  }
0x92: {  	v52 =	vsel vm8, $0x1, v2;
	v53 =	vsel vm9, $0x1, v2;
	v54 =	vsel vm10, $0x1, v2  }
0x93: {  	v57 =	vsel vm13, $0x1, v2;
	v58 =	vsel vm14, $0x1, v2;
	vm9 =	vlt.s32 v18, v15  }
0x94: {  	vm10 =	vlt.s32 v17, v15;
	v19 =	vor.u32 v11, v48;
	v25 =	vadd.s32 v51, v52  }
0x95: {  	v29 =	vadd.s32 v57, v58;
	v59 =	vsel vm9, $0x1, v2;
	v60 =	vsel vm10, $0x1, v2  }
0x96: {  	v19 =	vnsel vm0, $0x7FFFFFFF, v19;
	v21 =	vor.u32 v13, v21;
	v25 =	vadd.s32 v53, v25  }
0x97: {  	v29 =	vadd.s32 v59, v29;
	v20 =	vor.u32 v12, v20;
	v21 =	vnsel vm2, $0x7FFFFFFF, v21  }
0x98: {  	vm11 =	vlt.s32 v19, v14;
	v25 =	vadd.s32 v54, v25;
	v29 =	vadd.s32 v60, v29  }
0x99: {  	vm8 =	vlt.s32 v18, v19;
	v20 =	vnsel vm1, $0x7FFFFFFF, v20;
	v55 =	vsel vm11, $0x1, v2  }
0x9a: {  	vm15 =	vlt.s32 v21, v14;
	vm11 =	vlt.s32 v19, v15;
	vm13 =	vlt.s32 v21, v15  }
0x9b: {  	vm10 =	vlt.s32 v21, v16;
	v58 =	vsel vm8, $0x1, v2;
	vm12 =	vlt.s32 v20, v14  }
0x9c: {  	v25 =	vadd.s32 v55, v25;
	v61 =	vsel vm11, $0x1, v2;
	v63 =	vsel vm15, $0x1, v2  }
0x9d: {  	v31 =	vsel vm13, $0x1, v2;
	vm11 =	vlt.s32 v14, v16;
	vm13 =	vlt.s32 v18, v16  }
0x9e: {  	vm9 =	vlt.s32 v20, v16;
	v38 =	vsel vm10, $0x1, v2;
	vm10 =	vlt.s32 v20, v18  }
0x9f: {  	vm7 =	vlt.s32 v19, v20;
	vm8 =	vlt.s32 v21, v20;
	v56 =	vsel vm12, $0x1, v2  }
0xa0: {  	vm12 =	vlt.s32 v20, v15;
	v29 =	vadd.s32 v61, v29;
	v32 =	vsel vm11, $0x1, v2  }
0xa1: {  	v34 =	vsel vm13, $0x1, v2;
	v37 =	vsel vm9, $0x1, v2;
	vm11 =	vlt.s32 v14, v18  }
0xa2: {  	vm9 =	vlt.s32 v19, v18;
	v44 =	vsel vm10, $0x1, v2;
	vm10 =	vlt.s32 v20, v17  }
0xa3: {  	v25 =	vadd.s32 v56, v25;
	v62 =	vsel vm12, $0x1, v2;
	vm12 =	vlt.s32 v15, v16  }
0xa4: {  	v39 =	vsel vm11, $0x1, v2;
	v43 =	vsel vm9, $0x1, v2;
	vm11 =	vlt.s32 v21, v18  }
0xa5: {  	vm9 =	vlt.s32 v19, v17;
	v52 =	vsel vm10, $0x1, v2;
	vm10 =	vlt.s32 v20, v19  }
0xa6: {  	v29 =	vadd.s32 v62, v29;
	v30 =	vadd.s32 v63, v25;
	v25 =	vmin.u32 v28, $0x7  }
0xa7: {  	v33 =	vsel vm12, $0x1, v2;
	vm12 =	vlt.s32 v15, v18;
	v45 =	vsel vm11, $0x1, v2  }
0xa8: {  	v51 =	vsel vm9, $0x1, v2;
	vm11 =	vlt.s32 v21, v17;
	vm9 =	vlt.s32 v17, v19  }
0xa9: {  	v60 =	vsel vm10, $0x1, v2;
	vm10 =	vlt.s32 v15, v21;
	v29 =	vadd.s32 v31, v29  }
0xaa: {  	vm14 =	veq.s32 v30, v25;
	v40 =	vsel vm12, $0x1, v2;
	vm12 =	vlt.s32 v14, v17  }
0xab: {  	v53 =	vsel vm11, $0x1, v2;
	v59 =	vsel vm9, $0x1, v2;
	vm11 =	vlt.s32 v21, v19  }
0xac: {  	vm9 =	vlt.s32 v14, v21;
	vm15 =	veq.s32 v29, v25;
	v26 =	vnsel vm14, $0x0, v26  }
0xad: {  	vm14 =	vlt.s32 v17, v16;
	v47 =	vsel vm12, $0x1, v2;
	v62 =	vsel vm11, $0x1, v2  }
0xae: {  	vm11 =	vlt.s32 v16, v21;
	vm6 =	vmand vm6, vm15;
	v35 =	vsel vm14, $0x1, v2  }
0xaf: {  	vm15 =	vlt.s32 v19, v16;
	vm14 =	vlt.s32 v16, v18;
	v26 =	vsel vm6, v27, v26  }
0xb0: {  	v27 =	vadd.s32 v33, v32;
	v36 =	vsel vm15, $0x1, v2;
	v41 =	vsel vm14, $0x1, v2  }
0xb1: {  	vm15 =	vlt.s32 v17, v18;
	vm14 =	vlt.s32 v16, v17;
	vm6 =	vlt.s32 v17, v20  }
0xb2: {  	v27 =	vadd.s32 v34, v27;
	v42 =	vsel vm15, $0x1, v2;
	v49 =	vsel vm14, $0x1, v2  }
0xb3: {  	vm15 =	vlt.s32 v18, v17;
	vm14 =	vlt.s32 v15, v19;
	v33 =	vsel vm6, $0x1, v2  }
0xb4: {  	v27 =	vadd.s32 v35, v27;
	v50 =	vsel vm15, $0x1, v2;
	v56 =	vsel vm14, $0x1, v2  }
0xb5: {  	vm15 =	vlt.s32 v16, v19;
	vm14 =	vlt.s32 v16, v20;
	v35 =	vsel vm7, $0x1, v2  }
0xb6: {  	v27 =	vadd.s32 v36, v27;
	v57 =	vsel vm15, $0x1, v2;
	v31 =	vsel vm14, $0x1, v2  }
0xb7: {  	vm15 =	vlt.s32 v18, v20;
	vm14 =	vlt.s32 v19, v21;
	v27 =	vadd.s32 v37, v27  }
0xb8: {  	v32 =	vsel vm15, $0x1, v2;
	v37 =	vsel vm8, $0x1, v2;
	v27 =	vadd.s32 v38, v27  }
0xb9: {  	vm15 =	vlt.s32 v20, v21;
	vm13 =	veq.s32 v27, v25;
	v27 =	vadd.s32 v40, v39  }
0xba: {  	v38 =	vsel vm11, $0x1, v2;
	v27 =	vadd.s32 v41, v27;
	vm5 =	vmand vm5, vm13  }
0xbb: {  	vm13 =	vlt.s32 v15, v17;
	v41 =	vsel vm14, $0x1, v2;
	v27 =	vadd.s32 v42, v27  }
0xbc: {  	v24 =	vsel vm5, v24, v26;
	v48 =	vsel vm13, $0x1, v2;
	vm13 =	vlt.s32 v14, v19  }
0xbd: {  	v27 =	vadd.s32 v43, v27;
	v26 =	vadd.s32 v48, v47;
	v55 =	vsel vm13, $0x1, v2  }
0xbe: {  	vm13 =	vlt.s32 v15, v20;
	v15 =	vsel vm10, $0x1, v2;
	v26 =	vadd.s32 v49, v26  }
0xbf: {  	v43 =	vsel vm15, $0x1, v2;
	v27 =	vadd.s32 v44, v27;
	v26 =	vadd.s32 v50, v26  }
0xc0: {  	v30 =	vsel vm13, $0x1, v2;
	v46 =	vadd.s32 v45, v27;
	v26 =	vadd.s32 v51, v26  }
0xc1: {  	vm13 =	vlt.s32 v17, v21;
	vm5 =	veq.s32 v46, v25;
	v26 =	vadd.s32 v52, v26  }
0xc2: {  	v40 =	vsel vm13, $0x1, v2;
	vm4 =	vmand vm4, vm5;
	v54 =	vadd.s32 v53, v26  }
0xc3: {  	v23 =	vsel vm4, v23, v24;
	v24 =	vadd.s32 v56, v55;
	vm12 =	veq.s32 v54, v25  }
0xc4: {  	v24 =	vadd.s32 v57, v24;
	vm3 =	vmand vm3, vm12;
	vm12 =	vlt.s32 v14, v20  }
0xc5: {  	v24 =	vadd.s32 v58, v24;
	v14 =	vsel vm9, $0x1, v2;
	v63 =	vsel vm12, $0x1, v2  }
0xc6: {  	v24 =	vadd.s32 v59, v24;
	v22 =	vsel vm3, v22, v23;
	v26 =	vadd.s32 v30, v63  }
0xc7: {  	v14 =	vadd.s32 v15, v14;
	vm12 =	vlt.s32 v18, v21;
	v26 =	vadd.s32 v31, v26  }
0xc8: {  	v14 =	vadd.s32 v38, v14;
	v39 =	vsel vm12, $0x1, v2;
	v26 =	vadd.s32 v32, v26  }
0xc9: {  	v61 =	vadd.s32 v60, v24;
	v14 =	vadd.s32 v39, v14;
	v34 =	vadd.s32 v33, v26  }
0xca: {  	v23 =	vadd.s32 v62, v61;
	v14 =	vadd.s32 v40, v14;
	v36 =	vadd.s32 v35, v34  }
0xcb: {  	vm3 =	veq.s32 v23, v25;
	v14 =	vadd.s32 v41, v14;
	v42 =	vadd.s32 v37, v36  }
0xcc: {  	vm0 =	vmand vm0, vm3;
	v14 =	vadd.s32 v43, v14;
	vm7 =	veq.s32 v42, v25  }
0xcd: {  	v11 =	vsel vm0, v11, v22;
	vm9 =	veq.s32 v14, v25;
	vm8 =	vmand vm1, vm7  }
0xce: {  	v44 =	vld.idx.msk [tilespmem:v8+s18+$0x0], $0xffff;
	vm10 =	vmand vm2, vm9;
	v11 =	vsel vm8, v12, v11  }
0xcf: {  	v11 =	vsel vm10, v13, v11  }
0xd0: {  	vm0 =	vgt.s32 v11, $0x0  }
0xd1: {  	v11 =	vnsel vm0, $0x0, v11  }
0xd2: {  	v11 =	vmin.u32 v11, $0xF423F  }
0xd3: {  	vm11 =	vgt.s32 v44, v11  }
0xd4: {  	v12 =	vsel vm11, $0x2000, v10;
	_ =	sdelay $0x4  }
0xd5: {  	v45 =	vld.idx.msk [tilespmem:v12+s18+$0x0], $0xffff;
	_ =	sdelay $0x4  }
0xd6: {  	v46 =	vsel vm11, $0x4000, v9;
	vm12 =	vgt.s32 v45, v11  }
0xd7: {  	v47 =	vsel vm11, $0x0, v8;
	v14 =	vsel vm12, v12, v46  }
0xd8: {  	v12 =	vsel vm12, v47, v12;
	v48 =	vadd.s32 v7, v14  }
0xd9: {  	v49 =	vxor.u32 v48, v12  }
0xda: {  	v13 =	vor.u32 v48, v12;
	v15 =	vshrl.u32 v49, $0x1  }
0xdb: {  	v13 =	vsub.s32 v13, v15;
	_ =	sdelay $0x4  }
0xdc: {  	v15 =	vld.idx.msk [tilespmem:v13+s18+$0x0], $0xffff;
	_ =	sdelay $0x4  }
0xdd: {  	vm13 =	vgt.s32 v15, v11  }
0xde: {  	v14 =	vsel vm13, v13, v14  }
0xdf: {  	v12 =	vsel vm13, v12, v13;
	v50 =	vadd.s32 v7, v14  }
0xe0: {  	v51 =	vxor.u32 v50, v12  }
0xe1: {  	v13 =	vor.u32 v50, v12;
	v15 =	vshrl.u32 v51, $0x1  }
0xe2: {  	v13 =	vsub.s32 v13, v15;
	_ =	sdelay $0x4  }
0xe3: {  	v15 =	vld.idx.msk [tilespmem:v13+s18+$0x0], $0xffff;
	_ =	sdelay $0x4  }
0xe4: {  	vm14 =	vgt.s32 v15, v11  }
0xe5: {  	v12 =	vsel vm14, v12, v13;
	v13 =	vsel vm14, v13, v14  }
0xe6: {  	v14 =	vxor.u32 v12, v13  }
0xe7: {  	v52 =	vand.u32 v12, v13;
	v14 =	vshrl.u32 v14, $0x1  }
0xe8: {  	v14 =	vadd.s32 v14, v52;
	_ =	sdelay $0x4  }
0xe9: {  	v15 =	vld.idx.msk [tilespmem:v14+s18+$0x0], $0xffff;
	_ =	sdelay $0x4  }
0xea: {  	vm15 =	vgt.s32 v15, v11  }
0xeb: {  	v12 =	vsel vm15, v12, v14;
	v13 =	vsel vm15, v14, v13  }
0xec: {  	v14 =	vadd.s32 v12, v13  }
0xed: {  	v14 =	vshrl.u32 v14, $0x1;
	_ =	sdelay $0x4  }
0xee: {  	v53 =	vld.idx.msk [tilespmem:v14+s18+$0x0], $0xffff;
	_ =	sdelay $0x4  }
0xef: {  	vm4 =	vgt.s32 v53, v11  }
0xf0: {  	v12 =	vsel vm4, v12, v14;
	v13 =	vsel vm4, v14, v13  }
0xf1: {  	v14 =	vadd.s32 v12, v13  }
0xf2: {  	v14 =	vshrl.u32 v14, $0x1;
	_ =	sdelay $0x4  }
0xf3: {  	v54 =	vld.idx.msk [tilespmem:v14+s18+$0x0], $0xffff;
	_ =	sdelay $0x4  }
0xf4: {  	vm5 =	vgt.s32 v54, v11  }
0xf5: {  	v12 =	vsel vm5, v12, v14;
	v13 =	vsel vm5, v14, v13  }
0xf6: {  	v14 =	vadd.s32 v12, v13  }
0xf7: {  	v14 =	vshrl.u32 v14, $0x1;
	_ =	sdelay $0x4  }
0xf8: {  	v55 =	vld.idx.msk [tilespmem:v14+s18+$0x0], $0xffff;
	_ =	sdelay $0x4  }
0xf9: {  	vm6 =	vgt.s32 v55, v11  }
0xfa: {  	v12 =	vsel vm6, v12, v14;
	v13 =	vsel vm6, v14, v13  }
0xfb: {  	v14 =	vadd.s32 v12, v13  }
0xfc: {  	v14 =	vshrl.u32 v14, $0x1;
	_ =	sdelay $0x4  }
0xfd: {  	v56 =	vld.idx.msk [tilespmem:v14+s18+$0x0], $0xffff;
	_ =	sdelay $0x4  }
0xfe: {  	vm7 =	vgt.s32 v56, v11  }
0xff: {  	v12 =	vsel vm7, v12, v14;
	v13 =	vsel vm7, v14, v13  }
0x100: {  	v14 =	vadd.s32 v12, v13  }
0x101: {  	v14 =	vshrl.u32 v14, $0x1;
	_ =	sdelay $0x4  }
0x102: {  	v57 =	vld.idx.msk [tilespmem:v14+s18+$0x0], $0xffff;
	_ =	sdelay $0x4  }
0x103: {  	vm8 =	vgt.s32 v57, v11  }
0x104: {  	v12 =	vsel vm8, v12, v14;
	v13 =	vsel vm8, v14, v13  }
0x105: {  	v14 =	vadd.s32 v12, v13  }
0x106: {  	v14 =	vshrl.u32 v14, $0x1;
	_ =	sdelay $0x4  }
0x107: {  	v58 =	vld.idx.msk [tilespmem:v14+s18+$0x0], $0xffff;
	_ =	sdelay $0x4  }
0x108: {  	vm9 =	vgt.s32 v58, v11  }
0x109: {  	v12 =	vsel vm9, v12, v14;
	v13 =	vsel vm9, v14, v13  }
0x10a: {  	v14 =	vadd.s32 v12, v13  }
0x10b: {  	v14 =	vshrl.u32 v14, $0x1;
	_ =	sdelay $0x4  }
0x10c: {  	v59 =	vld.idx.msk [tilespmem:v14+s18+$0x0], $0xffff;
	_ =	sdelay $0x4  }
0x10d: {  	vm10 =	vgt.s32 v59, v11  }
0x10e: {  	v12 =	vsel vm10, v12, v14;
	v13 =	vsel vm10, v14, v13  }
0x10f: {  	v14 =	vadd.s32 v12, v13  }
0x110: {  	v14 =	vshrl.u32 v14, $0x1;
	_ =	sdelay $0x4  }
0x111: {  	v60 =	vld.idx.msk [tilespmem:v14+s18+$0x0], $0xffff;
	_ =	sdelay $0x4  }
0x112: {  	vm11 =	vgt.s32 v60, v11  }
0x113: {  	v12 =	vsel vm11, v12, v14;
	v13 =	vsel vm11, v14, v13  }
0x114: {  	v14 =	vadd.s32 v12, v13  }
0x115: {  	v14 =	vshrl.u32 v14, $0x1;
	_ =	sdelay $0x4  }
0x116: {  	v61 =	vld.idx.msk [tilespmem:v14+s18+$0x0], $0xffff;
	_ =	sdelay $0x4  }
0x117: {  	vm12 =	vgt.s32 v61, v11  }
0x118: {  	v12 =	vsel vm12, v12, v14;
	v13 =	vsel vm12, v14, v13  }
0x119: {  	v13 =	vadd.s32 v12, v13  }
0x11a: {  	v13 =	vshrl.u32 v13, $0x1;
	_ =	sdelay $0x4  }
0x11b: {  	v62 =	vld.idx.msk [tilespmem:v13+s18+$0x0], $0xffff;
	_ =	sdelay $0x4  }
0x11c: {  	vm13 =	vgt.s32 v62, v11  }
0x11d: {  	v12 =	vsel vm13, v12, v13  }
0x11e: {  	v13 =	vadd.s32 $0x1, v12;
	_ =	sdelay $0x3  }
0x11f: {  	v12 =	vld.idx.msk [tilespmem:v12+s18+$0x0], $0xffff  }
0x120: {  	v13 =	vld.idx.msk [tilespmem:v13+s18+$0x0], $0xffff;
	_ =	sdelay $0x3  }
0x121: {  	p0 =	sne.s32 s29, $0x3C0;
	v11 =	vsub.s32 v11, v12  }
.Ltmp0:
0x122: {  	vm14 =	vgt.s32 v11, $0x0;
	v13 =	vsub.s32 v13, v12;
	(pc) =	sbr.rel @p0 .LBB2_2-.Ltmp0, $4  }
0x123: {  	s31 =	sshra.s32 s29, $0x2;
	v11 =	vnsel vm14, $0x0, v11;
	vm15 =	vgt.s32 v13, $0x0  }
0x124: {  	[tilespmem:s31+$0xC900] =	vst v12;
	v11 =	vmin.u32 v11, $0x3F;
	v63 =	vnsel vm15, $0x0, v13  }
0x125: {  	[tilespmem:s31+$0xCA80] =	vst v11;
	v11 =	vmin.u32 v63, $0x40  }
0x126: {  	s28 =	sadd.s32 $0x10, s28;
	s29 =	sadd.s32 $0x40, s29;
	[tilespmem:s31+$0xCC00] =	vst v11  }
0x127: {  	s0 =	simm.s32 $0x0  }
0x128: {  	v11 =	vld [tilespmem:s0+$0xC900];
	_ =	sdelay $0x4  }
0x129: {  	(v2sf) =	vpush v11, $0x0;
	_ =	sdelay $0xd  }
0x12a: {  	v11 =	vbroadcast v11, $0x0  }
0x12b: {  	s3 =	spop (v2sf)  }
0x12c: {  	s0 =	simm.s32 $0xCDA0;
	v11 =	vadd.s32 v3, v11;
	s28 =	sadd.s32 $0x10, s3  }
0x12d: {  	[tilespmem:s0+$0xFFFFFFE0] =	vst v11;
	s29 =	sadd.s32 $0x20, s3;
	v11 =	vadd.s32 s28, v3  }
0x12e: {  	s3 =	sadd.s32 $0x30, s3;
	v12 =	vadd.s32 s29, v3;
	[tilespmem:s0+$0xFFFFFFF0] =	vst v11  }
0x12f: {  	v11 =	vadd.s32 s3, v3;
	[tilespmem:s0+$0x0] =	vst v12  }
0x130: {  	s28 =	simm.s32 $0x1;
	s3 =	simm.s32 $0x8;
	[tilespmem:s0+$0x10] =	vst v11  }
.LBB2_4:
0x131: {  	p0 =	sne.s32 s3, $0x3FC;
	v11 =	vld [tilespmem:s28+$0xC900];
	_ =	sdelay $0x4  }
0x132: {  	v12 =	vbroadcast v11, $0x0;
	(v2sf) =	vpush v11, $0x0;
	_ =	sdelay $0x1  }
0x133: {  	s0 =	sadd.s32 $0x40, s0;
	v11 =	vadd.s32 v3, v12  }
0x134: {  	[tilespmem:s0+$0xFFFFFFE0] =	vst v11;
	_ =	sdelay $0xb  }
0x135: {  	s28 =	spop (v2sf)  }
0x136: {  	s29 =	sadd.s32 $0x10, s28  }
.Ltmp1:
0x137: {  	s30 =	sadd.s32 $0x20, s28;
	s28 =	sadd.s32 $0x30, s28;
	(pc) =	sbr.rel @p0 .LBB2_4-.Ltmp1, $4  }
0x138: {  	v11 =	vadd.s32 s29, v3;
	v12 =	vadd.s32 s30, v3;
	v13 =	vadd.s32 s28, v3  }
0x139: {  	[tilespmem:s0+$0xFFFFFFF0] =	vst v11  }
0x13a: {  	[tilespmem:s0+$0x0] =	vst v12  }
0x13b: {  	s28 =	sshra.s32 s3, $0x2;
	s3 =	sadd.s32 $0x4, s3;
	[tilespmem:s0+$0x10] =	vst v13  }
0x13c: {  	v11 =	vld [tilespmem:s28+$0xC900];
	_ =	sdelay $0x4  }
0x13d: {  	(v2sf) =	vpush v11, $0x0;
	_ =	sdelay $0xd  }
0x13e: {  	v11 =	vbroadcast v11, $0x0  }
0x13f: {  	s3 =	spop (v2sf)  }
0x140: {  	s0 =	sadd.s32 $0x40, s0;
	v11 =	vadd.s32 v3, v11;
	s28 =	sadd.s32 $0x10, s3  }
0x141: {  	[tilespmem:s0+$0xFFFFFFE0] =	vst v11;
	s29 =	sadd.s32 $0x20, s3;
	v11 =	vadd.s32 s28, v3  }
0x142: {  	s3 =	sadd.s32 $0x30, s3;
	v12 =	vadd.s32 s29, v3;
	[tilespmem:s0+$0xFFFFFFF0] =	vst v11  }
0x143: {  	v11 =	vadd.s32 s3, v3;
	[tilespmem:s0+$0x0] =	vst v12  }
0x144: {  	[tilespmem:s0+$0x10] =	vst v11  }
0x145: {  	[tilespmem:s23], [sflag:$0x1] =	stream.indirect.gather [hbm4b:s7+s21], $0x1, s22, s21, $0xb8;
	[tilespmem:$0x18F00] =	vst v63  }
0x146: {  	_ = 	snop  }
0x147: {  	[tilespmem:s24], [sflag:$0x2] =	stream.indirect.gather [hbm4b:s8+s21], $0x1, s22, s21, $0xb8;
	[tilespmem:$0x18F00] =	vst v63  }
0x148: {  	_ =	swait.ge [sflag:s16], $0x4000  }
0x149: {  	[sflag:s16] =	ssyncset.done $0x0  }
0x14a: {  	[sflag:s16] =	ssyncadd.s32 $0xFFFFC000  }
0x14b: {  	_ =	swait.ge [sflag:s20], $0x4000  }
0x14c: {  	[sflag:s20] =	ssyncset.done $0x0  }
0x14d: {  	s3 =	simm.s32 $0x10DA0;
	[sflag:s20] =	ssyncadd.s32 $0xFFFFC000  }
0x14e: {  	v13 =	vld [tilespmem:s3+$0x0]  }
0x14f: {  	v16 =	vld [tilespmem:s3+$0x10]  }
0x150: {  	s28 =	simm.s32 $0xCC00;
	v17 =	vld [tilespmem:s3+$0xFFFFFFF0]  }
0x151: {  	v18 =	vld.msk [tilespmem:s28+$0x0 ss:$0x0], $0xffff  }
0x152: {  	v19 =	vld [tilespmem:s3+$0xFFFFFFE0];
	_ =	sdelay $0x2  }
0x153: {  	s1 =	simm.s32 $0x14DA0;
	v15 =	vor.u32 $0x80000030, v3;
	v12 =	vor.u32 $0x20, v3;
	v11 =	vor.u32 $0x80000010, v3  }
0x154: {  	v20 =	vld [tilespmem:s1+$0x10];
	v14 =	vshll.u32 v13, $0x6;
	v13 =	vor.u32 $0x10, v3;
	v16 =	vshll.u32 v16, $0x6  }
0x155: {  	v22 =	vld [tilespmem:s1+$0x0];
	v17 =	vshll.u32 v17, $0x6;
	vm2 =	vgt.s32 v18, v12;
	v19 =	vshll.u32 v19, $0x6  }
0x156: {  	v24 =	vld [tilespmem:s1+$0xFFFFFFF0];
	v21 =	vand.u32 $0x7FFFC0, v14;
	v23 =	vand.u32 $0x7FFFC0, v16;
	v16 =	vor.u32 $0x30, v3  }
0x157: {  	v14 =	vor.u32 $0x80000020, v3;
	vm0 =	vgt.s32 v18, v16;
	v23 =	vor.u32 v15, v23  }
0x158: {  	v25 =	vld [tilespmem:s1+$0xFFFFFFE0];
	v17 =	vand.u32 $0x7FFFC0, v17;
	v21 =	vor.u32 v14, v21;
	v23 =	vnsel vm0, $0xFFFFFFFF, v23  }
0x159: {  	vm1 =	vgt.s32 v18, v13;
	v21 =	vnsel vm2, $0xFFFFFFFF, v21;
	(xrf1) =	vsort.ascd.msk.u32 $0xffff, v23, v20;
	v20 =	vor.u32 v11, v17  }
0x15a: {  	v19 =	vand.u32 $0x7FFFC0, v19;
	v17 =	vor.u32 $0x80000000, v3;
	(xrf1) =	vsort.ascd.msk.u32 $0xffff, v21, v22;
	v20 =	vnsel vm1, $0xFFFFFFFF, v20  }
0x15b: {  	vm8 =	vgt.s32 v18, v3;
	v18 =	vor.u32 v17, v19;
	(xrf1) =	vsort.ascd.msk.u32 $0xffff, v20, v24  }
0x15c: {  	v18 =	vnsel vm8, $0xFFFFFFFF, v18  }
0x15d: {  	(xrf1) =	vsort.ascd.msk.u32 $0xffff, v18, v25;
	_ =	sdelay $0x8  }
0x15e: {  	v18 =	vmul.u32 $0xFFFFFFFF, v3  }
0x15f: {  	v19, v20, _ =	vpop (xrf1)  }
0x160: {  	v18 =	vadd.s32 $0xF, v18;
	v19 =	vxor.u32 $0x80000000, v19;
	v21, v22, _ =	vpop (xrf1)  }
0x161: {  	v19 =	vperm.xlane v19, v18;
	v45, v24, _ =	vpop (xrf1)  }
0x162: {  	v20 =	vperm.xlane v20, v18;
	v21 =	vxor.u32 $0x80000000, v21;
	v23 =	vxor.u32 $0x80000000, v45  }
0x163: {  	v24 =	vperm.xlane v24, v18;
	v25, v26, _ =	vpop (xrf1);
	vm9 =	vlt.s32 v21, v19;
	v23 =	vperm.xlane v23, v18  }
0x164: {  	v25 =	vxor.u32 $0x80000000, v25;
	v27 =	vsel vm9, v19, v21;
	v28 =	vsel vm9, v20, v22  }
0x165: {  	v19 =	vsel vm9, v21, v19;
	v27 =	vxor.u32 $0x80000000, v27;
	vm10 =	vlt.s32 v25, v23  }
0x166: {  	v20 =	vsel vm9, v22, v20;
	v19 =	vxor.u32 $0x80000000, v19;
	(xrf1) =	vsort.ascd.msk.u32 $0xffff, v27, v28;
	v46 =	vsel vm10, v25, v23  }
0x167: {  	v47 =	vsel vm10, v23, v25;
	v48 =	vsel vm10, v26, v24;
	v21 =	vxor.u32 $0x80000000, v46;
	(xrf1) =	vsort.ascd.msk.u32 $0xffff, v19, v20  }
0x168: {  	v19 =	vxor.u32 $0x80000000, v47;
	v20 =	vsel vm10, v24, v26;
	(xrf1) =	vsort.ascd.msk.u32 $0xffff, v21, v48  }
0x169: {  	(xrf1) =	vsort.ascd.msk.u32 $0xffff, v19, v20;
	_ =	sdelay $0xa  }
0x16a: {  	v19, v20, _ =	vpop (xrf1)  }
0x16b: {  	v19 =	vxor.u32 $0x80000000, v19;
	v50, v49, _ =	vpop (xrf1)  }
0x16c: {  	v21 =	vxor.u32 $0x80000000, v50;
	v19 =	vperm.xlane v19, v18;
	v23, v51, _ =	vpop (xrf1)  }
0x16d: {  	v23 =	vxor.u32 $0x80000000, v23;
	v21 =	vperm.xlane v21, v18;
	v52, v53, _ =	vpop (xrf1)  }
0x16e: {  	v20 =	vperm.xlane v20, v18;
	v25 =	vxor.u32 $0x80000000, v52;
	vm11 =	vlt.s32 v23, v19  }
0x16f: {  	v22 =	vperm.xlane v49, v18;
	v54 =	vsel vm11, v23, v19;
	vm12 =	vlt.s32 v25, v21  }
0x170: {  	v19 =	vsel vm11, v19, v23;
	v57 =	vsel vm11, v51, v20;
	v20 =	vsel vm11, v20, v51  }
0x171: {  	v55 =	vsel vm12, v25, v21;
	v21 =	vsel vm12, v21, v25;
	v56 =	vsel vm12, v22, v53  }
0x172: {  	v22 =	vsel vm12, v53, v22;
	vm13 =	vgt.s32 v54, v55;
	vm3 =	vgt.s32 v19, v21  }
0x173: {  	vm14 =	vlt.s32 v19, v21;
	vm15 =	vlt.s32 v54, v55;
	v29 =	vsel vm3, v19, v21  }
0x174: {  	v58 =	vsel vm13, v55, v54;
	v60 =	vsel vm14, v56, v20;
	v59 =	vxor.u32 $0x80000000, v29  }
0x175: {  	v19 =	vsel vm3, v21, v19;
	v61 =	vsel vm15, v57, v22;
	v24 =	vxor.u32 $0x80000000, v58;
	(xrf1) =	vsort.ascd.msk.u32 $0xffff, v59, v60  }
0x176: {  	v23 =	vsel vm13, v54, v55;
	v20 =	vsel vm14, v20, v56;
	v19 =	vxor.u32 $0x80000000, v19;
	(xrf1) =	vsort.ascd.msk.u32 $0xffff, v24, v61  }
0x177: {  	v62 =	vsel vm15, v22, v57;
	v63 =	vxor.u32 $0x80000000, v23;
	(xrf1) =	vsort.ascd.msk.u32 $0xffff, v19, v20  }
0x178: {  	(xrf1) =	vsort.ascd.msk.u32 $0xffff, v63, v62;
	_ =	sdelay $0xa  }
0x179: {  	_, v19, _ =	vpop (xrf1)  }
0x17a: {  	[tilespmem:$0x18DB0] =	vst v19;
	_, v19, _ =	vpop (xrf1)  }
0x17b: {  	[tilespmem:$0x18D80] =	vst v19;
	_, v19, _ =	vpop (xrf1)  }
0x17c: {  	[tilespmem:$0x18DA0] =	vst v19;
	_, v19, _ =	vpop (xrf1)  }
0x17d: {  	s29 =	simm.s32 $0xCA80;
	[tilespmem:$0x18D90] =	vst v19  }
0x17e: {  	v19 =	vld [tilespmem:s29+$0x0];
	_ =	sdelay $0x4  }
0x17f: {  	(v2sf) =	vpush v19, $0x0;
	_ =	sdelay $0xc  }
0x180: {  	s30 =	simm.s32 $0x0  }
0x181: {  	s31 =	simm.s32 $0x1;
	s0 =	simm.s32 $0x10DE0;
	s3 =	simm.s32 $0x14DE0  }
.LBB2_6:
0x182: {  	s29 =	sadd.s32 $0x1, s29;
	s28 =	sadd.s32 $0x1, s28;
	s1 =	spop (v2sf)  }
0x183: {  	p0 =	sne.s32 s31, $0xFF;
	v19 =	vld.msk [tilespmem:s1+$0x18D80 ss:$0x0], $0xffff;
	s1 =	smov.u32 s31;
	s31 =	sadd.s32 $0x1, s31  }
0x184: {  	v20 =	vmov s30;
	s30 =	smov.u32 s1;
	_ =	sdelay $0x4  }
0x185: {  	[tilespmem:v20+s25+$0x0] =	vst.idx.msk $0x1, v19  }
0x186: {  	v19 =	vld [tilespmem:s0+$0x0]  }
0x187: {  	v20 =	vld [tilespmem:s0+$0x10]  }
0x188: {  	v21 =	vld.msk [tilespmem:s28+$0x0 ss:$0x0], $0xffff  }
0x189: {  	v22 =	vld [tilespmem:s0+$0xFFFFFFF0]  }
0x18a: {  	v23 =	vld [tilespmem:s0+$0xFFFFFFE0]  }
0x18b: {  	v19 =	vshll.u32 v19, $0x6;
	v24 =	vld [tilespmem:s3+$0x10]  }
0x18c: {  	v25 =	vld [tilespmem:s3+$0x0];
	v19 =	vand.u32 $0x7FFFC0, v19;
	v20 =	vshll.u32 v20, $0x6  }
0x18d: {  	v19 =	vor.u32 v14, v19;
	v20 =	vand.u32 $0x7FFFC0, v20  }
0x18e: {  	vm0 =	vgt.s32 v21, v16;
	v26 =	vld [tilespmem:s3+$0xFFFFFFF0];
	v22 =	vshll.u32 v22, $0x6;
	v20 =	vor.u32 v15, v20  }
0x18f: {  	vm1 =	vgt.s32 v21, v13;
	vm2 =	vgt.s32 v21, v12;
	v27 =	vld [tilespmem:s3+$0xFFFFFFE0];
	v20 =	vnsel vm0, $0xFFFFFFFF, v20  }
0x190: {  	v19 =	vnsel vm2, $0xFFFFFFFF, v19;
	v23 =	vshll.u32 v23, $0x6;
	v22 =	vand.u32 $0x7FFFC0, v22;
	(xrf1) =	vsort.ascd.msk.u32 $0xffff, v20, v24  }
0x191: {  	vm0 =	vgt.s32 v21, v3;
	v20 =	vand.u32 $0x7FFFC0, v23;
	v21 =	vor.u32 v11, v22;
	(xrf1) =	vsort.ascd.msk.u32 $0xffff, v19, v25  }
0x192: {  	v19 =	vor.u32 v17, v20;
	v20 =	vnsel vm1, $0xFFFFFFFF, v21  }
0x193: {  	v19 =	vnsel vm0, $0xFFFFFFFF, v19;
	(xrf1) =	vsort.ascd.msk.u32 $0xffff, v20, v26  }
0x194: {  	(xrf1) =	vsort.ascd.msk.u32 $0xffff, v19, v27;
	_ =	sdelay $0x9  }
0x195: {  	v19, v20, _ =	vpop (xrf1)  }
0x196: {  	v19 =	vxor.u32 $0x80000000, v19;
	v21, v22, _ =	vpop (xrf1)  }
0x197: {  	v19 =	vperm.xlane v19, v18  }
0x198: {  	v20 =	vperm.xlane v20, v18;
	v21 =	vxor.u32 $0x80000000, v21;
	v23, v24, _ =	vpop (xrf1)  }
0x199: {  	v23 =	vxor.u32 $0x80000000, v23;
	v24 =	vperm.xlane v24, v18;
	vm0 =	vlt.s32 v21, v19;
	v25, v26, _ =	vpop (xrf1)  }
0x19a: {  	v23 =	vperm.xlane v23, v18;
	v27 =	vsel vm0, v22, v20;
	v28 =	vsel vm0, v19, v21  }
0x19b: {  	v25 =	vxor.u32 $0x80000000, v25;
	v20 =	vsel vm0, v20, v22;
	v22 =	vxor.u32 $0x80000000, v28  }
0x19c: {  	v19 =	vsel vm0, v21, v19;
	vm1 =	vlt.s32 v25, v23;
	(xrf1) =	vsort.ascd.msk.u32 $0xffff, v22, v20  }
0x19d: {  	v19 =	vxor.u32 $0x80000000, v19;
	v20 =	vsel vm1, v25, v23;
	v21 =	vsel vm1, v23, v25  }
0x19e: {  	v22 =	vsel vm1, v26, v24;
	v20 =	vxor.u32 $0x80000000, v20;
	v21 =	vxor.u32 $0x80000000, v21;
	(xrf1) =	vsort.ascd.msk.u32 $0xffff, v19, v27  }
0x19f: {  	v19 =	vsel vm1, v24, v26;
	(xrf1) =	vsort.ascd.msk.u32 $0xffff, v20, v22  }
0x1a0: {  	(xrf1) =	vsort.ascd.msk.u32 $0xffff, v21, v19;
	_ =	sdelay $0x9  }
0x1a1: {  	v19, v20, _ =	vpop (xrf1)  }
0x1a2: {  	v19 =	vxor.u32 $0x80000000, v19  }
0x1a3: {  	v21, v22, _ =	vpop (xrf1)  }
0x1a4: {  	v19 =	vperm.xlane v19, v18;
	v21 =	vxor.u32 $0x80000000, v21;
	v23, v24, _ =	vpop (xrf1)  }
0x1a5: {  	v20 =	vperm.xlane v20, v18;
	v23 =	vxor.u32 $0x80000000, v23;
	v21 =	vperm.xlane v21, v18;
	v25, v26, _ =	vpop (xrf1)  }
0x1a6: {  	v22 =	vperm.xlane v22, v18;
	v25 =	vxor.u32 $0x80000000, v25;
	vm0 =	vlt.s32 v23, v19  }
0x1a7: {  	v27 =	vsel vm0, v23, v19;
	v19 =	vsel vm0, v19, v23;
	vm1 =	vlt.s32 v25, v21  }
0x1a8: {  	v23 =	vsel vm1, v25, v21;
	v21 =	vsel vm1, v21, v25;
	v25 =	vsel vm1, v22, v26  }
0x1a9: {  	v28 =	vsel vm0, v24, v20;
	vm2 =	vgt.s32 v27, v23;
	vm3 =	vgt.s32 v19, v21  }
0x1aa: {  	v20 =	vsel vm0, v20, v24;
	v24 =	vsel vm2, v23, v27;
	v29 =	vsel vm2, v27, v23  }
0x1ab: {  	vm0 =	vlt.s32 v19, v21;
	v30 =	vsel vm3, v19, v21;
	v24 =	vxor.u32 $0x80000000, v24  }
0x1ac: {  	v22 =	vsel vm1, v26, v22;
	v19 =	vsel vm3, v21, v19;
	v21 =	vxor.u32 $0x80000000, v30  }
0x1ad: {  	vm1 =	vlt.s32 v27, v23;
	v23 =	vsel vm0, v20, v25;
	v20 =	vsel vm0, v25, v20  }
0x1ae: {  	v25 =	vsel vm1, v28, v22;
	v22 =	vsel vm1, v22, v28;
	v26 =	vxor.u32 $0x80000000, v29;
	(xrf1) =	vsort.ascd.msk.u32 $0xffff, v21, v20  }
0x1af: {  	v19 =	vxor.u32 $0x80000000, v19;
	(xrf1) =	vsort.ascd.msk.u32 $0xffff, v24, v25  }
0x1b0: {  	(xrf1) =	vsort.ascd.msk.u32 $0xffff, v19, v23  }
0x1b1: {  	(xrf1) =	vsort.ascd.msk.u32 $0xffff, v26, v22;
	_ =	sdelay $0xa  }
0x1b2: {  	_, v19, _ =	vpop (xrf1)  }
0x1b3: {  	[tilespmem:$0x18DB0] =	vst v19;
	_, v19, _ =	vpop (xrf1)  }
0x1b4: {  	[tilespmem:$0x18D80] =	vst v19;
	_, v19, _ =	vpop (xrf1)  }
0x1b5: {  	[tilespmem:$0x18DA0] =	vst v19;
	_, v19, _ =	vpop (xrf1)  }
0x1b6: {  	[tilespmem:$0x18D90] =	vst v19  }
0x1b7: {  	v19 =	vld [tilespmem:s29+$0x0];
	_ =	sdelay $0x4  }
0x1b8: {  	(v2sf) =	vpush v19, $0x0;
	_ =	sdelay $0x9  }
.Ltmp2:
0x1b9: {  	(pc) =	sbr.rel @p0 .LBB2_6-.Ltmp2, $2  }
0x1ba: {  	_ =	sdelay $0x2  }
0x1bb: {  	s0 =	sadd.s32 $0x40, s0;
	s3 =	sadd.s32 $0x40, s3  }
0x1bc: {  	s0 =	spop (v2sf)  }
0x1bd: {  	v12 =	vmov s30;
	v11 =	vld.msk [tilespmem:s0+$0x18D80 ss:$0x0], $0xffff;
	_ =	sdelay $0x4  }
0x1be: {  	[tilespmem:v12+s25+$0x0] =	vst.idx.msk $0x1, v11  }
0x1bf: {  	[hbm4b:s11+s5] =	stream.linear.scatter [tilespmem:s25], [sflag:$0x1], $0x100, $0x38;
	[tilespmem:$0x18F00] =	vst v63  }
0x1c0: {  	_ =	swait.ge [sflag:s16], $0x100  }
0x1c1: {  	[sflag:s16] =	ssyncset.done $0x0  }
0x1c2: {  	[sflag:s16] =	ssyncadd.s32 $0xFFFFFF00  }
0x1c3: {  	v11 =	vld [tilespmem:$0x18E00]  }
0x1c4: {  	v38 =	vld [tilespmem:$0x18E10]  }
0x1c5: {  	v13 =	vld [tilespmem:$0x18E20]  }
0x1c6: {  	v14 =	vld [tilespmem:$0x18E30]  }
0x1c7: {  	v15 =	vld [tilespmem:$0x18E40]  }
0x1c8: {  	v16 =	vld [tilespmem:$0x18E50];
	v11 =	vadd.s32 $0xF4240, v11  }
0x1c9: {  	v39 =	vld [tilespmem:$0x18E60];
	[tilespmem:$0x18E00] =	vst v11;
	v11 =	vadd.s32 $0xF4240, v38  }
0x1ca: {  	v40 =	vld [tilespmem:$0x18E70];
	[tilespmem:$0x18E10] =	vst v11;
	v11 =	vadd.s32 $0xF4240, v13  }
0x1cb: {  	v41 =	vld [tilespmem:$0x18E80];
	[tilespmem:$0x18E20] =	vst v11;
	v11 =	vadd.s32 $0xF4240, v14  }
0x1cc: {  	v42 =	vld [tilespmem:$0x18E90];
	[tilespmem:$0x18E30] =	vst v11;
	v11 =	vadd.s32 $0xF4240, v15  }
0x1cd: {  	v43 =	vld [tilespmem:$0x18EA0];
	[tilespmem:$0x18E40] =	vst v11;
	v11 =	vadd.s32 $0xF4240, v16  }
0x1ce: {  	v44 =	vld [tilespmem:$0x18EB0];
	[tilespmem:$0x18E50] =	vst v11;
	v11 =	vadd.s32 $0xF4240, v39  }
0x1cf: {  	v45 =	vld [tilespmem:$0x18EC0];
	[tilespmem:$0x18E60] =	vst v11;
	v11 =	vadd.s32 $0xF4240, v40  }
0x1d0: {  	v46 =	vld [tilespmem:$0x18ED0];
	[tilespmem:$0x18E70] =	vst v11;
	v11 =	vadd.s32 $0xF4240, v41  }
0x1d1: {  	v47 =	vld [tilespmem:$0x18EE0];
	[tilespmem:$0x18E80] =	vst v11;
	v11 =	vadd.s32 $0xF4240, v42  }
0x1d2: {  	v48 =	vld [tilespmem:$0x18EF0];
	[tilespmem:$0x18E90] =	vst v11;
	v11 =	vadd.s32 $0xF4240, v43  }
0x1d3: {  	[tilespmem:$0x18EA0] =	vst v11;
	v11 =	vadd.s32 $0xF4240, v44  }
0x1d4: {  	[tilespmem:$0x18EB0] =	vst v11;
	v11 =	vadd.s32 $0xF4240, v45  }
0x1d5: {  	[tilespmem:$0x18EC0] =	vst v11;
	v11 =	vadd.s32 $0xF4240, v46  }
0x1d6: {  	[tilespmem:$0x18ED0] =	vst v11;
	v11 =	vadd.s32 $0xF4240, v47  }
0x1d7: {  	[tilespmem:$0x18EE0] =	vst v11;
	v11 =	vadd.s32 $0xF4240, v48  }
0x1d8: {  	[tilespmem:$0x18EF0] =	vst v11  }
0x1d9: {  	[hbm4b:s12+s5] =	stream.linear.scatter [tilespmem:s25], [sflag:$0x1], $0x100, $0x38;
	[tilespmem:$0x18F00] =	vst v63  }
0x1da: {  	_ =	swait.ge [sflag:s16], $0x100  }
0x1db: {  	[sflag:s16] =	ssyncset.done $0x0  }
0x1dc: {  	[sflag:s16] =	ssyncadd.s32 $0xFFFFFF00  }
0x1dd: {  	v11 =	vld [tilespmem:$0x18E00]  }
0x1de: {  	v49 =	vld [tilespmem:$0x18E10]  }
0x1df: {  	v50 =	vld [tilespmem:$0x18E20]  }
0x1e0: {  	v51 =	vld [tilespmem:$0x18E30]  }
0x1e1: {  	v52 =	vld [tilespmem:$0x18E40]  }
0x1e2: {  	v53 =	vld [tilespmem:$0x18E50];
	v11 =	vadd.s32 $0xF4240, v11  }
0x1e3: {  	v54 =	vld [tilespmem:$0x18E60];
	[tilespmem:$0x18E00] =	vst v11;
	v11 =	vadd.s32 $0xF4240, v49  }
0x1e4: {  	v55 =	vld [tilespmem:$0x18E70];
	[tilespmem:$0x18E10] =	vst v11;
	v11 =	vadd.s32 $0xF4240, v50  }
0x1e5: {  	v56 =	vld [tilespmem:$0x18E80];
	[tilespmem:$0x18E20] =	vst v11;
	v11 =	vadd.s32 $0xF4240, v51  }
0x1e6: {  	v57 =	vld [tilespmem:$0x18E90];
	[tilespmem:$0x18E30] =	vst v11;
	v11 =	vadd.s32 $0xF4240, v52  }
0x1e7: {  	v58 =	vld [tilespmem:$0x18EA0];
	[tilespmem:$0x18E40] =	vst v11;
	v11 =	vadd.s32 $0xF4240, v53  }
0x1e8: {  	v59 =	vld [tilespmem:$0x18EB0];
	[tilespmem:$0x18E50] =	vst v11;
	v11 =	vadd.s32 $0xF4240, v54  }
0x1e9: {  	v60 =	vld [tilespmem:$0x18EC0];
	[tilespmem:$0x18E60] =	vst v11;
	v11 =	vadd.s32 $0xF4240, v55  }
0x1ea: {  	v61 =	vld [tilespmem:$0x18ED0];
	[tilespmem:$0x18E70] =	vst v11;
	v11 =	vadd.s32 $0xF4240, v56  }
0x1eb: {  	v62 =	vld [tilespmem:$0x18EE0];
	[tilespmem:$0x18E80] =	vst v11;
	v11 =	vadd.s32 $0xF4240, v57  }
0x1ec: {  	v63 =	vld [tilespmem:$0x18EF0];
	[tilespmem:$0x18E90] =	vst v11;
	v11 =	vadd.s32 $0xF4240, v58  }
0x1ed: {  	[tilespmem:$0x18EA0] =	vst v11;
	v11 =	vadd.s32 $0xF4240, v59  }
0x1ee: {  	[tilespmem:$0x18EB0] =	vst v11;
	v11 =	vadd.s32 $0xF4240, v60  }
0x1ef: {  	[tilespmem:$0x18EC0] =	vst v11;
	v11 =	vadd.s32 $0xF4240, v61  }
0x1f0: {  	s26 =	sadd.s32 $0x1, s26;
	[tilespmem:$0x18ED0] =	vst v11;
	v11 =	vadd.s32 $0xF4240, v62  }
0x1f1: {  	p0 =	sne.s32 s26, s14;
	[tilespmem:$0x18EE0] =	vst v11;
	v11 =	vadd.s32 $0xF4240, v63  }
.Ltmp3:
0x1f2: {  	[tilespmem:$0x18EF0] =	vst v11;
	(pc) =	sbr.rel @p0 .LBB2_1-.Ltmp3, $4  }
0x1f3: {  	[hbm4b:s13+s5] =	stream.linear.scatter [tilespmem:s25], [sflag:$0x1], $0x100, $0x38;
	[tilespmem:$0x18F00] =	vst v63  }
0x1f4: {  	_ =	swait.ge [sflag:s16], $0x100  }
0x1f5: {  	[sflag:s16] =	ssyncset.done $0x0  }
0x1f6: {  	[sflag:s16] =	ssyncadd.s32 $0xFFFFFF00  }
0x1f7: {  	_ =	sfence.sel $0x180000  }
0x1f8: {  	[bflag:$0x0] =	sbarrier.arrive $0xFFFF  }
0x1f9: {  	_ =	strace $0x90000050  }
0x1fa: {  	s0 =	stileid.u32;
	[bflag:$0x2] =	sbarrier.arrive $0xFFFF  }
0x1fb: {  	p0 =	sne.s32 s0, $0x0;
	s0 =	rddreg [dreg:$0x4]  }
0x1fc: {  	s0 =	sadd.s32 @!p0 $0x100000, s0  }
0x1fd: {  	[sflag:s0] =	ssyncadd.tile.s32 @!p0 $0x1;
	_ =	shalt  }
.Lfunc_end2:
_tile_overlayer_lowered:
.L_overlay_start_2:
0x1fe: {  	(tag) =	ssettag $0x2  }
0x1ff: {  	s0 =	rddreg [dreg:$0x0];
	s2 =	stileid.u32  }
0x200: {  	s1 =	rddreg [dreg:$0x1];
	p0 =	sne.s32 s2, $0x0  }
0x201: {  	s3 =	rddreg [dreg:$0x2];
	[bflag:$0x3] =	sbarrier.arrive $0xFFFF;
	s2 =	simm.s32 @!p0 $0x1C03  }
0x202: {  	[timem:s3], [sflag:s2] =	dma.local @!p0 [hbm:s0], s1  }
0x203: {  	s0 =	simm.s32 @!p0 $0x3  }
0x204: {  	_ =	swait.ge @!p0 [sflag:s0], s1  }
0x205: {  	s1 =	ssub.s32 @!p0 $0x0, s1;
	[sflag:s0] =	ssyncset.done @!p0 $0x0  }
0x206: {  	[sflag:s0] =	ssyncadd.s32 @!p0 s1  }
0x207: {  	[bflag:$0x3] =	sbarrier.arrive $0xFFFF  }
0x208: {  	_ =	shalt  }

// kernel: kernel.22.cloned.1.call-start
scs
__scs_entry_jumppad:
0x0: {  	(pc) =	sbr.rel $0x88, $3  }
0x1: {  	(tag) =	ssettag $0x0;
	lr =	simm.s32 $0x1  }
0x2: {  	[smem:$0x3F9E] =	sst lr;
	_ =	strace $0xD0000000  }
0x3: {  	_ = 	snop  }
0x4: {  	_ = 	snop  }
0x5: {  	_ = 	snop  }
0x6: {  	_ = 	snop  }
0x7: {  	_ = 	snop  }
__scs_overlays_trampoline_lowered:
0x8: {  	[smem:$0x3FAD] =	sst s0  }
0x9: {  	[smem:$0x3FAE] =	sst s1  }
0xa: {  	[smem:$0x3FAF] =	sst s2  }
0xb: {  	[smem:$0x3FB0] =	sst s3  }
0xc: {  	[smem:$0x3FB1] =	sst s4  }
0xd: {  	[smem:$0x3FB2] =	sst s5  }
0xe: {  	[smem:$0x3FB3] =	sst s6  }
0xf: {  	[smem:$0x3FB4] =	sst s7  }
0x10: {  	[smem:$0x3FB5] =	sst s8  }
0x11: {  	[smem:$0x3FB6] =	sst s9;
	s0 =	simm.s32 @!p0 $0x0  }
0x12: {  	s1 =	sld [smem:$0x3F9C];
	s0 =	simm.s32 @p0 $0x1  }
0x13: {  	[smem:$0x3FB7] =	sst s0;
	s0 =	simm.s32 @!p1 $0x0  }
0x14: {  	s2 =	sld [smem:$0x3F9B];
	s0 =	simm.s32 @p1 $0x1  }
0x15: {  	[smem:$0x3FB8] =	sst s0;
	s0 =	simm.s32 @!p2 $0x0  }
0x16: {  	s3 =	sld [smem:$0x3FDB];
	s0 =	simm.s32 @p2 $0x1  }
0x17: {  	s4 =	simm.s32 $0x1BF5;
	[smem:$0x3FBA] =	sst s0  }
0x18: {  	s0 =	sld [smem:$0x3F9D];
	_ =	swait.ge [sflag:s4], $0x0  }
0x19: {  	s7 =	sld [smem:$0x3F9E]  }
0x1a: {  	s8 =	sadd.s32 $0xFFFFE003, lr  }
0x1b: {  	s9 =	sadd.s32 $0xFFFFFEF7, lr;
	s5 =	simm.s32 $0xFFFFFFFF;
	p2 =	slt.u32 s8, $0xFFFFF086  }
0x1c: {  	p1 =	slt.u32 s9, $0xF7A;
	s5 =	simm.s32 @!p2 $0x0  }
0x1d: {  	s5 =	simm.s32 @p1 $0x1;
	p0 =	seq.s32 s7, s2  }
0x1e: {  	s7 =	smul.u32 @!p0 $0xF7A, s2;
	p2 =	seq.s32 @!p0 s5, $0x0  }
0x1f: {  	s9 =	smul.u32 $0xF7A, s1;
	s8 =	simm.s32 @!p0 $0x1BF5;
	p2 =	por !p2, p0  }
0x20: {  	[sflag:s8] =	ssyncset.s32 @!p0 $0xFFFFF086;
	s6 =	sadd.s32 @!p0 s3, s7;
	s7 =	simm.s32 @!p0 $0x108  }
0x21: {  	s3 =	sadd.s32 s3, s9;
	s6 =	sadd.s32 @!p0 $0x88, s6;
	s7 =	simm.s32 @p2 $0x1082  }
0x22: {  	[simem:s7], [sflag:s8] =	dma.local @!p0 [hbm:s6], $0xF7A  }
0x23: {  	s9 =	sor.u32 $0xD0000000, s2;
	s6 =	simm.s32 $0x108;
	_ =	swait.ge @!p0 [sflag:s8], $0x0  }
0x24: {  	s3 =	sadd.s32 $0x88, s3;
	s6 =	simm.s32 @!p1 $0x1082;
	[sflag:s4] =	ssyncset.s32 $0xFFFFF086  }
0x25: {  	[simem:s6], [sflag:s4] =	dma.local [hbm:s3], $0xF7A  }
0x26: {  	[smem:$0x3F9E] =	sst s1;
	(tag) =	ssettag s2;
	_ =	strace s9  }
0x27: {  	s1 =	sld [smem:$0x3FAE]  }
0x28: {  	s2 =	sld [smem:$0x3FAF]  }
0x29: {  	s4 =	sld [smem:$0x3FB1]  }
0x2a: {  	p0 =	seq.s32 s5, $0x0;
	s5 =	sld [smem:$0x3FB2]  }
0x2b: {  	s6 =	sld [smem:$0x3FB3]  }
0x2c: {  	s7 =	sld [smem:$0x3FB4]  }
0x2d: {  	s3 =	simm.s32 $0x108;
	s8 =	sld [smem:$0x3FB5]  }
0x2e: {  	s3 =	simm.s32 @!p0 $0x1082;
	s9 =	sld [smem:$0x3FB6]  }
0x2f: {  	lr =	sadd.s32 s0, s3;
	s0 =	sld [smem:$0x3FAD]  }
0x30: {  	s3 =	sld [smem:$0x3FB0]  }
0x31: {  	[smem:$0x3FB9] =	sst s10  }
0x32: {  	s10 =	sld [smem:$0x3FB7];
	_ =	sdelay $0x3  }
0x33: {  	p0 =	seq.s32 s10, $0x1;
	s10 =	sld [smem:$0x3FB9];
	_ =	sdelay $0x3  }
0x34: {  	[smem:$0x3FB9] =	sst s10  }
0x35: {  	s10 =	sld [smem:$0x3FB8];
	_ =	sdelay $0x3  }
0x36: {  	p1 =	seq.s32 s10, $0x1;
	s10 =	sld [smem:$0x3FB9];
	_ =	sdelay $0x3  }
0x37: {  	[smem:$0x3FB9] =	sst s10  }
0x38: {  	s10 =	sld [smem:$0x3FBA]  }
0x39: {  	_ = 	snop;
	(pc) =	sbr.ind lr, $3  }
0x3a: {  	_ = 	snop  }
0x3b: {  	_ = 	snop  }
0x3c: {  	p2 =	seq.s32 s10, $0x1;
	s10 =	sld [smem:$0x3FB9]  }
0x3d: {  	_ =	shalt  }
0x3e: {  	_ =	shalt  }
0x3f: {  	_ =	shalt  }
0x40: {  	_ =	shalt  }
0x41: {  	_ =	shalt  }
0x42: {  	_ =	shalt  }
0x43: {  	_ =	shalt  }
0x44: {  	_ =	shalt  }
0x45: {  	_ =	shalt  }
0x46: {  	_ =	shalt  }
0x47: {  	_ =	shalt  }
0x48: {  	_ =	shalt  }
0x49: {  	_ =	shalt  }
0x4a: {  	_ =	shalt  }
0x4b: {  	_ =	shalt  }
0x4c: {  	_ =	shalt  }
0x4d: {  	_ =	shalt  }
0x4e: {  	_ =	shalt  }
0x4f: {  	_ =	shalt  }
0x50: {  	_ =	shalt  }
0x51: {  	_ =	shalt  }
0x52: {  	_ =	shalt  }
0x53: {  	_ =	shalt  }
0x54: {  	_ =	shalt  }
0x55: {  	_ =	shalt  }
0x56: {  	_ =	shalt  }
0x57: {  	_ =	shalt  }
0x58: {  	_ =	shalt  }
0x59: {  	_ =	shalt  }
0x5a: {  	_ =	shalt  }
0x5b: {  	_ =	shalt  }
0x5c: {  	_ =	shalt  }
0x5d: {  	_ =	shalt  }
0x5e: {  	_ =	shalt  }
0x5f: {  	_ =	shalt  }
0x60: {  	_ =	shalt  }
0x61: {  	_ =	shalt  }
0x62: {  	_ =	shalt  }
0x63: {  	_ =	shalt  }
0x64: {  	_ =	shalt  }
0x65: {  	_ =	shalt  }
0x66: {  	_ =	shalt  }
0x67: {  	_ =	shalt  }
0x68: {  	_ =	shalt  }
0x69: {  	_ =	shalt  }
0x6a: {  	_ =	shalt  }
0x6b: {  	_ =	shalt  }
0x6c: {  	_ =	shalt  }
0x6d: {  	_ =	shalt  }
0x6e: {  	_ =	shalt  }
0x6f: {  	_ =	shalt  }
0x70: {  	_ =	shalt  }
0x71: {  	_ =	shalt  }
0x72: {  	_ =	shalt  }
0x73: {  	_ =	shalt  }
0x74: {  	_ =	shalt  }
0x75: {  	_ =	shalt  }
0x76: {  	_ =	shalt  }
0x77: {  	_ =	shalt  }
0x78: {  	_ =	shalt  }
0x79: {  	_ =	shalt  }
0x7a: {  	_ =	shalt  }
0x7b: {  	_ =	shalt  }
0x7c: {  	_ =	shalt  }
0x7d: {  	_ =	shalt  }
0x7e: {  	_ =	shalt  }
0x7f: {  	_ =	shalt  }
0x80: {  	_ =	shalt  }
0x81: {  	_ =	shalt  }
0x82: {  	_ =	shalt  }
0x83: {  	_ =	shalt  }
0x84: {  	_ =	shalt  }
0x85: {  	_ =	shalt  }
0x86: {  	_ =	shalt  }
0x87: {  	_ =	shalt  }
.Lfunc_end0:
.L_simem_size_0:
called_computation.4_lowered:
.L_overlay_start_0:
0x88: {  	s2 =	sld [smem:$0x3FD9]  }
0x89: {  	s3 =	sld [smem:$0x3FFE];
	_ =	sdelay $0x1  }
0x8a: {  	s1 =	srdreg.scid  }
0x8b: {  	s0 =	sand.u32 $0x1, s1  }
0x8c: {  	s14 =	sshll.u32 s0, $0xA;
	s2 =	sadd.s32 s3, s2  }
0x8d: {  	s2 =	sadd.s32 s2, s14  }
0x8e: {  	[smem:$0x3FC5] =	sst s2  }
0x8f: {  	_ = 	snop  }
0x90: {  	s2 =	sld [smem:$0x3FD0];
	_ =	sdelay $0x2  }
0x91: {  	s15 =	simm.s32 $0xA;
	s4 =	simm.s32 $0x10  }
0x92: {  	[smem:s4], [sflag:s15] =	dma.local [hbm:s2], $0x1  }
0x93: {  	_ =	swait.eq [sflag:s15], $0x1  }
0x94: {  	[sflag:s15] =	ssyncset.done $0x0  }
0x95: {  	s16 =	sld [smem:$0x10];
	[sflag:s15] =	ssyncadd.s32 $0xFFFFFFFF  }
0x96: {  	s17 =	sld [smem:$0x11];
	(tm) =	ssettm $0x1  }
0x97: {  	s18 =	sld [smem:$0x3FFB];
	_ =	sdelay $0x3  }
0x98: {  	_ =	strace s18  }
0x99: {  	s4 =	sld [smem:$0x3FFC];
	_ =	sdelay $0x3  }
0x9a: {  	_ =	strace s4  }
0x9b: {  	s4 =	sld [smem:$0x3FFD];
	_ =	sdelay $0x3  }
0x9c: {  	_ =	strace s4  }
0x9d: {  	_ =	strace $0x8FFFFFFF  }
0x9e: {  	s19 =	sld [smem:$0x3FDB];
	_ =	sdelay $0x1  }
0x9f: {  	s5 =	simm.s32 $_scs_section_size  }
0xa0: {  	s6 =	simm.s32 $_size__tile_overlayer_lowered;
	s7 =	simm.s32 $_tile_overlayer_lowered  }
0xa1: {  	s22 =	simm.s32 $0x1BFF;
	s21 =	sshll.u32 s7, $0x1;
	s4 =	sadd.s32 s5, s19  }
0xa2: {  	s8 =	simm.s32 $0x0;
	s20 =	sshll.u32 s6, $0x1;
	s6 =	sadd.s32 s21, s4  }
0xa3: {  	[timem:s8], [sflag:s22] =	dma.local [hbm:s6], s20  }
0xa4: {  	_ =	swait.ge [sflag:s22], s20  }
0xa5: {  	s5 =	ssub.s32 $0x0, s20;
	[sflag:s22] =	ssyncset.done $0x0  }
0xa6: {  	[sflag:s22] =	ssyncadd.s32 s5;
	_ =	sdelay $0x1  }
0xa7: {  	s23 =	simm.s32 $0x1B8B  }
0xa8: {  	_ =	swait.ge [sflag:s23], $0x1  }
0xa9: {  	[sflag:s23] =	ssyncset.done $0x0  }
0xaa: {  	s25 =	simm.s32 $0x1B8E;
	s24 =	sld [smem:$0x3FFE];
	[sflag:s23] =	ssyncadd.s32 $0xFFFFFFFF  }
0xab: {  	s26 =	simm.s32 $execute0_lowered;
	[smem:$0x3FD2] =	sst s25  }
0xac: {  	s6 =	sshll.u32 s26, $0x1;
	_ =	strace $0x80000052;
	[dreg:$0x1] =	wrdreg $0xFFFFFFFF  }
0xad: {  	s28 =	simm.s32 $_size_execute0_lowered;
	s4 =	sadd.s32 s4, s6;
	[dreg:$0x0] =	wrdreg $0x0  }
0xae: {  	s6 =	sshll.u32 s28, $0x1;
	[dreg:$0x2] =	wrdreg s4  }
0xaf: {  	[dreg:$0x3] =	wrdreg s6  }
0xb0: {  	[dreg:$0x4] =	wrdreg $0xC0  }
0xb1: {  	_ =	task [dreg:s8], $0x5FFFF  }
0xb2: {  	[dreg:$0x1] =	wrdreg $0xFFFFFFFF  }
0xb3: {  	[dreg:$0x0] =	wrdreg $0x60  }
0xb4: {  	[dreg:$0x2] =	wrdreg s24  }
0xb5: {  	[dreg:$0x3] =	wrdreg s17  }
0xb6: {  	[dreg:$0x4] =	wrdreg s16  }
0xb7: {  	[dreg:$0x5] =	wrdreg $0x9  }
0xb8: {  	_ =	task.clear_ibuf [dreg:s8], $0x6FFFF;
	_ =	strace $0x90000052  }
0xb9: {  	s29 =	simm.s32 $0x9;
	_ =	strace $0x80000054  }
0xba: {  	_ =	swait.ge [sflag:s29], $0x1  }
0xbb: {  	[sflag:s29] =	ssyncadd.s32 $0xFFFFFFFF  }
0xbc: {  	_ =	strace $0x90000054  }
0xbd: {  	_ =	sfence  }
0xbe: {  	s30 =	sld [smem:$0x0];
	_ =	sdelay $0x2  }
0xbf: {  	s31 =	sshll.u32 s1, $0xD;
	s1 =	sshrl.u32 s1, $0x2  }
0xc0: {  	s3 =	sand.u32 $0x4000, s31;
	s1 =	sadd.s32 s1, s30  }
0xc1: {  	s0 =	sor.u32 s3, s0;
	s1 =	sshll.u32 s1, $0x11  }
0xc2: {  	s0 =	sor.u32 s1, s0  }
0xc3: {  	s0 =	sadd.s32 $0x8F2B, s0  }
0xc4: {  	[sflag:s0] =	ssyncadd.remote.s32 $0x1  }
0xc5: {  	_ =	sfence.sel $0xFFFF  }
0xc6: {  	[dreg:$0x0] =	wrdreg $0xFFFFFFFF;
	(pc) =	sbr.abs _section_cstart, $3  }
0xc7: {  	[dreg:$0x1] =	wrdreg $0xFFFFFFFF  }
0xc8: {  	_ =	task.clear_ibuf [dreg:s8], $0x2FFFF;
	_ =	strace $0x9FFFFFFF  }
0xc9: {  	(tm) =	ssettm $0x7FFFFFFF  }
tec
execute0_lowered:
.L_overlay_start_1:
0x0: {  	(tag) =	ssettag $0x1  }
0x1: {  	s1 =	srdreg.scid;
	s0 =	stileid.u32  }
0x2: {  	s7 =	rddreg [dreg:$0x0];
	s11 =	sand.u32 $0x1, s1;
	s29 =	sshll.u32 s0, $0x1  }
0x3: {  	s12 =	rddreg [dreg:$0x1];
	s1 =	sor.u32 s11, s29  }
0x4: {  	s13 =	rddreg [dreg:$0x2];
	s2 =	simm.s32 $0x0;
	s14 =	smul.u32 $0x60, s1  }
0x5: {  	[smem:$0x7FF] =	sst s2  }
0x6: {  	s1 =	rddreg [dreg:$0x3];
	s3 =	sadd.s32 s14, s7  }
0x7: {  	_ =	strace $0x80000053;
	s4 =	sadd.s32 $0x61C00, s3;
	s3 =	simm.s32 $0x3  }
0x8: {  	[tilespmem:s2], [sflag:$0x3] =	stream.linear.gather [hbm4b:s4+s2], $0x300, $0x38;
	[tilespmem:$0x900] =	vst v63  }
0x9: {  	_ =	swait.ge [sflag:s3], $0x300  }
0xa: {  	[sflag:s3] =	ssyncset.done $0x0  }
0xb: {  	s6 =	simm.s32 $0x300;
	s5 =	sadd.s32 $0x92800, s7;
	[sflag:s3] =	ssyncadd.s32 $0xFFFFFD00  }
0xc: {  	[tilespmem:s6], [sflag:$0x1] =	stream.indirect.gather [hbm4b:s5+s6], $0x1, s2, s6, $0xb8;
	[tilespmem:$0x900] =	vst v63  }
0xd: {  	s8 =	simm.s32 $0x600;
	s9 =	simm.s32 $0x1;
	s7 =	sadd.s32 $0xEE200, s7  }
0xe: {  	[tilespmem:s8], [sflag:$0x2] =	stream.indirect.gather [hbm4b:s7+s6], $0x1, s2, s6, $0xb8;
	[tilespmem:$0x900] =	vst v63  }
0xf: {  	_ =	swait.ge [sflag:s9], $0x300  }
0x10: {  	[sflag:s9] =	ssyncset.done $0x0  }
0x11: {  	s10 =	simm.s32 $0x2;
	s15 =	ssub.s32 $0x2, s11;
	[sflag:s9] =	ssyncadd.s32 $0xFFFFFD00  }
0x12: {  	s30 =	sshrl.u32 s15, $0x1;
	_ =	swait.ge [sflag:s10], $0x300  }
0x13: {  	s15 =	ssub.s32 s15, s30;
	[sflag:s10] =	ssyncset.done $0x0  }
0x14: {  	s11 =	sadd.s32 s12, s14;
	s31 =	smax.u32 s15, $0x1;
	[sflag:s10] =	ssyncadd.s32 $0xFFFFFD00  }
0x15: {  	[hbm4b:s11+s2] =	stream.linear.scatter [tilespmem:s6], [sflag:$0x3], $0x300, $0x38;
	[tilespmem:$0x900] =	vst v63  }
0x16: {  	p0 =	sne.s32 s31, $0x1;
	_ =	swait.ge [sflag:s3], $0x300  }
.Ltmp0:
0x17: {  	[sflag:s3] =	ssyncset.done $0x0;
	(pc) =	sbr.rel @!p0 .LBB2_2-.Ltmp0, $4  }
0x18: {  	s12 =	sadd.s32 s13, s14;
	[sflag:s3] =	ssyncadd.s32 $0xFFFFFD00  }
0x19: {  	[hbm4b:s12+s2] =	stream.linear.scatter [tilespmem:s8], [sflag:$0x3], $0x300, $0x38;
	[tilespmem:$0x900] =	vst v63  }
0x1a: {  	_ =	swait.ge [sflag:s3], $0x300  }
0x1b: {  	s13 =	sadd.s32 $0xFFFFFFFF, s31;
	[sflag:s3] =	ssyncset.done $0x0  }
.LBB2_1:
0x1c: {  	p0 =	sne.s32 s13, $0x1;
	s13 =	sadd.s32 $0xFFFFFFFF, s13;
	[sflag:s3] =	ssyncadd.s32 $0xFFFFFD00  }
0x1d: {  	[tilespmem:s2], [sflag:$0x3] =	stream.linear.gather [hbm4b:s4+s2], $0x300, $0x38;
	[tilespmem:$0x900] =	vst v63  }
0x1e: {  	_ =	swait.ge [sflag:s3], $0x300  }
0x1f: {  	[sflag:s3] =	ssyncset.done $0x0  }
0x20: {  	[sflag:s3] =	ssyncadd.s32 $0xFFFFFD00  }
0x21: {  	[tilespmem:s6], [sflag:$0x1] =	stream.indirect.gather [hbm4b:s5+s6], $0x1, s2, s6, $0xb8;
	[tilespmem:$0x900] =	vst v63  }
0x22: {  	_ = 	snop  }
0x23: {  	[tilespmem:s8], [sflag:$0x2] =	stream.indirect.gather [hbm4b:s7+s6], $0x1, s2, s6, $0xb8;
	[tilespmem:$0x900] =	vst v63  }
0x24: {  	_ =	swait.ge [sflag:s9], $0x300  }
0x25: {  	[sflag:s9] =	ssyncset.done $0x0  }
0x26: {  	[sflag:s9] =	ssyncadd.s32 $0xFFFFFD00  }
0x27: {  	_ =	swait.ge [sflag:s10], $0x300  }
0x28: {  	[sflag:s10] =	ssyncset.done $0x0  }
0x29: {  	[sflag:s10] =	ssyncadd.s32 $0xFFFFFD00  }
0x2a: {  	[hbm4b:s11+s2] =	stream.linear.scatter [tilespmem:s6], [sflag:$0x3], $0x300, $0x38;
	[tilespmem:$0x900] =	vst v63  }
0x2b: {  	_ =	swait.ge [sflag:s3], $0x300  }
.Ltmp1:
0x2c: {  	[sflag:s3] =	ssyncset.done $0x0;
	(pc) =	sbr.rel @p0 .LBB2_1-.Ltmp1, $4  }
0x2d: {  	[sflag:s3] =	ssyncadd.s32 $0xFFFFFD00  }
0x2e: {  	[hbm4b:s12+s2] =	stream.linear.scatter [tilespmem:s8], [sflag:$0x3], $0x300, $0x38;
	[tilespmem:$0x900] =	vst v63  }
0x2f: {  	_ =	swait.ge [sflag:s3], $0x300  }
0x30: {  	[sflag:s3] =	ssyncset.done $0x0  }
.LBB2_2:
0x31: {  	[sflag:s3] =	ssyncadd.s32 $0xFFFFFD00  }
0x32: {  	_ =	sfence.sel $0x180000  }
0x33: {  	[bflag:$0x0] =	sbarrier.arrive $0xFFFF  }
0x34: {  	p0 =	sne.s32 s0, $0x0;
	_ =	strace $0x90000053  }
0x35: {  	s0 =	sadd.s32 @!p0 $0x100000, s1;
	[bflag:$0x2] =	sbarrier.arrive $0xFFFF  }
0x36: {  	[sflag:s0] =	ssyncadd.tile.s32 @!p0 $0x1;
	_ =	shalt  }
.Lfunc_end2:
_tile_overlayer_lowered:
.L_overlay_start_2:
0x37: {  	(tag) =	ssettag $0x2  }
0x38: {  	s0 =	rddreg [dreg:$0x0];
	s2 =	stileid.u32  }
0x39: {  	s1 =	rddreg [dreg:$0x1];
	p0 =	sne.s32 s2, $0x0  }
0x3a: {  	s3 =	rddreg [dreg:$0x2];
	[bflag:$0x3] =	sbarrier.arrive $0xFFFF;
	s2 =	simm.s32 @!p0 $0x1C03  }
0x3b: {  	[timem:s3], [sflag:s2] =	dma.local @!p0 [hbm:s0], s1  }
0x3c: {  	s0 =	simm.s32 @!p0 $0x3  }
0x3d: {  	_ =	swait.ge @!p0 [sflag:s0], s1  }
0x3e: {  	s1 =	ssub.s32 @!p0 $0x0, s1;
	[sflag:s0] =	ssyncset.done @!p0 $0x0  }
0x3f: {  	[sflag:s0] =	ssyncadd.s32 @!p0 s1  }
0x40: {  	[bflag:$0x3] =	sbarrier.arrive $0xFFFF  }
0x41: {  	_ =	shalt  }

// kernel: kernel.8.cloned.1.call-start
scs
__scs_entry_jumppad:
0x0: {  	(pc) =	sbr.rel $0x88, $3  }
0x1: {  	(tag) =	ssettag $0x0;
	lr =	simm.s32 $0x1  }
0x2: {  	[smem:$0x3F9E] =	sst lr;
	_ =	strace $0xD0000000  }
0x3: {  	_ = 	snop  }
0x4: {  	_ = 	snop  }
0x5: {  	_ = 	snop  }
0x6: {  	_ = 	snop  }
0x7: {  	_ = 	snop  }
__scs_overlays_trampoline_lowered:
0x8: {  	[smem:$0x3FAD] =	sst s0  }
0x9: {  	[smem:$0x3FAE] =	sst s1  }
0xa: {  	[smem:$0x3FAF] =	sst s2  }
0xb: {  	[smem:$0x3FB0] =	sst s3  }
0xc: {  	[smem:$0x3FB1] =	sst s4  }
0xd: {  	[smem:$0x3FB2] =	sst s5  }
0xe: {  	[smem:$0x3FB3] =	sst s6  }
0xf: {  	[smem:$0x3FB4] =	sst s7  }
0x10: {  	[smem:$0x3FB5] =	sst s8  }
0x11: {  	[smem:$0x3FB6] =	sst s9;
	s0 =	simm.s32 @!p0 $0x0  }
0x12: {  	s1 =	sld [smem:$0x3F9C];
	s0 =	simm.s32 @p0 $0x1  }
0x13: {  	[smem:$0x3FB7] =	sst s0;
	s0 =	simm.s32 @!p1 $0x0  }
0x14: {  	s2 =	sld [smem:$0x3F9B];
	s0 =	simm.s32 @p1 $0x1  }
0x15: {  	[smem:$0x3FB8] =	sst s0;
	s0 =	simm.s32 @!p2 $0x0  }
0x16: {  	s3 =	sld [smem:$0x3FDB];
	s0 =	simm.s32 @p2 $0x1  }
0x17: {  	s4 =	simm.s32 $0x1BF5;
	[smem:$0x3FBA] =	sst s0  }
0x18: {  	s0 =	sld [smem:$0x3F9D];
	_ =	swait.ge [sflag:s4], $0x0  }
0x19: {  	s7 =	sld [smem:$0x3F9E]  }
0x1a: {  	s8 =	sadd.s32 $0xFFFFE003, lr  }
0x1b: {  	s9 =	sadd.s32 $0xFFFFFEF7, lr;
	s5 =	simm.s32 $0xFFFFFFFF;
	p2 =	slt.u32 s8, $0xFFFFF086  }
0x1c: {  	p1 =	slt.u32 s9, $0xF7A;
	s5 =	simm.s32 @!p2 $0x0  }
0x1d: {  	s5 =	simm.s32 @p1 $0x1;
	p0 =	seq.s32 s7, s2  }
0x1e: {  	s7 =	smul.u32 @!p0 $0xF7A, s2;
	p2 =	seq.s32 @!p0 s5, $0x0  }
0x1f: {  	s9 =	smul.u32 $0xF7A, s1;
	s8 =	simm.s32 @!p0 $0x1BF5;
	p2 =	por !p2, p0  }
0x20: {  	[sflag:s8] =	ssyncset.s32 @!p0 $0xFFFFF086;
	s6 =	sadd.s32 @!p0 s3, s7;
	s7 =	simm.s32 @!p0 $0x108  }
0x21: {  	s3 =	sadd.s32 s3, s9;
	s6 =	sadd.s32 @!p0 $0x88, s6;
	s7 =	simm.s32 @p2 $0x1082  }
0x22: {  	[simem:s7], [sflag:s8] =	dma.local @!p0 [hbm:s6], $0xF7A  }
0x23: {  	s9 =	sor.u32 $0xD0000000, s2;
	s6 =	simm.s32 $0x108;
	_ =	swait.ge @!p0 [sflag:s8], $0x0  }
0x24: {  	s3 =	sadd.s32 $0x88, s3;
	s6 =	simm.s32 @!p1 $0x1082;
	[sflag:s4] =	ssyncset.s32 $0xFFFFF086  }
0x25: {  	[simem:s6], [sflag:s4] =	dma.local [hbm:s3], $0xF7A  }
0x26: {  	[smem:$0x3F9E] =	sst s1;
	(tag) =	ssettag s2;
	_ =	strace s9  }
0x27: {  	s1 =	sld [smem:$0x3FAE]  }
0x28: {  	s2 =	sld [smem:$0x3FAF]  }
0x29: {  	s4 =	sld [smem:$0x3FB1]  }
0x2a: {  	p0 =	seq.s32 s5, $0x0;
	s5 =	sld [smem:$0x3FB2]  }
0x2b: {  	s6 =	sld [smem:$0x3FB3]  }
0x2c: {  	s7 =	sld [smem:$0x3FB4]  }
0x2d: {  	s3 =	simm.s32 $0x108;
	s8 =	sld [smem:$0x3FB5]  }
0x2e: {  	s3 =	simm.s32 @!p0 $0x1082;
	s9 =	sld [smem:$0x3FB6]  }
0x2f: {  	lr =	sadd.s32 s0, s3;
	s0 =	sld [smem:$0x3FAD]  }
0x30: {  	s3 =	sld [smem:$0x3FB0]  }
0x31: {  	[smem:$0x3FB9] =	sst s10  }
0x32: {  	s10 =	sld [smem:$0x3FB7];
	_ =	sdelay $0x3  }
0x33: {  	p0 =	seq.s32 s10, $0x1;
	s10 =	sld [smem:$0x3FB9];
	_ =	sdelay $0x3  }
0x34: {  	[smem:$0x3FB9] =	sst s10  }
0x35: {  	s10 =	sld [smem:$0x3FB8];
	_ =	sdelay $0x3  }
0x36: {  	p1 =	seq.s32 s10, $0x1;
	s10 =	sld [smem:$0x3FB9];
	_ =	sdelay $0x3  }
0x37: {  	[smem:$0x3FB9] =	sst s10  }
0x38: {  	s10 =	sld [smem:$0x3FBA]  }
0x39: {  	_ = 	snop;
	(pc) =	sbr.ind lr, $3  }
0x3a: {  	_ = 	snop  }
0x3b: {  	_ = 	snop  }
0x3c: {  	p2 =	seq.s32 s10, $0x1;
	s10 =	sld [smem:$0x3FB9]  }
0x3d: {  	_ =	shalt  }
0x3e: {  	_ =	shalt  }
0x3f: {  	_ =	shalt  }
0x40: {  	_ =	shalt  }
0x41: {  	_ =	shalt  }
0x42: {  	_ =	shalt  }
0x43: {  	_ =	shalt  }
0x44: {  	_ =	shalt  }
0x45: {  	_ =	shalt  }
0x46: {  	_ =	shalt  }
0x47: {  	_ =	shalt  }
0x48: {  	_ =	shalt  }
0x49: {  	_ =	shalt  }
0x4a: {  	_ =	shalt  }
0x4b: {  	_ =	shalt  }
0x4c: {  	_ =	shalt  }
0x4d: {  	_ =	shalt  }
0x4e: {  	_ =	shalt  }
0x4f: {  	_ =	shalt  }
0x50: {  	_ =	shalt  }
0x51: {  	_ =	shalt  }
0x52: {  	_ =	shalt  }
0x53: {  	_ =	shalt  }
0x54: {  	_ =	shalt  }
0x55: {  	_ =	shalt  }
0x56: {  	_ =	shalt  }
0x57: {  	_ =	shalt  }
0x58: {  	_ =	shalt  }
0x59: {  	_ =	shalt  }
0x5a: {  	_ =	shalt  }
0x5b: {  	_ =	shalt  }
0x5c: {  	_ =	shalt  }
0x5d: {  	_ =	shalt  }
0x5e: {  	_ =	shalt  }
0x5f: {  	_ =	shalt  }
0x60: {  	_ =	shalt  }
0x61: {  	_ =	shalt  }
0x62: {  	_ =	shalt  }
0x63: {  	_ =	shalt  }
0x64: {  	_ =	shalt  }
0x65: {  	_ =	shalt  }
0x66: {  	_ =	shalt  }
0x67: {  	_ =	shalt  }
0x68: {  	_ =	shalt  }
0x69: {  	_ =	shalt  }
0x6a: {  	_ =	shalt  }
0x6b: {  	_ =	shalt  }
0x6c: {  	_ =	shalt  }
0x6d: {  	_ =	shalt  }
0x6e: {  	_ =	shalt  }
0x6f: {  	_ =	shalt  }
0x70: {  	_ =	shalt  }
0x71: {  	_ =	shalt  }
0x72: {  	_ =	shalt  }
0x73: {  	_ =	shalt  }
0x74: {  	_ =	shalt  }
0x75: {  	_ =	shalt  }
0x76: {  	_ =	shalt  }
0x77: {  	_ =	shalt  }
0x78: {  	_ =	shalt  }
0x79: {  	_ =	shalt  }
0x7a: {  	_ =	shalt  }
0x7b: {  	_ =	shalt  }
0x7c: {  	_ =	shalt  }
0x7d: {  	_ =	shalt  }
0x7e: {  	_ =	shalt  }
0x7f: {  	_ =	shalt  }
0x80: {  	_ =	shalt  }
0x81: {  	_ =	shalt  }
0x82: {  	_ =	shalt  }
0x83: {  	_ =	shalt  }
0x84: {  	_ =	shalt  }
0x85: {  	_ =	shalt  }
0x86: {  	_ =	shalt  }
0x87: {  	_ =	shalt  }
.Lfunc_end0:
.L_simem_size_0:
called_computation_lowered:
.L_overlay_start_0:
0x88: {  	s2 =	sld [smem:$0x3FD9]  }
0x89: {  	s3 =	sld [smem:$0x3FFE];
	_ =	sdelay $0x1  }
0x8a: {  	s1 =	srdreg.scid  }
0x8b: {  	s0 =	sand.u32 $0x1, s1  }
0x8c: {  	s14 =	sshll.u32 s0, $0xA;
	s2 =	sadd.s32 s3, s2  }
0x8d: {  	s2 =	sadd.s32 s2, s14  }
0x8e: {  	[smem:$0x3FC5] =	sst s2  }
0x8f: {  	_ = 	snop  }
0x90: {  	s2 =	sld [smem:$0x3FD0];
	_ =	sdelay $0x2  }
0x91: {  	s15 =	simm.s32 $0xA;
	s4 =	simm.s32 $0x10  }
0x92: {  	[smem:s4], [sflag:s15] =	dma.local [hbm:s2], $0x1  }
0x93: {  	_ =	swait.eq [sflag:s15], $0x1  }
0x94: {  	[sflag:s15] =	ssyncset.done $0x0  }
0x95: {  	[sflag:s15] =	ssyncadd.s32 $0xFFFFFFFF  }
0x96: {  	s16 =	sld [smem:$0x12];
	(tm) =	ssettm $0x1  }
0x97: {  	s17 =	sld [smem:$0x3FFB];
	_ =	sdelay $0x3  }
0x98: {  	_ =	strace s17  }
0x99: {  	s3 =	sld [smem:$0x3FFC];
	_ =	sdelay $0x3  }
0x9a: {  	_ =	strace s3  }
0x9b: {  	s3 =	sld [smem:$0x3FFD];
	_ =	sdelay $0x3  }
0x9c: {  	_ =	strace s3  }
0x9d: {  	_ =	strace $0x8FFFFFFF  }
0x9e: {  	s18 =	sld [smem:$0x3FDB];
	_ =	sdelay $0x1  }
0x9f: {  	s19 =	simm.s32 $_scs_section_size  }
0xa0: {  	s5 =	simm.s32 $_size__tile_overlayer_lowered;
	s6 =	simm.s32 $_tile_overlayer_lowered  }
0xa1: {  	s22 =	simm.s32 $0x1BFF;
	s21 =	sshll.u32 s6, $0x1;
	s3 =	sadd.s32 s19, s18  }
0xa2: {  	s7 =	simm.s32 $0x0;
	s20 =	sshll.u32 s5, $0x1;
	s5 =	sadd.s32 s21, s3  }
0xa3: {  	[timem:s7], [sflag:s22] =	dma.local [hbm:s5], s20  }
0xa4: {  	_ =	swait.ge [sflag:s22], s20  }
0xa5: {  	s4 =	ssub.s32 $0x0, s20;
	[sflag:s22] =	ssyncset.done $0x0  }
0xa6: {  	[sflag:s22] =	ssyncadd.s32 s4;
	_ =	sdelay $0x1  }
0xa7: {  	s23 =	simm.s32 $0x1B8B  }
0xa8: {  	_ =	swait.ge [sflag:s23], $0x1  }
0xa9: {  	[sflag:s23] =	ssyncset.done $0x0  }
0xaa: {  	s25 =	simm.s32 $0x1B8E;
	s24 =	sld [smem:$0x3FFE];
	[sflag:s23] =	ssyncadd.s32 $0xFFFFFFFF  }
0xab: {  	s26 =	simm.s32 $execute0_lowered;
	[smem:$0x3FD2] =	sst s25  }
0xac: {  	s5 =	sshll.u32 s26, $0x1;
	_ =	strace $0x80000046;
	[dreg:$0x1] =	wrdreg $0xFFFFFFFF  }
0xad: {  	s28 =	simm.s32 $_size_execute0_lowered;
	s3 =	sadd.s32 s3, s5;
	[dreg:$0x0] =	wrdreg $0x0  }
0xae: {  	s5 =	sshll.u32 s28, $0x1;
	[dreg:$0x2] =	wrdreg s3  }
0xaf: {  	[dreg:$0x3] =	wrdreg s5  }
0xb0: {  	[dreg:$0x4] =	wrdreg $0xC0  }
0xb1: {  	_ =	task [dreg:s7], $0x5FFFF  }
0xb2: {  	[dreg:$0x1] =	wrdreg $0xFFFFFFFF  }
0xb3: {  	[dreg:$0x0] =	wrdreg $0x60  }
0xb4: {  	[dreg:$0x2] =	wrdreg s24  }
0xb5: {  	[dreg:$0x3] =	wrdreg s16  }
0xb6: {  	[dreg:$0x4] =	wrdreg $0x9  }
0xb7: {  	_ =	task.clear_ibuf [dreg:s7], $0x5FFFF;
	_ =	strace $0x90000046  }
0xb8: {  	s29 =	simm.s32 $0x9;
	_ =	strace $0x80000048  }
0xb9: {  	_ =	swait.ge [sflag:s29], $0x1  }
0xba: {  	[sflag:s29] =	ssyncadd.s32 $0xFFFFFFFF  }
0xbb: {  	_ =	strace $0x90000048  }
0xbc: {  	_ =	sfence  }
0xbd: {  	s30 =	sld [smem:$0x0];
	_ =	sdelay $0x2  }
0xbe: {  	s31 =	sshll.u32 s1, $0xD;
	s1 =	sshrl.u32 s1, $0x2  }
0xbf: {  	s3 =	sand.u32 $0x4000, s31;
	s1 =	sadd.s32 s1, s30  }
0xc0: {  	s0 =	sor.u32 s3, s0;
	s1 =	sshll.u32 s1, $0x11  }
0xc1: {  	s0 =	sor.u32 s1, s0  }
0xc2: {  	s0 =	sadd.s32 $0x8F2B, s0  }
0xc3: {  	[sflag:s0] =	ssyncadd.remote.s32 $0x1  }
0xc4: {  	_ =	sfence.sel $0xFFFF  }
0xc5: {  	[dreg:$0x0] =	wrdreg $0xFFFFFFFF;
	(pc) =	sbr.abs _section_cstart, $3  }
0xc6: {  	[dreg:$0x1] =	wrdreg $0xFFFFFFFF  }
0xc7: {  	_ =	task.clear_ibuf [dreg:s7], $0x2FFFF;
	_ =	strace $0x9FFFFFFF  }
0xc8: {  	(tm) =	ssettm $0x7FFFFFFF  }
0xc9: {  	_ =	shalt  }
tec
execute0_lowered:
.L_overlay_start_1:
0x0: {  	(tag) =	ssettag $0x1  }
0x1: {  	s3 =	rddreg [dreg:$0x0];
	s1 =	srdreg.scid  }
0x2: {  	s0 =	stileid.u32;
	s8 =	rddreg [dreg:$0x1];
	s14 =	simm.s32 $0x400  }
0x3: {  	s15 =	simm.s32 $0x10000;
	s16 =	simm.s32 $0x14500;
	s17 =	simm.s32 $0x14780  }
0x4: {  	s18 =	simm.s32 $0x0;
	s4 =	sand.u32 $0x1, s1;
	s2 =	sshll.u32 s0, $0x1  }
0x5: {  	s1 =	rddreg [dreg:$0x2];
	s6 =	sshrl.u32 s0, $0x2;
	s5 =	sor.u32 s4, s2  }
0x6: {  	s2 =	simm.s32 $0x0;
	s9 =	sshll.u32 s6, $0x12;
	s11 =	smul.u32 $0x22800, s6  }
0x7: {  	s6 =	sshll.u32 s6, $0xC;
	s4 =	ssub.s32 $0x2, s4;
	s7 =	sshll.u32 s5, $0x7  }
0x8: {  	[smem:$0x7FF] =	sst s2;
	s10 =	sshll.u32 s5, $0xC;
	s31 =	sshrl.u32 s4, $0x1  }
0x9: {  	s7 =	sand.u32 $0x380, s7;
	_ =	strace $0x80000047;
	s10 =	sadd.s32 s10, s3  }
0xa: {  	s13 =	ssub.s32 s4, s31;
	s9 =	sor.u32 s9, s7;
	s11 =	sor.u32 s11, s7  }
0xb: {  	s6 =	sor.u32 s6, s7;
	s4 =	sadd.s32 $0xC00, s10;
	s9 =	sshrl.u32 s9, $0x3  }
0xc: {  	s11 =	sshrl.u32 s11, $0x3;
	s30 =	sshrl.u32 s6, $0x3;
	s6 =	sadd.s32 $0x20C00, s10  }
0xd: {  	s10 =	smax.u32 s13, $0x1;
	s13 =	simm.s32 $0x80;
	s9 =	sadd.s32 s9, s3  }
0xe: {  	s29 =	sadd.s32 s11, s3;
	s12 =	sadd.s32 s30, s3;
	s3 =	sshll.u32 s5, $0xF  }
0xf: {  	v0 =	vimm.s32 $0x0;
	s8 =	sadd.s32 s8, s30;
	s11 =	simm.s32 $0x1;
	s5 =	sadd.s32 $0x40C00, s9  }
0x10: {  	vm0 =	vmxor vm0, vm0;
	v1 =	vimm.s32 $0xFFFFFFFF;
	v2 =	vlaneseq.u32;
	s7 =	sadd.s32 $0x60C00, s29;
	s9 =	sadd.s32 $0x72000, s12;
	s12 =	simm.s32 $0x8000  }
.LBB2_1:
0x11: {  	[tilespmem:s2], [sflag:$0x1] =	stream.linear.gather [hbm4b:s4+s2], $0x8000, $0x38;
	[tilespmem:$0x14A00] =	vst v63  }
0x12: {  	_ =	swait.ge [sflag:s11], $0x8000  }
0x13: {  	[sflag:s11] =	ssyncset.done $0x0  }
0x14: {  	s19 =	simm.s32 $0x0;
	[sflag:s11] =	ssyncadd.s32 $0xFFFF8000  }
.LBB2_2:
0x15: {  	p0 =	sne.s32 s19, $0x1FFC0  }
.Ltmp0:
0x16: {  	_ = 	snop;
	(pc) =	sbr.rel @p0 .LBB2_2-.Ltmp0, $3  }
0x17: {  	_ =	sdelay $0x1  }
0x18: {  	s20 =	sshra.s32 s19, $0x2  }
0x19: {  	s19 =	sadd.s32 $0x40, s19;
	[tilespmem:s20+$0x8000] =	vst v0  }
0x1a: {  	s19 =	simm.s32 $0x0  }
0x1b: {  	s20 =	sand.u32 $0x7FF0, s19;
	s19 =	simm.s32 $0x10  }
.LBB2_4:
0x1c: {  	p0 =	sne.s32 s19, $0x7FF0;
	v3 =	vld [tilespmem:s20+$0x0];
	_ =	sdelay $0x2  }
0x1d: {  	s20 =	sor.u32 s3, s20  }
0x1e: {  	vm1 =	vmmov vm0;
	p1 =	slt.u32 s20, $0xF4240  }
0x1f: {  	vm1 =	vmneg @p1 vm1;
	v3 =	vshrl.u32 v3, $0x11  }
0x20: {  	(xrf1) =	vunique.msk.u32 vm1, v3;
	_ =	sdelay $0xd  }
0x21: {  	_, v4, vm2 =	vpop (xrf1)  }
0x22: {  	vm1 =	vmand vm1, vm2;
	_ =	sdelay $0x5  }
0x23: {  	v5 =	vld.idx.msk [tilespmem:v3+s12+$0x0], vm1;
	_ =	sdelay $0x2  }
.Ltmp1:
0x24: {  	(pc) =	sbr.rel @p0 .LBB2_4-.Ltmp1, $3  }
0x25: {  	_ =	sdelay $0x1  }
0x26: {  	v4 =	vadd.s32 v5, v4  }
0x27: {  	s20 =	sand.u32 $0x7FF0, s19;
	s19 =	sadd.s32 $0x10, s19;
	[tilespmem:v3+s12+$0x0] =	vst.idx.msk vm1, v4  }
0x28: {  	v3 =	vld [tilespmem:s20+$0x0];
	_ =	sdelay $0x2  }
0x29: {  	s19 =	sor.u32 s3, s20  }
0x2a: {  	vm1 =	vmmov vm0;
	p0 =	slt.u32 s19, $0xF4240  }
0x2b: {  	vm1 =	vmneg @p0 vm1;
	v3 =	vshrl.u32 v3, $0x11  }
0x2c: {  	(xrf1) =	vunique.msk.u32 vm1, v3;
	_ =	sdelay $0xd  }
0x2d: {  	_, v4, vm2 =	vpop (xrf1)  }
0x2e: {  	vm1 =	vmand vm1, vm2;
	_ =	sdelay $0x5  }
0x2f: {  	v5 =	vld.idx.msk [tilespmem:v3+s12+$0x0], vm1;
	_ =	sdelay $0x4  }
0x30: {  	v4 =	vadd.s32 v5, v4  }
0x31: {  	[tilespmem:v3+s12+$0x0] =	vst.idx.msk vm1, v4  }
0x32: {  	[hbm4b:s5+s13] =	stream.strided.scatter [tilespmem:s12], [sflag:$0x1], $0x8000, s14, s13, $0x38;
	[tilespmem:$0x14A00] =	vst v63  }
0x33: {  	_ =	swait.ge [sflag:s11], $0x8000  }
0x34: {  	[sflag:s11] =	ssyncset.done $0x0  }
0x35: {  	s31 =	simm.s32 $0x0;
	[sflag:s11] =	ssyncadd.s32 $0xFFFF8000  }
0x36: {  	[tilespmem:s31], [sflag:$0x1] =	stream.linear.gather [hbm4b:s6+s31], $0x8000, $0x38;
	[tilespmem:$0x14A00] =	vst v63  }
0x37: {  	_ =	swait.ge [sflag:s11], $0x8000  }
0x38: {  	[sflag:s11] =	ssyncset.done $0x0  }
0x39: {  	s20 =	simm.s32 $0x0;
	s19 =	simm.s32 $0x40;
	[sflag:s11] =	ssyncadd.s32 $0xFFFF8000  }
.LBB2_6:
0x3a: {  	p0 =	sne.s32 s19, $0x11280;
	[tilespmem:s20+$0x10000] =	vst v0;
	s20 =	smov.u32 s19;
	s19 =	sadd.s32 $0x40, s19  }
.Ltmp2:
0x3b: {  	(pc) =	sbr.rel @p0 .LBB2_6-.Ltmp2, $2  }
0x3c: {  	_ =	sdelay $0x2  }
0x3d: {  	s20 =	sshra.s32 s20, $0x2  }
0x3e: {  	[tilespmem:s20+$0x10000] =	vst v0  }
0x3f: {  	[tilespmem:$0x14780] =	vst v0  }
0x40: {  	[tilespmem:$0x14790] =	vst v0  }
0x41: {  	[tilespmem:$0x147A0] =	vst v0  }
0x42: {  	[tilespmem:$0x147B0] =	vst v0  }
0x43: {  	[tilespmem:$0x147C0] =	vst v0  }
0x44: {  	[tilespmem:$0x147D0] =	vst v0  }
0x45: {  	[tilespmem:$0x147E0] =	vst v0  }
0x46: {  	[tilespmem:$0x147F0] =	vst v0  }
0x47: {  	[tilespmem:$0x14800] =	vst v0  }
0x48: {  	[tilespmem:$0x14810] =	vst v0  }
0x49: {  	[tilespmem:$0x14820] =	vst v0  }
0x4a: {  	[tilespmem:$0x14830] =	vst v0  }
0x4b: {  	[tilespmem:$0x14840] =	vst v0  }
0x4c: {  	[tilespmem:$0x14850] =	vst v0  }
0x4d: {  	[tilespmem:$0x14860] =	vst v0  }
0x4e: {  	[tilespmem:$0x14870] =	vst v0  }
0x4f: {  	[tilespmem:$0x14880] =	vst v0  }
0x50: {  	[tilespmem:$0x14890] =	vst v0  }
0x51: {  	[tilespmem:$0x148A0] =	vst v0  }
0x52: {  	[tilespmem:$0x148B0] =	vst v0  }
0x53: {  	[tilespmem:$0x148C0] =	vst v0  }
0x54: {  	[tilespmem:$0x148D0] =	vst v0  }
0x55: {  	[tilespmem:$0x148E0] =	vst v0  }
0x56: {  	[tilespmem:$0x148F0] =	vst v0  }
0x57: {  	[tilespmem:$0x14900] =	vst v0  }
0x58: {  	[tilespmem:$0x14910] =	vst v0  }
0x59: {  	[tilespmem:$0x14920] =	vst v0  }
0x5a: {  	[tilespmem:$0x14930] =	vst v0  }
0x5b: {  	[tilespmem:$0x14940] =	vst v0  }
0x5c: {  	[tilespmem:$0x14950] =	vst v0  }
0x5d: {  	[tilespmem:$0x14960] =	vst v0  }
0x5e: {  	[tilespmem:$0x14970] =	vst v0  }
0x5f: {  	[tilespmem:$0x14980] =	vst v0  }
0x60: {  	[tilespmem:$0x14500] =	vst v1  }
0x61: {  	[tilespmem:$0x14510] =	vst v1  }
0x62: {  	[tilespmem:$0x14520] =	vst v1  }
0x63: {  	[tilespmem:$0x14530] =	vst v1  }
0x64: {  	[tilespmem:$0x14540] =	vst v1  }
0x65: {  	[tilespmem:$0x14550] =	vst v1  }
0x66: {  	[tilespmem:$0x14560] =	vst v1  }
0x67: {  	[tilespmem:$0x14570] =	vst v1  }
0x68: {  	[tilespmem:$0x14580] =	vst v1  }
0x69: {  	[tilespmem:$0x14590] =	vst v1  }
0x6a: {  	[tilespmem:$0x145A0] =	vst v1  }
0x6b: {  	[tilespmem:$0x145B0] =	vst v1  }
0x6c: {  	[tilespmem:$0x145C0] =	vst v1  }
0x6d: {  	[tilespmem:$0x145D0] =	vst v1  }
0x6e: {  	[tilespmem:$0x145E0] =	vst v1  }
0x6f: {  	[tilespmem:$0x145F0] =	vst v1  }
0x70: {  	[tilespmem:$0x14600] =	vst v1  }
0x71: {  	[tilespmem:$0x14610] =	vst v1  }
0x72: {  	[tilespmem:$0x14620] =	vst v1  }
0x73: {  	[tilespmem:$0x14630] =	vst v1  }
0x74: {  	[tilespmem:$0x14640] =	vst v1  }
0x75: {  	[tilespmem:$0x14650] =	vst v1  }
0x76: {  	[tilespmem:$0x14660] =	vst v1  }
0x77: {  	[tilespmem:$0x14670] =	vst v1  }
0x78: {  	[tilespmem:$0x14680] =	vst v1  }
0x79: {  	[tilespmem:$0x14690] =	vst v1  }
0x7a: {  	[tilespmem:$0x146A0] =	vst v1  }
0x7b: {  	[tilespmem:$0x146B0] =	vst v1  }
0x7c: {  	[tilespmem:$0x146C0] =	vst v1  }
0x7d: {  	[tilespmem:$0x146D0] =	vst v1  }
0x7e: {  	[tilespmem:$0x146E0] =	vst v1  }
0x7f: {  	s19 =	simm.s32 $0x0;
	[tilespmem:$0x146F0] =	vst v1  }
0x80: {  	[tilespmem:$0x14700] =	vst v1;
	s22 =	sand.u32 $0x7FF0, s19  }
0x81: {  	v3 =	vld [tilespmem:s22+$0x0]  }
0x82: {  	s21 =	simm.s32 $0x10;
	s20 =	simm.s32 $0x0  }
.LBB2_8:
0x83: {  	p0 =	sne.s32 s21, $0x7FF0  }
0x84: {  	s22 =	sor.u32 s3, s22  }
0x85: {  	v4 =	vmov s22  }
0x86: {  	vm1 =	vlt.u32 v4, $0xF4240;
	vm2 =	vlt.u32 v3, $0x2255100  }
0x87: {  	v4 =	vshrl.u32 v3, $0xB;
	vm1 =	vmand vm1, vm2  }
0x88: {  	v4 =	vnsel vm1, $0x0, v4;
	v5 =	vmpcnt.ones.xlane vm1  }
0x89: {  	(xrf1) =	vunique.msk.u32 vm1, v4  }
0x8a: {  	(v2sf) =	vpush v5, $0x0;
	_ =	sdelay $0xc  }
0x8b: {  	_, v5, vm2 =	vpop (xrf1)  }
0x8c: {  	v6 =	vsel vm1, $0x1, v0;
	vm2 =	vmand vm1, vm2  }
0x8d: {  	(xrf0) =	vadd.scan.msk.s32 $0xffff, v6;
	s23 =	spop (v2sf)  }
0x8e: {  	s19 =	sadd.s32 s23, s19  }
0x8f: {  	[smem:$0x0] =	sst s19  }
0x90: {  	v6 =	vmov s20;
	s20 =	smov.u32 s19  }
0x91: {  	v6 =	vadd.s32 $0xFFFFFFFF, v6  }
0x92: {  	v6 =	vbroadcast v6, $0x0;
	v7 =	vld.idx.msk [tilespmem:v4+s15+$0x0], vm2  }
0x93: {  	v8, _, _ =	vpop (xrf0)  }
0x94: {  	v6 =	vadd.s32 v8, v6  }
0x95: {  	v6 =	vnsel vm1, $0x200, v6;
	_ =	sdelay $0x2  }
0x96: {  	v5 =	vadd.s32 v7, v5  }
.Ltmp3:
0x97: {  	[tilespmem:v4+s15+$0x0] =	vst.idx.msk vm2, v5;
	(pc) =	sbr.rel @p0 .LBB2_8-.Ltmp3, $4  }
0x98: {  	v4 =	vor.u32 s22, v2;
	[tilespmem:v6+s16+$0x0] =	vst.idx.msk vm1, v3  }
0x99: {  	s22 =	sand.u32 $0x7FF0, s21;
	[tilespmem:v6+s17+$0x0] =	vst.idx.msk vm1, v4  }
0x9a: {  	v3 =	vld [tilespmem:s22+$0x0]  }
0x9b: {  	s21 =	sadd.s32 $0x10, s21  }
0x9c: {  	_ = 	snop  }
0x9d: {  	s21 =	sor.u32 s3, s22  }
0x9e: {  	v4 =	vmov s21  }
0x9f: {  	vm1 =	vlt.u32 v4, $0xF4240;
	vm2 =	vlt.u32 v3, $0x2255100  }
0xa0: {  	v60 =	vshrl.u32 v3, $0xB;
	vm1 =	vmand vm1, vm2  }
0xa1: {  	v4 =	vnsel vm1, $0x0, v60  }
0xa2: {  	(xrf1) =	vunique.msk.u32 vm1, v4;
	_ =	sdelay $0x9  }
0xa3: {  	v5 =	vmpcnt.ones.xlane vm1;
	_ =	sdelay $0x1  }
0xa4: {  	(v2sf) =	vpush v5, $0x0;
	_ =	sdelay $0x1  }
0xa5: {  	v6 =	vsel vm1, $0x1, v0;
	_, v61, vm2 =	vpop (xrf1)  }
0xa6: {  	(xrf0) =	vadd.scan.msk.s32 $0xffff, v6;
	vm2 =	vmand vm1, vm2;
	_ =	sdelay $0x2  }
0xa7: {  	v62 =	vmov s20  }
0xa8: {  	v6 =	vadd.s32 $0xFFFFFFFF, v62  }
0xa9: {  	v6 =	vbroadcast v6, $0x0  }
0xaa: {  	v8, _, _ =	vpop (xrf0);
	v7 =	vld.idx.msk [tilespmem:v4+s15+$0x0], vm2  }
0xab: {  	v6 =	vadd.s32 v8, v6  }
0xac: {  	v6 =	vnsel vm1, $0x200, v6;
	_ =	sdelay $0x2  }
0xad: {  	v5 =	vadd.s32 v7, v61  }
0xae: {  	s31 =	spop (v2sf);
	[tilespmem:v4+s15+$0x0] =	vst.idx.msk vm2, v5  }
0xaf: {  	v63 =	vor.u32 s21, v2;
	s19 =	sadd.s32 s31, s19;
	[tilespmem:v6+s16+$0x0] =	vst.idx.msk vm1, v3  }
0xb0: {  	[smem:$0x0] =	sst s19;
	[tilespmem:v6+s17+$0x0] =	vst.idx.msk vm1, v63  }
0xb1: {  	[hbm4b:s7+s13] =	stream.strided.scatter [tilespmem:s15], [sflag:$0x1], $0x4500, s14, s13, $0x38;
	[tilespmem:$0x14A00] =	vst v63  }
0xb2: {  	_ =	swait.ge [sflag:s11], $0x4500  }
0xb3: {  	[sflag:s11] =	ssyncset.done $0x0  }
0xb4: {  	[sflag:s11] =	ssyncadd.s32 $0xFFFFBB00  }
0xb5: {  	[hbm4b:s8+s13] =	stream.strided.scatter [tilespmem:s16], [sflag:$0x1], $0x200, s14, s13, $0x38;
	[tilespmem:$0x14A00] =	vst v63  }
0xb6: {  	s18 =	sadd.s32 $0x1, s18;
	_ =	swait.ge [sflag:s11], $0x200  }
0xb7: {  	p0 =	sne.s32 s18, s10;
	[sflag:s11] =	ssyncset.done $0x0  }
.Ltmp4:
0xb8: {  	[sflag:s11] =	ssyncadd.s32 $0xFFFFFE00;
	(pc) =	sbr.rel @p0 .LBB2_1-.Ltmp4, $4  }
0xb9: {  	[hbm4b:s9+s13] =	stream.strided.scatter [tilespmem:s17], [sflag:$0x1], $0x200, s14, s13, $0x38;
	[tilespmem:$0x14A00] =	vst v63  }
0xba: {  	_ =	swait.ge [sflag:s11], $0x200  }
0xbb: {  	[sflag:s11] =	ssyncset.done $0x0  }
0xbc: {  	[sflag:s11] =	ssyncadd.s32 $0xFFFFFE00  }
0xbd: {  	_ =	sfence.sel $0x180000  }
0xbe: {  	[bflag:$0x0] =	sbarrier.arrive $0xFFFF  }
0xbf: {  	p0 =	sne.s32 s0, $0x0;
	_ =	strace $0x90000047  }
0xc0: {  	s0 =	sadd.s32 @!p0 $0x100000, s1;
	[bflag:$0x2] =	sbarrier.arrive $0xFFFF  }
0xc1: {  	[sflag:s0] =	ssyncadd.tile.s32 @!p0 $0x1;
	_ =	shalt  }
.Lfunc_end2:
_tile_overlayer_lowered:
.L_overlay_start_2:
0xc2: {  	(tag) =	ssettag $0x2  }
0xc3: {  	s0 =	rddreg [dreg:$0x0];
	s2 =	stileid.u32  }
0xc4: {  	s1 =	rddreg [dreg:$0x1];
	p0 =	sne.s32 s2, $0x0  }
0xc5: {  	s3 =	rddreg [dreg:$0x2];
	[bflag:$0x3] =	sbarrier.arrive $0xFFFF;
	s2 =	simm.s32 @!p0 $0x1C02  }
0xc6: {  	[timem:s3], [sflag:s2] =	dma.local @!p0 [hbm:s0], s1  }
0xc7: {  	s0 =	simm.s32 @!p0 $0x2  }
0xc8: {  	_ =	swait.ge @!p0 [sflag:s0], s1  }
0xc9: {  	s1 =	ssub.s32 @!p0 $0x0, s1;
	[sflag:s0] =	ssyncset.done @!p0 $0x0  }
0xca: {  	[sflag:s0] =	ssyncadd.s32 @!p0 s1  }
0xcb: {  	[bflag:$0x3] =	sbarrier.arrive $0xFFFF  }
0xcc: {  	_ =	shalt  }

</sc_bundles>
